<compile_context>
chip_gen: v7x
topology: tpu7x:2x2x1
jax: 0.10.2.dev20260603
libtpu: 0.0.44.dev20260713+nightly
codegen_flags: <defaults>
</compile_context>

<pallas_src>
import functools

import jax
import jax.numpy as jnp
from jax import lax
from jax.experimental import pallas as pl
from jax.experimental.pallas import tpu as pltpu
from jax.experimental.pallas import tpu_sc as plsc

D = 128
OUT = 349
N = 10000
E = 320000
NT = 16
CHUNK = 128
SLAB = 8
NSLAB = 20
NCHUNK = SLAB * NSLAB
E_PAD = NT * NCHUNK * CHUNK
RPT = 632
N_PAD = NT * RPT
BLK_R = 632


def _mesh():
    return plsc.VectorSubcoreMesh(core_axis_name="c", subcore_axis_name="s",
                                  num_cores=2, num_subcores=NT)


def _make_sc_agg(interpret=False):
    outs = [jax.ShapeDtypeStruct((2, N_PAD, D), jnp.float32)]
    scratch = [
        pltpu.VMEM_SHARED((N_PAD, D), jnp.float32),
        pltpu.VMEM((SLAB, CHUNK), jnp.int32),
        pltpu.VMEM((SLAB, CHUNK), jnp.int32),
        pltpu.VMEM((CHUNK, D), jnp.float32),
        pltpu.VMEM((CHUNK, D), jnp.float32),
        pltpu.SemaphoreType.DMA,
        pltpu.SemaphoreType.DMA,
        pltpu.SemaphoreType.DMA,
        pltpu.SemaphoreType.DMA,
    ]

    def body(xt, src_w, dst_w, src_wb, dst_wb, z128,
             agg, a_sh, idx_s, idx_d, rows0, rows1, sem0, sem1,
             sem_s0, sem_s1):
        c = lax.axis_index("c")
        s = lax.axis_index("s")
        base = s * RPT
        rows = (rows0, rows1)
        sems = (sem0, sem1)
        sems_s = (sem_s0, sem_s1)

        def gather(tbl, j, b):
            return [pltpu.async_copy(tbl.at[idx_s.at[j]], rows[b], sems[b])]

        def run(tbl, src_r, dst_r, agg_r):
            pltpu.sync_copy(z128.at[pl.ds(base, RPT)], a_sh.at[pl.ds(base, RPT)])
            plsc.subcore_barrier()

            def slab_step(si, carry):
                pltpu.sync_copy(src_r.at[s, pl.ds(si * SLAB, SLAB)], idx_s)
                pltpu.sync_copy(dst_r.at[s, pl.ds(si * SLAB, SLAB)], idx_d)
                gd = [None, None]
                sd = [None, None]
                gd[0] = gather(tbl, 0, 0)
                for j in range(SLAB):
                    b = j % 2
                    if j + 1 < SLAB:
                        if sd[1 - b] is not None:
                            sd[1 - b].wait()
                        gd[1 - b] = gather(tbl, j + 1, 1 - b)
                    for d in gd[b]:
                        d.wait()
                    sd[b] = pltpu.async_copy(rows[b], a_sh.at[idx_d.at[j]],
                                             sems_s[b], add=True)
                for d in sd:
                    if d is not None:
                        d.wait()
                return carry

            lax.fori_loop(0, NSLAB, slab_step, 0)
            plsc.subcore_barrier()
            pltpu.sync_copy(a_sh.at[pl.ds(base, RPT)],
                            agg_r.at[pl.ds(base, RPT)])

        @pl.when(c == 0)
        def _():
            run(xt.at[1], src_w, dst_w, agg.at[0])

        @pl.when(c == 1)
        def _():
            run(xt.at[0], src_wb, dst_wb, agg.at[1])

    return pl.kernel(body, out_type=outs, mesh=_mesh(), scratch_types=scratch,
                     interpret=interpret)


def _make_sc_cnt(interpret=False):
    outs = [jax.ShapeDtypeStruct((2, N_PAD, D), jnp.float32)]
    scratch = [
        pltpu.VMEM_SHARED((N_PAD, D), jnp.float32),
        pltpu.VMEM((NCHUNK, CHUNK), jnp.int32),
        pltpu.VMEM((CHUNK, D), jnp.float32),
    ]

    def body(dst_w, dst_wb, z128, ones_in, cnt, c_sh, idx_d, ones_v):
        c = lax.axis_index("c")
        s = lax.axis_index("s")
        base = s * RPT

        def run(dst_r, cnt_r):
            pltpu.sync_copy(ones_in, ones_v)
            pltpu.sync_copy(dst_r.at[s], idx_d)
            pltpu.sync_copy(z128.at[pl.ds(base, RPT)], c_sh.at[pl.ds(base, RPT)])
            plsc.subcore_barrier()

            def step(j, carry):
                pltpu.sync_copy(ones_v, c_sh.at[idx_d.at[j]], add=True)
                return carry

            lax.fori_loop(0, NCHUNK, step, 0)
            plsc.subcore_barrier()
            pltpu.sync_copy(c_sh.at[pl.ds(base, RPT)],
                            cnt_r.at[pl.ds(base, RPT)])

        @pl.when(c == 0)
        def _():
            run(dst_w, cnt.at[0])

        @pl.when(c == 1)
        def _():
            run(dst_wb, cnt.at[1])

    return pl.kernel(body, out_type=outs, mesh=_mesh(), scratch_types=scratch,
                     interpret=interpret)


def _make_tc_layer(relu, dout, interpret=False):
    nb = N_PAD // BLK_R
    grid = (2, nb)
    in_specs = [
        pl.BlockSpec((1, BLK_R, D), lambda t, i: (t, i, 0)),
        pl.BlockSpec((1, BLK_R, D), lambda t, i: (t, i, 0)),
        pl.BlockSpec((1, BLK_R, D), lambda t, i: (t, i, 0)),
        pl.BlockSpec((1, D, dout), lambda t, i: (t, 0, 0)),
        pl.BlockSpec((1, 1, dout), lambda t, i: (t, 0, 0)),
        pl.BlockSpec((1, D, dout), lambda t, i: (t, 0, 0)),
    ]
    out_spec = pl.BlockSpec((1, BLK_R, dout), lambda t, i: (t, i, 0))

    def body(agg_ref, cnt_ref, x_ref, wl_ref, bl_ref, wr_ref, o_ref):
        cnt = cnt_ref[0, :, 0:1]
        mean = agg_ref[0] / jnp.maximum(cnt, 1.0)
        h = (jnp.dot(mean.astype(jnp.bfloat16),
                     wl_ref[0].astype(jnp.bfloat16),
                     preferred_element_type=jnp.float32)
             + bl_ref[0]
             + jnp.dot(x_ref[0].astype(jnp.bfloat16),
                       wr_ref[0].astype(jnp.bfloat16),
                       preferred_element_type=jnp.float32))
        if relu:
            h = jnp.maximum(h, 0.0)
        o_ref[0] = h

    return pl.pallas_call(
        body, grid=grid, in_specs=in_specs, out_specs=out_spec,
        out_shape=jax.ShapeDtypeStruct((2, N_PAD, dout), jnp.float32),
        interpret=interpret)


def _make_tc_out(interpret=False):
    nb = N // 400
    grid = (nb,)
    in_specs = [
        pl.BlockSpec((2, 400, D), lambda i: (0, i, 0)),
        pl.BlockSpec((2, 400, D), lambda i: (0, i, 0)),
        pl.BlockSpec((2, 400, D), lambda i: (0, i, 0)),
        pl.BlockSpec((2, D, OUT), lambda i: (0, 0, 0)),
        pl.BlockSpec((2, 1, OUT), lambda i: (0, 0, 0)),
        pl.BlockSpec((2, D, OUT), lambda i: (0, 0, 0)),
    ]
    out_specs = [
        pl.BlockSpec((400, OUT), lambda i: (i, 0)),
        pl.BlockSpec((400, OUT), lambda i: (i, 0)),
    ]

    def body(agg_ref, cnt_ref, x_ref, wl_ref, bl_ref, wr_ref, op_ref, oa_ref):
        for t, o_ref in ((0, op_ref), (1, oa_ref)):
            cnt = cnt_ref[t, :, 0:1]
            mean = agg_ref[t] / jnp.maximum(cnt, 1.0)
            o_ref[...] = (
                jnp.dot(mean.astype(jnp.bfloat16),
                        wl_ref[t].astype(jnp.bfloat16),
                        preferred_element_type=jnp.float32)
                + bl_ref[t]
                + jnp.dot(x_ref[t].astype(jnp.bfloat16),
                          wr_ref[t].astype(jnp.bfloat16),
                          preferred_element_type=jnp.float32))

    return pl.pallas_call(
        body, grid=grid, in_specs=in_specs, out_specs=out_specs,
        out_shape=[jax.ShapeDtypeStruct((N, OUT), jnp.float32),
                   jax.ShapeDtypeStruct((N, OUT), jnp.float32)],
        interpret=interpret)


def _prep_edges(ei):
    src = ei[0].astype(jnp.int32)
    dst = ei[1].astype(jnp.int32)
    pad = E_PAD - E
    src_p = jnp.concatenate([src, jnp.zeros((pad,), jnp.int32)])
    dst_p = jnp.concatenate([dst, jnp.full((pad,), N, jnp.int32)])
    return (src_p.reshape(NT, NCHUNK, CHUNK), dst_p.reshape(NT, NCHUNK, CHUNK))


def _build(interpret=False):
    sc_agg = _make_sc_agg(interpret)
    sc_cnt = _make_sc_cnt(interpret)
    tc_l0 = _make_tc_layer(True, D, interpret)
    tc_out = _make_tc_out(interpret)

    def pipeline(x_paper, x_author, edge_index_writes, edge_index_written_by,
                 Wl0_w, bl0_w, Wr0_w, Wl0_wb, bl0_wb, Wr0_wb,
                 Wl1_w, bl1_w, Wr1_w, Wl1_wb, bl1_wb, Wr1_wb):
        src_w, dst_w = _prep_edges(edge_index_writes)
        src_wb, dst_wb = _prep_edges(edge_index_written_by)
        z128 = jnp.zeros((N_PAD, D), jnp.float32)
        x3 = jnp.pad(jnp.stack([x_paper, x_author]),
                     ((0, 0), (0, N_PAD - N), (0, 0)))

        ones_in = jnp.ones((CHUNK, D), jnp.float32)
        cnt3, = sc_cnt(dst_w, dst_wb, z128, ones_in)

        agg0, = sc_agg(x3, src_w, dst_w, src_wb, dst_wb, z128)
        h3 = tc_l0(agg0, cnt3, x3,
                   jnp.stack([Wl0_w, Wl0_wb]),
                   jnp.stack([bl0_w, bl0_wb])[:, None, :],
                   jnp.stack([Wr0_w, Wr0_wb]))

        agg1, = sc_agg(h3, src_w, dst_w, src_wb, dst_wb, z128)
        out_p, out_a = tc_out(agg1, cnt3, h3,
                              jnp.stack([Wl1_w, Wl1_wb]),
                              jnp.stack([bl1_w, bl1_wb])[:, None, :],
                              jnp.stack([Wr1_w, Wr1_wb]))
        return out_p, out_a

    return pipeline


@functools.cache
def _pipeline():
    return _build(False)


def kernel(x_paper, x_author, edge_index_writes, edge_index_written_by,
           Wl0_w, bl0_w, Wr0_w, Wl0_wb, bl0_wb, Wr0_wb,
           Wl1_w, bl1_w, Wr1_w, Wl1_wb, bl1_wb, Wr1_wb):
    return _pipeline()(x_paper, x_author, edge_index_writes, edge_index_written_by,
                       Wl0_w, bl0_w, Wr0_w, Wl0_wb, bl0_wb, Wr0_wb,
                       Wl1_w, bl1_w, Wr1_w, Wl1_wb, bl1_wb, Wr1_wb)

# --- scband reference (transcript-rebuilt; emitter-appended) ---
"""Pipeline reference for scband-hetero-graph-sage-83468394431043 (READ-ONLY COPY).

The authoritative reference and input builder live on the scoring server;
editing this copy changes nothing except your own understanding.
"""

import jax, jax.numpy as jnp
import numpy as np

D_FEAT = 128
HIDDEN = 128
OUT = 349
N_PAPER = 10000
N_AUTHOR = 10000
N_EDGES = 320000


def _glorot(key, fan_in, fan_out):
    lim = np.sqrt(6.0 / (fan_in + fan_out))
    return jax.random.uniform(key, (fan_in, fan_out), jnp.float32, -lim, lim)


def setup_inputs(seed: int = 0) -> dict:
    key = jax.random.key(seed)
    ks = [jax.random.fold_in(key, i) for i in range(32)]
    inp = {}
    inp['x_paper'] = jax.random.normal(ks[0], (N_PAPER, D_FEAT), jnp.float32)
    inp['x_author'] = jax.random.normal(ks[1], (N_AUTHOR, D_FEAT), jnp.float32)
    inp['edge_index_writes'] = jax.random.randint(ks[2], (2, N_EDGES), 0, N_PAPER, jnp.int64 if jax.config.jax_enable_x64 else jnp.int32)
    inp['edge_index_written_by'] = jax.random.randint(ks[3], (2, N_EDGES), 0, N_AUTHOR, jnp.int64 if jax.config.jax_enable_x64 else jnp.int32)
    # layer 0 (in->hidden) per edge type: SAGEConv params lin_l (W,b) and lin_r (root)
    inp['Wl0_w'] = _glorot(ks[4], D_FEAT, HIDDEN); inp['bl0_w'] = jnp.zeros((HIDDEN,), jnp.float32); inp['Wr0_w'] = _glorot(ks[5], D_FEAT, HIDDEN)
    inp['Wl0_wb'] = _glorot(ks[6], D_FEAT, HIDDEN); inp['bl0_wb'] = jnp.zeros((HIDDEN,), jnp.float32); inp['Wr0_wb'] = _glorot(ks[7], D_FEAT, HIDDEN)
    # layer 1 (hidden->out) per edge type
    inp['Wl1_w'] = _glorot(ks[8], HIDDEN, OUT); inp['bl1_w'] = jnp.zeros((OUT,), jnp.float32); inp['Wr1_w'] = _glorot(ks[9], HIDDEN, OUT)
    inp['Wl1_wb'] = _glorot(ks[10], HIDDEN, OUT); inp['bl1_wb'] = jnp.zeros((OUT,), jnp.float32); inp['Wr1_wb'] = _glorot(ks[11], HIDDEN, OUT)
    return inp


def _sage_conv(x_src, x_dst, edge_index, Wl, bl, Wr):
    # SAGEConv with mean aggregation: lin_l(mean_{j in N(i)} x_j) + lin_r(x_i)
    src = edge_index[0]
    dst = edge_index[1]
    n_dst = x_dst.shape[0]
    msg = jnp.take(x_src, src, axis=0)
    agg = jax.ops.segment_sum(msg, dst, num_segments=n_dst)
    cnt = jax.ops.segment_sum(jnp.ones((src.shape[0],), x_src.dtype), dst, num_segments=n_dst)
    mean = agg / jnp.maximum(cnt, 1.0)[:, None]
    return mean @ Wl + bl + x_dst @ Wr


def reference(x_paper, x_author, edge_index_writes, edge_index_written_by,
              Wl0_w, bl0_w, Wr0_w, Wl0_wb, bl0_wb, Wr0_wb,
              Wl1_w, bl1_w, Wr1_w, Wl1_wb, bl1_wb, Wr1_wb):
    # to_hetero(GraphSAGE, metadata): each layer applies SAGEConv per edge type,
    # summing results per destination node type (each dst type has one incoming etype here).
    h_paper = jax.nn.relu(_sage_conv(x_author, x_paper, edge_index_writes, Wl0_w, bl0_w, Wr0_w))
    h_author = jax.nn.relu(_sage_conv(x_paper, x_author, edge_index_written_by, Wl0_wb, bl0_wb, Wr0_wb))
    out_paper = _sage_conv(h_author, h_paper, edge_index_writes, Wl1_w, bl1_w, Wr1_w)
    out_author = _sage_conv(h_paper, h_author, edge_index_written_by, Wl1_wb, bl1_wb, Wr1_wb)
    return out_paper, out_author

if __name__ == "__main__":
    import jax
    _d = setup_inputs()
    print(jax.jit(kernel)(*tuple(_d.values())))

</pallas_src>

<mosaic_0001>
#map = affine_map<(d0, d1) -> (0, 0, 0)>
#map1 = affine_map<(d0, d1) -> (0, 0)>
module attributes {stable_mosaic.version = 14 : i64} {
  func.func @body(%arg0: i32, %arg1: i32, %arg2: memref<16x160x128xi32, #tpu.memory_space<hbm>>, %arg3: memref<16x160x128xi32, #tpu.memory_space<hbm>>, %arg4: memref<10112x128xf32, #tpu.memory_space<hbm>>, %arg5: memref<128x128xf32, #tpu.memory_space<hbm>>, %arg6: memref<2x10112x128xf32, #tpu.memory_space<hbm>>, %arg7: memref<10112x128xf32, #tpu.memory_space<vmem_shared>>, %arg8: memref<160x128xi32, #tpu.memory_space<vmem>>, %arg9: memref<128x128xf32, #tpu.memory_space<vmem>>) attributes {dimension_semantics = [#tpu.dimension_semantics<core_parallel>, #tpu.dimension_semantics<subcore_parallel>], iteration_bounds = array<i64: 2, 16>, scalar_prefetch = 0 : i64, scratch_operands = 3 : i64, tpu.core_type = #tpu.core_type<sc_vector_subcore>, window_params = [{transform_indices = #map}, {transform_indices = #map}, {transform_indices = #map1}, {transform_indices = #map1}, {transform_indices = #map}]} {
    %mul3A = arith.constant 632 : i32
    %mul3A_0 = arith.muli %arg1, %mul3A : i32
    %eq3A = arith.constant 0 : i32
    %eq3A_1 = arith.cmpi eq, %arg0, %eq3A : i32
    %convert_element_type3A = arith.extui %eq3A_1 : i1 to i32
    %cond3A = arith.constant 0 : i32
    %cond3A_2 = arith.cmpi ne, %convert_element_type3A, %cond3A : i32
    scf.if %cond3A_2 {
      "tpu.region"() ({
        %run_scoped3A_14 = tpu.sem_alloc : memref<!tpu.dma_semaphore, #tpu.memory_space<semaphore_mem>>
        tpu.enqueue_dma source(%arg5 : memref<128x128xf32, #tpu.memory_space<hbm>>) target(%arg9 : memref<128x128xf32, #tpu.memory_space<vmem>>) target_semaphore(%run_scoped3A_14 : memref<!tpu.dma_semaphore, #tpu.memory_space<semaphore_mem>>)
        tpu.wait_dma2 semaphore(%run_scoped3A_14 : memref<!tpu.dma_semaphore, #tpu.memory_space<semaphore_mem>>) src(%arg5 : memref<128x128xf32, #tpu.memory_space<hbm>>) dst(%arg9 : memref<128x128xf32, #tpu.memory_space<vmem>>)
        tpu.yield
      }) : () -> ()
      "tpu.region"() ({
        %run_scoped3A_14 = tpu.sem_alloc : memref<!tpu.dma_semaphore, #tpu.memory_space<semaphore_mem>>
        %dma_start3A = arith.constant 0 : i32
        %dma_start3A_15 = arith.constant 0 : i32
        %dma_start3A_16 = tpu.memref_slice %arg2[%arg1, %dma_start3A, %dma_start3A_15] : memref<16x160x128xi32, #tpu.memory_space<hbm>> -> memref<1x160x128xi32, #tpu.memory_space<hbm>>
        %dma_start3A_17 = tpu.memref_squeeze %dma_start3A_16 : memref<1x160x128xi32, #tpu.memory_space<hbm>> -> memref<160x128xi32, #tpu.memory_space<hbm>>
        %dma_start3A_18 = arith.constant 0 : i32
        %dma_start3A_19 = arith.constant 0 : i32
        %dma_start3A_20 = tpu.memref_slice %arg2[%arg1, %dma_start3A_18, %dma_start3A_19] : memref<16x160x128xi32, #tpu.memory_space<hbm>> -> memref<1x160x128xi32, #tpu.memory_space<hbm>>
        %dma_start3A_21 = tpu.memref_squeeze %dma_start3A_20 : memref<1x160x128xi32, #tpu.memory_space<hbm>> -> memref<160x128xi32, #tpu.memory_space<hbm>>
        tpu.enqueue_dma source(%dma_start3A_21 : memref<160x128xi32, #tpu.memory_space<hbm>>) target(%arg8 : memref<160x128xi32, #tpu.memory_space<vmem>>) target_semaphore(%run_scoped3A_14 : memref<!tpu.dma_semaphore, #tpu.memory_space<semaphore_mem>>)
        %dma_wait3A = arith.constant 0 : i32
        %dma_wait3A_22 = arith.constant 0 : i32
        %dma_wait3A_23 = tpu.memref_slice %arg2[%arg1, %dma_wait3A, %dma_wait3A_22] : memref<16x160x128xi32, #tpu.memory_space<hbm>> -> memref<1x160x128xi32, #tpu.memory_space<hbm>>
        %dma_wait3A_24 = tpu.memref_squeeze %dma_wait3A_23 : memref<1x160x128xi32, #tpu.memory_space<hbm>> -> memref<160x128xi32, #tpu.memory_space<hbm>>
        %dma_wait3A_25 = arith.constant 0 : i32
        %dma_wait3A_26 = arith.constant 0 : i32
        %dma_wait3A_27 = tpu.memref_slice %arg2[%arg1, %dma_wait3A_25, %dma_wait3A_26] : memref<16x160x128xi32, #tpu.memory_space<hbm>> -> memref<1x160x128xi32, #tpu.memory_space<hbm>>
        %dma_wait3A_28 = tpu.memref_squeeze %dma_wait3A_27 : memref<1x160x128xi32, #tpu.memory_space<hbm>> -> memref<160x128xi32, #tpu.memory_space<hbm>>
        tpu.wait_dma2 semaphore(%run_scoped3A_14 : memref<!tpu.dma_semaphore, #tpu.memory_space<semaphore_mem>>) src(%dma_wait3A_28 : memref<160x128xi32, #tpu.memory_space<hbm>>) dst(%arg8 : memref<160x128xi32, #tpu.memory_space<vmem>>)
        tpu.yield
      }) : () -> ()
      "tpu.region"() ({
        %run_scoped3A_14 = tpu.sem_alloc : memref<!tpu.dma_semaphore, #tpu.memory_space<semaphore_mem>>
        %dma_start3A = arith.constant 0 : i32
        %dma_start3A_15 = tpu.memref_slice %arg7[%mul3A_0, %dma_start3A] : memref<10112x128xf32, #tpu.memory_space<vmem_shared>> -> memref<632x128xf32, #tpu.memory_space<vmem_shared>>
        %dma_start3A_16 = arith.constant 0 : i32
        %dma_start3A_17 = tpu.memref_slice %arg4[%mul3A_0, %dma_start3A_16] : memref<10112x128xf32, #tpu.memory_space<hbm>> -> memref<632x128xf32, #tpu.memory_space<hbm>>
        tpu.enqueue_dma source(%dma_start3A_17 : memref<632x128xf32, #tpu.memory_space<hbm>>) target(%dma_start3A_15 : memref<632x128xf32, #tpu.memory_space<vmem_shared>>) target_semaphore(%run_scoped3A_14 : memref<!tpu.dma_semaphore, #tpu.memory_space<semaphore_mem>>)
        %dma_wait3A = arith.constant 0 : i32
        %dma_wait3A_18 = tpu.memref_slice %arg7[%mul3A_0, %dma_wait3A] : memref<10112x128xf32, #tpu.memory_space<vmem_shared>> -> memref<632x128xf32, #tpu.memory_space<vmem_shared>>
        %dma_wait3A_19 = arith.constant 0 : i32
        %dma_wait3A_20 = tpu.memref_slice %arg4[%mul3A_0, %dma_wait3A_19] : memref<10112x128xf32, #tpu.memory_space<hbm>> -> memref<632x128xf32, #tpu.memory_space<hbm>>
        tpu.wait_dma2 semaphore(%run_scoped3A_14 : memref<!tpu.dma_semaphore, #tpu.memory_space<semaphore_mem>>) src(%dma_wait3A_20 : memref<632x128xf32, #tpu.memory_space<hbm>>) dst(%dma_wait3A_18 : memref<632x128xf32, #tpu.memory_space<vmem_shared>>)
        tpu.yield
      }) : () -> ()
      %barrier3A = arith.constant 0 : index
      tpu.barrier barrier_id(%barrier3A)
      %scan3A = arith.constant 0 : i32
      %scan3A_8 = arith.constant 0 : i32
      %scan3A_9 = arith.constant 160 : i32
      %scan3A_10 = arith.addi %scan3A_8, %scan3A_9 : i32
      %scan3A_11 = arith.constant 1 : i32
      scf.for %scan3A_14 = %scan3A_8 to %scan3A_10 step %scan3A_11  : i32 {
        "tpu.region"() ({
          %run_scoped3A_15 = tpu.sem_alloc : memref<!tpu.dma_semaphore, #tpu.memory_space<semaphore_mem>>
          %dma_start3A = arith.constant 0 : i32
          %dma_start3A_16 = tpu.memref_slice %arg8[%scan3A_14, %dma_start3A] : memref<160x128xi32, #tpu.memory_space<vmem>> -> memref<1x128xi32, #tpu.memory_space<vmem>>
          %dma_start3A_17 = tpu.memref_squeeze %dma_start3A_16 : memref<1x128xi32, #tpu.memory_space<vmem>> -> memref<128xi32, #tpu.memory_space<vmem>>
          %dma_start3A_18 = arith.constant 0 : i32
          %dma_start3A_19 = arith.constant 0 : i32
          %dma_start3A_20 = tpu.memref_slice %arg7[%dma_start3A_18, %dma_start3A_19] : memref<10112x128xf32, #tpu.memory_space<vmem_shared>> -> memref<10112x128xf32, #tpu.memory_space<vmem_shared>>
          tpu.enqueue_indirect_dma source(%arg9 : memref<128x128xf32, #tpu.memory_space<vmem>>) target(%dma_start3A_20 : memref<10112x128xf32, #tpu.memory_space<vmem_shared>>) offsets(%dma_start3A_17 : memref<128xi32, #tpu.memory_space<vmem>>) semaphore(%run_scoped3A_15 : memref<!tpu.dma_semaphore, #tpu.memory_space<semaphore_mem>>) {add = true}
          %dma_wait3A = arith.constant 0 : i32
          %dma_wait3A_21 = tpu.memref_slice %arg8[%scan3A_14, %dma_wait3A] : memref<160x128xi32, #tpu.memory_space<vmem>> -> memref<1x128xi32, #tpu.memory_space<vmem>>
          %dma_wait3A_22 = tpu.memref_squeeze %dma_wait3A_21 : memref<1x128xi32, #tpu.memory_space<vmem>> -> memref<128xi32, #tpu.memory_space<vmem>>
          %dma_wait3A_23 = arith.constant 0 : i32
          %dma_wait3A_24 = arith.constant 0 : i32
          %dma_wait3A_25 = tpu.memref_slice %arg7[%dma_wait3A_23, %dma_wait3A_24] : memref<10112x128xf32, #tpu.memory_space<vmem_shared>> -> memref<10112x128xf32, #tpu.memory_space<vmem_shared>>
          tpu.wait_indirect_dma semaphore(%run_scoped3A_15 : memref<!tpu.dma_semaphore, #tpu.memory_space<semaphore_mem>>) src(%arg9 : memref<128x128xf32, #tpu.memory_space<vmem>>) dst(%dma_wait3A_25 : memref<10112x128xf32, #tpu.memory_space<vmem_shared>>)
          tpu.yield
        }) : () -> ()
      }
      %scan3A_12 = arith.constant 160 : i32
      %barrier3A_13 = arith.constant 0 : index
      tpu.barrier barrier_id(%barrier3A_13)
      %run_scoped3A = arith.constant 0 : i32
      "tpu.region"() ({
        %run_scoped3A_14 = tpu.sem_alloc : memref<!tpu.dma_semaphore, #tpu.memory_space<semaphore_mem>>
        %dma_start3A = arith.constant 0 : i32
        %dma_start3A_15 = arith.constant 0 : i32
        %dma_start3A_16 = tpu.memref_slice %arg6[%run_scoped3A, %dma_start3A, %dma_start3A_15] : memref<2x10112x128xf32, #tpu.memory_space<hbm>> -> memref<1x10112x128xf32, #tpu.memory_space<hbm>>
        %dma_start3A_17 = tpu.memref_squeeze %dma_start3A_16 : memref<1x10112x128xf32, #tpu.memory_space<hbm>> -> memref<10112x128xf32, #tpu.memory_space<hbm>>
        %dma_start3A_18 = arith.constant 0 : i32
        %dma_start3A_19 = tpu.memref_slice %dma_start3A_17[%mul3A_0, %dma_start3A_18] : memref<10112x128xf32, #tpu.memory_space<hbm>> -> memref<632x128xf32, #tpu.memory_space<hbm>>
        %dma_start3A_20 = arith.constant 0 : i32
        %dma_start3A_21 = tpu.memref_slice %arg7[%mul3A_0, %dma_start3A_20] : memref<10112x128xf32, #tpu.memory_space<vmem_shared>> -> memref<632x128xf32, #tpu.memory_space<vmem_shared>>
        tpu.enqueue_dma source(%dma_start3A_21 : memref<632x128xf32, #tpu.memory_space<vmem_shared>>) target(%dma_start3A_19 : memref<632x128xf32, #tpu.memory_space<hbm>>) target_semaphore(%run_scoped3A_14 : memref<!tpu.dma_semaphore, #tpu.memory_space<semaphore_mem>>)
        %dma_wait3A = arith.constant 0 : i32
        %dma_wait3A_22 = arith.constant 0 : i32
        %dma_wait3A_23 = tpu.memref_slice %arg6[%run_scoped3A, %dma_wait3A, %dma_wait3A_22] : memref<2x10112x128xf32, #tpu.memory_space<hbm>> -> memref<1x10112x128xf32, #tpu.memory_space<hbm>>
        %dma_wait3A_24 = tpu.memref_squeeze %dma_wait3A_23 : memref<1x10112x128xf32, #tpu.memory_space<hbm>> -> memref<10112x128xf32, #tpu.memory_space<hbm>>
        %dma_wait3A_25 = arith.constant 0 : i32
        %dma_wait3A_26 = tpu.memref_slice %dma_wait3A_24[%mul3A_0, %dma_wait3A_25] : memref<10112x128xf32, #tpu.memory_space<hbm>> -> memref<632x128xf32, #tpu.memory_space<hbm>>
        %dma_wait3A_27 = arith.constant 0 : i32
        %dma_wait3A_28 = tpu.memref_slice %arg7[%mul3A_0, %dma_wait3A_27] : memref<10112x128xf32, #tpu.memory_space<vmem_shared>> -> memref<632x128xf32, #tpu.memory_space<vmem_shared>>
        tpu.wait_dma2 semaphore(%run_scoped3A_14 : memref<!tpu.dma_semaphore, #tpu.memory_space<semaphore_mem>>) src(%dma_wait3A_28 : memref<632x128xf32, #tpu.memory_space<vmem_shared>>) dst(%dma_wait3A_26 : memref<632x128xf32, #tpu.memory_space<hbm>>)
        tpu.yield
      }) : () -> ()
    } else {
    }
    %eq3A_3 = arith.constant 1 : i32
    %eq3A_4 = arith.cmpi eq, %arg0, %eq3A_3 : i32
    %convert_element_type3A_5 = arith.extui %eq3A_4 : i1 to i32
    %cond3A_6 = arith.constant 0 : i32
    %cond3A_7 = arith.cmpi ne, %convert_element_type3A_5, %cond3A_6 : i32
    scf.if %cond3A_7 {
      "tpu.region"() ({
        %run_scoped3A_14 = tpu.sem_alloc : memref<!tpu.dma_semaphore, #tpu.memory_space<semaphore_mem>>
        tpu.enqueue_dma source(%arg5 : memref<128x128xf32, #tpu.memory_space<hbm>>) target(%arg9 : memref<128x128xf32, #tpu.memory_space<vmem>>) target_semaphore(%run_scoped3A_14 : memref<!tpu.dma_semaphore, #tpu.memory_space<semaphore_mem>>)
        tpu.wait_dma2 semaphore(%run_scoped3A_14 : memref<!tpu.dma_semaphore, #tpu.memory_space<semaphore_mem>>) src(%arg5 : memref<128x128xf32, #tpu.memory_space<hbm>>) dst(%arg9 : memref<128x128xf32, #tpu.memory_space<vmem>>)
        tpu.yield
      }) : () -> ()
      "tpu.region"() ({
        %run_scoped3A_14 = tpu.sem_alloc : memref<!tpu.dma_semaphore, #tpu.memory_space<semaphore_mem>>
        %dma_start3A = arith.constant 0 : i32
        %dma_start3A_15 = arith.constant 0 : i32
        %dma_start3A_16 = tpu.memref_slice %arg3[%arg1, %dma_start3A, %dma_start3A_15] : memref<16x160x128xi32, #tpu.memory_space<hbm>> -> memref<1x160x128xi32, #tpu.memory_space<hbm>>
        %dma_start3A_17 = tpu.memref_squeeze %dma_start3A_16 : memref<1x160x128xi32, #tpu.memory_space<hbm>> -> memref<160x128xi32, #tpu.memory_space<hbm>>
        %dma_start3A_18 = arith.constant 0 : i32
        %dma_start3A_19 = arith.constant 0 : i32
        %dma_start3A_20 = tpu.memref_slice %arg3[%arg1, %dma_start3A_18, %dma_start3A_19] : memref<16x160x128xi32, #tpu.memory_space<hbm>> -> memref<1x160x128xi32, #tpu.memory_space<hbm>>
        %dma_start3A_21 = tpu.memref_squeeze %dma_start3A_20 : memref<1x160x128xi32, #tpu.memory_space<hbm>> -> memref<160x128xi32, #tpu.memory_space<hbm>>
        tpu.enqueue_dma source(%dma_start3A_21 : memref<160x128xi32, #tpu.memory_space<hbm>>) target(%arg8 : memref<160x128xi32, #tpu.memory_space<vmem>>) target_semaphore(%run_scoped3A_14 : memref<!tpu.dma_semaphore, #tpu.memory_space<semaphore_mem>>)
        %dma_wait3A = arith.constant 0 : i32
        %dma_wait3A_22 = arith.constant 0 : i32
        %dma_wait3A_23 = tpu.memref_slice %arg3[%arg1, %dma_wait3A, %dma_wait3A_22] : memref<16x160x128xi32, #tpu.memory_space<hbm>> -> memref<1x160x128xi32, #tpu.memory_space<hbm>>
        %dma_wait3A_24 = tpu.memref_squeeze %dma_wait3A_23 : memref<1x160x128xi32, #tpu.memory_space<hbm>> -> memref<160x128xi32, #tpu.memory_space<hbm>>
        %dma_wait3A_25 = arith.constant 0 : i32
        %dma_wait3A_26 = arith.constant 0 : i32
        %dma_wait3A_27 = tpu.memref_slice %arg3[%arg1, %dma_wait3A_25, %dma_wait3A_26] : memref<16x160x128xi32, #tpu.memory_space<hbm>> -> memref<1x160x128xi32, #tpu.memory_space<hbm>>
        %dma_wait3A_28 = tpu.memref_squeeze %dma_wait3A_27 : memref<1x160x128xi32, #tpu.memory_space<hbm>> -> memref<160x128xi32, #tpu.memory_space<hbm>>
        tpu.wait_dma2 semaphore(%run_scoped3A_14 : memref<!tpu.dma_semaphore, #tpu.memory_space<semaphore_mem>>) src(%dma_wait3A_28 : memref<160x128xi32, #tpu.memory_space<hbm>>) dst(%arg8 : memref<160x128xi32, #tpu.memory_space<vmem>>)
        tpu.yield
      }) : () -> ()
      "tpu.region"() ({
        %run_scoped3A_14 = tpu.sem_alloc : memref<!tpu.dma_semaphore, #tpu.memory_space<semaphore_mem>>
        %dma_start3A = arith.constant 0 : i32
        %dma_start3A_15 = tpu.memref_slice %arg7[%mul3A_0, %dma_start3A] : memref<10112x128xf32, #tpu.memory_space<vmem_shared>> -> memref<632x128xf32, #tpu.memory_space<vmem_shared>>
        %dma_start3A_16 = arith.constant 0 : i32
        %dma_start3A_17 = tpu.memref_slice %arg4[%mul3A_0, %dma_start3A_16] : memref<10112x128xf32, #tpu.memory_space<hbm>> -> memref<632x128xf32, #tpu.memory_space<hbm>>
        tpu.enqueue_dma source(%dma_start3A_17 : memref<632x128xf32, #tpu.memory_space<hbm>>) target(%dma_start3A_15 : memref<632x128xf32, #tpu.memory_space<vmem_shared>>) target_semaphore(%run_scoped3A_14 : memref<!tpu.dma_semaphore, #tpu.memory_space<semaphore_mem>>)
        %dma_wait3A = arith.constant 0 : i32
        %dma_wait3A_18 = tpu.memref_slice %arg7[%mul3A_0, %dma_wait3A] : memref<10112x128xf32, #tpu.memory_space<vmem_shared>> -> memref<632x128xf32, #tpu.memory_space<vmem_shared>>
        %dma_wait3A_19 = arith.constant 0 : i32
        %dma_wait3A_20 = tpu.memref_slice %arg4[%mul3A_0, %dma_wait3A_19] : memref<10112x128xf32, #tpu.memory_space<hbm>> -> memref<632x128xf32, #tpu.memory_space<hbm>>
        tpu.wait_dma2 semaphore(%run_scoped3A_14 : memref<!tpu.dma_semaphore, #tpu.memory_space<semaphore_mem>>) src(%dma_wait3A_20 : memref<632x128xf32, #tpu.memory_space<hbm>>) dst(%dma_wait3A_18 : memref<632x128xf32, #tpu.memory_space<vmem_shared>>)
        tpu.yield
      }) : () -> ()
      %barrier3A = arith.constant 0 : index
      tpu.barrier barrier_id(%barrier3A)
      %scan3A = arith.constant 0 : i32
      %scan3A_8 = arith.constant 0 : i32
      %scan3A_9 = arith.constant 160 : i32
      %scan3A_10 = arith.addi %scan3A_8, %scan3A_9 : i32
      %scan3A_11 = arith.constant 1 : i32
      scf.for %scan3A_14 = %scan3A_8 to %scan3A_10 step %scan3A_11  : i32 {
        "tpu.region"() ({
          %run_scoped3A_15 = tpu.sem_alloc : memref<!tpu.dma_semaphore, #tpu.memory_space<semaphore_mem>>
          %dma_start3A = arith.constant 0 : i32
          %dma_start3A_16 = tpu.memref_slice %arg8[%scan3A_14, %dma_start3A] : memref<160x128xi32, #tpu.memory_space<vmem>> -> memref<1x128xi32, #tpu.memory_space<vmem>>
          %dma_start3A_17 = tpu.memref_squeeze %dma_start3A_16 : memref<1x128xi32, #tpu.memory_space<vmem>> -> memref<128xi32, #tpu.memory_space<vmem>>
          %dma_start3A_18 = arith.constant 0 : i32
          %dma_start3A_19 = arith.constant 0 : i32
          %dma_start3A_20 = tpu.memref_slice %arg7[%dma_start3A_18, %dma_start3A_19] : memref<10112x128xf32, #tpu.memory_space<vmem_shared>> -> memref<10112x128xf32, #tpu.memory_space<vmem_shared>>
          tpu.enqueue_indirect_dma source(%arg9 : memref<128x128xf32, #tpu.memory_space<vmem>>) target(%dma_start3A_20 : memref<10112x128xf32, #tpu.memory_space<vmem_shared>>) offsets(%dma_start3A_17 : memref<128xi32, #tpu.memory_space<vmem>>) semaphore(%run_scoped3A_15 : memref<!tpu.dma_semaphore, #tpu.memory_space<semaphore_mem>>) {add = true}
          %dma_wait3A = arith.constant 0 : i32
          %dma_wait3A_21 = tpu.memref_slice %arg8[%scan3A_14, %dma_wait3A] : memref<160x128xi32, #tpu.memory_space<vmem>> -> memref<1x128xi32, #tpu.memory_space<vmem>>
          %dma_wait3A_22 = tpu.memref_squeeze %dma_wait3A_21 : memref<1x128xi32, #tpu.memory_space<vmem>> -> memref<128xi32, #tpu.memory_space<vmem>>
          %dma_wait3A_23 = arith.constant 0 : i32
          %dma_wait3A_24 = arith.constant 0 : i32
          %dma_wait3A_25 = tpu.memref_slice %arg7[%dma_wait3A_23, %dma_wait3A_24] : memref<10112x128xf32, #tpu.memory_space<vmem_shared>> -> memref<10112x128xf32, #tpu.memory_space<vmem_shared>>
          tpu.wait_indirect_dma semaphore(%run_scoped3A_15 : memref<!tpu.dma_semaphore, #tpu.memory_space<semaphore_mem>>) src(%arg9 : memref<128x128xf32, #tpu.memory_space<vmem>>) dst(%dma_wait3A_25 : memref<10112x128xf32, #tpu.memory_space<vmem_shared>>)
          tpu.yield
        }) : () -> ()
      }
      %scan3A_12 = arith.constant 160 : i32
      %barrier3A_13 = arith.constant 0 : index
      tpu.barrier barrier_id(%barrier3A_13)
      %run_scoped3A = arith.constant 1 : i32
      "tpu.region"() ({
        %run_scoped3A_14 = tpu.sem_alloc : memref<!tpu.dma_semaphore, #tpu.memory_space<semaphore_mem>>
        %dma_start3A = arith.constant 0 : i32
        %dma_start3A_15 = arith.constant 0 : i32
        %dma_start3A_16 = tpu.memref_slice %arg6[%run_scoped3A, %dma_start3A, %dma_start3A_15] : memref<2x10112x128xf32, #tpu.memory_space<hbm>> -> memref<1x10112x128xf32, #tpu.memory_space<hbm>>
        %dma_start3A_17 = tpu.memref_squeeze %dma_start3A_16 : memref<1x10112x128xf32, #tpu.memory_space<hbm>> -> memref<10112x128xf32, #tpu.memory_space<hbm>>
        %dma_start3A_18 = arith.constant 0 : i32
        %dma_start3A_19 = tpu.memref_slice %dma_start3A_17[%mul3A_0, %dma_start3A_18] : memref<10112x128xf32, #tpu.memory_space<hbm>> -> memref<632x128xf32, #tpu.memory_space<hbm>>
        %dma_start3A_20 = arith.constant 0 : i32
        %dma_start3A_21 = tpu.memref_slice %arg7[%mul3A_0, %dma_start3A_20] : memref<10112x128xf32, #tpu.memory_space<vmem_shared>> -> memref<632x128xf32, #tpu.memory_space<vmem_shared>>
        tpu.enqueue_dma source(%dma_start3A_21 : memref<632x128xf32, #tpu.memory_space<vmem_shared>>) target(%dma_start3A_19 : memref<632x128xf32, #tpu.memory_space<hbm>>) target_semaphore(%run_scoped3A_14 : memref<!tpu.dma_semaphore, #tpu.memory_space<semaphore_mem>>)
        %dma_wait3A = arith.constant 0 : i32
        %dma_wait3A_22 = arith.constant 0 : i32
        %dma_wait3A_23 = tpu.memref_slice %arg6[%run_scoped3A, %dma_wait3A, %dma_wait3A_22] : memref<2x10112x128xf32, #tpu.memory_space<hbm>> -> memref<1x10112x128xf32, #tpu.memory_space<hbm>>
        %dma_wait3A_24 = tpu.memref_squeeze %dma_wait3A_23 : memref<1x10112x128xf32, #tpu.memory_space<hbm>> -> memref<10112x128xf32, #tpu.memory_space<hbm>>
        %dma_wait3A_25 = arith.constant 0 : i32
        %dma_wait3A_26 = tpu.memref_slice %dma_wait3A_24[%mul3A_0, %dma_wait3A_25] : memref<10112x128xf32, #tpu.memory_space<hbm>> -> memref<632x128xf32, #tpu.memory_space<hbm>>
        %dma_wait3A_27 = arith.constant 0 : i32
        %dma_wait3A_28 = tpu.memref_slice %arg7[%mul3A_0, %dma_wait3A_27] : memref<10112x128xf32, #tpu.memory_space<vmem_shared>> -> memref<632x128xf32, #tpu.memory_space<vmem_shared>>
        tpu.wait_dma2 semaphore(%run_scoped3A_14 : memref<!tpu.dma_semaphore, #tpu.memory_space<semaphore_mem>>) src(%dma_wait3A_28 : memref<632x128xf32, #tpu.memory_space<vmem_shared>>) dst(%dma_wait3A_26 : memref<632x128xf32, #tpu.memory_space<hbm>>)
        tpu.yield
      }) : () -> ()
    } else {
    }
    return
  }
}

#map = affine_map<(d0, d1) -> (0, 0, 0)>
#map1 = affine_map<(d0, d1) -> (0, 0)>
module attributes {stable_mosaic.version = 14 : i64} {
  func.func @body(%arg0: i32, %arg1: i32, %arg2: memref<2x10112x128xf32, #tpu.memory_space<hbm>>, %arg3: memref<16x160x128xi32, #tpu.memory_space<hbm>>, %arg4: memref<16x160x128xi32, #tpu.memory_space<hbm>>, %arg5: memref<16x160x128xi32, #tpu.memory_space<hbm>>, %arg6: memref<16x160x128xi32, #tpu.memory_space<hbm>>, %arg7: memref<10112x128xf32, #tpu.memory_space<hbm>>, %arg8: memref<2x10112x128xf32, #tpu.memory_space<hbm>>, %arg9: memref<10112x128xf32, #tpu.memory_space<vmem_shared>>, %arg10: memref<8x128xi32, #tpu.memory_space<vmem>>, %arg11: memref<8x128xi32, #tpu.memory_space<vmem>>, %arg12: memref<128x128xf32, #tpu.memory_space<vmem>>, %arg13: memref<128x128xf32, #tpu.memory_space<vmem>>, %arg14: memref<!tpu.dma_semaphore, #tpu.memory_space<semaphore_mem>>, %arg15: memref<!tpu.dma_semaphore, #tpu.memory_space<semaphore_mem>>, %arg16: memref<!tpu.dma_semaphore, #tpu.memory_space<semaphore_mem>>, %arg17: memref<!tpu.dma_semaphore, #tpu.memory_space<semaphore_mem>>) attributes {dimension_semantics = [#tpu.dimension_semantics<core_parallel>, #tpu.dimension_semantics<subcore_parallel>], iteration_bounds = array<i64: 2, 16>, scalar_prefetch = 0 : i64, scratch_operands = 9 : i64, tpu.core_type = #tpu.core_type<sc_vector_subcore>, window_params = [{transform_indices = #map}, {transform_indices = #map}, {transform_indices = #map}, {transform_indices = #map}, {transform_indices = #map}, {transform_indices = #map1}, {transform_indices = #map}]} {
    %mul3A = arith.constant 632 : i32
    %mul3A_0 = arith.muli %arg1, %mul3A : i32
    %eq3A = arith.constant 0 : i32
    %eq3A_1 = arith.cmpi eq, %arg0, %eq3A : i32
    %convert_element_type3A = arith.extui %eq3A_1 : i1 to i32
    %cond3A = arith.constant 0 : i32
    %cond3A_2 = arith.cmpi ne, %convert_element_type3A, %cond3A : i32
    scf.if %cond3A_2 {
      "tpu.region"() ({
        %run_scoped3A_15 = tpu.sem_alloc : memref<!tpu.dma_semaphore, #tpu.memory_space<semaphore_mem>>
        %dma_start3A = arith.constant 0 : i32
        %dma_start3A_16 = tpu.memref_slice %arg9[%mul3A_0, %dma_start3A] : memref<10112x128xf32, #tpu.memory_space<vmem_shared>> -> memref<632x128xf32, #tpu.memory_space<vmem_shared>>
        %dma_start3A_17 = arith.constant 0 : i32
        %dma_start3A_18 = tpu.memref_slice %arg7[%mul3A_0, %dma_start3A_17] : memref<10112x128xf32, #tpu.memory_space<hbm>> -> memref<632x128xf32, #tpu.memory_space<hbm>>
        tpu.enqueue_dma source(%dma_start3A_18 : memref<632x128xf32, #tpu.memory_space<hbm>>) target(%dma_start3A_16 : memref<632x128xf32, #tpu.memory_space<vmem_shared>>) target_semaphore(%run_scoped3A_15 : memref<!tpu.dma_semaphore, #tpu.memory_space<semaphore_mem>>)
        %dma_wait3A = arith.constant 0 : i32
        %dma_wait3A_19 = tpu.memref_slice %arg9[%mul3A_0, %dma_wait3A] : memref<10112x128xf32, #tpu.memory_space<vmem_shared>> -> memref<632x128xf32, #tpu.memory_space<vmem_shared>>
        %dma_wait3A_20 = arith.constant 0 : i32
        %dma_wait3A_21 = tpu.memref_slice %arg7[%mul3A_0, %dma_wait3A_20] : memref<10112x128xf32, #tpu.memory_space<hbm>> -> memref<632x128xf32, #tpu.memory_space<hbm>>
        tpu.wait_dma2 semaphore(%run_scoped3A_15 : memref<!tpu.dma_semaphore, #tpu.memory_space<semaphore_mem>>) src(%dma_wait3A_21 : memref<632x128xf32, #tpu.memory_space<hbm>>) dst(%dma_wait3A_19 : memref<632x128xf32, #tpu.memory_space<vmem_shared>>)
        tpu.yield
      }) : () -> ()
      %barrier3A = arith.constant 0 : index
      tpu.barrier barrier_id(%barrier3A)
      %scan3A = arith.constant 0 : i32
      %scan3A_8 = arith.constant 1 : i32
      %scan3A_9 = arith.constant 0 : i32
      %scan3A_10 = arith.constant 20 : i32
      %scan3A_11 = arith.addi %scan3A_9, %scan3A_10 : i32
      %scan3A_12 = arith.constant 1 : i32
      scf.for %scan3A_15 = %scan3A_9 to %scan3A_11 step %scan3A_12  : i32 {
        %mul3A_16 = arith.constant 8 : i32
        %mul3A_17 = arith.muli %scan3A_15, %mul3A_16 : i32
        "tpu.region"() ({
          %run_scoped3A_306 = tpu.sem_alloc : memref<!tpu.dma_semaphore, #tpu.memory_space<semaphore_mem>>
          %dma_start3A_307 = arith.constant 0 : i32
          %dma_start3A_308 = tpu.memref_slice %arg3[%arg1, %mul3A_17, %dma_start3A_307] : memref<16x160x128xi32, #tpu.memory_space<hbm>> -> memref<1x8x128xi32, #tpu.memory_space<hbm>>
          %dma_start3A_309 = tpu.memref_squeeze %dma_start3A_308 : memref<1x8x128xi32, #tpu.memory_space<hbm>> -> memref<8x128xi32, #tpu.memory_space<hbm>>
          %dma_start3A_310 = arith.constant 0 : i32
          %dma_start3A_311 = tpu.memref_slice %arg3[%arg1, %mul3A_17, %dma_start3A_310] : memref<16x160x128xi32, #tpu.memory_space<hbm>> -> memref<1x8x128xi32, #tpu.memory_space<hbm>>
          %dma_start3A_312 = tpu.memref_squeeze %dma_start3A_311 : memref<1x8x128xi32, #tpu.memory_space<hbm>> -> memref<8x128xi32, #tpu.memory_space<hbm>>
          tpu.enqueue_dma source(%dma_start3A_312 : memref<8x128xi32, #tpu.memory_space<hbm>>) target(%arg10 : memref<8x128xi32, #tpu.memory_space<vmem>>) target_semaphore(%run_scoped3A_306 : memref<!tpu.dma_semaphore, #tpu.memory_space<semaphore_mem>>)
          %dma_wait3A_313 = arith.constant 0 : i32
          %dma_wait3A_314 = tpu.memref_slice %arg3[%arg1, %mul3A_17, %dma_wait3A_313] : memref<16x160x128xi32, #tpu.memory_space<hbm>> -> memref<1x8x128xi32, #tpu.memory_space<hbm>>
          %dma_wait3A_315 = tpu.memref_squeeze %dma_wait3A_314 : memref<1x8x128xi32, #tpu.memory_space<hbm>> -> memref<8x128xi32, #tpu.memory_space<hbm>>
          %dma_wait3A_316 = arith.constant 0 : i32
          %dma_wait3A_317 = tpu.memref_slice %arg3[%arg1, %mul3A_17, %dma_wait3A_316] : memref<16x160x128xi32, #tpu.memory_space<hbm>> -> memref<1x8x128xi32, #tpu.memory_space<hbm>>
          %dma_wait3A_318 = tpu.memref_squeeze %dma_wait3A_317 : memref<1x8x128xi32, #tpu.memory_space<hbm>> -> memref<8x128xi32, #tpu.memory_space<hbm>>
          tpu.wait_dma2 semaphore(%run_scoped3A_306 : memref<!tpu.dma_semaphore, #tpu.memory_space<semaphore_mem>>) src(%dma_wait3A_318 : memref<8x128xi32, #tpu.memory_space<hbm>>) dst(%arg10 : memref<8x128xi32, #tpu.memory_space<vmem>>)
          tpu.yield
        }) : () -> ()
        %mul3A_18 = arith.constant 8 : i32
        %mul3A_19 = arith.muli %scan3A_15, %mul3A_18 : i32
        "tpu.region"() ({
          %run_scoped3A_306 = tpu.sem_alloc : memref<!tpu.dma_semaphore, #tpu.memory_space<semaphore_mem>>
          %dma_start3A_307 = arith.constant 0 : i32
          %dma_start3A_308 = tpu.memref_slice %arg4[%arg1, %mul3A_19, %dma_start3A_307] : memref<16x160x128xi32, #tpu.memory_space<hbm>> -> memref<1x8x128xi32, #tpu.memory_space<hbm>>
          %dma_start3A_309 = tpu.memref_squeeze %dma_start3A_308 : memref<1x8x128xi32, #tpu.memory_space<hbm>> -> memref<8x128xi32, #tpu.memory_space<hbm>>
          %dma_start3A_310 = arith.constant 0 : i32
          %dma_start3A_311 = tpu.memref_slice %arg4[%arg1, %mul3A_19, %dma_start3A_310] : memref<16x160x128xi32, #tpu.memory_space<hbm>> -> memref<1x8x128xi32, #tpu.memory_space<hbm>>
          %dma_start3A_312 = tpu.memref_squeeze %dma_start3A_311 : memref<1x8x128xi32, #tpu.memory_space<hbm>> -> memref<8x128xi32, #tpu.memory_space<hbm>>
          tpu.enqueue_dma source(%dma_start3A_312 : memref<8x128xi32, #tpu.memory_space<hbm>>) target(%arg11 : memref<8x128xi32, #tpu.memory_space<vmem>>) target_semaphore(%run_scoped3A_306 : memref<!tpu.dma_semaphore, #tpu.memory_space<semaphore_mem>>)
          %dma_wait3A_313 = arith.constant 0 : i32
          %dma_wait3A_314 = tpu.memref_slice %arg4[%arg1, %mul3A_19, %dma_wait3A_313] : memref<16x160x128xi32, #tpu.memory_space<hbm>> -> memref<1x8x128xi32, #tpu.memory_space<hbm>>
          %dma_wait3A_315 = tpu.memref_squeeze %dma_wait3A_314 : memref<1x8x128xi32, #tpu.memory_space<hbm>> -> memref<8x128xi32, #tpu.memory_space<hbm>>
          %dma_wait3A_316 = arith.constant 0 : i32
          %dma_wait3A_317 = tpu.memref_slice %arg4[%arg1, %mul3A_19, %dma_wait3A_316] : memref<16x160x128xi32, #tpu.memory_space<hbm>> -> memref<1x8x128xi32, #tpu.memory_space<hbm>>
          %dma_wait3A_318 = tpu.memref_squeeze %dma_wait3A_317 : memref<1x8x128xi32, #tpu.memory_space<hbm>> -> memref<8x128xi32, #tpu.memory_space<hbm>>
          tpu.wait_dma2 semaphore(%run_scoped3A_306 : memref<!tpu.dma_semaphore, #tpu.memory_space<semaphore_mem>>) src(%dma_wait3A_318 : memref<8x128xi32, #tpu.memory_space<hbm>>) dst(%arg11 : memref<8x128xi32, #tpu.memory_space<vmem>>)
          tpu.yield
        }) : () -> ()
        %dma_start3A = arith.constant 0 : i32
        %dma_start3A_20 = arith.constant 0 : i32
        %dma_start3A_21 = tpu.memref_slice %arg10[%dma_start3A, %dma_start3A_20] : memref<8x128xi32, #tpu.memory_space<vmem>> -> memref<1x128xi32, #tpu.memory_space<vmem>>
        %dma_start3A_22 = tpu.memref_squeeze %dma_start3A_21 : memref<1x128xi32, #tpu.memory_space<vmem>> -> memref<128xi32, #tpu.memory_space<vmem>>
        %dma_start3A_23 = arith.constant 0 : i32
        %dma_start3A_24 = arith.constant 0 : i32
        %dma_start3A_25 = tpu.memref_slice %arg2[%scan3A_8, %dma_start3A_23, %dma_start3A_24] : memref<2x10112x128xf32, #tpu.memory_space<hbm>> -> memref<1x10112x128xf32, #tpu.memory_space<hbm>>
        %dma_start3A_26 = tpu.memref_squeeze %dma_start3A_25 : memref<1x10112x128xf32, #tpu.memory_space<hbm>> -> memref<10112x128xf32, #tpu.memory_space<hbm>>
        %dma_start3A_27 = arith.constant 0 : i32
        %dma_start3A_28 = arith.constant 0 : i32
        %dma_start3A_29 = tpu.memref_slice %dma_start3A_26[%dma_start3A_27, %dma_start3A_28] : memref<10112x128xf32, #tpu.memory_space<hbm>> -> memref<10112x128xf32, #tpu.memory_space<hbm>>
        tpu.enqueue_indirect_dma source(%dma_start3A_29 : memref<10112x128xf32, #tpu.memory_space<hbm>>) target(%arg12 : memref<128x128xf32, #tpu.memory_space<vmem>>) offsets(%dma_start3A_22 : memref<128xi32, #tpu.memory_space<vmem>>) semaphore(%arg14 : memref<!tpu.dma_semaphore, #tpu.memory_space<semaphore_mem>>)
        %dma_start3A_30 = arith.constant 1 : i32
        %dma_start3A_31 = arith.constant 0 : i32
        %dma_start3A_32 = tpu.memref_slice %arg10[%dma_start3A_30, %dma_start3A_31] : memref<8x128xi32, #tpu.memory_space<vmem>> -> memref<1x128xi32, #tpu.memory_space<vmem>>
        %dma_start3A_33 = tpu.memref_squeeze %dma_start3A_32 : memref<1x128xi32, #tpu.memory_space<vmem>> -> memref<128xi32, #tpu.memory_space<vmem>>
        %dma_start3A_34 = arith.constant 0 : i32
        %dma_start3A_35 = arith.constant 0 : i32
        %dma_start3A_36 = tpu.memref_slice %arg2[%scan3A_8, %dma_start3A_34, %dma_start3A_35] : memref<2x10112x128xf32, #tpu.memory_space<hbm>> -> memref<1x10112x128xf32, #tpu.memory_space<hbm>>
        %dma_start3A_37 = tpu.memref_squeeze %dma_start3A_36 : memref<1x10112x128xf32, #tpu.memory_space<hbm>> -> memref<10112x128xf32, #tpu.memory_space<hbm>>
        %dma_start3A_38 = arith.constant 0 : i32
        %dma_start3A_39 = arith.constant 0 : i32
        %dma_start3A_40 = tpu.memref_slice %dma_start3A_37[%dma_start3A_38, %dma_start3A_39] : memref<10112x128xf32, #tpu.memory_space<hbm>> -> memref<10112x128xf32, #tpu.memory_space<hbm>>
        tpu.enqueue_indirect_dma source(%dma_start3A_40 : memref<10112x128xf32, #tpu.memory_space<hbm>>) target(%arg13 : memref<128x128xf32, #tpu.memory_space<vmem>>) offsets(%dma_start3A_33 : memref<128xi32, #tpu.memory_space<vmem>>) semaphore(%arg15 : memref<!tpu.dma_semaphore, #tpu.memory_space<semaphore_mem>>)
        %dma_wait3A = arith.constant 0 : i32
        %dma_wait3A_41 = arith.constant 0 : i32
        %dma_wait3A_42 = tpu.memref_slice %arg10[%dma_wait3A, %dma_wait3A_41] : memref<8x128xi32, #tpu.memory_space<vmem>> -> memref<1x128xi32, #tpu.memory_space<vmem>>
        %dma_wait3A_43 = tpu.memref_squeeze %dma_wait3A_42 : memref<1x128xi32, #tpu.memory_space<vmem>> -> memref<128xi32, #tpu.memory_space<vmem>>
        %dma_wait3A_44 = arith.constant 0 : i32
        %dma_wait3A_45 = arith.constant 0 : i32
        %dma_wait3A_46 = tpu.memref_slice %arg2[%scan3A_8, %dma_wait3A_44, %dma_wait3A_45] : memref<2x10112x128xf32, #tpu.memory_space<hbm>> -> memref<1x10112x128xf32, #tpu.memory_space<hbm>>
        %dma_wait3A_47 = tpu.memref_squeeze %dma_wait3A_46 : memref<1x10112x128xf32, #tpu.memory_space<hbm>> -> memref<10112x128xf32, #tpu.memory_space<hbm>>
        %dma_wait3A_48 = arith.constant 0 : i32
        %dma_wait3A_49 = arith.constant 0 : i32
        %dma_wait3A_50 = tpu.memref_slice %dma_wait3A_47[%dma_wait3A_48, %dma_wait3A_49] : memref<10112x128xf32, #tpu.memory_space<hbm>> -> memref<10112x128xf32, #tpu.memory_space<hbm>>
        tpu.wait_indirect_dma semaphore(%arg14 : memref<!tpu.dma_semaphore, #tpu.memory_space<semaphore_mem>>) src(%dma_wait3A_50 : memref<10112x128xf32, #tpu.memory_space<hbm>>) dst(%arg12 : memref<128x128xf32, #tpu.memory_space<vmem>>)
        %dma_start3A_51 = arith.constant 0 : i32
        %dma_start3A_52 = arith.constant 0 : i32
        %dma_start3A_53 = tpu.memref_slice %arg11[%dma_start3A_51, %dma_start3A_52] : memref<8x128xi32, #tpu.memory_space<vmem>> -> memref<1x128xi32, #tpu.memory_space<vmem>>
        %dma_start3A_54 = tpu.memref_squeeze %dma_start3A_53 : memref<1x128xi32, #tpu.memory_space<vmem>> -> memref<128xi32, #tpu.memory_space<vmem>>
        %dma_start3A_55 = arith.constant 0 : i32
        %dma_start3A_56 = arith.constant 0 : i32
        %dma_start3A_57 = tpu.memref_slice %arg9[%dma_start3A_55, %dma_start3A_56] : memref<10112x128xf32, #tpu.memory_space<vmem_shared>> -> memref<10112x128xf32, #tpu.memory_space<vmem_shared>>
        tpu.enqueue_indirect_dma source(%arg12 : memref<128x128xf32, #tpu.memory_space<vmem>>) target(%dma_start3A_57 : memref<10112x128xf32, #tpu.memory_space<vmem_shared>>) offsets(%dma_start3A_54 : memref<128xi32, #tpu.memory_space<vmem>>) semaphore(%arg16 : memref<!tpu.dma_semaphore, #tpu.memory_space<semaphore_mem>>) {add = true}
        %dma_wait3A_58 = arith.constant 0 : i32
        %dma_wait3A_59 = arith.constant 0 : i32
        %dma_wait3A_60 = tpu.memref_slice %arg11[%dma_wait3A_58, %dma_wait3A_59] : memref<8x128xi32, #tpu.memory_space<vmem>> -> memref<1x128xi32, #tpu.memory_space<vmem>>
        %dma_wait3A_61 = tpu.memref_squeeze %dma_wait3A_60 : memref<1x128xi32, #tpu.memory_space<vmem>> -> memref<128xi32, #tpu.memory_space<vmem>>
        %dma_wait3A_62 = arith.constant 0 : i32
        %dma_wait3A_63 = arith.constant 0 : i32
        %dma_wait3A_64 = tpu.memref_slice %arg9[%dma_wait3A_62, %dma_wait3A_63] : memref<10112x128xf32, #tpu.memory_space<vmem_shared>> -> memref<10112x128xf32, #tpu.memory_space<vmem_shared>>
        tpu.wait_indirect_dma semaphore(%arg16 : memref<!tpu.dma_semaphore, #tpu.memory_space<semaphore_mem>>) src(%arg12 : memref<128x128xf32, #tpu.memory_space<vmem>>) dst(%dma_wait3A_64 : memref<10112x128xf32, #tpu.memory_space<vmem_shared>>)
        %dma_start3A_65 = arith.constant 2 : i32
        %dma_start3A_66 = arith.constant 0 : i32
        %dma_start3A_67 = tpu.memref_slice %arg10[%dma_start3A_65, %dma_start3A_66] : memref<8x128xi32, #tpu.memory_space<vmem>> -> memref<1x128xi32, #tpu.memory_space<vmem>>
        %dma_start3A_68 = tpu.memref_squeeze %dma_start3A_67 : memref<1x128xi32, #tpu.memory_space<vmem>> -> memref<128xi32, #tpu.memory_space<vmem>>
        %dma_start3A_69 = arith.constant 0 : i32
        %dma_start3A_70 = arith.constant 0 : i32
        %dma_start3A_71 = tpu.memref_slice %arg2[%scan3A_8, %dma_start3A_69, %dma_start3A_70] : memref<2x10112x128xf32, #tpu.memory_space<hbm>> -> memref<1x10112x128xf32, #tpu.memory_space<hbm>>
        %dma_start3A_72 = tpu.memref_squeeze %dma_start3A_71 : memref<1x10112x128xf32, #tpu.memory_space<hbm>> -> memref<10112x128xf32, #tpu.memory_space<hbm>>
        %dma_start3A_73 = arith.constant 0 : i32
        %dma_start3A_74 = arith.constant 0 : i32
        %dma_start3A_75 = tpu.memref_slice %dma_start3A_72[%dma_start3A_73, %dma_start3A_74] : memref<10112x128xf32, #tpu.memory_space<hbm>> -> memref<10112x128xf32, #tpu.memory_space<hbm>>
        tpu.enqueue_indirect_dma source(%dma_start3A_75 : memref<10112x128xf32, #tpu.memory_space<hbm>>) target(%arg12 : memref<128x128xf32, #tpu.memory_space<vmem>>) offsets(%dma_start3A_68 : memref<128xi32, #tpu.memory_space<vmem>>) semaphore(%arg14 : memref<!tpu.dma_semaphore, #tpu.memory_space<semaphore_mem>>)
        %dma_wait3A_76 = arith.constant 1 : i32
        %dma_wait3A_77 = arith.constant 0 : i32
        %dma_wait3A_78 = tpu.memref_slice %arg10[%dma_wait3A_76, %dma_wait3A_77] : memref<8x128xi32, #tpu.memory_space<vmem>> -> memref<1x128xi32, #tpu.memory_space<vmem>>
        %dma_wait3A_79 = tpu.memref_squeeze %dma_wait3A_78 : memref<1x128xi32, #tpu.memory_space<vmem>> -> memref<128xi32, #tpu.memory_space<vmem>>
        %dma_wait3A_80 = arith.constant 0 : i32
        %dma_wait3A_81 = arith.constant 0 : i32
        %dma_wait3A_82 = tpu.memref_slice %arg2[%scan3A_8, %dma_wait3A_80, %dma_wait3A_81] : memref<2x10112x128xf32, #tpu.memory_space<hbm>> -> memref<1x10112x128xf32, #tpu.memory_space<hbm>>
        %dma_wait3A_83 = tpu.memref_squeeze %dma_wait3A_82 : memref<1x10112x128xf32, #tpu.memory_space<hbm>> -> memref<10112x128xf32, #tpu.memory_space<hbm>>
        %dma_wait3A_84 = arith.constant 0 : i32
        %dma_wait3A_85 = arith.constant 0 : i32
        %dma_wait3A_86 = tpu.memref_slice %dma_wait3A_83[%dma_wait3A_84, %dma_wait3A_85] : memref<10112x128xf32, #tpu.memory_space<hbm>> -> memref<10112x128xf32, #tpu.memory_space<hbm>>
        tpu.wait_indirect_dma semaphore(%arg15 : memref<!tpu.dma_semaphore, #tpu.memory_space<semaphore_mem>>) src(%dma_wait3A_86 : memref<10112x128xf32, #tpu.memory_space<hbm>>) dst(%arg13 : memref<128x128xf32, #tpu.memory_space<vmem>>)
        %dma_start3A_87 = arith.constant 1 : i32
        %dma_start3A_88 = arith.constant 0 : i32
        %dma_start3A_89 = tpu.memref_slice %arg11[%dma_start3A_87, %dma_start3A_88] : memref<8x128xi32, #tpu.memory_space<vmem>> -> memref<1x128xi32, #tpu.memory_space<vmem>>
        %dma_start3A_90 = tpu.memref_squeeze %dma_start3A_89 : memref<1x128xi32, #tpu.memory_space<vmem>> -> memref<128xi32, #tpu.memory_space<vmem>>
        %dma_start3A_91 = arith.constant 0 : i32
        %dma_start3A_92 = arith.constant 0 : i32
        %dma_start3A_93 = tpu.memref_slice %arg9[%dma_start3A_91, %dma_start3A_92] : memref<10112x128xf32, #tpu.memory_space<vmem_shared>> -> memref<10112x128xf32, #tpu.memory_space<vmem_shared>>
        tpu.enqueue_indirect_dma source(%arg13 : memref<128x128xf32, #tpu.memory_space<vmem>>) target(%dma_start3A_93 : memref<10112x128xf32, #tpu.memory_space<vmem_shared>>) offsets(%dma_start3A_90 : memref<128xi32, #tpu.memory_space<vmem>>) semaphore(%arg17 : memref<!tpu.dma_semaphore, #tpu.memory_space<semaphore_mem>>) {add = true}
        %dma_wait3A_94 = arith.constant 1 : i32
        %dma_wait3A_95 = arith.constant 0 : i32
        %dma_wait3A_96 = tpu.memref_slice %arg11[%dma_wait3A_94, %dma_wait3A_95] : memref<8x128xi32, #tpu.memory_space<vmem>> -> memref<1x128xi32, #tpu.memory_space<vmem>>
        %dma_wait3A_97 = tpu.memref_squeeze %dma_wait3A_96 : memref<1x128xi32, #tpu.memory_space<vmem>> -> memref<128xi32, #tpu.memory_space<vmem>>
        %dma_wait3A_98 = arith.constant 0 : i32
        %dma_wait3A_99 = arith.constant 0 : i32
        %dma_wait3A_100 = tpu.memref_slice %arg9[%dma_wait3A_98, %dma_wait3A_99] : memref<10112x128xf32, #tpu.memory_space<vmem_shared>> -> memref<10112x128xf32, #tpu.memory_space<vmem_shared>>
        tpu.wait_indirect_dma semaphore(%arg17 : memref<!tpu.dma_semaphore, #tpu.memory_space<semaphore_mem>>) src(%arg13 : memref<128x128xf32, #tpu.memory_space<vmem>>) dst(%dma_wait3A_100 : memref<10112x128xf32, #tpu.memory_space<vmem_shared>>)
        %dma_start3A_101 = arith.constant 3 : i32
        %dma_start3A_102 = arith.constant 0 : i32
        %dma_start3A_103 = tpu.memref_slice %arg10[%dma_start3A_101, %dma_start3A_102] : memref<8x128xi32, #tpu.memory_space<vmem>> -> memref<1x128xi32, #tpu.memory_space<vmem>>
        %dma_start3A_104 = tpu.memref_squeeze %dma_start3A_103 : memref<1x128xi32, #tpu.memory_space<vmem>> -> memref<128xi32, #tpu.memory_space<vmem>>
        %dma_start3A_105 = arith.constant 0 : i32
        %dma_start3A_106 = arith.constant 0 : i32
        %dma_start3A_107 = tpu.memref_slice %arg2[%scan3A_8, %dma_start3A_105, %dma_start3A_106] : memref<2x10112x128xf32, #tpu.memory_space<hbm>> -> memref<1x10112x128xf32, #tpu.memory_space<hbm>>
        %dma_start3A_108 = tpu.memref_squeeze %dma_start3A_107 : memref<1x10112x128xf32, #tpu.memory_space<hbm>> -> memref<10112x128xf32, #tpu.memory_space<hbm>>
        %dma_start3A_109 = arith.constant 0 : i32
        %dma_start3A_110 = arith.constant 0 : i32
        %dma_start3A_111 = tpu.memref_slice %dma_start3A_108[%dma_start3A_109, %dma_start3A_110] : memref<10112x128xf32, #tpu.memory_space<hbm>> -> memref<10112x128xf32, #tpu.memory_space<hbm>>
        tpu.enqueue_indirect_dma source(%dma_start3A_111 : memref<10112x128xf32, #tpu.memory_space<hbm>>) target(%arg13 : memref<128x128xf32, #tpu.memory_space<vmem>>) offsets(%dma_start3A_104 : memref<128xi32, #tpu.memory_space<vmem>>) semaphore(%arg15 : memref<!tpu.dma_semaphore, #tpu.memory_space<semaphore_mem>>)
        %dma_wait3A_112 = arith.constant 2 : i32
        %dma_wait3A_113 = arith.constant 0 : i32
        %dma_wait3A_114 = tpu.memref_slice %arg10[%dma_wait3A_112, %dma_wait3A_113] : memref<8x128xi32, #tpu.memory_space<vmem>> -> memref<1x128xi32, #tpu.memory_space<vmem>>
        %dma_wait3A_115 = tpu.memref_squeeze %dma_wait3A_114 : memref<1x128xi32, #tpu.memory_space<vmem>> -> memref<128xi32, #tpu.memory_space<vmem>>
        %dma_wait3A_116 = arith.constant 0 : i32
        %dma_wait3A_117 = arith.constant 0 : i32
        %dma_wait3A_118 = tpu.memref_slice %arg2[%scan3A_8, %dma_wait3A_116, %dma_wait3A_117] : memref<2x10112x128xf32, #tpu.memory_space<hbm>> -> memref<1x10112x128xf32, #tpu.memory_space<hbm>>
        %dma_wait3A_119 = tpu.memref_squeeze %dma_wait3A_118 : memref<1x10112x128xf32, #tpu.memory_space<hbm>> -> memref<10112x128xf32, #tpu.memory_space<hbm>>
        %dma_wait3A_120 = arith.constant 0 : i32
        %dma_wait3A_121 = arith.constant 0 : i32
        %dma_wait3A_122 = tpu.memref_slice %dma_wait3A_119[%dma_wait3A_120, %dma_wait3A_121] : memref<10112x128xf32, #tpu.memory_space<hbm>> -> memref<10112x128xf32, #tpu.memory_space<hbm>>
        tpu.wait_indirect_dma semaphore(%arg14 : memref<!tpu.dma_semaphore, #tpu.memory_space<semaphore_mem>>) src(%dma_wait3A_122 : memref<10112x128xf32, #tpu.memory_space<hbm>>) dst(%arg12 : memref<128x128xf32, #tpu.memory_space<vmem>>)
        %dma_start3A_123 = arith.constant 2 : i32
        %dma_start3A_124 = arith.constant 0 : i32
        %dma_start3A_125 = tpu.memref_slice %arg11[%dma_start3A_123, %dma_start3A_124] : memref<8x128xi32, #tpu.memory_space<vmem>> -> memref<1x128xi32, #tpu.memory_space<vmem>>
        %dma_start3A_126 = tpu.memref_squeeze %dma_start3A_125 : memref<1x128xi32, #tpu.memory_space<vmem>> -> memref<128xi32, #tpu.memory_space<vmem>>
        %dma_start3A_127 = arith.constant 0 : i32
        %dma_start3A_128 = arith.constant 0 : i32
        %dma_start3A_129 = tpu.memref_slice %arg9[%dma_start3A_127, %dma_start3A_128] : memref<10112x128xf32, #tpu.memory_space<vmem_shared>> -> memref<10112x128xf32, #tpu.memory_space<vmem_shared>>
        tpu.enqueue_indirect_dma source(%arg12 : memref<128x128xf32, #tpu.memory_space<vmem>>) target(%dma_start3A_129 : memref<10112x128xf32, #tpu.memory_space<vmem_shared>>) offsets(%dma_start3A_126 : memref<128xi32, #tpu.memory_space<vmem>>) semaphore(%arg16 : memref<!tpu.dma_semaphore, #tpu.memory_space<semaphore_mem>>) {add = true}
        %dma_wait3A_130 = arith.constant 2 : i32
        %dma_wait3A_131 = arith.constant 0 : i32
        %dma_wait3A_132 = tpu.memref_slice %arg11[%dma_wait3A_130, %dma_wait3A_131] : memref<8x128xi32, #tpu.memory_space<vmem>> -> memref<1x128xi32, #tpu.memory_space<vmem>>
        %dma_wait3A_133 = tpu.memref_squeeze %dma_wait3A_132 : memref<1x128xi32, #tpu.memory_space<vmem>> -> memref<128xi32, #tpu.memory_space<vmem>>
        %dma_wait3A_134 = arith.constant 0 : i32
        %dma_wait3A_135 = arith.constant 0 : i32
        %dma_wait3A_136 = tpu.memref_slice %arg9[%dma_wait3A_134, %dma_wait3A_135] : memref<10112x128xf32, #tpu.memory_space<vmem_shared>> -> memref<10112x128xf32, #tpu.memory_space<vmem_shared>>
        tpu.wait_indirect_dma semaphore(%arg16 : memref<!tpu.dma_semaphore, #tpu.memory_space<semaphore_mem>>) src(%arg12 : memref<128x128xf32, #tpu.memory_space<vmem>>) dst(%dma_wait3A_136 : memref<10112x128xf32, #tpu.memory_space<vmem_shared>>)
        %dma_start3A_137 = arith.constant 4 : i32
        %dma_start3A_138 = arith.constant 0 : i32
        %dma_start3A_139 = tpu.memref_slice %arg10[%dma_start3A_137, %dma_start3A_138] : memref<8x128xi32, #tpu.memory_space<vmem>> -> memref<1x128xi32, #tpu.memory_space<vmem>>
        %dma_start3A_140 = tpu.memref_squeeze %dma_start3A_139 : memref<1x128xi32, #tpu.memory_space<vmem>> -> memref<128xi32, #tpu.memory_space<vmem>>
        %dma_start3A_141 = arith.constant 0 : i32
        %dma_start3A_142 = arith.constant 0 : i32
        %dma_start3A_143 = tpu.memref_slice %arg2[%scan3A_8, %dma_start3A_141, %dma_start3A_142] : memref<2x10112x128xf32, #tpu.memory_space<hbm>> -> memref<1x10112x128xf32, #tpu.memory_space<hbm>>
        %dma_start3A_144 = tpu.memref_squeeze %dma_start3A_143 : memref<1x10112x128xf32, #tpu.memory_space<hbm>> -> memref<10112x128xf32, #tpu.memory_space<hbm>>
        %dma_start3A_145 = arith.constant 0 : i32
        %dma_start3A_146 = arith.constant 0 : i32
        %dma_start3A_147 = tpu.memref_slice %dma_start3A_144[%dma_start3A_145, %dma_start3A_146] : memref<10112x128xf32, #tpu.memory_space<hbm>> -> memref<10112x128xf32, #tpu.memory_space<hbm>>
        tpu.enqueue_indirect_dma source(%dma_start3A_147 : memref<10112x128xf32, #tpu.memory_space<hbm>>) target(%arg12 : memref<128x128xf32, #tpu.memory_space<vmem>>) offsets(%dma_start3A_140 : memref<128xi32, #tpu.memory_space<vmem>>) semaphore(%arg14 : memref<!tpu.dma_semaphore, #tpu.memory_space<semaphore_mem>>)
        %dma_wait3A_148 = arith.constant 3 : i32
        %dma_wait3A_149 = arith.constant 0 : i32
        %dma_wait3A_150 = tpu.memref_slice %arg10[%dma_wait3A_148, %dma_wait3A_149] : memref<8x128xi32, #tpu.memory_space<vmem>> -> memref<1x128xi32, #tpu.memory_space<vmem>>
        %dma_wait3A_151 = tpu.memref_squeeze %dma_wait3A_150 : memref<1x128xi32, #tpu.memory_space<vmem>> -> memref<128xi32, #tpu.memory_space<vmem>>
        %dma_wait3A_152 = arith.constant 0 : i32
        %dma_wait3A_153 = arith.constant 0 : i32
        %dma_wait3A_154 = tpu.memref_slice %arg2[%scan3A_8, %dma_wait3A_152, %dma_wait3A_153] : memref<2x10112x128xf32, #tpu.memory_space<hbm>> -> memref<1x10112x128xf32, #tpu.memory_space<hbm>>
        %dma_wait3A_155 = tpu.memref_squeeze %dma_wait3A_154 : memref<1x10112x128xf32, #tpu.memory_space<hbm>> -> memref<10112x128xf32, #tpu.memory_space<hbm>>
        %dma_wait3A_156 = arith.constant 0 : i32
        %dma_wait3A_157 = arith.constant 0 : i32
        %dma_wait3A_158 = tpu.memref_slice %dma_wait3A_155[%dma_wait3A_156, %dma_wait3A_157] : memref<10112x128xf32, #tpu.memory_space<hbm>> -> memref<10112x128xf32, #tpu.memory_space<hbm>>
        tpu.wait_indirect_dma semaphore(%arg15 : memref<!tpu.dma_semaphore, #tpu.memory_space<semaphore_mem>>) src(%dma_wait3A_158 : memref<10112x128xf32, #tpu.memory_space<hbm>>) dst(%arg13 : memref<128x128xf32, #tpu.memory_space<vmem>>)
        %dma_start3A_159 = arith.constant 3 : i32
        %dma_start3A_160 = arith.constant 0 : i32
        %dma_start3A_161 = tpu.memref_slice %arg11[%dma_start3A_159, %dma_start3A_160] : memref<8x128xi32, #tpu.memory_space<vmem>> -> memref<1x128xi32, #tpu.memory_space<vmem>>
        %dma_start3A_162 = tpu.memref_squeeze %dma_start3A_161 : memref<1x128xi32, #tpu.memory_space<vmem>> -> memref<128xi32, #tpu.memory_space<vmem>>
        %dma_start3A_163 = arith.constant 0 : i32
        %dma_start3A_164 = arith.constant 0 : i32
        %dma_start3A_165 = tpu.memref_slice %arg9[%dma_start3A_163, %dma_start3A_164] : memref<10112x128xf32, #tpu.memory_space<vmem_shared>> -> memref<10112x128xf32, #tpu.memory_space<vmem_shared>>
        tpu.enqueue_indirect_dma source(%arg13 : memref<128x128xf32, #tpu.memory_space<vmem>>) target(%dma_start3A_165 : memref<10112x128xf32, #tpu.memory_space<vmem_shared>>) offsets(%dma_start3A_162 : memref<128xi32, #tpu.memory_space<vmem>>) semaphore(%arg17 : memref<!tpu.dma_semaphore, #tpu.memory_space<semaphore_mem>>) {add = true}
        %dma_wait3A_166 = arith.constant 3 : i32
        %dma_wait3A_167 = arith.constant 0 : i32
        %dma_wait3A_168 = tpu.memref_slice %arg11[%dma_wait3A_166, %dma_wait3A_167] : memref<8x128xi32, #tpu.memory_space<vmem>> -> memref<1x128xi32, #tpu.memory_space<vmem>>
        %dma_wait3A_169 = tpu.memref_squeeze %dma_wait3A_168 : memref<1x128xi32, #tpu.memory_space<vmem>> -> memref<128xi32, #tpu.memory_space<vmem>>
        %dma_wait3A_170 = arith.constant 0 : i32
        %dma_wait3A_171 = arith.constant 0 : i32
        %dma_wait3A_172 = tpu.memref_slice %arg9[%dma_wait3A_170, %dma_wait3A_171] : memref<10112x128xf32, #tpu.memory_space<vmem_shared>> -> memref<10112x128xf32, #tpu.memory_space<vmem_shared>>
        tpu.wait_indirect_dma semaphore(%arg17 : memref<!tpu.dma_semaphore, #tpu.memory_space<semaphore_mem>>) src(%arg13 : memref<128x128xf32, #tpu.memory_space<vmem>>) dst(%dma_wait3A_172 : memref<10112x128xf32, #tpu.memory_space<vmem_shared>>)
        %dma_start3A_173 = arith.constant 5 : i32
        %dma_start3A_174 = arith.constant 0 : i32
        %dma_start3A_175 = tpu.memref_slice %arg10[%dma_start3A_173, %dma_start3A_174] : memref<8x128xi32, #tpu.memory_space<vmem>> -> memref<1x128xi32, #tpu.memory_space<vmem>>
        %dma_start3A_176 = tpu.memref_squeeze %dma_start3A_175 : memref<1x128xi32, #tpu.memory_space<vmem>> -> memref<128xi32, #tpu.memory_space<vmem>>
        %dma_start3A_177 = arith.constant 0 : i32
        %dma_start3A_178 = arith.constant 0 : i32
        %dma_start3A_179 = tpu.memref_slice %arg2[%scan3A_8, %dma_start3A_177, %dma_start3A_178] : memref<2x10112x128xf32, #tpu.memory_space<hbm>> -> memref<1x10112x128xf32, #tpu.memory_space<hbm>>
        %dma_start3A_180 = tpu.memref_squeeze %dma_start3A_179 : memref<1x10112x128xf32, #tpu.memory_space<hbm>> -> memref<10112x128xf32, #tpu.memory_space<hbm>>
        %dma_start3A_181 = arith.constant 0 : i32
        %dma_start3A_182 = arith.constant 0 : i32
        %dma_start3A_183 = tpu.memref_slice %dma_start3A_180[%dma_start3A_181, %dma_start3A_182] : memref<10112x128xf32, #tpu.memory_space<hbm>> -> memref<10112x128xf32, #tpu.memory_space<hbm>>
        tpu.enqueue_indirect_dma source(%dma_start3A_183 : memref<10112x128xf32, #tpu.memory_space<hbm>>) target(%arg13 : memref<128x128xf32, #tpu.memory_space<vmem>>) offsets(%dma_start3A_176 : memref<128xi32, #tpu.memory_space<vmem>>) semaphore(%arg15 : memref<!tpu.dma_semaphore, #tpu.memory_space<semaphore_mem>>)
        %dma_wait3A_184 = arith.constant 4 : i32
        %dma_wait3A_185 = arith.constant 0 : i32
        %dma_wait3A_186 = tpu.memref_slice %arg10[%dma_wait3A_184, %dma_wait3A_185] : memref<8x128xi32, #tpu.memory_space<vmem>> -> memref<1x128xi32, #tpu.memory_space<vmem>>
        %dma_wait3A_187 = tpu.memref_squeeze %dma_wait3A_186 : memref<1x128xi32, #tpu.memory_space<vmem>> -> memref<128xi32, #tpu.memory_space<vmem>>
        %dma_wait3A_188 = arith.constant 0 : i32
        %dma_wait3A_189 = arith.constant 0 : i32
        %dma_wait3A_190 = tpu.memref_slice %arg2[%scan3A_8, %dma_wait3A_188, %dma_wait3A_189] : memref<2x10112x128xf32, #tpu.memory_space<hbm>> -> memref<1x10112x128xf32, #tpu.memory_space<hbm>>
        %dma_wait3A_191 = tpu.memref_squeeze %dma_wait3A_190 : memref<1x10112x128xf32, #tpu.memory_space<hbm>> -> memref<10112x128xf32, #tpu.memory_space<hbm>>
        %dma_wait3A_192 = arith.constant 0 : i32
        %dma_wait3A_193 = arith.constant 0 : i32
        %dma_wait3A_194 = tpu.memref_slice %dma_wait3A_191[%dma_wait3A_192, %dma_wait3A_193] : memref<10112x128xf32, #tpu.memory_space<hbm>> -> memref<10112x128xf32, #tpu.memory_space<hbm>>
        tpu.wait_indirect_dma semaphore(%arg14 : memref<!tpu.dma_semaphore, #tpu.memory_space<semaphore_mem>>) src(%dma_wait3A_194 : memref<10112x128xf32, #tpu.memory_space<hbm>>) dst(%arg12 : memref<128x128xf32, #tpu.memory_space<vmem>>)
        %dma_start3A_195 = arith.constant 4 : i32
        %dma_start3A_196 = arith.constant 0 : i32
        %dma_start3A_197 = tpu.memref_slice %arg11[%dma_start3A_195, %dma_start3A_196] : memref<8x128xi32, #tpu.memory_space<vmem>> -> memref<1x128xi32, #tpu.memory_space<vmem>>
        %dma_start3A_198 = tpu.memref_squeeze %dma_start3A_197 : memref<1x128xi32, #tpu.memory_space<vmem>> -> memref<128xi32, #tpu.memory_space<vmem>>
        %dma_start3A_199 = arith.constant 0 : i32
        %dma_start3A_200 = arith.constant 0 : i32
        %dma_start3A_201 = tpu.memref_slice %arg9[%dma_start3A_199, %dma_start3A_200] : memref<10112x128xf32, #tpu.memory_space<vmem_shared>> -> memref<10112x128xf32, #tpu.memory_space<vmem_shared>>
        tpu.enqueue_indirect_dma source(%arg12 : memref<128x128xf32, #tpu.memory_space<vmem>>) target(%dma_start3A_201 : memref<10112x128xf32, #tpu.memory_space<vmem_shared>>) offsets(%dma_start3A_198 : memref<128xi32, #tpu.memory_space<vmem>>) semaphore(%arg16 : memref<!tpu.dma_semaphore, #tpu.memory_space<semaphore_mem>>) {add = true}
        %dma_wait3A_202 = arith.constant 4 : i32
        %dma_wait3A_203 = arith.constant 0 : i32
        %dma_wait3A_204 = tpu.memref_slice %arg11[%dma_wait3A_202, %dma_wait3A_203] : memref<8x128xi32, #tpu.memory_space<vmem>> -> memref<1x128xi32, #tpu.memory_space<vmem>>
        %dma_wait3A_205 = tpu.memref_squeeze %dma_wait3A_204 : memref<1x128xi32, #tpu.memory_space<vmem>> -> memref<128xi32, #tpu.memory_space<vmem>>
        %dma_wait3A_206 = arith.constant 0 : i32
        %dma_wait3A_207 = arith.constant 0 : i32
        %dma_wait3A_208 = tpu.memref_slice %arg9[%dma_wait3A_206, %dma_wait3A_207] : memref<10112x128xf32, #tpu.memory_space<vmem_shared>> -> memref<10112x128xf32, #tpu.memory_space<vmem_shared>>
        tpu.wait_indirect_dma semaphore(%arg16 : memref<!tpu.dma_semaphore, #tpu.memory_space<semaphore_mem>>) src(%arg12 : memref<128x128xf32, #tpu.memory_space<vmem>>) dst(%dma_wait3A_208 : memref<10112x128xf32, #tpu.memory_space<vmem_shared>>)
        %dma_start3A_209 = arith.constant 6 : i32
        %dma_start3A_210 = arith.constant 0 : i32
        %dma_start3A_211 = tpu.memref_slice %arg10[%dma_start3A_209, %dma_start3A_210] : memref<8x128xi32, #tpu.memory_space<vmem>> -> memref<1x128xi32, #tpu.memory_space<vmem>>
        %dma_start3A_212 = tpu.memref_squeeze %dma_start3A_211 : memref<1x128xi32, #tpu.memory_space<vmem>> -> memref<128xi32, #tpu.memory_space<vmem>>
        %dma_start3A_213 = arith.constant 0 : i32
        %dma_start3A_214 = arith.constant 0 : i32
        %dma_start3A_215 = tpu.memref_slice %arg2[%scan3A_8, %dma_start3A_213, %dma_start3A_214] : memref<2x10112x128xf32, #tpu.memory_space<hbm>> -> memref<1x10112x128xf32, #tpu.memory_space<hbm>>
        %dma_start3A_216 = tpu.memref_squeeze %dma_start3A_215 : memref<1x10112x128xf32, #tpu.memory_space<hbm>> -> memref<10112x128xf32, #tpu.memory_space<hbm>>
        %dma_start3A_217 = arith.constant 0 : i32
        %dma_start3A_218 = arith.constant 0 : i32
        %dma_start3A_219 = tpu.memref_slice %dma_start3A_216[%dma_start3A_217, %dma_start3A_218] : memref<10112x128xf32, #tpu.memory_space<hbm>> -> memref<10112x128xf32, #tpu.memory_space<hbm>>
        tpu.enqueue_indirect_dma source(%dma_start3A_219 : memref<10112x128xf32, #tpu.memory_space<hbm>>) target(%arg12 : memref<128x128xf32, #tpu.memory_space<vmem>>) offsets(%dma_start3A_212 : memref<128xi32, #tpu.memory_space<vmem>>) semaphore(%arg14 : memref<!tpu.dma_semaphore, #tpu.memory_space<semaphore_mem>>)
        %dma_wait3A_220 = arith.constant 5 : i32
        %dma_wait3A_221 = arith.constant 0 : i32
        %dma_wait3A_222 = tpu.memref_slice %arg10[%dma_wait3A_220, %dma_wait3A_221] : memref<8x128xi32, #tpu.memory_space<vmem>> -> memref<1x128xi32, #tpu.memory_space<vmem>>
        %dma_wait3A_223 = tpu.memref_squeeze %dma_wait3A_222 : memref<1x128xi32, #tpu.memory_space<vmem>> -> memref<128xi32, #tpu.memory_space<vmem>>
        %dma_wait3A_224 = arith.constant 0 : i32
        %dma_wait3A_225 = arith.constant 0 : i32
        %dma_wait3A_226 = tpu.memref_slice %arg2[%scan3A_8, %dma_wait3A_224, %dma_wait3A_225] : memref<2x10112x128xf32, #tpu.memory_space<hbm>> -> memref<1x10112x128xf32, #tpu.memory_space<hbm>>
        %dma_wait3A_227 = tpu.memref_squeeze %dma_wait3A_226 : memref<1x10112x128xf32, #tpu.memory_space<hbm>> -> memref<10112x128xf32, #tpu.memory_space<hbm>>
        %dma_wait3A_228 = arith.constant 0 : i32
        %dma_wait3A_229 = arith.constant 0 : i32
        %dma_wait3A_230 = tpu.memref_slice %dma_wait3A_227[%dma_wait3A_228, %dma_wait3A_229] : memref<10112x128xf32, #tpu.memory_space<hbm>> -> memref<10112x128xf32, #tpu.memory_space<hbm>>
        tpu.wait_indirect_dma semaphore(%arg15 : memref<!tpu.dma_semaphore, #tpu.memory_space<semaphore_mem>>) src(%dma_wait3A_230 : memref<10112x128xf32, #tpu.memory_space<hbm>>) dst(%arg13 : memref<128x128xf32, #tpu.memory_space<vmem>>)
        %dma_start3A_231 = arith.constant 5 : i32
        %dma_start3A_232 = arith.constant 0 : i32
        %dma_start3A_233 = tpu.memref_slice %arg11[%dma_start3A_231, %dma_start3A_232] : memref<8x128xi32, #tpu.memory_space<vmem>> -> memref<1x128xi32, #tpu.memory_space<vmem>>
        %dma_start3A_234 = tpu.memref_squeeze %dma_start3A_233 : memref<1x128xi32, #tpu.memory_space<vmem>> -> memref<128xi32, #tpu.memory_space<vmem>>
        %dma_start3A_235 = arith.constant 0 : i32
        %dma_start3A_236 = arith.constant 0 : i32
        %dma_start3A_237 = tpu.memref_slice %arg9[%dma_start3A_235, %dma_start3A_236] : memref<10112x128xf32, #tpu.memory_space<vmem_shared>> -> memref<10112x128xf32, #tpu.memory_space<vmem_shared>>
        tpu.enqueue_indirect_dma source(%arg13 : memref<128x128xf32, #tpu.memory_space<vmem>>) target(%dma_start3A_237 : memref<10112x128xf32, #tpu.memory_space<vmem_shared>>) offsets(%dma_start3A_234 : memref<128xi32, #tpu.memory_space<vmem>>) semaphore(%arg17 : memref<!tpu.dma_semaphore, #tpu.memory_space<semaphore_mem>>) {add = true}
        %dma_wait3A_238 = arith.constant 5 : i32
        %dma_wait3A_239 = arith.constant 0 : i32
        %dma_wait3A_240 = tpu.memref_slice %arg11[%dma_wait3A_238, %dma_wait3A_239] : memref<8x128xi32, #tpu.memory_space<vmem>> -> memref<1x128xi32, #tpu.memory_space<vmem>>
        %dma_wait3A_241 = tpu.memref_squeeze %dma_wait3A_240 : memref<1x128xi32, #tpu.memory_space<vmem>> -> memref<128xi32, #tpu.memory_space<vmem>>
        %dma_wait3A_242 = arith.constant 0 : i32
        %dma_wait3A_243 = arith.constant 0 : i32
        %dma_wait3A_244 = tpu.memref_slice %arg9[%dma_wait3A_242, %dma_wait3A_243] : memref<10112x128xf32, #tpu.memory_space<vmem_shared>> -> memref<10112x128xf32, #tpu.memory_space<vmem_shared>>
        tpu.wait_indirect_dma semaphore(%arg17 : memref<!tpu.dma_semaphore, #tpu.memory_space<semaphore_mem>>) src(%arg13 : memref<128x128xf32, #tpu.memory_space<vmem>>) dst(%dma_wait3A_244 : memref<10112x128xf32, #tpu.memory_space<vmem_shared>>)
        %dma_start3A_245 = arith.constant 7 : i32
        %dma_start3A_246 = arith.constant 0 : i32
        %dma_start3A_247 = tpu.memref_slice %arg10[%dma_start3A_245, %dma_start3A_246] : memref<8x128xi32, #tpu.memory_space<vmem>> -> memref<1x128xi32, #tpu.memory_space<vmem>>
        %dma_start3A_248 = tpu.memref_squeeze %dma_start3A_247 : memref<1x128xi32, #tpu.memory_space<vmem>> -> memref<128xi32, #tpu.memory_space<vmem>>
        %dma_start3A_249 = arith.constant 0 : i32
        %dma_start3A_250 = arith.constant 0 : i32
        %dma_start3A_251 = tpu.memref_slice %arg2[%scan3A_8, %dma_start3A_249, %dma_start3A_250] : memref<2x10112x128xf32, #tpu.memory_space<hbm>> -> memref<1x10112x128xf32, #tpu.memory_space<hbm>>
        %dma_start3A_252 = tpu.memref_squeeze %dma_start3A_251 : memref<1x10112x128xf32, #tpu.memory_space<hbm>> -> memref<10112x128xf32, #tpu.memory_space<hbm>>
        %dma_start3A_253 = arith.constant 0 : i32
        %dma_start3A_254 = arith.constant 0 : i32
        %dma_start3A_255 = tpu.memref_slice %dma_start3A_252[%dma_start3A_253, %dma_start3A_254] : memref<10112x128xf32, #tpu.memory_space<hbm>> -> memref<10112x128xf32, #tpu.memory_space<hbm>>
        tpu.enqueue_indirect_dma source(%dma_start3A_255 : memref<10112x128xf32, #tpu.memory_space<hbm>>) target(%arg13 : memref<128x128xf32, #tpu.memory_space<vmem>>) offsets(%dma_start3A_248 : memref<128xi32, #tpu.memory_space<vmem>>) semaphore(%arg15 : memref<!tpu.dma_semaphore, #tpu.memory_space<semaphore_mem>>)
        %dma_wait3A_256 = arith.constant 6 : i32
        %dma_wait3A_257 = arith.constant 0 : i32
        %dma_wait3A_258 = tpu.memref_slice %arg10[%dma_wait3A_256, %dma_wait3A_257] : memref<8x128xi32, #tpu.memory_space<vmem>> -> memref<1x128xi32, #tpu.memory_space<vmem>>
        %dma_wait3A_259 = tpu.memref_squeeze %dma_wait3A_258 : memref<1x128xi32, #tpu.memory_space<vmem>> -> memref<128xi32, #tpu.memory_space<vmem>>
        %dma_wait3A_260 = arith.constant 0 : i32
        %dma_wait3A_261 = arith.constant 0 : i32
        %dma_wait3A_262 = tpu.memref_slice %arg2[%scan3A_8, %dma_wait3A_260, %dma_wait3A_261] : memref<2x10112x128xf32, #tpu.memory_space<hbm>> -> memref<1x10112x128xf32, #tpu.memory_space<hbm>>
        %dma_wait3A_263 = tpu.memref_squeeze %dma_wait3A_262 : memref<1x10112x128xf32, #tpu.memory_space<hbm>> -> memref<10112x128xf32, #tpu.memory_space<hbm>>
        %dma_wait3A_264 = arith.constant 0 : i32
        %dma_wait3A_265 = arith.constant 0 : i32
        %dma_wait3A_266 = tpu.memref_slice %dma_wait3A_263[%dma_wait3A_264, %dma_wait3A_265] : memref<10112x128xf32, #tpu.memory_space<hbm>> -> memref<10112x128xf32, #tpu.memory_space<hbm>>
        tpu.wait_indirect_dma semaphore(%arg14 : memref<!tpu.dma_semaphore, #tpu.memory_space<semaphore_mem>>) src(%dma_wait3A_266 : memref<10112x128xf32, #tpu.memory_space<hbm>>) dst(%arg12 : memref<128x128xf32, #tpu.memory_space<vmem>>)
        %dma_start3A_267 = arith.constant 6 : i32
        %dma_start3A_268 = arith.constant 0 : i32
        %dma_start3A_269 = tpu.memref_slice %arg11[%dma_start3A_267, %dma_start3A_268] : memref<8x128xi32, #tpu.memory_space<vmem>> -> memref<1x128xi32, #tpu.memory_space<vmem>>
        %dma_start3A_270 = tpu.memref_squeeze %dma_start3A_269 : memref<1x128xi32, #tpu.memory_space<vmem>> -> memref<128xi32, #tpu.memory_space<vmem>>
        %dma_start3A_271 = arith.constant 0 : i32
        %dma_start3A_272 = arith.constant 0 : i32
        %dma_start3A_273 = tpu.memref_slice %arg9[%dma_start3A_271, %dma_start3A_272] : memref<10112x128xf32, #tpu.memory_space<vmem_shared>> -> memref<10112x128xf32, #tpu.memory_space<vmem_shared>>
        tpu.enqueue_indirect_dma source(%arg12 : memref<128x128xf32, #tpu.memory_space<vmem>>) target(%dma_start3A_273 : memref<10112x128xf32, #tpu.memory_space<vmem_shared>>) offsets(%dma_start3A_270 : memref<128xi32, #tpu.memory_space<vmem>>) semaphore(%arg16 : memref<!tpu.dma_semaphore, #tpu.memory_space<semaphore_mem>>) {add = true}
        %dma_wait3A_274 = arith.constant 7 : i32
        %dma_wait3A_275 = arith.constant 0 : i32
        %dma_wait3A_276 = tpu.memref_slice %arg10[%dma_wait3A_274, %dma_wait3A_275] : memref<8x128xi32, #tpu.memory_space<vmem>> -> memref<1x128xi32, #tpu.memory_space<vmem>>
        %dma_wait3A_277 = tpu.memref_squeeze %dma_wait3A_276 : memref<1x128xi32, #tpu.memory_space<vmem>> -> memref<128xi32, #tpu.memory_space<vmem>>
        %dma_wait3A_278 = arith.constant 0 : i32
        %dma_wait3A_279 = arith.constant 0 : i32
        %dma_wait3A_280 = tpu.memref_slice %arg2[%scan3A_8, %dma_wait3A_278, %dma_wait3A_279] : memref<2x10112x128xf32, #tpu.memory_space<hbm>> -> memref<1x10112x128xf32, #tpu.memory_space<hbm>>
        %dma_wait3A_281 = tpu.memref_squeeze %dma_wait3A_280 : memref<1x10112x128xf32, #tpu.memory_space<hbm>> -> memref<10112x128xf32, #tpu.memory_space<hbm>>
        %dma_wait3A_282 = arith.constant 0 : i32
        %dma_wait3A_283 = arith.constant 0 : i32
        %dma_wait3A_284 = tpu.memref_slice %dma_wait3A_281[%dma_wait3A_282, %dma_wait3A_283] : memref<10112x128xf32, #tpu.memory_space<hbm>> -> memref<10112x128xf32, #tpu.memory_space<hbm>>
        tpu.wait_indirect_dma semaphore(%arg15 : memref<!tpu.dma_semaphore, #tpu.memory_space<semaphore_mem>>) src(%dma_wait3A_284 : memref<10112x128xf32, #tpu.memory_space<hbm>>) dst(%arg13 : memref<128x128xf32, #tpu.memory_space<vmem>>)
        %dma_start3A_285 = arith.constant 7 : i32
        %dma_start3A_286 = arith.constant 0 : i32
        %dma_start3A_287 = tpu.memref_slice %arg11[%dma_start3A_285, %dma_start3A_286] : memref<8x128xi32, #tpu.memory_space<vmem>> -> memref<1x128xi32, #tpu.memory_space<vmem>>
        %dma_start3A_288 = tpu.memref_squeeze %dma_start3A_287 : memref<1x128xi32, #tpu.memory_space<vmem>> -> memref<128xi32, #tpu.memory_space<vmem>>
        %dma_start3A_289 = arith.constant 0 : i32
        %dma_start3A_290 = arith.constant 0 : i32
        %dma_start3A_291 = tpu.memref_slice %arg9[%dma_start3A_289, %dma_start3A_290] : memref<10112x128xf32, #tpu.memory_space<vmem_shared>> -> memref<10112x128xf32, #tpu.memory_space<vmem_shared>>
        tpu.enqueue_indirect_dma source(%arg13 : memref<128x128xf32, #tpu.memory_space<vmem>>) target(%dma_start3A_291 : memref<10112x128xf32, #tpu.memory_space<vmem_shared>>) offsets(%dma_start3A_288 : memref<128xi32, #tpu.memory_space<vmem>>) semaphore(%arg17 : memref<!tpu.dma_semaphore, #tpu.memory_space<semaphore_mem>>) {add = true}
        %dma_wait3A_292 = arith.constant 6 : i32
        %dma_wait3A_293 = arith.constant 0 : i32
        %dma_wait3A_294 = tpu.memref_slice %arg11[%dma_wait3A_292, %dma_wait3A_293] : memref<8x128xi32, #tpu.memory_space<vmem>> -> memref<1x128xi32, #tpu.memory_space<vmem>>
        %dma_wait3A_295 = tpu.memref_squeeze %dma_wait3A_294 : memref<1x128xi32, #tpu.memory_space<vmem>> -> memref<128xi32, #tpu.memory_space<vmem>>
        %dma_wait3A_296 = arith.constant 0 : i32
        %dma_wait3A_297 = arith.constant 0 : i32
        %dma_wait3A_298 = tpu.memref_slice %arg9[%dma_wait3A_296, %dma_wait3A_297] : memref<10112x128xf32, #tpu.memory_space<vmem_shared>> -> memref<10112x128xf32, #tpu.memory_space<vmem_shared>>
        tpu.wait_indirect_dma semaphore(%arg16 : memref<!tpu.dma_semaphore, #tpu.memory_space<semaphore_mem>>) src(%arg12 : memref<128x128xf32, #tpu.memory_space<vmem>>) dst(%dma_wait3A_298 : memref<10112x128xf32, #tpu.memory_space<vmem_shared>>)
        %dma_wait3A_299 = arith.constant 7 : i32
        %dma_wait3A_300 = arith.constant 0 : i32
        %dma_wait3A_301 = tpu.memref_slice %arg11[%dma_wait3A_299, %dma_wait3A_300] : memref<8x128xi32, #tpu.memory_space<vmem>> -> memref<1x128xi32, #tpu.memory_space<vmem>>
        %dma_wait3A_302 = tpu.memref_squeeze %dma_wait3A_301 : memref<1x128xi32, #tpu.memory_space<vmem>> -> memref<128xi32, #tpu.memory_space<vmem>>
        %dma_wait3A_303 = arith.constant 0 : i32
        %dma_wait3A_304 = arith.constant 0 : i32
        %dma_wait3A_305 = tpu.memref_slice %arg9[%dma_wait3A_303, %dma_wait3A_304] : memref<10112x128xf32, #tpu.memory_space<vmem_shared>> -> memref<10112x128xf32, #tpu.memory_space<vmem_shared>>
        tpu.wait_indirect_dma semaphore(%arg17 : memref<!tpu.dma_semaphore, #tpu.memory_space<semaphore_mem>>) src(%arg13 : memref<128x128xf32, #tpu.memory_space<vmem>>) dst(%dma_wait3A_305 : memref<10112x128xf32, #tpu.memory_space<vmem_shared>>)
      }
      %scan3A_13 = arith.constant 20 : i32
      %barrier3A_14 = arith.constant 0 : index
      tpu.barrier barrier_id(%barrier3A_14)
      %run_scoped3A = arith.constant 0 : i32
      "tpu.region"() ({
        %run_scoped3A_15 = tpu.sem_alloc : memref<!tpu.dma_semaphore, #tpu.memory_space<semaphore_mem>>
        %dma_start3A = arith.constant 0 : i32
        %dma_start3A_16 = arith.constant 0 : i32
        %dma_start3A_17 = tpu.memref_slice %arg8[%run_scoped3A, %dma_start3A, %dma_start3A_16] : memref<2x10112x128xf32, #tpu.memory_space<hbm>> -> memref<1x10112x128xf32, #tpu.memory_space<hbm>>
        %dma_start3A_18 = tpu.memref_squeeze %dma_start3A_17 : memref<1x10112x128xf32, #tpu.memory_space<hbm>> -> memref<10112x128xf32, #tpu.memory_space<hbm>>
        %dma_start3A_19 = arith.constant 0 : i32
        %dma_start3A_20 = tpu.memref_slice %dma_start3A_18[%mul3A_0, %dma_start3A_19] : memref<10112x128xf32, #tpu.memory_space<hbm>> -> memref<632x128xf32, #tpu.memory_space<hbm>>
        %dma_start3A_21 = arith.constant 0 : i32
        %dma_start3A_22 = tpu.memref_slice %arg9[%mul3A_0, %dma_start3A_21] : memref<10112x128xf32, #tpu.memory_space<vmem_shared>> -> memref<632x128xf32, #tpu.memory_space<vmem_shared>>
        tpu.enqueue_dma source(%dma_start3A_22 : memref<632x128xf32, #tpu.memory_space<vmem_shared>>) target(%dma_start3A_20 : memref<632x128xf32, #tpu.memory_space<hbm>>) target_semaphore(%run_scoped3A_15 : memref<!tpu.dma_semaphore, #tpu.memory_space<semaphore_mem>>)
        %dma_wait3A = arith.constant 0 : i32
        %dma_wait3A_23 = arith.constant 0 : i32
        %dma_wait3A_24 = tpu.memref_slice %arg8[%run_scoped3A, %dma_wait3A, %dma_wait3A_23] : memref<2x10112x128xf32, #tpu.memory_space<hbm>> -> memref<1x10112x128xf32, #tpu.memory_space<hbm>>
        %dma_wait3A_25 = tpu.memref_squeeze %dma_wait3A_24 : memref<1x10112x128xf32, #tpu.memory_space<hbm>> -> memref<10112x128xf32, #tpu.memory_space<hbm>>
        %dma_wait3A_26 = arith.constant 0 : i32
        %dma_wait3A_27 = tpu.memref_slice %dma_wait3A_25[%mul3A_0, %dma_wait3A_26] : memref<10112x128xf32, #tpu.memory_space<hbm>> -> memref<632x128xf32, #tpu.memory_space<hbm>>
        %dma_wait3A_28 = arith.constant 0 : i32
        %dma_wait3A_29 = tpu.memref_slice %arg9[%mul3A_0, %dma_wait3A_28] : memref<10112x128xf32, #tpu.memory_space<vmem_shared>> -> memref<632x128xf32, #tpu.memory_space<vmem_shared>>
        tpu.wait_dma2 semaphore(%run_scoped3A_15 : memref<!tpu.dma_semaphore, #tpu.memory_space<semaphore_mem>>) src(%dma_wait3A_29 : memref<632x128xf32, #tpu.memory_space<vmem_shared>>) dst(%dma_wait3A_27 : memref<632x128xf32, #tpu.memory_space<hbm>>)
        tpu.yield
      }) : () -> ()
    } else {
    }
    %eq3A_3 = arith.constant 1 : i32
    %eq3A_4 = arith.cmpi eq, %arg0, %eq3A_3 : i32
    %convert_element_type3A_5 = arith.extui %eq3A_4 : i1 to i32
    %cond3A_6 = arith.constant 0 : i32
    %cond3A_7 = arith.cmpi ne, %convert_element_type3A_5, %cond3A_6 : i32
    scf.if %cond3A_7 {
      "tpu.region"() ({
        %run_scoped3A_15 = tpu.sem_alloc : memref<!tpu.dma_semaphore, #tpu.memory_space<semaphore_mem>>
        %dma_start3A = arith.constant 0 : i32
        %dma_start3A_16 = tpu.memref_slice %arg9[%mul3A_0, %dma_start3A] : memref<10112x128xf32, #tpu.memory_space<vmem_shared>> -> memref<632x128xf32, #tpu.memory_space<vmem_shared>>
        %dma_start3A_17 = arith.constant 0 : i32
        %dma_start3A_18 = tpu.memref_slice %arg7[%mul3A_0, %dma_start3A_17] : memref<10112x128xf32, #tpu.memory_space<hbm>> -> memref<632x128xf32, #tpu.memory_space<hbm>>
        tpu.enqueue_dma source(%dma_start3A_18 : memref<632x128xf32, #tpu.memory_space<hbm>>) target(%dma_start3A_16 : memref<632x128xf32, #tpu.memory_space<vmem_shared>>) target_semaphore(%run_scoped3A_15 : memref<!tpu.dma_semaphore, #tpu.memory_space<semaphore_mem>>)
        %dma_wait3A = arith.constant 0 : i32
        %dma_wait3A_19 = tpu.memref_slice %arg9[%mul3A_0, %dma_wait3A] : memref<10112x128xf32, #tpu.memory_space<vmem_shared>> -> memref<632x128xf32, #tpu.memory_space<vmem_shared>>
        %dma_wait3A_20 = arith.constant 0 : i32
        %dma_wait3A_21 = tpu.memref_slice %arg7[%mul3A_0, %dma_wait3A_20] : memref<10112x128xf32, #tpu.memory_space<hbm>> -> memref<632x128xf32, #tpu.memory_space<hbm>>
        tpu.wait_dma2 semaphore(%run_scoped3A_15 : memref<!tpu.dma_semaphore, #tpu.memory_space<semaphore_mem>>) src(%dma_wait3A_21 : memref<632x128xf32, #tpu.memory_space<hbm>>) dst(%dma_wait3A_19 : memref<632x128xf32, #tpu.memory_space<vmem_shared>>)
        tpu.yield
      }) : () -> ()
      %barrier3A = arith.constant 0 : index
      tpu.barrier barrier_id(%barrier3A)
      %scan3A = arith.constant 0 : i32
      %scan3A_8 = arith.constant 0 : i32
      %scan3A_9 = arith.constant 0 : i32
      %scan3A_10 = arith.constant 20 : i32
      %scan3A_11 = arith.addi %scan3A_9, %scan3A_10 : i32
      %scan3A_12 = arith.constant 1 : i32
      scf.for %scan3A_15 = %scan3A_9 to %scan3A_11 step %scan3A_12  : i32 {
        %mul3A_16 = arith.constant 8 : i32
        %mul3A_17 = arith.muli %scan3A_15, %mul3A_16 : i32
        "tpu.region"() ({
          %run_scoped3A_306 = tpu.sem_alloc : memref<!tpu.dma_semaphore, #tpu.memory_space<semaphore_mem>>
          %dma_start3A_307 = arith.constant 0 : i32
          %dma_start3A_308 = tpu.memref_slice %arg5[%arg1, %mul3A_17, %dma_start3A_307] : memref<16x160x128xi32, #tpu.memory_space<hbm>> -> memref<1x8x128xi32, #tpu.memory_space<hbm>>
          %dma_start3A_309 = tpu.memref_squeeze %dma_start3A_308 : memref<1x8x128xi32, #tpu.memory_space<hbm>> -> memref<8x128xi32, #tpu.memory_space<hbm>>
          %dma_start3A_310 = arith.constant 0 : i32
          %dma_start3A_311 = tpu.memref_slice %arg5[%arg1, %mul3A_17, %dma_start3A_310] : memref<16x160x128xi32, #tpu.memory_space<hbm>> -> memref<1x8x128xi32, #tpu.memory_space<hbm>>
          %dma_start3A_312 = tpu.memref_squeeze %dma_start3A_311 : memref<1x8x128xi32, #tpu.memory_space<hbm>> -> memref<8x128xi32, #tpu.memory_space<hbm>>
          tpu.enqueue_dma source(%dma_start3A_312 : memref<8x128xi32, #tpu.memory_space<hbm>>) target(%arg10 : memref<8x128xi32, #tpu.memory_space<vmem>>) target_semaphore(%run_scoped3A_306 : memref<!tpu.dma_semaphore, #tpu.memory_space<semaphore_mem>>)
          %dma_wait3A_313 = arith.constant 0 : i32
          %dma_wait3A_314 = tpu.memref_slice %arg5[%arg1, %mul3A_17, %dma_wait3A_313] : memref<16x160x128xi32, #tpu.memory_space<hbm>> -> memref<1x8x128xi32, #tpu.memory_space<hbm>>
          %dma_wait3A_315 = tpu.memref_squeeze %dma_wait3A_314 : memref<1x8x128xi32, #tpu.memory_space<hbm>> -> memref<8x128xi32, #tpu.memory_space<hbm>>
          %dma_wait3A_316 = arith.constant 0 : i32
          %dma_wait3A_317 = tpu.memref_slice %arg5[%arg1, %mul3A_17, %dma_wait3A_316] : memref<16x160x128xi32, #tpu.memory_space<hbm>> -> memref<1x8x128xi32, #tpu.memory_space<hbm>>
          %dma_wait3A_318 = tpu.memref_squeeze %dma_wait3A_317 : memref<1x8x128xi32, #tpu.memory_space<hbm>> -> memref<8x128xi32, #tpu.memory_space<hbm>>
          tpu.wait_dma2 semaphore(%run_scoped3A_306 : memref<!tpu.dma_semaphore, #tpu.memory_space<semaphore_mem>>) src(%dma_wait3A_318 : memref<8x128xi32, #tpu.memory_space<hbm>>) dst(%arg10 : memref<8x128xi32, #tpu.memory_space<vmem>>)
          tpu.yield
        }) : () -> ()
        %mul3A_18 = arith.constant 8 : i32
        %mul3A_19 = arith.muli %scan3A_15, %mul3A_18 : i32
        "tpu.region"() ({
          %run_scoped3A_306 = tpu.sem_alloc : memref<!tpu.dma_semaphore, #tpu.memory_space<semaphore_mem>>
          %dma_start3A_307 = arith.constant 0 : i32
          %dma_start3A_308 = tpu.memref_slice %arg6[%arg1, %mul3A_19, %dma_start3A_307] : memref<16x160x128xi32, #tpu.memory_space<hbm>> -> memref<1x8x128xi32, #tpu.memory_space<hbm>>
          %dma_start3A_309 = tpu.memref_squeeze %dma_start3A_308 : memref<1x8x128xi32, #tpu.memory_space<hbm>> -> memref<8x128xi32, #tpu.memory_space<hbm>>
          %dma_start3A_310 = arith.constant 0 : i32
          %dma_start3A_311 = tpu.memref_slice %arg6[%arg1, %mul3A_19, %dma_start3A_310] : memref<16x160x128xi32, #tpu.memory_space<hbm>> -> memref<1x8x128xi32, #tpu.memory_space<hbm>>
          %dma_start3A_312 = tpu.memref_squeeze %dma_start3A_311 : memref<1x8x128xi32, #tpu.memory_space<hbm>> -> memref<8x128xi32, #tpu.memory_space<hbm>>
          tpu.enqueue_dma source(%dma_start3A_312 : memref<8x128xi32, #tpu.memory_space<hbm>>) target(%arg11 : memref<8x128xi32, #tpu.memory_space<vmem>>) target_semaphore(%run_scoped3A_306 : memref<!tpu.dma_semaphore, #tpu.memory_space<semaphore_mem>>)
          %dma_wait3A_313 = arith.constant 0 : i32
          %dma_wait3A_314 = tpu.memref_slice %arg6[%arg1, %mul3A_19, %dma_wait3A_313] : memref<16x160x128xi32, #tpu.memory_space<hbm>> -> memref<1x8x128xi32, #tpu.memory_space<hbm>>
          %dma_wait3A_315 = tpu.memref_squeeze %dma_wait3A_314 : memref<1x8x128xi32, #tpu.memory_space<hbm>> -> memref<8x128xi32, #tpu.memory_space<hbm>>
          %dma_wait3A_316 = arith.constant 0 : i32
          %dma_wait3A_317 = tpu.memref_slice %arg6[%arg1, %mul3A_19, %dma_wait3A_316] : memref<16x160x128xi32, #tpu.memory_space<hbm>> -> memref<1x8x128xi32, #tpu.memory_space<hbm>>
          %dma_wait3A_318 = tpu.memref_squeeze %dma_wait3A_317 : memref<1x8x128xi32, #tpu.memory_space<hbm>> -> memref<8x128xi32, #tpu.memory_space<hbm>>
          tpu.wait_dma2 semaphore(%run_scoped3A_306 : memref<!tpu.dma_semaphore, #tpu.memory_space<semaphore_mem>>) src(%dma_wait3A_318 : memref<8x128xi32, #tpu.memory_space<hbm>>) dst(%arg11 : memref<8x128xi32, #tpu.memory_space<vmem>>)
          tpu.yield
        }) : () -> ()
        %dma_start3A = arith.constant 0 : i32
        %dma_start3A_20 = arith.constant 0 : i32
        %dma_start3A_21 = tpu.memref_slice %arg10[%dma_start3A, %dma_start3A_20] : memref<8x128xi32, #tpu.memory_space<vmem>> -> memref<1x128xi32, #tpu.memory_space<vmem>>
        %dma_start3A_22 = tpu.memref_squeeze %dma_start3A_21 : memref<1x128xi32, #tpu.memory_space<vmem>> -> memref<128xi32, #tpu.memory_space<vmem>>
        %dma_start3A_23 = arith.constant 0 : i32
        %dma_start3A_24 = arith.constant 0 : i32
        %dma_start3A_25 = tpu.memref_slice %arg2[%scan3A_8, %dma_start3A_23, %dma_start3A_24] : memref<2x10112x128xf32, #tpu.memory_space<hbm>> -> memref<1x10112x128xf32, #tpu.memory_space<hbm>>
        %dma_start3A_26 = tpu.memref_squeeze %dma_start3A_25 : memref<1x10112x128xf32, #tpu.memory_space<hbm>> -> memref<10112x128xf32, #tpu.memory_space<hbm>>
        %dma_start3A_27 = arith.constant 0 : i32
        %dma_start3A_28 = arith.constant 0 : i32
        %dma_start3A_29 = tpu.memref_slice %dma_start3A_26[%dma_start3A_27, %dma_start3A_28] : memref<10112x128xf32, #tpu.memory_space<hbm>> -> memref<10112x128xf32, #tpu.memory_space<hbm>>
        tpu.enqueue_indirect_dma source(%dma_start3A_29 : memref<10112x128xf32, #tpu.memory_space<hbm>>) target(%arg12 : memref<128x128xf32, #tpu.memory_space<vmem>>) offsets(%dma_start3A_22 : memref<128xi32, #tpu.memory_space<vmem>>) semaphore(%arg14 : memref<!tpu.dma_semaphore, #tpu.memory_space<semaphore_mem>>)
        %dma_start3A_30 = arith.constant 1 : i32
        %dma_start3A_31 = arith.constant 0 : i32
        %dma_start3A_32 = tpu.memref_slice %arg10[%dma_start3A_30, %dma_start3A_31] : memref<8x128xi32, #tpu.memory_space<vmem>> -> memref<1x128xi32, #tpu.memory_space<vmem>>
        %dma_start3A_33 = tpu.memref_squeeze %dma_start3A_32 : memref<1x128xi32, #tpu.memory_space<vmem>> -> memref<128xi32, #tpu.memory_space<vmem>>
        %dma_start3A_34 = arith.constant 0 : i32
        %dma_start3A_35 = arith.constant 0 : i32
        %dma_start3A_36 = tpu.memref_slice %arg2[%scan3A_8, %dma_start3A_34, %dma_start3A_35] : memref<2x10112x128xf32, #tpu.memory_space<hbm>> -> memref<1x10112x128xf32, #tpu.memory_space<hbm>>
        %dma_start3A_37 = tpu.memref_squeeze %dma_start3A_36 : memref<1x10112x128xf32, #tpu.memory_space<hbm>> -> memref<10112x128xf32, #tpu.memory_space<hbm>>
        %dma_start3A_38 = arith.constant 0 : i32
        %dma_start3A_39 = arith.constant 0 : i32
        %dma_start3A_40 = tpu.memref_slice %dma_start3A_37[%dma_start3A_38, %dma_start3A_39] : memref<10112x128xf32, #tpu.memory_space<hbm>> -> memref<10112x128xf32, #tpu.memory_space<hbm>>
        tpu.enqueue_indirect_dma source(%dma_start3A_40 : memref<10112x128xf32, #tpu.memory_space<hbm>>) target(%arg13 : memref<128x128xf32, #tpu.memory_space<vmem>>) offsets(%dma_start3A_33 : memref<128xi32, #tpu.memory_space<vmem>>) semaphore(%arg15 : memref<!tpu.dma_semaphore, #tpu.memory_space<semaphore_mem>>)
        %dma_wait3A = arith.constant 0 : i32
        %dma_wait3A_41 = arith.constant 0 : i32
        %dma_wait3A_42 = tpu.memref_slice %arg10[%dma_wait3A, %dma_wait3A_41] : memref<8x128xi32, #tpu.memory_space<vmem>> -> memref<1x128xi32, #tpu.memory_space<vmem>>
        %dma_wait3A_43 = tpu.memref_squeeze %dma_wait3A_42 : memref<1x128xi32, #tpu.memory_space<vmem>> -> memref<128xi32, #tpu.memory_space<vmem>>
        %dma_wait3A_44 = arith.constant 0 : i32
        %dma_wait3A_45 = arith.constant 0 : i32
        %dma_wait3A_46 = tpu.memref_slice %arg2[%scan3A_8, %dma_wait3A_44, %dma_wait3A_45] : memref<2x10112x128xf32, #tpu.memory_space<hbm>> -> memref<1x10112x128xf32, #tpu.memory_space<hbm>>
        %dma_wait3A_47 = tpu.memref_squeeze %dma_wait3A_46 : memref<1x10112x128xf32, #tpu.memory_space<hbm>> -> memref<10112x128xf32, #tpu.memory_space<hbm>>
        %dma_wait3A_48 = arith.constant 0 : i32
        %dma_wait3A_49 = arith.constant 0 : i32
        %dma_wait3A_50 = tpu.memref_slice %dma_wait3A_47[%dma_wait3A_48, %dma_wait3A_49] : memref<10112x128xf32, #tpu.memory_space<hbm>> -> memref<10112x128xf32, #tpu.memory_space<hbm>>
        tpu.wait_indirect_dma semaphore(%arg14 : memref<!tpu.dma_semaphore, #tpu.memory_space<semaphore_mem>>) src(%dma_wait3A_50 : memref<10112x128xf32, #tpu.memory_space<hbm>>) dst(%arg12 : memref<128x128xf32, #tpu.memory_space<vmem>>)
        %dma_start3A_51 = arith.constant 0 : i32
        %dma_start3A_52 = arith.constant 0 : i32
        %dma_start3A_53 = tpu.memref_slice %arg11[%dma_start3A_51, %dma_start3A_52] : memref<8x128xi32, #tpu.memory_space<vmem>> -> memref<1x128xi32, #tpu.memory_space<vmem>>
        %dma_start3A_54 = tpu.memref_squeeze %dma_start3A_53 : memref<1x128xi32, #tpu.memory_space<vmem>> -> memref<128xi32, #tpu.memory_space<vmem>>
        %dma_start3A_55 = arith.constant 0 : i32
        %dma_start3A_56 = arith.constant 0 : i32
        %dma_start3A_57 = tpu.memref_slice %arg9[%dma_start3A_55, %dma_start3A_56] : memref<10112x128xf32, #tpu.memory_space<vmem_shared>> -> memref<10112x128xf32, #tpu.memory_space<vmem_shared>>
        tpu.enqueue_indirect_dma source(%arg12 : memref<128x128xf32, #tpu.memory_space<vmem>>) target(%dma_start3A_57 : memref<10112x128xf32, #tpu.memory_space<vmem_shared>>) offsets(%dma_start3A_54 : memref<128xi32, #tpu.memory_space<vmem>>) semaphore(%arg16 : memref<!tpu.dma_semaphore, #tpu.memory_space<semaphore_mem>>) {add = true}
        %dma_wait3A_58 = arith.constant 0 : i32
        %dma_wait3A_59 = arith.constant 0 : i32
        %dma_wait3A_60 = tpu.memref_slice %arg11[%dma_wait3A_58, %dma_wait3A_59] : memref<8x128xi32, #tpu.memory_space<vmem>> -> memref<1x128xi32, #tpu.memory_space<vmem>>
        %dma_wait3A_61 = tpu.memref_squeeze %dma_wait3A_60 : memref<1x128xi32, #tpu.memory_space<vmem>> -> memref<128xi32, #tpu.memory_space<vmem>>
        %dma_wait3A_62 = arith.constant 0 : i32
        %dma_wait3A_63 = arith.constant 0 : i32
        %dma_wait3A_64 = tpu.memref_slice %arg9[%dma_wait3A_62, %dma_wait3A_63] : memref<10112x128xf32, #tpu.memory_space<vmem_shared>> -> memref<10112x128xf32, #tpu.memory_space<vmem_shared>>
        tpu.wait_indirect_dma semaphore(%arg16 : memref<!tpu.dma_semaphore, #tpu.memory_space<semaphore_mem>>) src(%arg12 : memref<128x128xf32, #tpu.memory_space<vmem>>) dst(%dma_wait3A_64 : memref<10112x128xf32, #tpu.memory_space<vmem_shared>>)
        %dma_start3A_65 = arith.constant 2 : i32
        %dma_start3A_66 = arith.constant 0 : i32
        %dma_start3A_67 = tpu.memref_slice %arg10[%dma_start3A_65, %dma_start3A_66] : memref<8x128xi32, #tpu.memory_space<vmem>> -> memref<1x128xi32, #tpu.memory_space<vmem>>
        %dma_start3A_68 = tpu.memref_squeeze %dma_start3A_67 : memref<1x128xi32, #tpu.memory_space<vmem>> -> memref<128xi32, #tpu.memory_space<vmem>>
        %dma_start3A_69 = arith.constant 0 : i32
        %dma_start3A_70 = arith.constant 0 : i32
        %dma_start3A_71 = tpu.memref_slice %arg2[%scan3A_8, %dma_start3A_69, %dma_start3A_70] : memref<2x10112x128xf32, #tpu.memory_space<hbm>> -> memref<1x10112x128xf32, #tpu.memory_space<hbm>>
        %dma_start3A_72 = tpu.memref_squeeze %dma_start3A_71 : memref<1x10112x128xf32, #tpu.memory_space<hbm>> -> memref<10112x128xf32, #tpu.memory_space<hbm>>
        %dma_start3A_73 = arith.constant 0 : i32
        %dma_start3A_74 = arith.constant 0 : i32
        %dma_start3A_75 = tpu.memref_slice %dma_start3A_72[%dma_start3A_73, %dma_start3A_74] : memref<10112x128xf32, #tpu.memory_space<hbm>> -> memref<10112x128xf32, #tpu.memory_space<hbm>>
        tpu.enqueue_indirect_dma source(%dma_start3A_75 : memref<10112x128xf32, #tpu.memory_space<hbm>>) target(%arg12 : memref<128x128xf32, #tpu.memory_space<vmem>>) offsets(%dma_start3A_68 : memref<128xi32, #tpu.memory_space<vmem>>) semaphore(%arg14 : memref<!tpu.dma_semaphore, #tpu.memory_space<semaphore_mem>>)
        %dma_wait3A_76 = arith.constant 1 : i32
        %dma_wait3A_77 = arith.constant 0 : i32
        %dma_wait3A_78 = tpu.memref_slice %arg10[%dma_wait3A_76, %dma_wait3A_77] : memref<8x128xi32, #tpu.memory_space<vmem>> -> memref<1x128xi32, #tpu.memory_space<vmem>>
        %dma_wait3A_79 = tpu.memref_squeeze %dma_wait3A_78 : memref<1x128xi32, #tpu.memory_space<vmem>> -> memref<128xi32, #tpu.memory_space<vmem>>
        %dma_wait3A_80 = arith.constant 0 : i32
        %dma_wait3A_81 = arith.constant 0 : i32
        %dma_wait3A_82 = tpu.memref_slice %arg2[%scan3A_8, %dma_wait3A_80, %dma_wait3A_81] : memref<2x10112x128xf32, #tpu.memory_space<hbm>> -> memref<1x10112x128xf32, #tpu.memory_space<hbm>>
        %dma_wait3A_83 = tpu.memref_squeeze %dma_wait3A_82 : memref<1x10112x128xf32, #tpu.memory_space<hbm>> -> memref<10112x128xf32, #tpu.memory_space<hbm>>
        %dma_wait3A_84 = arith.constant 0 : i32
        %dma_wait3A_85 = arith.constant 0 : i32
        %dma_wait3A_86 = tpu.memref_slice %dma_wait3A_83[%dma_wait3A_84, %dma_wait3A_85] : memref<10112x128xf32, #tpu.memory_space<hbm>> -> memref<10112x128xf32, #tpu.memory_space<hbm>>
        tpu.wait_indirect_dma semaphore(%arg15 : memref<!tpu.dma_semaphore, #tpu.memory_space<semaphore_mem>>) src(%dma_wait3A_86 : memref<10112x128xf32, #tpu.memory_space<hbm>>) dst(%arg13 : memref<128x128xf32, #tpu.memory_space<vmem>>)
        %dma_start3A_87 = arith.constant 1 : i32
        %dma_start3A_88 = arith.constant 0 : i32
        %dma_start3A_89 = tpu.memref_slice %arg11[%dma_start3A_87, %dma_start3A_88] : memref<8x128xi32, #tpu.memory_space<vmem>> -> memref<1x128xi32, #tpu.memory_space<vmem>>
        %dma_start3A_90 = tpu.memref_squeeze %dma_start3A_89 : memref<1x128xi32, #tpu.memory_space<vmem>> -> memref<128xi32, #tpu.memory_space<vmem>>
        %dma_start3A_91 = arith.constant 0 : i32
        %dma_start3A_92 = arith.constant 0 : i32
        %dma_start3A_93 = tpu.memref_slice %arg9[%dma_start3A_91, %dma_start3A_92] : memref<10112x128xf32, #tpu.memory_space<vmem_shared>> -> memref<10112x128xf32, #tpu.memory_space<vmem_shared>>
        tpu.enqueue_indirect_dma source(%arg13 : memref<128x128xf32, #tpu.memory_space<vmem>>) target(%dma_start3A_93 : memref<10112x128xf32, #tpu.memory_space<vmem_shared>>) offsets(%dma_start3A_90 : memref<128xi32, #tpu.memory_space<vmem>>) semaphore(%arg17 : memref<!tpu.dma_semaphore, #tpu.memory_space<semaphore_mem>>) {add = true}
        %dma_wait3A_94 = arith.constant 1 : i32
        %dma_wait3A_95 = arith.constant 0 : i32
        %dma_wait3A_96 = tpu.memref_slice %arg11[%dma_wait3A_94, %dma_wait3A_95] : memref<8x128xi32, #tpu.memory_space<vmem>> -> memref<1x128xi32, #tpu.memory_space<vmem>>
        %dma_wait3A_97 = tpu.memref_squeeze %dma_wait3A_96 : memref<1x128xi32, #tpu.memory_space<vmem>> -> memref<128xi32, #tpu.memory_space<vmem>>
        %dma_wait3A_98 = arith.constant 0 : i32
        %dma_wait3A_99 = arith.constant 0 : i32
        %dma_wait3A_100 = tpu.memref_slice %arg9[%dma_wait3A_98, %dma_wait3A_99] : memref<10112x128xf32, #tpu.memory_space<vmem_shared>> -> memref<10112x128xf32, #tpu.memory_space<vmem_shared>>
        tpu.wait_indirect_dma semaphore(%arg17 : memref<!tpu.dma_semaphore, #tpu.memory_space<semaphore_mem>>) src(%arg13 : memref<128x128xf32, #tpu.memory_space<vmem>>) dst(%dma_wait3A_100 : memref<10112x128xf32, #tpu.memory_space<vmem_shared>>)
        %dma_start3A_101 = arith.constant 3 : i32
        %dma_start3A_102 = arith.constant 0 : i32
        %dma_start3A_103 = tpu.memref_slice %arg10[%dma_start3A_101, %dma_start3A_102] : memref<8x128xi32, #tpu.memory_space<vmem>> -> memref<1x128xi32, #tpu.memory_space<vmem>>
        %dma_start3A_104 = tpu.memref_squeeze %dma_start3A_103 : memref<1x128xi32, #tpu.memory_space<vmem>> -> memref<128xi32, #tpu.memory_space<vmem>>
        %dma_start3A_105 = arith.constant 0 : i32
        %dma_start3A_106 = arith.constant 0 : i32
        %dma_start3A_107 = tpu.memref_slice %arg2[%scan3A_8, %dma_start3A_105, %dma_start3A_106] : memref<2x10112x128xf32, #tpu.memory_space<hbm>> -> memref<1x10112x128xf32, #tpu.memory_space<hbm>>
        %dma_start3A_108 = tpu.memref_squeeze %dma_start3A_107 : memref<1x10112x128xf32, #tpu.memory_space<hbm>> -> memref<10112x128xf32, #tpu.memory_space<hbm>>
        %dma_start3A_109 = arith.constant 0 : i32
        %dma_start3A_110 = arith.constant 0 : i32
        %dma_start3A_111 = tpu.memref_slice %dma_start3A_108[%dma_start3A_109, %dma_start3A_110] : memref<10112x128xf32, #tpu.memory_space<hbm>> -> memref<10112x128xf32, #tpu.memory_space<hbm>>
        tpu.enqueue_indirect_dma source(%dma_start3A_111 : memref<10112x128xf32, #tpu.memory_space<hbm>>) target(%arg13 : memref<128x128xf32, #tpu.memory_space<vmem>>) offsets(%dma_start3A_104 : memref<128xi32, #tpu.memory_space<vmem>>) semaphore(%arg15 : memref<!tpu.dma_semaphore, #tpu.memory_space<semaphore_mem>>)
        %dma_wait3A_112 = arith.constant 2 : i32
        %dma_wait3A_113 = arith.constant 0 : i32
        %dma_wait3A_114 = tpu.memref_slice %arg10[%dma_wait3A_112, %dma_wait3A_113] : memref<8x128xi32, #tpu.memory_space<vmem>> -> memref<1x128xi32, #tpu.memory_space<vmem>>
        %dma_wait3A_115 = tpu.memref_squeeze %dma_wait3A_114 : memref<1x128xi32, #tpu.memory_space<vmem>> -> memref<128xi32, #tpu.memory_space<vmem>>
        %dma_wait3A_116 = arith.constant 0 : i32
        %dma_wait3A_117 = arith.constant 0 : i32
        %dma_wait3A_118 = tpu.memref_slice %arg2[%scan3A_8, %dma_wait3A_116, %dma_wait3A_117] : memref<2x10112x128xf32, #tpu.memory_space<hbm>> -> memref<1x10112x128xf32, #tpu.memory_space<hbm>>
        %dma_wait3A_119 = tpu.memref_squeeze %dma_wait3A_118 : memref<1x10112x128xf32, #tpu.memory_space<hbm>> -> memref<10112x128xf32, #tpu.memory_space<hbm>>
        %dma_wait3A_120 = arith.constant 0 : i32
        %dma_wait3A_121 = arith.constant 0 : i32
        %dma_wait3A_122 = tpu.memref_slice %dma_wait3A_119[%dma_wait3A_120, %dma_wait3A_121] : memref<10112x128xf32, #tpu.memory_space<hbm>> -> memref<10112x128xf32, #tpu.memory_space<hbm>>
        tpu.wait_indirect_dma semaphore(%arg14 : memref<!tpu.dma_semaphore, #tpu.memory_space<semaphore_mem>>) src(%dma_wait3A_122 : memref<10112x128xf32, #tpu.memory_space<hbm>>) dst(%arg12 : memref<128x128xf32, #tpu.memory_space<vmem>>)
        %dma_start3A_123 = arith.constant 2 : i32
        %dma_start3A_124 = arith.constant 0 : i32
        %dma_start3A_125 = tpu.memref_slice %arg11[%dma_start3A_123, %dma_start3A_124] : memref<8x128xi32, #tpu.memory_space<vmem>> -> memref<1x128xi32, #tpu.memory_space<vmem>>
        %dma_start3A_126 = tpu.memref_squeeze %dma_start3A_125 : memref<1x128xi32, #tpu.memory_space<vmem>> -> memref<128xi32, #tpu.memory_space<vmem>>
        %dma_start3A_127 = arith.constant 0 : i32
        %dma_start3A_128 = arith.constant 0 : i32
        %dma_start3A_129 = tpu.memref_slice %arg9[%dma_start3A_127, %dma_start3A_128] : memref<10112x128xf32, #tpu.memory_space<vmem_shared>> -> memref<10112x128xf32, #tpu.memory_space<vmem_shared>>
        tpu.enqueue_indirect_dma source(%arg12 : memref<128x128xf32, #tpu.memory_space<vmem>>) target(%dma_start3A_129 : memref<10112x128xf32, #tpu.memory_space<vmem_shared>>) offsets(%dma_start3A_126 : memref<128xi32, #tpu.memory_space<vmem>>) semaphore(%arg16 : memref<!tpu.dma_semaphore, #tpu.memory_space<semaphore_mem>>) {add = true}
        %dma_wait3A_130 = arith.constant 2 : i32
        %dma_wait3A_131 = arith.constant 0 : i32
        %dma_wait3A_132 = tpu.memref_slice %arg11[%dma_wait3A_130, %dma_wait3A_131] : memref<8x128xi32, #tpu.memory_space<vmem>> -> memref<1x128xi32, #tpu.memory_space<vmem>>
        %dma_wait3A_133 = tpu.memref_squeeze %dma_wait3A_132 : memref<1x128xi32, #tpu.memory_space<vmem>> -> memref<128xi32, #tpu.memory_space<vmem>>
        %dma_wait3A_134 = arith.constant 0 : i32
        %dma_wait3A_135 = arith.constant 0 : i32
        %dma_wait3A_136 = tpu.memref_slice %arg9[%dma_wait3A_134, %dma_wait3A_135] : memref<10112x128xf32, #tpu.memory_space<vmem_shared>> -> memref<10112x128xf32, #tpu.memory_space<vmem_shared>>
        tpu.wait_indirect_dma semaphore(%arg16 : memref<!tpu.dma_semaphore, #tpu.memory_space<semaphore_mem>>) src(%arg12 : memref<128x128xf32, #tpu.memory_space<vmem>>) dst(%dma_wait3A_136 : memref<10112x128xf32, #tpu.memory_space<vmem_shared>>)
        %dma_start3A_137 = arith.constant 4 : i32
        %dma_start3A_138 = arith.constant 0 : i32
        %dma_start3A_139 = tpu.memref_slice %arg10[%dma_start3A_137, %dma_start3A_138] : memref<8x128xi32, #tpu.memory_space<vmem>> -> memref<1x128xi32, #tpu.memory_space<vmem>>
        %dma_start3A_140 = tpu.memref_squeeze %dma_start3A_139 : memref<1x128xi32, #tpu.memory_space<vmem>> -> memref<128xi32, #tpu.memory_space<vmem>>
        %dma_start3A_141 = arith.constant 0 : i32
        %dma_start3A_142 = arith.constant 0 : i32
        %dma_start3A_143 = tpu.memref_slice %arg2[%scan3A_8, %dma_start3A_141, %dma_start3A_142] : memref<2x10112x128xf32, #tpu.memory_space<hbm>> -> memref<1x10112x128xf32, #tpu.memory_space<hbm>>
        %dma_start3A_144 = tpu.memref_squeeze %dma_start3A_143 : memref<1x10112x128xf32, #tpu.memory_space<hbm>> -> memref<10112x128xf32, #tpu.memory_space<hbm>>
        %dma_start3A_145 = arith.constant 0 : i32
        %dma_start3A_146 = arith.constant 0 : i32
        %dma_start3A_147 = tpu.memref_slice %dma_start3A_144[%dma_start3A_145, %dma_start3A_146] : memref<10112x128xf32, #tpu.memory_space<hbm>> -> memref<10112x128xf32, #tpu.memory_space<hbm>>
        tpu.enqueue_indirect_dma source(%dma_start3A_147 : memref<10112x128xf32, #tpu.memory_space<hbm>>) target(%arg12 : memref<128x128xf32, #tpu.memory_space<vmem>>) offsets(%dma_start3A_140 : memref<128xi32, #tpu.memory_space<vmem>>) semaphore(%arg14 : memref<!tpu.dma_semaphore, #tpu.memory_space<semaphore_mem>>)
        %dma_wait3A_148 = arith.constant 3 : i32
        %dma_wait3A_149 = arith.constant 0 : i32
        %dma_wait3A_150 = tpu.memref_slice %arg10[%dma_wait3A_148, %dma_wait3A_149] : memref<8x128xi32, #tpu.memory_space<vmem>> -> memref<1x128xi32, #tpu.memory_space<vmem>>
        %dma_wait3A_151 = tpu.memref_squeeze %dma_wait3A_150 : memref<1x128xi32, #tpu.memory_space<vmem>> -> memref<128xi32, #tpu.memory_space<vmem>>
        %dma_wait3A_152 = arith.constant 0 : i32
        %dma_wait3A_153 = arith.constant 0 : i32
        %dma_wait3A_154 = tpu.memref_slice %arg2[%scan3A_8, %dma_wait3A_152, %dma_wait3A_153] : memref<2x10112x128xf32, #tpu.memory_space<hbm>> -> memref<1x10112x128xf32, #tpu.memory_space<hbm>>
        %dma_wait3A_155 = tpu.memref_squeeze %dma_wait3A_154 : memref<1x10112x128xf32, #tpu.memory_space<hbm>> -> memref<10112x128xf32, #tpu.memory_space<hbm>>
        %dma_wait3A_156 = arith.constant 0 : i32
        %dma_wait3A_157 = arith.constant 0 : i32
        %dma_wait3A_158 = tpu.memref_slice %dma_wait3A_155[%dma_wait3A_156, %dma_wait3A_157] : memref<10112x128xf32, #tpu.memory_space<hbm>> -> memref<10112x128xf32, #tpu.memory_space<hbm>>
        tpu.wait_indirect_dma semaphore(%arg15 : memref<!tpu.dma_semaphore, #tpu.memory_space<semaphore_mem>>) src(%dma_wait3A_158 : memref<10112x128xf32, #tpu.memory_space<hbm>>) dst(%arg13 : memref<128x128xf32, #tpu.memory_space<vmem>>)
        %dma_start3A_159 = arith.constant 3 : i32
        %dma_start3A_160 = arith.constant 0 : i32
        %dma_start3A_161 = tpu.memref_slice %arg11[%dma_start3A_159, %dma_start3A_160] : memref<8x128xi32, #tpu.memory_space<vmem>> -> memref<1x128xi32, #tpu.memory_space<vmem>>
        %dma_start3A_162 = tpu.memref_squeeze %dma_start3A_161 : memref<1x128xi32, #tpu.memory_space<vmem>> -> memref<128xi32, #tpu.memory_space<vmem>>
        %dma_start3A_163 = arith.constant 0 : i32
        %dma_start3A_164 = arith.constant 0 : i32
        %dma_start3A_165 = tpu.memref_slice %arg9[%dma_start3A_163, %dma_start3A_164] : memref<10112x128xf32, #tpu.memory_space<vmem_shared>> -> memref<10112x128xf32, #tpu.memory_space<vmem_shared>>
        tpu.enqueue_indirect_dma source(%arg13 : memref<128x128xf32, #tpu.memory_space<vmem>>) target(%dma_start3A_165 : memref<10112x128xf32, #tpu.memory_space<vmem_shared>>) offsets(%dma_start3A_162 : memref<128xi32, #tpu.memory_space<vmem>>) semaphore(%arg17 : memref<!tpu.dma_semaphore, #tpu.memory_space<semaphore_mem>>) {add = true}
        %dma_wait3A_166 = arith.constant 3 : i32
        %dma_wait3A_167 = arith.constant 0 : i32
        %dma_wait3A_168 = tpu.memref_slice %arg11[%dma_wait3A_166, %dma_wait3A_167] : memref<8x128xi32, #tpu.memory_space<vmem>> -> memref<1x128xi32, #tpu.memory_space<vmem>>
        %dma_wait3A_169 = tpu.memref_squeeze %dma_wait3A_168 : memref<1x128xi32, #tpu.memory_space<vmem>> -> memref<128xi32, #tpu.memory_space<vmem>>
        %dma_wait3A_170 = arith.constant 0 : i32
        %dma_wait3A_171 = arith.constant 0 : i32
        %dma_wait3A_172 = tpu.memref_slice %arg9[%dma_wait3A_170, %dma_wait3A_171] : memref<10112x128xf32, #tpu.memory_space<vmem_shared>> -> memref<10112x128xf32, #tpu.memory_space<vmem_shared>>
        tpu.wait_indirect_dma semaphore(%arg17 : memref<!tpu.dma_semaphore, #tpu.memory_space<semaphore_mem>>) src(%arg13 : memref<128x128xf32, #tpu.memory_space<vmem>>) dst(%dma_wait3A_172 : memref<10112x128xf32, #tpu.memory_space<vmem_shared>>)
        %dma_start3A_173 = arith.constant 5 : i32
        %dma_start3A_174 = arith.constant 0 : i32
        %dma_start3A_175 = tpu.memref_slice %arg10[%dma_start3A_173, %dma_start3A_174] : memref<8x128xi32, #tpu.memory_space<vmem>> -> memref<1x128xi32, #tpu.memory_space<vmem>>
        %dma_start3A_176 = tpu.memref_squeeze %dma_start3A_175 : memref<1x128xi32, #tpu.memory_space<vmem>> -> memref<128xi32, #tpu.memory_space<vmem>>
        %dma_start3A_177 = arith.constant 0 : i32
        %dma_start3A_178 = arith.constant 0 : i32
        %dma_start3A_179 = tpu.memref_slice %arg2[%scan3A_8, %dma_start3A_177, %dma_start3A_178] : memref<2x10112x128xf32, #tpu.memory_space<hbm>> -> memref<1x10112x128xf32, #tpu.memory_space<hbm>>
        %dma_start3A_180 = tpu.memref_squeeze %dma_start3A_179 : memref<1x10112x128xf32, #tpu.memory_space<hbm>> -> memref<10112x128xf32, #tpu.memory_space<hbm>>
        %dma_start3A_181 = arith.constant 0 : i32
        %dma_start3A_182 = arith.constant 0 : i32
        %dma_start3A_183 = tpu.memref_slice %dma_start3A_180[%dma_start3A_181, %dma_start3A_182] : memref<10112x128xf32, #tpu.memory_space<hbm>> -> memref<10112x128xf32, #tpu.memory_space<hbm>>
        tpu.enqueue_indirect_dma source(%dma_start3A_183 : memref<10112x128xf32, #tpu.memory_space<hbm>>) target(%arg13 : memref<128x128xf32, #tpu.memory_space<vmem>>) offsets(%dma_start3A_176 : memref<128xi32, #tpu.memory_space<vmem>>) semaphore(%arg15 : memref<!tpu.dma_semaphore, #tpu.memory_space<semaphore_mem>>)
        %dma_wait3A_184 = arith.constant 4 : i32
        %dma_wait3A_185 = arith.constant 0 : i32
        %dma_wait3A_186 = tpu.memref_slice %arg10[%dma_wait3A_184, %dma_wait3A_185] : memref<8x128xi32, #tpu.memory_space<vmem>> -> memref<1x128xi32, #tpu.memory_space<vmem>>
        %dma_wait3A_187 = tpu.memref_squeeze %dma_wait3A_186 : memref<1x128xi32, #tpu.memory_space<vmem>> -> memref<128xi32, #tpu.memory_space<vmem>>
        %dma_wait3A_188 = arith.constant 0 : i32
        %dma_wait3A_189 = arith.constant 0 : i32
        %dma_wait3A_190 = tpu.memref_slice %arg2[%scan3A_8, %dma_wait3A_188, %dma_wait3A_189] : memref<2x10112x128xf32, #tpu.memory_space<hbm>> -> memref<1x10112x128xf32, #tpu.memory_space<hbm>>
        %dma_wait3A_191 = tpu.memref_squeeze %dma_wait3A_190 : memref<1x10112x128xf32, #tpu.memory_space<hbm>> -> memref<10112x128xf32, #tpu.memory_space<hbm>>
        %dma_wait3A_192 = arith.constant 0 : i32
        %dma_wait3A_193 = arith.constant 0 : i32
        %dma_wait3A_194 = tpu.memref_slice %dma_wait3A_191[%dma_wait3A_192, %dma_wait3A_193] : memref<10112x128xf32, #tpu.memory_space<hbm>> -> memref<10112x128xf32, #tpu.memory_space<hbm>>
        tpu.wait_indirect_dma semaphore(%arg14 : memref<!tpu.dma_semaphore, #tpu.memory_space<semaphore_mem>>) src(%dma_wait3A_194 : memref<10112x128xf32, #tpu.memory_space<hbm>>) dst(%arg12 : memref<128x128xf32, #tpu.memory_space<vmem>>)
        %dma_start3A_195 = arith.constant 4 : i32
        %dma_start3A_196 = arith.constant 0 : i32
        %dma_start3A_197 = tpu.memref_slice %arg11[%dma_start3A_195, %dma_start3A_196] : memref<8x128xi32, #tpu.memory_space<vmem>> -> memref<1x128xi32, #tpu.memory_space<vmem>>
        %dma_start3A_198 = tpu.memref_squeeze %dma_start3A_197 : memref<1x128xi32, #tpu.memory_space<vmem>> -> memref<128xi32, #tpu.memory_space<vmem>>
        %dma_start3A_199 = arith.constant 0 : i32
        %dma_start3A_200 = arith.constant 0 : i32
        %dma_start3A_201 = tpu.memref_slice %arg9[%dma_start3A_199, %dma_start3A_200] : memref<10112x128xf32, #tpu.memory_space<vmem_shared>> -> memref<10112x128xf32, #tpu.memory_space<vmem_shared>>
        tpu.enqueue_indirect_dma source(%arg12 : memref<128x128xf32, #tpu.memory_space<vmem>>) target(%dma_start3A_201 : memref<10112x128xf32, #tpu.memory_space<vmem_shared>>) offsets(%dma_start3A_198 : memref<128xi32, #tpu.memory_space<vmem>>) semaphore(%arg16 : memref<!tpu.dma_semaphore, #tpu.memory_space<semaphore_mem>>) {add = true}
        %dma_wait3A_202 = arith.constant 4 : i32
        %dma_wait3A_203 = arith.constant 0 : i32
        %dma_wait3A_204 = tpu.memref_slice %arg11[%dma_wait3A_202, %dma_wait3A_203] : memref<8x128xi32, #tpu.memory_space<vmem>> -> memref<1x128xi32, #tpu.memory_space<vmem>>
        %dma_wait3A_205 = tpu.memref_squeeze %dma_wait3A_204 : memref<1x128xi32, #tpu.memory_space<vmem>> -> memref<128xi32, #tpu.memory_space<vmem>>
        %dma_wait3A_206 = arith.constant 0 : i32
        %dma_wait3A_207 = arith.constant 0 : i32
        %dma_wait3A_208 = tpu.memref_slice %arg9[%dma_wait3A_206, %dma_wait3A_207] : memref<10112x128xf32, #tpu.memory_space<vmem_shared>> -> memref<10112x128xf32, #tpu.memory_space<vmem_shared>>
        tpu.wait_indirect_dma semaphore(%arg16 : memref<!tpu.dma_semaphore, #tpu.memory_space<semaphore_mem>>) src(%arg12 : memref<128x128xf32, #tpu.memory_space<vmem>>) dst(%dma_wait3A_208 : memref<10112x128xf32, #tpu.memory_space<vmem_shared>>)
        %dma_start3A_209 = arith.constant 6 : i32
        %dma_start3A_210 = arith.constant 0 : i32
        %dma_start3A_211 = tpu.memref_slice %arg10[%dma_start3A_209, %dma_start3A_210] : memref<8x128xi32, #tpu.memory_space<vmem>> -> memref<1x128xi32, #tpu.memory_space<vmem>>
        %dma_start3A_212 = tpu.memref_squeeze %dma_start3A_211 : memref<1x128xi32, #tpu.memory_space<vmem>> -> memref<128xi32, #tpu.memory_space<vmem>>
        %dma_start3A_213 = arith.constant 0 : i32
        %dma_start3A_214 = arith.constant 0 : i32
        %dma_start3A_215 = tpu.memref_slice %arg2[%scan3A_8, %dma_start3A_213, %dma_start3A_214] : memref<2x10112x128xf32, #tpu.memory_space<hbm>> -> memref<1x10112x128xf32, #tpu.memory_space<hbm>>
        %dma_start3A_216 = tpu.memref_squeeze %dma_start3A_215 : memref<1x10112x128xf32, #tpu.memory_space<hbm>> -> memref<10112x128xf32, #tpu.memory_space<hbm>>
        %dma_start3A_217 = arith.constant 0 : i32
        %dma_start3A_218 = arith.constant 0 : i32
        %dma_start3A_219 = tpu.memref_slice %dma_start3A_216[%dma_start3A_217, %dma_start3A_218] : memref<10112x128xf32, #tpu.memory_space<hbm>> -> memref<10112x128xf32, #tpu.memory_space<hbm>>
        tpu.enqueue_indirect_dma source(%dma_start3A_219 : memref<10112x128xf32, #tpu.memory_space<hbm>>) target(%arg12 : memref<128x128xf32, #tpu.memory_space<vmem>>) offsets(%dma_start3A_212 : memref<128xi32, #tpu.memory_space<vmem>>) semaphore(%arg14 : memref<!tpu.dma_semaphore, #tpu.memory_space<semaphore_mem>>)
        %dma_wait3A_220 = arith.constant 5 : i32
        %dma_wait3A_221 = arith.constant 0 : i32
        %dma_wait3A_222 = tpu.memref_slice %arg10[%dma_wait3A_220, %dma_wait3A_221] : memref<8x128xi32, #tpu.memory_space<vmem>> -> memref<1x128xi32, #tpu.memory_space<vmem>>
        %dma_wait3A_223 = tpu.memref_squeeze %dma_wait3A_222 : memref<1x128xi32, #tpu.memory_space<vmem>> -> memref<128xi32, #tpu.memory_space<vmem>>
        %dma_wait3A_224 = arith.constant 0 : i32
        %dma_wait3A_225 = arith.constant 0 : i32
        %dma_wait3A_226 = tpu.memref_slice %arg2[%scan3A_8, %dma_wait3A_224, %dma_wait3A_225] : memref<2x10112x128xf32, #tpu.memory_space<hbm>> -> memref<1x10112x128xf32, #tpu.memory_space<hbm>>
        %dma_wait3A_227 = tpu.memref_squeeze %dma_wait3A_226 : memref<1x10112x128xf32, #tpu.memory_space<hbm>> -> memref<10112x128xf32, #tpu.memory_space<hbm>>
        %dma_wait3A_228 = arith.constant 0 : i32
        %dma_wait3A_229 = arith.constant 0 : i32
        %dma_wait3A_230 = tpu.memref_slice %dma_wait3A_227[%dma_wait3A_228, %dma_wait3A_229] : memref<10112x128xf32, #tpu.memory_space<hbm>> -> memref<10112x128xf32, #tpu.memory_space<hbm>>
        tpu.wait_indirect_dma semaphore(%arg15 : memref<!tpu.dma_semaphore, #tpu.memory_space<semaphore_mem>>) src(%dma_wait3A_230 : memref<10112x128xf32, #tpu.memory_space<hbm>>) dst(%arg13 : memref<128x128xf32, #tpu.memory_space<vmem>>)
        %dma_start3A_231 = arith.constant 5 : i32
        %dma_start3A_232 = arith.constant 0 : i32
        %dma_start3A_233 = tpu.memref_slice %arg11[%dma_start3A_231, %dma_start3A_232] : memref<8x128xi32, #tpu.memory_space<vmem>> -> memref<1x128xi32, #tpu.memory_space<vmem>>
        %dma_start3A_234 = tpu.memref_squeeze %dma_start3A_233 : memref<1x128xi32, #tpu.memory_space<vmem>> -> memref<128xi32, #tpu.memory_space<vmem>>
        %dma_start3A_235 = arith.constant 0 : i32
        %dma_start3A_236 = arith.constant 0 : i32
        %dma_start3A_237 = tpu.memref_slice %arg9[%dma_start3A_235, %dma_start3A_236] : memref<10112x128xf32, #tpu.memory_space<vmem_shared>> -> memref<10112x128xf32, #tpu.memory_space<vmem_shared>>
        tpu.enqueue_indirect_dma source(%arg13 : memref<128x128xf32, #tpu.memory_space<vmem>>) target(%dma_start3A_237 : memref<10112x128xf32, #tpu.memory_space<vmem_shared>>) offsets(%dma_start3A_234 : memref<128xi32, #tpu.memory_space<vmem>>) semaphore(%arg17 : memref<!tpu.dma_semaphore, #tpu.memory_space<semaphore_mem>>) {add = true}
        %dma_wait3A_238 = arith.constant 5 : i32
        %dma_wait3A_239 = arith.constant 0 : i32
        %dma_wait3A_240 = tpu.memref_slice %arg11[%dma_wait3A_238, %dma_wait3A_239] : memref<8x128xi32, #tpu.memory_space<vmem>> -> memref<1x128xi32, #tpu.memory_space<vmem>>
        %dma_wait3A_241 = tpu.memref_squeeze %dma_wait3A_240 : memref<1x128xi32, #tpu.memory_space<vmem>> -> memref<128xi32, #tpu.memory_space<vmem>>
        %dma_wait3A_242 = arith.constant 0 : i32
        %dma_wait3A_243 = arith.constant 0 : i32
        %dma_wait3A_244 = tpu.memref_slice %arg9[%dma_wait3A_242, %dma_wait3A_243] : memref<10112x128xf32, #tpu.memory_space<vmem_shared>> -> memref<10112x128xf32, #tpu.memory_space<vmem_shared>>
        tpu.wait_indirect_dma semaphore(%arg17 : memref<!tpu.dma_semaphore, #tpu.memory_space<semaphore_mem>>) src(%arg13 : memref<128x128xf32, #tpu.memory_space<vmem>>) dst(%dma_wait3A_244 : memref<10112x128xf32, #tpu.memory_space<vmem_shared>>)
        %dma_start3A_245 = arith.constant 7 : i32
        %dma_start3A_246 = arith.constant 0 : i32
        %dma_start3A_247 = tpu.memref_slice %arg10[%dma_start3A_245, %dma_start3A_246] : memref<8x128xi32, #tpu.memory_space<vmem>> -> memref<1x128xi32, #tpu.memory_space<vmem>>
        %dma_start3A_248 = tpu.memref_squeeze %dma_start3A_247 : memref<1x128xi32, #tpu.memory_space<vmem>> -> memref<128xi32, #tpu.memory_space<vmem>>
        %dma_start3A_249 = arith.constant 0 : i32
        %dma_start3A_250 = arith.constant 0 : i32
        %dma_start3A_251 = tpu.memref_slice %arg2[%scan3A_8, %dma_start3A_249, %dma_start3A_250] : memref<2x10112x128xf32, #tpu.memory_space<hbm>> -> memref<1x10112x128xf32, #tpu.memory_space<hbm>>
        %dma_start3A_252 = tpu.memref_squeeze %dma_start3A_251 : memref<1x10112x128xf32, #tpu.memory_space<hbm>> -> memref<10112x128xf32, #tpu.memory_space<hbm>>
        %dma_start3A_253 = arith.constant 0 : i32
        %dma_start3A_254 = arith.constant 0 : i32
        %dma_start3A_255 = tpu.memref_slice %dma_start3A_252[%dma_start3A_253, %dma_start3A_254] : memref<10112x128xf32, #tpu.memory_space<hbm>> -> memref<10112x128xf32, #tpu.memory_space<hbm>>
        tpu.enqueue_indirect_dma source(%dma_start3A_255 : memref<10112x128xf32, #tpu.memory_space<hbm>>) target(%arg13 : memref<128x128xf32, #tpu.memory_space<vmem>>) offsets(%dma_start3A_248 : memref<128xi32, #tpu.memory_space<vmem>>) semaphore(%arg15 : memref<!tpu.dma_semaphore, #tpu.memory_space<semaphore_mem>>)
        %dma_wait3A_256 = arith.constant 6 : i32
        %dma_wait3A_257 = arith.constant 0 : i32
        %dma_wait3A_258 = tpu.memref_slice %arg10[%dma_wait3A_256, %dma_wait3A_257] : memref<8x128xi32, #tpu.memory_space<vmem>> -> memref<1x128xi32, #tpu.memory_space<vmem>>
        %dma_wait3A_259 = tpu.memref_squeeze %dma_wait3A_258 : memref<1x128xi32, #tpu.memory_space<vmem>> -> memref<128xi32, #tpu.memory_space<vmem>>
        %dma_wait3A_260 = arith.constant 0 : i32
        %dma_wait3A_261 = arith.constant 0 : i32
        %dma_wait3A_262 = tpu.memref_slice %arg2[%scan3A_8, %dma_wait3A_260, %dma_wait3A_261] : memref<2x10112x128xf32, #tpu.memory_space<hbm>> -> memref<1x10112x128xf32, #tpu.memory_space<hbm>>
        %dma_wait3A_263 = tpu.memref_squeeze %dma_wait3A_262 : memref<1x10112x128xf32, #tpu.memory_space<hbm>> -> memref<10112x128xf32, #tpu.memory_space<hbm>>
        %dma_wait3A_264 = arith.constant 0 : i32
        %dma_wait3A_265 = arith.constant 0 : i32
        %dma_wait3A_266 = tpu.memref_slice %dma_wait3A_263[%dma_wait3A_264, %dma_wait3A_265] : memref<10112x128xf32, #tpu.memory_space<hbm>> -> memref<10112x128xf32, #tpu.memory_space<hbm>>
        tpu.wait_indirect_dma semaphore(%arg14 : memref<!tpu.dma_semaphore, #tpu.memory_space<semaphore_mem>>) src(%dma_wait3A_266 : memref<10112x128xf32, #tpu.memory_space<hbm>>) dst(%arg12 : memref<128x128xf32, #tpu.memory_space<vmem>>)
        %dma_start3A_267 = arith.constant 6 : i32
        %dma_start3A_268 = arith.constant 0 : i32
        %dma_start3A_269 = tpu.memref_slice %arg11[%dma_start3A_267, %dma_start3A_268] : memref<8x128xi32, #tpu.memory_space<vmem>> -> memref<1x128xi32, #tpu.memory_space<vmem>>
        %dma_start3A_270 = tpu.memref_squeeze %dma_start3A_269 : memref<1x128xi32, #tpu.memory_space<vmem>> -> memref<128xi32, #tpu.memory_space<vmem>>
        %dma_start3A_271 = arith.constant 0 : i32
        %dma_start3A_272 = arith.constant 0 : i32
        %dma_start3A_273 = tpu.memref_slice %arg9[%dma_start3A_271, %dma_start3A_272] : memref<10112x128xf32, #tpu.memory_space<vmem_shared>> -> memref<10112x128xf32, #tpu.memory_space<vmem_shared>>
        tpu.enqueue_indirect_dma source(%arg12 : memref<128x128xf32, #tpu.memory_space<vmem>>) target(%dma_start3A_273 : memref<10112x128xf32, #tpu.memory_space<vmem_shared>>) offsets(%dma_start3A_270 : memref<128xi32, #tpu.memory_space<vmem>>) semaphore(%arg16 : memref<!tpu.dma_semaphore, #tpu.memory_space<semaphore_mem>>) {add = true}
        %dma_wait3A_274 = arith.constant 7 : i32
        %dma_wait3A_275 = arith.constant 0 : i32
        %dma_wait3A_276 = tpu.memref_slice %arg10[%dma_wait3A_274, %dma_wait3A_275] : memref<8x128xi32, #tpu.memory_space<vmem>> -> memref<1x128xi32, #tpu.memory_space<vmem>>
        %dma_wait3A_277 = tpu.memref_squeeze %dma_wait3A_276 : memref<1x128xi32, #tpu.memory_space<vmem>> -> memref<128xi32, #tpu.memory_space<vmem>>
        %dma_wait3A_278 = arith.constant 0 : i32
        %dma_wait3A_279 = arith.constant 0 : i32
        %dma_wait3A_280 = tpu.memref_slice %arg2[%scan3A_8, %dma_wait3A_278, %dma_wait3A_279] : memref<2x10112x128xf32, #tpu.memory_space<hbm>> -> memref<1x10112x128xf32, #tpu.memory_space<hbm>>
        %dma_wait3A_281 = tpu.memref_squeeze %dma_wait3A_280 : memref<1x10112x128xf32, #tpu.memory_space<hbm>> -> memref<10112x128xf32, #tpu.memory_space<hbm>>
        %dma_wait3A_282 = arith.constant 0 : i32
        %dma_wait3A_283 = arith.constant 0 : i32
        %dma_wait3A_284 = tpu.memref_slice %dma_wait3A_281[%dma_wait3A_282, %dma_wait3A_283] : memref<10112x128xf32, #tpu.memory_space<hbm>> -> memref<10112x128xf32, #tpu.memory_space<hbm>>
        tpu.wait_indirect_dma semaphore(%arg15 : memref<!tpu.dma_semaphore, #tpu.memory_space<semaphore_mem>>) src(%dma_wait3A_284 : memref<10112x128xf32, #tpu.memory_space<hbm>>) dst(%arg13 : memref<128x128xf32, #tpu.memory_space<vmem>>)
        %dma_start3A_285 = arith.constant 7 : i32
        %dma_start3A_286 = arith.constant 0 : i32
        %dma_start3A_287 = tpu.memref_slice %arg11[%dma_start3A_285, %dma_start3A_286] : memref<8x128xi32, #tpu.memory_space<vmem>> -> memref<1x128xi32, #tpu.memory_space<vmem>>
        %dma_start3A_288 = tpu.memref_squeeze %dma_start3A_287 : memref<1x128xi32, #tpu.memory_space<vmem>> -> memref<128xi32, #tpu.memory_space<vmem>>
        %dma_start3A_289 = arith.constant 0 : i32
        %dma_start3A_290 = arith.constant 0 : i32
        %dma_start3A_291 = tpu.memref_slice %arg9[%dma_start3A_289, %dma_start3A_290] : memref<10112x128xf32, #tpu.memory_space<vmem_shared>> -> memref<10112x128xf32, #tpu.memory_space<vmem_shared>>
        tpu.enqueue_indirect_dma source(%arg13 : memref<128x128xf32, #tpu.memory_space<vmem>>) target(%dma_start3A_291 : memref<10112x128xf32, #tpu.memory_space<vmem_shared>>) offsets(%dma_start3A_288 : memref<128xi32, #tpu.memory_space<vmem>>) semaphore(%arg17 : memref<!tpu.dma_semaphore, #tpu.memory_space<semaphore_mem>>) {add = true}
        %dma_wait3A_292 = arith.constant 6 : i32
        %dma_wait3A_293 = arith.constant 0 : i32
        %dma_wait3A_294 = tpu.memref_slice %arg11[%dma_wait3A_292, %dma_wait3A_293] : memref<8x128xi32, #tpu.memory_space<vmem>> -> memref<1x128xi32, #tpu.memory_space<vmem>>
        %dma_wait3A_295 = tpu.memref_squeeze %dma_wait3A_294 : memref<1x128xi32, #tpu.memory_space<vmem>> -> memref<128xi32, #tpu.memory_space<vmem>>
        %dma_wait3A_296 = arith.constant 0 : i32
        %dma_wait3A_297 = arith.constant 0 : i32
        %dma_wait3A_298 = tpu.memref_slice %arg9[%dma_wait3A_296, %dma_wait3A_297] : memref<10112x128xf32, #tpu.memory_space<vmem_shared>> -> memref<10112x128xf32, #tpu.memory_space<vmem_shared>>
        tpu.wait_indirect_dma semaphore(%arg16 : memref<!tpu.dma_semaphore, #tpu.memory_space<semaphore_mem>>) src(%arg12 : memref<128x128xf32, #tpu.memory_space<vmem>>) dst(%dma_wait3A_298 : memref<10112x128xf32, #tpu.memory_space<vmem_shared>>)
        %dma_wait3A_299 = arith.constant 7 : i32
        %dma_wait3A_300 = arith.constant 0 : i32
        %dma_wait3A_301 = tpu.memref_slice %arg11[%dma_wait3A_299, %dma_wait3A_300] : memref<8x128xi32, #tpu.memory_space<vmem>> -> memref<1x128xi32, #tpu.memory_space<vmem>>
        %dma_wait3A_302 = tpu.memref_squeeze %dma_wait3A_301 : memref<1x128xi32, #tpu.memory_space<vmem>> -> memref<128xi32, #tpu.memory_space<vmem>>
        %dma_wait3A_303 = arith.constant 0 : i32
        %dma_wait3A_304 = arith.constant 0 : i32
        %dma_wait3A_305 = tpu.memref_slice %arg9[%dma_wait3A_303, %dma_wait3A_304] : memref<10112x128xf32, #tpu.memory_space<vmem_shared>> -> memref<10112x128xf32, #tpu.memory_space<vmem_shared>>
        tpu.wait_indirect_dma semaphore(%arg17 : memref<!tpu.dma_semaphore, #tpu.memory_space<semaphore_mem>>) src(%arg13 : memref<128x128xf32, #tpu.memory_space<vmem>>) dst(%dma_wait3A_305 : memref<10112x128xf32, #tpu.memory_space<vmem_shared>>)
      }
      %scan3A_13 = arith.constant 20 : i32
      %barrier3A_14 = arith.constant 0 : index
      tpu.barrier barrier_id(%barrier3A_14)
      %run_scoped3A = arith.constant 1 : i32
      "tpu.region"() ({
        %run_scoped3A_15 = tpu.sem_alloc : memref<!tpu.dma_semaphore, #tpu.memory_space<semaphore_mem>>
        %dma_start3A = arith.constant 0 : i32
        %dma_start3A_16 = arith.constant 0 : i32
        %dma_start3A_17 = tpu.memref_slice %arg8[%run_scoped3A, %dma_start3A, %dma_start3A_16] : memref<2x10112x128xf32, #tpu.memory_space<hbm>> -> memref<1x10112x128xf32, #tpu.memory_space<hbm>>
        %dma_start3A_18 = tpu.memref_squeeze %dma_start3A_17 : memref<1x10112x128xf32, #tpu.memory_space<hbm>> -> memref<10112x128xf32, #tpu.memory_space<hbm>>
        %dma_start3A_19 = arith.constant 0 : i32
        %dma_start3A_20 = tpu.memref_slice %dma_start3A_18[%mul3A_0, %dma_start3A_19] : memref<10112x128xf32, #tpu.memory_space<hbm>> -> memref<632x128xf32, #tpu.memory_space<hbm>>
        %dma_start3A_21 = arith.constant 0 : i32
        %dma_start3A_22 = tpu.memref_slice %arg9[%mul3A_0, %dma_start3A_21] : memref<10112x128xf32, #tpu.memory_space<vmem_shared>> -> memref<632x128xf32, #tpu.memory_space<vmem_shared>>
        tpu.enqueue_dma source(%dma_start3A_22 : memref<632x128xf32, #tpu.memory_space<vmem_shared>>) target(%dma_start3A_20 : memref<632x128xf32, #tpu.memory_space<hbm>>) target_semaphore(%run_scoped3A_15 : memref<!tpu.dma_semaphore, #tpu.memory_space<semaphore_mem>>)
        %dma_wait3A = arith.constant 0 : i32
        %dma_wait3A_23 = arith.constant 0 : i32
        %dma_wait3A_24 = tpu.memref_slice %arg8[%run_scoped3A, %dma_wait3A, %dma_wait3A_23] : memref<2x10112x128xf32, #tpu.memory_space<hbm>> -> memref<1x10112x128xf32, #tpu.memory_space<hbm>>
        %dma_wait3A_25 = tpu.memref_squeeze %dma_wait3A_24 : memref<1x10112x128xf32, #tpu.memory_space<hbm>> -> memref<10112x128xf32, #tpu.memory_space<hbm>>
        %dma_wait3A_26 = arith.constant 0 : i32
        %dma_wait3A_27 = tpu.memref_slice %dma_wait3A_25[%mul3A_0, %dma_wait3A_26] : memref<10112x128xf32, #tpu.memory_space<hbm>> -> memref<632x128xf32, #tpu.memory_space<hbm>>
        %dma_wait3A_28 = arith.constant 0 : i32
        %dma_wait3A_29 = tpu.memref_slice %arg9[%mul3A_0, %dma_wait3A_28] : memref<10112x128xf32, #tpu.memory_space<vmem_shared>> -> memref<632x128xf32, #tpu.memory_space<vmem_shared>>
        tpu.wait_dma2 semaphore(%run_scoped3A_15 : memref<!tpu.dma_semaphore, #tpu.memory_space<semaphore_mem>>) src(%dma_wait3A_29 : memref<632x128xf32, #tpu.memory_space<vmem_shared>>) dst(%dma_wait3A_27 : memref<632x128xf32, #tpu.memory_space<hbm>>)
        tpu.yield
      }) : () -> ()
    } else {
    }
    return
  }
}

#map = affine_map<(d0, d1) -> (0, 0, 0)>
#map1 = affine_map<(d0, d1) -> (0, 0)>
module attributes {stable_mosaic.version = 14 : i64} {
  func.func @body(%arg0: i32, %arg1: i32, %arg2: memref<2x10112x128xf32, #tpu.memory_space<hbm>>, %arg3: memref<16x160x128xi32, #tpu.memory_space<hbm>>, %arg4: memref<16x160x128xi32, #tpu.memory_space<hbm>>, %arg5: memref<16x160x128xi32, #tpu.memory_space<hbm>>, %arg6: memref<16x160x128xi32, #tpu.memory_space<hbm>>, %arg7: memref<10112x128xf32, #tpu.memory_space<hbm>>, %arg8: memref<2x10112x128xf32, #tpu.memory_space<hbm>>, %arg9: memref<10112x128xf32, #tpu.memory_space<vmem_shared>>, %arg10: memref<8x128xi32, #tpu.memory_space<vmem>>, %arg11: memref<8x128xi32, #tpu.memory_space<vmem>>, %arg12: memref<128x128xf32, #tpu.memory_space<vmem>>, %arg13: memref<128x128xf32, #tpu.memory_space<vmem>>, %arg14: memref<!tpu.dma_semaphore, #tpu.memory_space<semaphore_mem>>, %arg15: memref<!tpu.dma_semaphore, #tpu.memory_space<semaphore_mem>>, %arg16: memref<!tpu.dma_semaphore, #tpu.memory_space<semaphore_mem>>, %arg17: memref<!tpu.dma_semaphore, #tpu.memory_space<semaphore_mem>>) attributes {dimension_semantics = [#tpu.dimension_semantics<core_parallel>, #tpu.dimension_semantics<subcore_parallel>], iteration_bounds = array<i64: 2, 16>, scalar_prefetch = 0 : i64, scratch_operands = 9 : i64, tpu.core_type = #tpu.core_type<sc_vector_subcore>, window_params = [{transform_indices = #map}, {transform_indices = #map}, {transform_indices = #map}, {transform_indices = #map}, {transform_indices = #map}, {transform_indices = #map1}, {transform_indices = #map}]} {
    %mul3A = arith.constant 632 : i32
    %mul3A_0 = arith.muli %arg1, %mul3A : i32
    %eq3A = arith.constant 0 : i32
    %eq3A_1 = arith.cmpi eq, %arg0, %eq3A : i32
    %convert_element_type3A = arith.extui %eq3A_1 : i1 to i32
    %cond3A = arith.constant 0 : i32
    %cond3A_2 = arith.cmpi ne, %convert_element_type3A, %cond3A : i32
    scf.if %cond3A_2 {
      "tpu.region"() ({
        %run_scoped3A_15 = tpu.sem_alloc : memref<!tpu.dma_semaphore, #tpu.memory_space<semaphore_mem>>
        %dma_start3A = arith.constant 0 : i32
        %dma_start3A_16 = tpu.memref_slice %arg9[%mul3A_0, %dma_start3A] : memref<10112x128xf32, #tpu.memory_space<vmem_shared>> -> memref<632x128xf32, #tpu.memory_space<vmem_shared>>
        %dma_start3A_17 = arith.constant 0 : i32
        %dma_start3A_18 = tpu.memref_slice %arg7[%mul3A_0, %dma_start3A_17] : memref<10112x128xf32, #tpu.memory_space<hbm>> -> memref<632x128xf32, #tpu.memory_space<hbm>>
        tpu.enqueue_dma source(%dma_start3A_18 : memref<632x128xf32, #tpu.memory_space<hbm>>) target(%dma_start3A_16 : memref<632x128xf32, #tpu.memory_space<vmem_shared>>) target_semaphore(%run_scoped3A_15 : memref<!tpu.dma_semaphore, #tpu.memory_space<semaphore_mem>>)
        %dma_wait3A = arith.constant 0 : i32
        %dma_wait3A_19 = tpu.memref_slice %arg9[%mul3A_0, %dma_wait3A] : memref<10112x128xf32, #tpu.memory_space<vmem_shared>> -> memref<632x128xf32, #tpu.memory_space<vmem_shared>>
        %dma_wait3A_20 = arith.constant 0 : i32
        %dma_wait3A_21 = tpu.memref_slice %arg7[%mul3A_0, %dma_wait3A_20] : memref<10112x128xf32, #tpu.memory_space<hbm>> -> memref<632x128xf32, #tpu.memory_space<hbm>>
        tpu.wait_dma2 semaphore(%run_scoped3A_15 : memref<!tpu.dma_semaphore, #tpu.memory_space<semaphore_mem>>) src(%dma_wait3A_21 : memref<632x128xf32, #tpu.memory_space<hbm>>) dst(%dma_wait3A_19 : memref<632x128xf32, #tpu.memory_space<vmem_shared>>)
        tpu.yield
      }) : () -> ()
      %barrier3A = arith.constant 0 : index
      tpu.barrier barrier_id(%barrier3A)
      %scan3A = arith.constant 0 : i32
      %scan3A_8 = arith.constant 1 : i32
      %scan3A_9 = arith.constant 0 : i32
      %scan3A_10 = arith.constant 20 : i32
      %scan3A_11 = arith.addi %scan3A_9, %scan3A_10 : i32
      %scan3A_12 = arith.constant 1 : i32
      scf.for %scan3A_15 = %scan3A_9 to %scan3A_11 step %scan3A_12  : i32 {
        %mul3A_16 = arith.constant 8 : i32
        %mul3A_17 = arith.muli %scan3A_15, %mul3A_16 : i32
        "tpu.region"() ({
          %run_scoped3A_306 = tpu.sem_alloc : memref<!tpu.dma_semaphore, #tpu.memory_space<semaphore_mem>>
          %dma_start3A_307 = arith.constant 0 : i32
          %dma_start3A_308 = tpu.memref_slice %arg3[%arg1, %mul3A_17, %dma_start3A_307] : memref<16x160x128xi32, #tpu.memory_space<hbm>> -> memref<1x8x128xi32, #tpu.memory_space<hbm>>
          %dma_start3A_309 = tpu.memref_squeeze %dma_start3A_308 : memref<1x8x128xi32, #tpu.memory_space<hbm>> -> memref<8x128xi32, #tpu.memory_space<hbm>>
          %dma_start3A_310 = arith.constant 0 : i32
          %dma_start3A_311 = tpu.memref_slice %arg3[%arg1, %mul3A_17, %dma_start3A_310] : memref<16x160x128xi32, #tpu.memory_space<hbm>> -> memref<1x8x128xi32, #tpu.memory_space<hbm>>
          %dma_start3A_312 = tpu.memref_squeeze %dma_start3A_311 : memref<1x8x128xi32, #tpu.memory_space<hbm>> -> memref<8x128xi32, #tpu.memory_space<hbm>>
          tpu.enqueue_dma source(%dma_start3A_312 : memref<8x128xi32, #tpu.memory_space<hbm>>) target(%arg10 : memref<8x128xi32, #tpu.memory_space<vmem>>) target_semaphore(%run_scoped3A_306 : memref<!tpu.dma_semaphore, #tpu.memory_space<semaphore_mem>>)
          %dma_wait3A_313 = arith.constant 0 : i32
          %dma_wait3A_314 = tpu.memref_slice %arg3[%arg1, %mul3A_17, %dma_wait3A_313] : memref<16x160x128xi32, #tpu.memory_space<hbm>> -> memref<1x8x128xi32, #tpu.memory_space<hbm>>
          %dma_wait3A_315 = tpu.memref_squeeze %dma_wait3A_314 : memref<1x8x128xi32, #tpu.memory_space<hbm>> -> memref<8x128xi32, #tpu.memory_space<hbm>>
          %dma_wait3A_316 = arith.constant 0 : i32
          %dma_wait3A_317 = tpu.memref_slice %arg3[%arg1, %mul3A_17, %dma_wait3A_316] : memref<16x160x128xi32, #tpu.memory_space<hbm>> -> memref<1x8x128xi32, #tpu.memory_space<hbm>>
          %dma_wait3A_318 = tpu.memref_squeeze %dma_wait3A_317 : memref<1x8x128xi32, #tpu.memory_space<hbm>> -> memref<8x128xi32, #tpu.memory_space<hbm>>
          tpu.wait_dma2 semaphore(%run_scoped3A_306 : memref<!tpu.dma_semaphore, #tpu.memory_space<semaphore_mem>>) src(%dma_wait3A_318 : memref<8x128xi32, #tpu.memory_space<hbm>>) dst(%arg10 : memref<8x128xi32, #tpu.memory_space<vmem>>)
          tpu.yield
        }) : () -> ()
        %mul3A_18 = arith.constant 8 : i32
        %mul3A_19 = arith.muli %scan3A_15, %mul3A_18 : i32
        "tpu.region"() ({
          %run_scoped3A_306 = tpu.sem_alloc : memref<!tpu.dma_semaphore, #tpu.memory_space<semaphore_mem>>
          %dma_start3A_307 = arith.constant 0 : i32
          %dma_start3A_308 = tpu.memref_slice %arg4[%arg1, %mul3A_19, %dma_start3A_307] : memref<16x160x128xi32, #tpu.memory_space<hbm>> -> memref<1x8x128xi32, #tpu.memory_space<hbm>>
          %dma_start3A_309 = tpu.memref_squeeze %dma_start3A_308 : memref<1x8x128xi32, #tpu.memory_space<hbm>> -> memref<8x128xi32, #tpu.memory_space<hbm>>
          %dma_start3A_310 = arith.constant 0 : i32
          %dma_start3A_311 = tpu.memref_slice %arg4[%arg1, %mul3A_19, %dma_start3A_310] : memref<16x160x128xi32, #tpu.memory_space<hbm>> -> memref<1x8x128xi32, #tpu.memory_space<hbm>>
          %dma_start3A_312 = tpu.memref_squeeze %dma_start3A_311 : memref<1x8x128xi32, #tpu.memory_space<hbm>> -> memref<8x128xi32, #tpu.memory_space<hbm>>
          tpu.enqueue_dma source(%dma_start3A_312 : memref<8x128xi32, #tpu.memory_space<hbm>>) target(%arg11 : memref<8x128xi32, #tpu.memory_space<vmem>>) target_semaphore(%run_scoped3A_306 : memref<!tpu.dma_semaphore, #tpu.memory_space<semaphore_mem>>)
          %dma_wait3A_313 = arith.constant 0 : i32
          %dma_wait3A_314 = tpu.memref_slice %arg4[%arg1, %mul3A_19, %dma_wait3A_313] : memref<16x160x128xi32, #tpu.memory_space<hbm>> -> memref<1x8x128xi32, #tpu.memory_space<hbm>>
          %dma_wait3A_315 = tpu.memref_squeeze %dma_wait3A_314 : memref<1x8x128xi32, #tpu.memory_space<hbm>> -> memref<8x128xi32, #tpu.memory_space<hbm>>
          %dma_wait3A_316 = arith.constant 0 : i32
          %dma_wait3A_317 = tpu.memref_slice %arg4[%arg1, %mul3A_19, %dma_wait3A_316] : memref<16x160x128xi32, #tpu.memory_space<hbm>> -> memref<1x8x128xi32, #tpu.memory_space<hbm>>
          %dma_wait3A_318 = tpu.memref_squeeze %dma_wait3A_317 : memref<1x8x128xi32, #tpu.memory_space<hbm>> -> memref<8x128xi32, #tpu.memory_space<hbm>>
          tpu.wait_dma2 semaphore(%run_scoped3A_306 : memref<!tpu.dma_semaphore, #tpu.memory_space<semaphore_mem>>) src(%dma_wait3A_318 : memref<8x128xi32, #tpu.memory_space<hbm>>) dst(%arg11 : memref<8x128xi32, #tpu.memory_space<vmem>>)
          tpu.yield
        }) : () -> ()
        %dma_start3A = arith.constant 0 : i32
        %dma_start3A_20 = arith.constant 0 : i32
        %dma_start3A_21 = tpu.memref_slice %arg10[%dma_start3A, %dma_start3A_20] : memref<8x128xi32, #tpu.memory_space<vmem>> -> memref<1x128xi32, #tpu.memory_space<vmem>>
        %dma_start3A_22 = tpu.memref_squeeze %dma_start3A_21 : memref<1x128xi32, #tpu.memory_space<vmem>> -> memref<128xi32, #tpu.memory_space<vmem>>
        %dma_start3A_23 = arith.constant 0 : i32
        %dma_start3A_24 = arith.constant 0 : i32
        %dma_start3A_25 = tpu.memref_slice %arg2[%scan3A_8, %dma_start3A_23, %dma_start3A_24] : memref<2x10112x128xf32, #tpu.memory_space<hbm>> -> memref<1x10112x128xf32, #tpu.memory_space<hbm>>
        %dma_start3A_26 = tpu.memref_squeeze %dma_start3A_25 : memref<1x10112x128xf32, #tpu.memory_space<hbm>> -> memref<10112x128xf32, #tpu.memory_space<hbm>>
        %dma_start3A_27 = arith.constant 0 : i32
        %dma_start3A_28 = arith.constant 0 : i32
        %dma_start3A_29 = tpu.memref_slice %dma_start3A_26[%dma_start3A_27, %dma_start3A_28] : memref<10112x128xf32, #tpu.memory_space<hbm>> -> memref<10112x128xf32, #tpu.memory_space<hbm>>
        tpu.enqueue_indirect_dma source(%dma_start3A_29 : memref<10112x128xf32, #tpu.memory_space<hbm>>) target(%arg12 : memref<128x128xf32, #tpu.memory_space<vmem>>) offsets(%dma_start3A_22 : memref<128xi32, #tpu.memory_space<vmem>>) semaphore(%arg14 : memref<!tpu.dma_semaphore, #tpu.memory_space<semaphore_mem>>)
        %dma_start3A_30 = arith.constant 1 : i32
        %dma_start3A_31 = arith.constant 0 : i32
        %dma_start3A_32 = tpu.memref_slice %arg10[%dma_start3A_30, %dma_start3A_31] : memref<8x128xi32, #tpu.memory_space<vmem>> -> memref<1x128xi32, #tpu.memory_space<vmem>>
        %dma_start3A_33 = tpu.memref_squeeze %dma_start3A_32 : memref<1x128xi32, #tpu.memory_space<vmem>> -> memref<128xi32, #tpu.memory_space<vmem>>
        %dma_start3A_34 = arith.constant 0 : i32
        %dma_start3A_35 = arith.constant 0 : i32
        %dma_start3A_36 = tpu.memref_slice %arg2[%scan3A_8, %dma_start3A_34, %dma_start3A_35] : memref<2x10112x128xf32, #tpu.memory_space<hbm>> -> memref<1x10112x128xf32, #tpu.memory_space<hbm>>
        %dma_start3A_37 = tpu.memref_squeeze %dma_start3A_36 : memref<1x10112x128xf32, #tpu.memory_space<hbm>> -> memref<10112x128xf32, #tpu.memory_space<hbm>>
        %dma_start3A_38 = arith.constant 0 : i32
        %dma_start3A_39 = arith.constant 0 : i32
        %dma_start3A_40 = tpu.memref_slice %dma_start3A_37[%dma_start3A_38, %dma_start3A_39] : memref<10112x128xf32, #tpu.memory_space<hbm>> -> memref<10112x128xf32, #tpu.memory_space<hbm>>
        tpu.enqueue_indirect_dma source(%dma_start3A_40 : memref<10112x128xf32, #tpu.memory_space<hbm>>) target(%arg13 : memref<128x128xf32, #tpu.memory_space<vmem>>) offsets(%dma_start3A_33 : memref<128xi32, #tpu.memory_space<vmem>>) semaphore(%arg15 : memref<!tpu.dma_semaphore, #tpu.memory_space<semaphore_mem>>)
        %dma_wait3A = arith.constant 0 : i32
        %dma_wait3A_41 = arith.constant 0 : i32
        %dma_wait3A_42 = tpu.memref_slice %arg10[%dma_wait3A, %dma_wait3A_41] : memref<8x128xi32, #tpu.memory_space<vmem>> -> memref<1x128xi32, #tpu.memory_space<vmem>>
        %dma_wait3A_43 = tpu.memref_squeeze %dma_wait3A_42 : memref<1x128xi32, #tpu.memory_space<vmem>> -> memref<128xi32, #tpu.memory_space<vmem>>
        %dma_wait3A_44 = arith.constant 0 : i32
        %dma_wait3A_45 = arith.constant 0 : i32
        %dma_wait3A_46 = tpu.memref_slice %arg2[%scan3A_8, %dma_wait3A_44, %dma_wait3A_45] : memref<2x10112x128xf32, #tpu.memory_space<hbm>> -> memref<1x10112x128xf32, #tpu.memory_space<hbm>>
        %dma_wait3A_47 = tpu.memref_squeeze %dma_wait3A_46 : memref<1x10112x128xf32, #tpu.memory_space<hbm>> -> memref<10112x128xf32, #tpu.memory_space<hbm>>
        %dma_wait3A_48 = arith.constant 0 : i32
        %dma_wait3A_49 = arith.constant 0 : i32
        %dma_wait3A_50 = tpu.memref_slice %dma_wait3A_47[%dma_wait3A_48, %dma_wait3A_49] : memref<10112x128xf32, #tpu.memory_space<hbm>> -> memref<10112x128xf32, #tpu.memory_space<hbm>>
        tpu.wait_indirect_dma semaphore(%arg14 : memref<!tpu.dma_semaphore, #tpu.memory_space<semaphore_mem>>) src(%dma_wait3A_50 : memref<10112x128xf32, #tpu.memory_space<hbm>>) dst(%arg12 : memref<128x128xf32, #tpu.memory_space<vmem>>)
        %dma_start3A_51 = arith.constant 0 : i32
        %dma_start3A_52 = arith.constant 0 : i32
        %dma_start3A_53 = tpu.memref_slice %arg11[%dma_start3A_51, %dma_start3A_52] : memref<8x128xi32, #tpu.memory_space<vmem>> -> memref<1x128xi32, #tpu.memory_space<vmem>>
        %dma_start3A_54 = tpu.memref_squeeze %dma_start3A_53 : memref<1x128xi32, #tpu.memory_space<vmem>> -> memref<128xi32, #tpu.memory_space<vmem>>
        %dma_start3A_55 = arith.constant 0 : i32
        %dma_start3A_56 = arith.constant 0 : i32
        %dma_start3A_57 = tpu.memref_slice %arg9[%dma_start3A_55, %dma_start3A_56] : memref<10112x128xf32, #tpu.memory_space<vmem_shared>> -> memref<10112x128xf32, #tpu.memory_space<vmem_shared>>
        tpu.enqueue_indirect_dma source(%arg12 : memref<128x128xf32, #tpu.memory_space<vmem>>) target(%dma_start3A_57 : memref<10112x128xf32, #tpu.memory_space<vmem_shared>>) offsets(%dma_start3A_54 : memref<128xi32, #tpu.memory_space<vmem>>) semaphore(%arg16 : memref<!tpu.dma_semaphore, #tpu.memory_space<semaphore_mem>>) {add = true}
        %dma_wait3A_58 = arith.constant 0 : i32
        %dma_wait3A_59 = arith.constant 0 : i32
        %dma_wait3A_60 = tpu.memref_slice %arg11[%dma_wait3A_58, %dma_wait3A_59] : memref<8x128xi32, #tpu.memory_space<vmem>> -> memref<1x128xi32, #tpu.memory_space<vmem>>
        %dma_wait3A_61 = tpu.memref_squeeze %dma_wait3A_60 : memref<1x128xi32, #tpu.memory_space<vmem>> -> memref<128xi32, #tpu.memory_space<vmem>>
        %dma_wait3A_62 = arith.constant 0 : i32
        %dma_wait3A_63 = arith.constant 0 : i32
        %dma_wait3A_64 = tpu.memref_slice %arg9[%dma_wait3A_62, %dma_wait3A_63] : memref<10112x128xf32, #tpu.memory_space<vmem_shared>> -> memref<10112x128xf32, #tpu.memory_space<vmem_shared>>
        tpu.wait_indirect_dma semaphore(%arg16 : memref<!tpu.dma_semaphore, #tpu.memory_space<semaphore_mem>>) src(%arg12 : memref<128x128xf32, #tpu.memory_space<vmem>>) dst(%dma_wait3A_64 : memref<10112x128xf32, #tpu.memory_space<vmem_shared>>)
        %dma_start3A_65 = arith.constant 2 : i32
        %dma_start3A_66 = arith.constant 0 : i32
        %dma_start3A_67 = tpu.memref_slice %arg10[%dma_start3A_65, %dma_start3A_66] : memref<8x128xi32, #tpu.memory_space<vmem>> -> memref<1x128xi32, #tpu.memory_space<vmem>>
        %dma_start3A_68 = tpu.memref_squeeze %dma_start3A_67 : memref<1x128xi32, #tpu.memory_space<vmem>> -> memref<128xi32, #tpu.memory_space<vmem>>
        %dma_start3A_69 = arith.constant 0 : i32
        %dma_start3A_70 = arith.constant 0 : i32
        %dma_start3A_71 = tpu.memref_slice %arg2[%scan3A_8, %dma_start3A_69, %dma_start3A_70] : memref<2x10112x128xf32, #tpu.memory_space<hbm>> -> memref<1x10112x128xf32, #tpu.memory_space<hbm>>
        %dma_start3A_72 = tpu.memref_squeeze %dma_start3A_71 : memref<1x10112x128xf32, #tpu.memory_space<hbm>> -> memref<10112x128xf32, #tpu.memory_space<hbm>>
        %dma_start3A_73 = arith.constant 0 : i32
        %dma_start3A_74 = arith.constant 0 : i32
        %dma_start3A_75 = tpu.memref_slice %dma_start3A_72[%dma_start3A_73, %dma_start3A_74] : memref<10112x128xf32, #tpu.memory_space<hbm>> -> memref<10112x128xf32, #tpu.memory_space<hbm>>
        tpu.enqueue_indirect_dma source(%dma_start3A_75 : memref<10112x128xf32, #tpu.memory_space<hbm>>) target(%arg12 : memref<128x128xf32, #tpu.memory_space<vmem>>) offsets(%dma_start3A_68 : memref<128xi32, #tpu.memory_space<vmem>>) semaphore(%arg14 : memref<!tpu.dma_semaphore, #tpu.memory_space<semaphore_mem>>)
        %dma_wait3A_76 = arith.constant 1 : i32
        %dma_wait3A_77 = arith.constant 0 : i32
        %dma_wait3A_78 = tpu.memref_slice %arg10[%dma_wait3A_76, %dma_wait3A_77] : memref<8x128xi32, #tpu.memory_space<vmem>> -> memref<1x128xi32, #tpu.memory_space<vmem>>
        %dma_wait3A_79 = tpu.memref_squeeze %dma_wait3A_78 : memref<1x128xi32, #tpu.memory_space<vmem>> -> memref<128xi32, #tpu.memory_space<vmem>>
        %dma_wait3A_80 = arith.constant 0 : i32
        %dma_wait3A_81 = arith.constant 0 : i32
        %dma_wait3A_82 = tpu.memref_slice %arg2[%scan3A_8, %dma_wait3A_80, %dma_wait3A_81] : memref<2x10112x128xf32, #tpu.memory_space<hbm>> -> memref<1x10112x128xf32, #tpu.memory_space<hbm>>
        %dma_wait3A_83 = tpu.memref_squeeze %dma_wait3A_82 : memref<1x10112x128xf32, #tpu.memory_space<hbm>> -> memref<10112x128xf32, #tpu.memory_space<hbm>>
        %dma_wait3A_84 = arith.constant 0 : i32
        %dma_wait3A_85 = arith.constant 0 : i32
        %dma_wait3A_86 = tpu.memref_slice %dma_wait3A_83[%dma_wait3A_84, %dma_wait3A_85] : memref<10112x128xf32, #tpu.memory_space<hbm>> -> memref<10112x128xf32, #tpu.memory_space<hbm>>
        tpu.wait_indirect_dma semaphore(%arg15 : memref<!tpu.dma_semaphore, #tpu.memory_space<semaphore_mem>>) src(%dma_wait3A_86 : memref<10112x128xf32, #tpu.memory_space<hbm>>) dst(%arg13 : memref<128x128xf32, #tpu.memory_space<vmem>>)
        %dma_start3A_87 = arith.constant 1 : i32
        %dma_start3A_88 = arith.constant 0 : i32
        %dma_start3A_89 = tpu.memref_slice %arg11[%dma_start3A_87, %dma_start3A_88] : memref<8x128xi32, #tpu.memory_space<vmem>> -> memref<1x128xi32, #tpu.memory_space<vmem>>
        %dma_start3A_90 = tpu.memref_squeeze %dma_start3A_89 : memref<1x128xi32, #tpu.memory_space<vmem>> -> memref<128xi32, #tpu.memory_space<vmem>>
        %dma_start3A_91 = arith.constant 0 : i32
        %dma_start3A_92 = arith.constant 0 : i32
        %dma_start3A_93 = tpu.memref_slice %arg9[%dma_start3A_91, %dma_start3A_92] : memref<10112x128xf32, #tpu.memory_space<vmem_shared>> -> memref<10112x128xf32, #tpu.memory_space<vmem_shared>>
        tpu.enqueue_indirect_dma source(%arg13 : memref<128x128xf32, #tpu.memory_space<vmem>>) target(%dma_start3A_93 : memref<10112x128xf32, #tpu.memory_space<vmem_shared>>) offsets(%dma_start3A_90 : memref<128xi32, #tpu.memory_space<vmem>>) semaphore(%arg17 : memref<!tpu.dma_semaphore, #tpu.memory_space<semaphore_mem>>) {add = true}
        %dma_wait3A_94 = arith.constant 1 : i32
        %dma_wait3A_95 = arith.constant 0 : i32
        %dma_wait3A_96 = tpu.memref_slice %arg11[%dma_wait3A_94, %dma_wait3A_95] : memref<8x128xi32, #tpu.memory_space<vmem>> -> memref<1x128xi32, #tpu.memory_space<vmem>>
        %dma_wait3A_97 = tpu.memref_squeeze %dma_wait3A_96 : memref<1x128xi32, #tpu.memory_space<vmem>> -> memref<128xi32, #tpu.memory_space<vmem>>
        %dma_wait3A_98 = arith.constant 0 : i32
        %dma_wait3A_99 = arith.constant 0 : i32
        %dma_wait3A_100 = tpu.memref_slice %arg9[%dma_wait3A_98, %dma_wait3A_99] : memref<10112x128xf32, #tpu.memory_space<vmem_shared>> -> memref<10112x128xf32, #tpu.memory_space<vmem_shared>>
        tpu.wait_indirect_dma semaphore(%arg17 : memref<!tpu.dma_semaphore, #tpu.memory_space<semaphore_mem>>) src(%arg13 : memref<128x128xf32, #tpu.memory_space<vmem>>) dst(%dma_wait3A_100 : memref<10112x128xf32, #tpu.memory_space<vmem_shared>>)
        %dma_start3A_101 = arith.constant 3 : i32
        %dma_start3A_102 = arith.constant 0 : i32
        %dma_start3A_103 = tpu.memref_slice %arg10[%dma_start3A_101, %dma_start3A_102] : memref<8x128xi32, #tpu.memory_space<vmem>> -> memref<1x128xi32, #tpu.memory_space<vmem>>
        %dma_start3A_104 = tpu.memref_squeeze %dma_start3A_103 : memref<1x128xi32, #tpu.memory_space<vmem>> -> memref<128xi32, #tpu.memory_space<vmem>>
        %dma_start3A_105 = arith.constant 0 : i32
        %dma_start3A_106 = arith.constant 0 : i32
        %dma_start3A_107 = tpu.memref_slice %arg2[%scan3A_8, %dma_start3A_105, %dma_start3A_106] : memref<2x10112x128xf32, #tpu.memory_space<hbm>> -> memref<1x10112x128xf32, #tpu.memory_space<hbm>>
        %dma_start3A_108 = tpu.memref_squeeze %dma_start3A_107 : memref<1x10112x128xf32, #tpu.memory_space<hbm>> -> memref<10112x128xf32, #tpu.memory_space<hbm>>
        %dma_start3A_109 = arith.constant 0 : i32
        %dma_start3A_110 = arith.constant 0 : i32
        %dma_start3A_111 = tpu.memref_slice %dma_start3A_108[%dma_start3A_109, %dma_start3A_110] : memref<10112x128xf32, #tpu.memory_space<hbm>> -> memref<10112x128xf32, #tpu.memory_space<hbm>>
        tpu.enqueue_indirect_dma source(%dma_start3A_111 : memref<10112x128xf32, #tpu.memory_space<hbm>>) target(%arg13 : memref<128x128xf32, #tpu.memory_space<vmem>>) offsets(%dma_start3A_104 : memref<128xi32, #tpu.memory_space<vmem>>) semaphore(%arg15 : memref<!tpu.dma_semaphore, #tpu.memory_space<semaphore_mem>>)
        %dma_wait3A_112 = arith.constant 2 : i32
        %dma_wait3A_113 = arith.constant 0 : i32
        %dma_wait3A_114 = tpu.memref_slice %arg10[%dma_wait3A_112, %dma_wait3A_113] : memref<8x128xi32, #tpu.memory_space<vmem>> -> memref<1x128xi32, #tpu.memory_space<vmem>>
        %dma_wait3A_115 = tpu.memref_squeeze %dma_wait3A_114 : memref<1x128xi32, #tpu.memory_space<vmem>> -> memref<128xi32, #tpu.memory_space<vmem>>
        %dma_wait3A_116 = arith.constant 0 : i32
        %dma_wait3A_117 = arith.constant 0 : i32
        %dma_wait3A_118 = tpu.memref_slice %arg2[%scan3A_8, %dma_wait3A_116, %dma_wait3A_117] : memref<2x10112x128xf32, #tpu.memory_space<hbm>> -> memref<1x10112x128xf32, #tpu.memory_space<hbm>>
        %dma_wait3A_119 = tpu.memref_squeeze %dma_wait3A_118 : memref<1x10112x128xf32, #tpu.memory_space<hbm>> -> memref<10112x128xf32, #tpu.memory_space<hbm>>
        %dma_wait3A_120 = arith.constant 0 : i32
        %dma_wait3A_121 = arith.constant 0 : i32
        %dma_wait3A_122 = tpu.memref_slice %dma_wait3A_119[%dma_wait3A_120, %dma_wait3A_121] : memref<10112x128xf32, #tpu.memory_space<hbm>> -> memref<10112x128xf32, #tpu.memory_space<hbm>>
        tpu.wait_indirect_dma semaphore(%arg14 : memref<!tpu.dma_semaphore, #tpu.memory_space<semaphore_mem>>) src(%dma_wait3A_122 : memref<10112x128xf32, #tpu.memory_space<hbm>>) dst(%arg12 : memref<128x128xf32, #tpu.memory_space<vmem>>)
        %dma_start3A_123 = arith.constant 2 : i32
        %dma_start3A_124 = arith.constant 0 : i32
        %dma_start3A_125 = tpu.memref_slice %arg11[%dma_start3A_123, %dma_start3A_124] : memref<8x128xi32, #tpu.memory_space<vmem>> -> memref<1x128xi32, #tpu.memory_space<vmem>>
        %dma_start3A_126 = tpu.memref_squeeze %dma_start3A_125 : memref<1x128xi32, #tpu.memory_space<vmem>> -> memref<128xi32, #tpu.memory_space<vmem>>
        %dma_start3A_127 = arith.constant 0 : i32
        %dma_start3A_128 = arith.constant 0 : i32
        %dma_start3A_129 = tpu.memref_slice %arg9[%dma_start3A_127, %dma_start3A_128] : memref<10112x128xf32, #tpu.memory_space<vmem_shared>> -> memref<10112x128xf32, #tpu.memory_space<vmem_shared>>
        tpu.enqueue_indirect_dma source(%arg12 : memref<128x128xf32, #tpu.memory_space<vmem>>) target(%dma_start3A_129 : memref<10112x128xf32, #tpu.memory_space<vmem_shared>>) offsets(%dma_start3A_126 : memref<128xi32, #tpu.memory_space<vmem>>) semaphore(%arg16 : memref<!tpu.dma_semaphore, #tpu.memory_space<semaphore_mem>>) {add = true}
        %dma_wait3A_130 = arith.constant 2 : i32
        %dma_wait3A_131 = arith.constant 0 : i32
        %dma_wait3A_132 = tpu.memref_slice %arg11[%dma_wait3A_130, %dma_wait3A_131] : memref<8x128xi32, #tpu.memory_space<vmem>> -> memref<1x128xi32, #tpu.memory_space<vmem>>
        %dma_wait3A_133 = tpu.memref_squeeze %dma_wait3A_132 : memref<1x128xi32, #tpu.memory_space<vmem>> -> memref<128xi32, #tpu.memory_space<vmem>>
        %dma_wait3A_134 = arith.constant 0 : i32
        %dma_wait3A_135 = arith.constant 0 : i32
        %dma_wait3A_136 = tpu.memref_slice %arg9[%dma_wait3A_134, %dma_wait3A_135] : memref<10112x128xf32, #tpu.memory_space<vmem_shared>> -> memref<10112x128xf32, #tpu.memory_space<vmem_shared>>
        tpu.wait_indirect_dma semaphore(%arg16 : memref<!tpu.dma_semaphore, #tpu.memory_space<semaphore_mem>>) src(%arg12 : memref<128x128xf32, #tpu.memory_space<vmem>>) dst(%dma_wait3A_136 : memref<10112x128xf32, #tpu.memory_space<vmem_shared>>)
        %dma_start3A_137 = arith.constant 4 : i32
        %dma_start3A_138 = arith.constant 0 : i32
        %dma_start3A_139 = tpu.memref_slice %arg10[%dma_start3A_137, %dma_start3A_138] : memref<8x128xi32, #tpu.memory_space<vmem>> -> memref<1x128xi32, #tpu.memory_space<vmem>>
        %dma_start3A_140 = tpu.memref_squeeze %dma_start3A_139 : memref<1x128xi32, #tpu.memory_space<vmem>> -> memref<128xi32, #tpu.memory_space<vmem>>
        %dma_start3A_141 = arith.constant 0 : i32
        %dma_start3A_142 = arith.constant 0 : i32
        %dma_start3A_143 = tpu.memref_slice %arg2[%scan3A_8, %dma_start3A_141, %dma_start3A_142] : memref<2x10112x128xf32, #tpu.memory_space<hbm>> -> memref<1x10112x128xf32, #tpu.memory_space<hbm>>
        %dma_start3A_144 = tpu.memref_squeeze %dma_start3A_143 : memref<1x10112x128xf32, #tpu.memory_space<hbm>> -> memref<10112x128xf32, #tpu.memory_space<hbm>>
        %dma_start3A_145 = arith.constant 0 : i32
        %dma_start3A_146 = arith.constant 0 : i32
        %dma_start3A_147 = tpu.memref_slice %dma_start3A_144[%dma_start3A_145, %dma_start3A_146] : memref<10112x128xf32, #tpu.memory_space<hbm>> -> memref<10112x128xf32, #tpu.memory_space<hbm>>
        tpu.enqueue_indirect_dma source(%dma_start3A_147 : memref<10112x128xf32, #tpu.memory_space<hbm>>) target(%arg12 : memref<128x128xf32, #tpu.memory_space<vmem>>) offsets(%dma_start3A_140 : memref<128xi32, #tpu.memory_space<vmem>>) semaphore(%arg14 : memref<!tpu.dma_semaphore, #tpu.memory_space<semaphore_mem>>)
        %dma_wait3A_148 = arith.constant 3 : i32
        %dma_wait3A_149 = arith.constant 0 : i32
        %dma_wait3A_150 = tpu.memref_slice %arg10[%dma_wait3A_148, %dma_wait3A_149] : memref<8x128xi32, #tpu.memory_space<vmem>> -> memref<1x128xi32, #tpu.memory_space<vmem>>
        %dma_wait3A_151 = tpu.memref_squeeze %dma_wait3A_150 : memref<1x128xi32, #tpu.memory_space<vmem>> -> memref<128xi32, #tpu.memory_space<vmem>>
        %dma_wait3A_152 = arith.constant 0 : i32
        %dma_wait3A_153 = arith.constant 0 : i32
        %dma_wait3A_154 = tpu.memref_slice %arg2[%scan3A_8, %dma_wait3A_152, %dma_wait3A_153] : memref<2x10112x128xf32, #tpu.memory_space<hbm>> -> memref<1x10112x128xf32, #tpu.memory_space<hbm>>
        %dma_wait3A_155 = tpu.memref_squeeze %dma_wait3A_154 : memref<1x10112x128xf32, #tpu.memory_space<hbm>> -> memref<10112x128xf32, #tpu.memory_space<hbm>>
        %dma_wait3A_156 = arith.constant 0 : i32
        %dma_wait3A_157 = arith.constant 0 : i32
        %dma_wait3A_158 = tpu.memref_slice %dma_wait3A_155[%dma_wait3A_156, %dma_wait3A_157] : memref<10112x128xf32, #tpu.memory_space<hbm>> -> memref<10112x128xf32, #tpu.memory_space<hbm>>
        tpu.wait_indirect_dma semaphore(%arg15 : memref<!tpu.dma_semaphore, #tpu.memory_space<semaphore_mem>>) src(%dma_wait3A_158 : memref<10112x128xf32, #tpu.memory_space<hbm>>) dst(%arg13 : memref<128x128xf32, #tpu.memory_space<vmem>>)
        %dma_start3A_159 = arith.constant 3 : i32
        %dma_start3A_160 = arith.constant 0 : i32
        %dma_start3A_161 = tpu.memref_slice %arg11[%dma_start3A_159, %dma_start3A_160] : memref<8x128xi32, #tpu.memory_space<vmem>> -> memref<1x128xi32, #tpu.memory_space<vmem>>
        %dma_start3A_162 = tpu.memref_squeeze %dma_start3A_161 : memref<1x128xi32, #tpu.memory_space<vmem>> -> memref<128xi32, #tpu.memory_space<vmem>>
        %dma_start3A_163 = arith.constant 0 : i32
        %dma_start3A_164 = arith.constant 0 : i32
        %dma_start3A_165 = tpu.memref_slice %arg9[%dma_start3A_163, %dma_start3A_164] : memref<10112x128xf32, #tpu.memory_space<vmem_shared>> -> memref<10112x128xf32, #tpu.memory_space<vmem_shared>>
        tpu.enqueue_indirect_dma source(%arg13 : memref<128x128xf32, #tpu.memory_space<vmem>>) target(%dma_start3A_165 : memref<10112x128xf32, #tpu.memory_space<vmem_shared>>) offsets(%dma_start3A_162 : memref<128xi32, #tpu.memory_space<vmem>>) semaphore(%arg17 : memref<!tpu.dma_semaphore, #tpu.memory_space<semaphore_mem>>) {add = true}
        %dma_wait3A_166 = arith.constant 3 : i32
        %dma_wait3A_167 = arith.constant 0 : i32
        %dma_wait3A_168 = tpu.memref_slice %arg11[%dma_wait3A_166, %dma_wait3A_167] : memref<8x128xi32, #tpu.memory_space<vmem>> -> memref<1x128xi32, #tpu.memory_space<vmem>>
        %dma_wait3A_169 = tpu.memref_squeeze %dma_wait3A_168 : memref<1x128xi32, #tpu.memory_space<vmem>> -> memref<128xi32, #tpu.memory_space<vmem>>
        %dma_wait3A_170 = arith.constant 0 : i32
        %dma_wait3A_171 = arith.constant 0 : i32
        %dma_wait3A_172 = tpu.memref_slice %arg9[%dma_wait3A_170, %dma_wait3A_171] : memref<10112x128xf32, #tpu.memory_space<vmem_shared>> -> memref<10112x128xf32, #tpu.memory_space<vmem_shared>>
        tpu.wait_indirect_dma semaphore(%arg17 : memref<!tpu.dma_semaphore, #tpu.memory_space<semaphore_mem>>) src(%arg13 : memref<128x128xf32, #tpu.memory_space<vmem>>) dst(%dma_wait3A_172 : memref<10112x128xf32, #tpu.memory_space<vmem_shared>>)
        %dma_start3A_173 = arith.constant 5 : i32
        %dma_start3A_174 = arith.constant 0 : i32
        %dma_start3A_175 = tpu.memref_slice %arg10[%dma_start3A_173, %dma_start3A_174] : memref<8x128xi32, #tpu.memory_space<vmem>> -> memref<1x128xi32, #tpu.memory_space<vmem>>
        %dma_start3A_176 = tpu.memref_squeeze %dma_start3A_175 : memref<1x128xi32, #tpu.memory_space<vmem>> -> memref<128xi32, #tpu.memory_space<vmem>>
        %dma_start3A_177 = arith.constant 0 : i32
        %dma_start3A_178 = arith.constant 0 : i32
        %dma_start3A_179 = tpu.memref_slice %arg2[%scan3A_8, %dma_start3A_177, %dma_start3A_178] : memref<2x10112x128xf32, #tpu.memory_space<hbm>> -> memref<1x10112x128xf32, #tpu.memory_space<hbm>>
        %dma_start3A_180 = tpu.memref_squeeze %dma_start3A_179 : memref<1x10112x128xf32, #tpu.memory_space<hbm>> -> memref<10112x128xf32, #tpu.memory_space<hbm>>
        %dma_start3A_181 = arith.constant 0 : i32
        %dma_start3A_182 = arith.constant 0 : i32
        %dma_start3A_183 = tpu.memref_slice %dma_start3A_180[%dma_start3A_181, %dma_start3A_182] : memref<10112x128xf32, #tpu.memory_space<hbm>> -> memref<10112x128xf32, #tpu.memory_space<hbm>>
        tpu.enqueue_indirect_dma source(%dma_start3A_183 : memref<10112x128xf32, #tpu.memory_space<hbm>>) target(%arg13 : memref<128x128xf32, #tpu.memory_space<vmem>>) offsets(%dma_start3A_176 : memref<128xi32, #tpu.memory_space<vmem>>) semaphore(%arg15 : memref<!tpu.dma_semaphore, #tpu.memory_space<semaphore_mem>>)
        %dma_wait3A_184 = arith.constant 4 : i32
        %dma_wait3A_185 = arith.constant 0 : i32
        %dma_wait3A_186 = tpu.memref_slice %arg10[%dma_wait3A_184, %dma_wait3A_185] : memref<8x128xi32, #tpu.memory_space<vmem>> -> memref<1x128xi32, #tpu.memory_space<vmem>>
        %dma_wait3A_187 = tpu.memref_squeeze %dma_wait3A_186 : memref<1x128xi32, #tpu.memory_space<vmem>> -> memref<128xi32, #tpu.memory_space<vmem>>
        %dma_wait3A_188 = arith.constant 0 : i32
        %dma_wait3A_189 = arith.constant 0 : i32
        %dma_wait3A_190 = tpu.memref_slice %arg2[%scan3A_8, %dma_wait3A_188, %dma_wait3A_189] : memref<2x10112x128xf32, #tpu.memory_space<hbm>> -> memref<1x10112x128xf32, #tpu.memory_space<hbm>>
        %dma_wait3A_191 = tpu.memref_squeeze %dma_wait3A_190 : memref<1x10112x128xf32, #tpu.memory_space<hbm>> -> memref<10112x128xf32, #tpu.memory_space<hbm>>
        %dma_wait3A_192 = arith.constant 0 : i32
        %dma_wait3A_193 = arith.constant 0 : i32
        %dma_wait3A_194 = tpu.memref_slice %dma_wait3A_191[%dma_wait3A_192, %dma_wait3A_193] : memref<10112x128xf32, #tpu.memory_space<hbm>> -> memref<10112x128xf32, #tpu.memory_space<hbm>>
        tpu.wait_indirect_dma semaphore(%arg14 : memref<!tpu.dma_semaphore, #tpu.memory_space<semaphore_mem>>) src(%dma_wait3A_194 : memref<10112x128xf32, #tpu.memory_space<hbm>>) dst(%arg12 : memref<128x128xf32, #tpu.memory_space<vmem>>)
        %dma_start3A_195 = arith.constant 4 : i32
        %dma_start3A_196 = arith.constant 0 : i32
        %dma_start3A_197 = tpu.memref_slice %arg11[%dma_start3A_195, %dma_start3A_196] : memref<8x128xi32, #tpu.memory_space<vmem>> -> memref<1x128xi32, #tpu.memory_space<vmem>>
        %dma_start3A_198 = tpu.memref_squeeze %dma_start3A_197 : memref<1x128xi32, #tpu.memory_space<vmem>> -> memref<128xi32, #tpu.memory_space<vmem>>
        %dma_start3A_199 = arith.constant 0 : i32
        %dma_start3A_200 = arith.constant 0 : i32
        %dma_start3A_201 = tpu.memref_slice %arg9[%dma_start3A_199, %dma_start3A_200] : memref<10112x128xf32, #tpu.memory_space<vmem_shared>> -> memref<10112x128xf32, #tpu.memory_space<vmem_shared>>
        tpu.enqueue_indirect_dma source(%arg12 : memref<128x128xf32, #tpu.memory_space<vmem>>) target(%dma_start3A_201 : memref<10112x128xf32, #tpu.memory_space<vmem_shared>>) offsets(%dma_start3A_198 : memref<128xi32, #tpu.memory_space<vmem>>) semaphore(%arg16 : memref<!tpu.dma_semaphore, #tpu.memory_space<semaphore_mem>>) {add = true}
        %dma_wait3A_202 = arith.constant 4 : i32
        %dma_wait3A_203 = arith.constant 0 : i32
        %dma_wait3A_204 = tpu.memref_slice %arg11[%dma_wait3A_202, %dma_wait3A_203] : memref<8x128xi32, #tpu.memory_space<vmem>> -> memref<1x128xi32, #tpu.memory_space<vmem>>
        %dma_wait3A_205 = tpu.memref_squeeze %dma_wait3A_204 : memref<1x128xi32, #tpu.memory_space<vmem>> -> memref<128xi32, #tpu.memory_space<vmem>>
        %dma_wait3A_206 = arith.constant 0 : i32
        %dma_wait3A_207 = arith.constant 0 : i32
        %dma_wait3A_208 = tpu.memref_slice %arg9[%dma_wait3A_206, %dma_wait3A_207] : memref<10112x128xf32, #tpu.memory_space<vmem_shared>> -> memref<10112x128xf32, #tpu.memory_space<vmem_shared>>
        tpu.wait_indirect_dma semaphore(%arg16 : memref<!tpu.dma_semaphore, #tpu.memory_space<semaphore_mem>>) src(%arg12 : memref<128x128xf32, #tpu.memory_space<vmem>>) dst(%dma_wait3A_208 : memref<10112x128xf32, #tpu.memory_space<vmem_shared>>)
        %dma_start3A_209 = arith.constant 6 : i32
        %dma_start3A_210 = arith.constant 0 : i32
        %dma_start3A_211 = tpu.memref_slice %arg10[%dma_start3A_209, %dma_start3A_210] : memref<8x128xi32, #tpu.memory_space<vmem>> -> memref<1x128xi32, #tpu.memory_space<vmem>>
        %dma_start3A_212 = tpu.memref_squeeze %dma_start3A_211 : memref<1x128xi32, #tpu.memory_space<vmem>> -> memref<128xi32, #tpu.memory_space<vmem>>
        %dma_start3A_213 = arith.constant 0 : i32
        %dma_start3A_214 = arith.constant 0 : i32
        %dma_start3A_215 = tpu.memref_slice %arg2[%scan3A_8, %dma_start3A_213, %dma_start3A_214] : memref<2x10112x128xf32, #tpu.memory_space<hbm>> -> memref<1x10112x128xf32, #tpu.memory_space<hbm>>
        %dma_start3A_216 = tpu.memref_squeeze %dma_start3A_215 : memref<1x10112x128xf32, #tpu.memory_space<hbm>> -> memref<10112x128xf32, #tpu.memory_space<hbm>>
        %dma_start3A_217 = arith.constant 0 : i32
        %dma_start3A_218 = arith.constant 0 : i32
        %dma_start3A_219 = tpu.memref_slice %dma_start3A_216[%dma_start3A_217, %dma_start3A_218] : memref<10112x128xf32, #tpu.memory_space<hbm>> -> memref<10112x128xf32, #tpu.memory_space<hbm>>
        tpu.enqueue_indirect_dma source(%dma_start3A_219 : memref<10112x128xf32, #tpu.memory_space<hbm>>) target(%arg12 : memref<128x128xf32, #tpu.memory_space<vmem>>) offsets(%dma_start3A_212 : memref<128xi32, #tpu.memory_space<vmem>>) semaphore(%arg14 : memref<!tpu.dma_semaphore, #tpu.memory_space<semaphore_mem>>)
        %dma_wait3A_220 = arith.constant 5 : i32
        %dma_wait3A_221 = arith.constant 0 : i32
        %dma_wait3A_222 = tpu.memref_slice %arg10[%dma_wait3A_220, %dma_wait3A_221] : memref<8x128xi32, #tpu.memory_space<vmem>> -> memref<1x128xi32, #tpu.memory_space<vmem>>
        %dma_wait3A_223 = tpu.memref_squeeze %dma_wait3A_222 : memref<1x128xi32, #tpu.memory_space<vmem>> -> memref<128xi32, #tpu.memory_space<vmem>>
        %dma_wait3A_224 = arith.constant 0 : i32
        %dma_wait3A_225 = arith.constant 0 : i32
        %dma_wait3A_226 = tpu.memref_slice %arg2[%scan3A_8, %dma_wait3A_224, %dma_wait3A_225] : memref<2x10112x128xf32, #tpu.memory_space<hbm>> -> memref<1x10112x128xf32, #tpu.memory_space<hbm>>
        %dma_wait3A_227 = tpu.memref_squeeze %dma_wait3A_226 : memref<1x10112x128xf32, #tpu.memory_space<hbm>> -> memref<10112x128xf32, #tpu.memory_space<hbm>>
        %dma_wait3A_228 = arith.constant 0 : i32
        %dma_wait3A_229 = arith.constant 0 : i32
        %dma_wait3A_230 = tpu.memref_slice %dma_wait3A_227[%dma_wait3A_228, %dma_wait3A_229] : memref<10112x128xf32, #tpu.memory_space<hbm>> -> memref<10112x128xf32, #tpu.memory_space<hbm>>
        tpu.wait_indirect_dma semaphore(%arg15 : memref<!tpu.dma_semaphore, #tpu.memory_space<semaphore_mem>>) src(%dma_wait3A_230 : memref<10112x128xf32, #tpu.memory_space<hbm>>) dst(%arg13 : memref<128x128xf32, #tpu.memory_space<vmem>>)
        %dma_start3A_231 = arith.constant 5 : i32
        %dma_start3A_232 = arith.constant 0 : i32
        %dma_start3A_233 = tpu.memref_slice %arg11[%dma_start3A_231, %dma_start3A_232] : memref<8x128xi32, #tpu.memory_space<vmem>> -> memref<1x128xi32, #tpu.memory_space<vmem>>
        %dma_start3A_234 = tpu.memref_squeeze %dma_start3A_233 : memref<1x128xi32, #tpu.memory_space<vmem>> -> memref<128xi32, #tpu.memory_space<vmem>>
        %dma_start3A_235 = arith.constant 0 : i32
        %dma_start3A_236 = arith.constant 0 : i32
        %dma_start3A_237 = tpu.memref_slice %arg9[%dma_start3A_235, %dma_start3A_236] : memref<10112x128xf32, #tpu.memory_space<vmem_shared>> -> memref<10112x128xf32, #tpu.memory_space<vmem_shared>>
        tpu.enqueue_indirect_dma source(%arg13 : memref<128x128xf32, #tpu.memory_space<vmem>>) target(%dma_start3A_237 : memref<10112x128xf32, #tpu.memory_space<vmem_shared>>) offsets(%dma_start3A_234 : memref<128xi32, #tpu.memory_space<vmem>>) semaphore(%arg17 : memref<!tpu.dma_semaphore, #tpu.memory_space<semaphore_mem>>) {add = true}
        %dma_wait3A_238 = arith.constant 5 : i32
        %dma_wait3A_239 = arith.constant 0 : i32
        %dma_wait3A_240 = tpu.memref_slice %arg11[%dma_wait3A_238, %dma_wait3A_239] : memref<8x128xi32, #tpu.memory_space<vmem>> -> memref<1x128xi32, #tpu.memory_space<vmem>>
        %dma_wait3A_241 = tpu.memref_squeeze %dma_wait3A_240 : memref<1x128xi32, #tpu.memory_space<vmem>> -> memref<128xi32, #tpu.memory_space<vmem>>
        %dma_wait3A_242 = arith.constant 0 : i32
        %dma_wait3A_243 = arith.constant 0 : i32
        %dma_wait3A_244 = tpu.memref_slice %arg9[%dma_wait3A_242, %dma_wait3A_243] : memref<10112x128xf32, #tpu.memory_space<vmem_shared>> -> memref<10112x128xf32, #tpu.memory_space<vmem_shared>>
        tpu.wait_indirect_dma semaphore(%arg17 : memref<!tpu.dma_semaphore, #tpu.memory_space<semaphore_mem>>) src(%arg13 : memref<128x128xf32, #tpu.memory_space<vmem>>) dst(%dma_wait3A_244 : memref<10112x128xf32, #tpu.memory_space<vmem_shared>>)
        %dma_start3A_245 = arith.constant 7 : i32
        %dma_start3A_246 = arith.constant 0 : i32
        %dma_start3A_247 = tpu.memref_slice %arg10[%dma_start3A_245, %dma_start3A_246] : memref<8x128xi32, #tpu.memory_space<vmem>> -> memref<1x128xi32, #tpu.memory_space<vmem>>
        %dma_start3A_248 = tpu.memref_squeeze %dma_start3A_247 : memref<1x128xi32, #tpu.memory_space<vmem>> -> memref<128xi32, #tpu.memory_space<vmem>>
        %dma_start3A_249 = arith.constant 0 : i32
        %dma_start3A_250 = arith.constant 0 : i32
        %dma_start3A_251 = tpu.memref_slice %arg2[%scan3A_8, %dma_start3A_249, %dma_start3A_250] : memref<2x10112x128xf32, #tpu.memory_space<hbm>> -> memref<1x10112x128xf32, #tpu.memory_space<hbm>>
        %dma_start3A_252 = tpu.memref_squeeze %dma_start3A_251 : memref<1x10112x128xf32, #tpu.memory_space<hbm>> -> memref<10112x128xf32, #tpu.memory_space<hbm>>
        %dma_start3A_253 = arith.constant 0 : i32
        %dma_start3A_254 = arith.constant 0 : i32
        %dma_start3A_255 = tpu.memref_slice %dma_start3A_252[%dma_start3A_253, %dma_start3A_254] : memref<10112x128xf32, #tpu.memory_space<hbm>> -> memref<10112x128xf32, #tpu.memory_space<hbm>>
        tpu.enqueue_indirect_dma source(%dma_start3A_255 : memref<10112x128xf32, #tpu.memory_space<hbm>>) target(%arg13 : memref<128x128xf32, #tpu.memory_space<vmem>>) offsets(%dma_start3A_248 : memref<128xi32, #tpu.memory_space<vmem>>) semaphore(%arg15 : memref<!tpu.dma_semaphore, #tpu.memory_space<semaphore_mem>>)
        %dma_wait3A_256 = arith.constant 6 : i32
        %dma_wait3A_257 = arith.constant 0 : i32
        %dma_wait3A_258 = tpu.memref_slice %arg10[%dma_wait3A_256, %dma_wait3A_257] : memref<8x128xi32, #tpu.memory_space<vmem>> -> memref<1x128xi32, #tpu.memory_space<vmem>>
        %dma_wait3A_259 = tpu.memref_squeeze %dma_wait3A_258 : memref<1x128xi32, #tpu.memory_space<vmem>> -> memref<128xi32, #tpu.memory_space<vmem>>
        %dma_wait3A_260 = arith.constant 0 : i32
        %dma_wait3A_261 = arith.constant 0 : i32
        %dma_wait3A_262 = tpu.memref_slice %arg2[%scan3A_8, %dma_wait3A_260, %dma_wait3A_261] : memref<2x10112x128xf32, #tpu.memory_space<hbm>> -> memref<1x10112x128xf32, #tpu.memory_space<hbm>>
        %dma_wait3A_263 = tpu.memref_squeeze %dma_wait3A_262 : memref<1x10112x128xf32, #tpu.memory_space<hbm>> -> memref<10112x128xf32, #tpu.memory_space<hbm>>
        %dma_wait3A_264 = arith.constant 0 : i32
        %dma_wait3A_265 = arith.constant 0 : i32
        %dma_wait3A_266 = tpu.memref_slice %dma_wait3A_263[%dma_wait3A_264, %dma_wait3A_265] : memref<10112x128xf32, #tpu.memory_space<hbm>> -> memref<10112x128xf32, #tpu.memory_space<hbm>>
        tpu.wait_indirect_dma semaphore(%arg14 : memref<!tpu.dma_semaphore, #tpu.memory_space<semaphore_mem>>) src(%dma_wait3A_266 : memref<10112x128xf32, #tpu.memory_space<hbm>>) dst(%arg12 : memref<128x128xf32, #tpu.memory_space<vmem>>)
        %dma_start3A_267 = arith.constant 6 : i32
        %dma_start3A_268 = arith.constant 0 : i32
        %dma_start3A_269 = tpu.memref_slice %arg11[%dma_start3A_267, %dma_start3A_268] : memref<8x128xi32, #tpu.memory_space<vmem>> -> memref<1x128xi32, #tpu.memory_space<vmem>>
        %dma_start3A_270 = tpu.memref_squeeze %dma_start3A_269 : memref<1x128xi32, #tpu.memory_space<vmem>> -> memref<128xi32, #tpu.memory_space<vmem>>
        %dma_start3A_271 = arith.constant 0 : i32
        %dma_start3A_272 = arith.constant 0 : i32
        %dma_start3A_273 = tpu.memref_slice %arg9[%dma_start3A_271, %dma_start3A_272] : memref<10112x128xf32, #tpu.memory_space<vmem_shared>> -> memref<10112x128xf32, #tpu.memory_space<vmem_shared>>
        tpu.enqueue_indirect_dma source(%arg12 : memref<128x128xf32, #tpu.memory_space<vmem>>) target(%dma_start3A_273 : memref<10112x128xf32, #tpu.memory_space<vmem_shared>>) offsets(%dma_start3A_270 : memref<128xi32, #tpu.memory_space<vmem>>) semaphore(%arg16 : memref<!tpu.dma_semaphore, #tpu.memory_space<semaphore_mem>>) {add = true}
        %dma_wait3A_274 = arith.constant 7 : i32
        %dma_wait3A_275 = arith.constant 0 : i32
        %dma_wait3A_276 = tpu.memref_slice %arg10[%dma_wait3A_274, %dma_wait3A_275] : memref<8x128xi32, #tpu.memory_space<vmem>> -> memref<1x128xi32, #tpu.memory_space<vmem>>
        %dma_wait3A_277 = tpu.memref_squeeze %dma_wait3A_276 : memref<1x128xi32, #tpu.memory_space<vmem>> -> memref<128xi32, #tpu.memory_space<vmem>>
        %dma_wait3A_278 = arith.constant 0 : i32
        %dma_wait3A_279 = arith.constant 0 : i32
        %dma_wait3A_280 = tpu.memref_slice %arg2[%scan3A_8, %dma_wait3A_278, %dma_wait3A_279] : memref<2x10112x128xf32, #tpu.memory_space<hbm>> -> memref<1x10112x128xf32, #tpu.memory_space<hbm>>
        %dma_wait3A_281 = tpu.memref_squeeze %dma_wait3A_280 : memref<1x10112x128xf32, #tpu.memory_space<hbm>> -> memref<10112x128xf32, #tpu.memory_space<hbm>>
        %dma_wait3A_282 = arith.constant 0 : i32
        %dma_wait3A_283 = arith.constant 0 : i32
        %dma_wait3A_284 = tpu.memref_slice %dma_wait3A_281[%dma_wait3A_282, %dma_wait3A_283] : memref<10112x128xf32, #tpu.memory_space<hbm>> -> memref<10112x128xf32, #tpu.memory_space<hbm>>
        tpu.wait_indirect_dma semaphore(%arg15 : memref<!tpu.dma_semaphore, #tpu.memory_space<semaphore_mem>>) src(%dma_wait3A_284 : memref<10112x128xf32, #tpu.memory_space<hbm>>) dst(%arg13 : memref<128x128xf32, #tpu.memory_space<vmem>>)
        %dma_start3A_285 = arith.constant 7 : i32
        %dma_start3A_286 = arith.constant 0 : i32
        %dma_start3A_287 = tpu.memref_slice %arg11[%dma_start3A_285, %dma_start3A_286] : memref<8x128xi32, #tpu.memory_space<vmem>> -> memref<1x128xi32, #tpu.memory_space<vmem>>
        %dma_start3A_288 = tpu.memref_squeeze %dma_start3A_287 : memref<1x128xi32, #tpu.memory_space<vmem>> -> memref<128xi32, #tpu.memory_space<vmem>>
        %dma_start3A_289 = arith.constant 0 : i32
        %dma_start3A_290 = arith.constant 0 : i32
        %dma_start3A_291 = tpu.memref_slice %arg9[%dma_start3A_289, %dma_start3A_290] : memref<10112x128xf32, #tpu.memory_space<vmem_shared>> -> memref<10112x128xf32, #tpu.memory_space<vmem_shared>>
        tpu.enqueue_indirect_dma source(%arg13 : memref<128x128xf32, #tpu.memory_space<vmem>>) target(%dma_start3A_291 : memref<10112x128xf32, #tpu.memory_space<vmem_shared>>) offsets(%dma_start3A_288 : memref<128xi32, #tpu.memory_space<vmem>>) semaphore(%arg17 : memref<!tpu.dma_semaphore, #tpu.memory_space<semaphore_mem>>) {add = true}
        %dma_wait3A_292 = arith.constant 6 : i32
        %dma_wait3A_293 = arith.constant 0 : i32
        %dma_wait3A_294 = tpu.memref_slice %arg11[%dma_wait3A_292, %dma_wait3A_293] : memref<8x128xi32, #tpu.memory_space<vmem>> -> memref<1x128xi32, #tpu.memory_space<vmem>>
        %dma_wait3A_295 = tpu.memref_squeeze %dma_wait3A_294 : memref<1x128xi32, #tpu.memory_space<vmem>> -> memref<128xi32, #tpu.memory_space<vmem>>
        %dma_wait3A_296 = arith.constant 0 : i32
        %dma_wait3A_297 = arith.constant 0 : i32
        %dma_wait3A_298 = tpu.memref_slice %arg9[%dma_wait3A_296, %dma_wait3A_297] : memref<10112x128xf32, #tpu.memory_space<vmem_shared>> -> memref<10112x128xf32, #tpu.memory_space<vmem_shared>>
        tpu.wait_indirect_dma semaphore(%arg16 : memref<!tpu.dma_semaphore, #tpu.memory_space<semaphore_mem>>) src(%arg12 : memref<128x128xf32, #tpu.memory_space<vmem>>) dst(%dma_wait3A_298 : memref<10112x128xf32, #tpu.memory_space<vmem_shared>>)
        %dma_wait3A_299 = arith.constant 7 : i32
        %dma_wait3A_300 = arith.constant 0 : i32
        %dma_wait3A_301 = tpu.memref_slice %arg11[%dma_wait3A_299, %dma_wait3A_300] : memref<8x128xi32, #tpu.memory_space<vmem>> -> memref<1x128xi32, #tpu.memory_space<vmem>>
        %dma_wait3A_302 = tpu.memref_squeeze %dma_wait3A_301 : memref<1x128xi32, #tpu.memory_space<vmem>> -> memref<128xi32, #tpu.memory_space<vmem>>
        %dma_wait3A_303 = arith.constant 0 : i32
        %dma_wait3A_304 = arith.constant 0 : i32
        %dma_wait3A_305 = tpu.memref_slice %arg9[%dma_wait3A_303, %dma_wait3A_304] : memref<10112x128xf32, #tpu.memory_space<vmem_shared>> -> memref<10112x128xf32, #tpu.memory_space<vmem_shared>>
        tpu.wait_indirect_dma semaphore(%arg17 : memref<!tpu.dma_semaphore, #tpu.memory_space<semaphore_mem>>) src(%arg13 : memref<128x128xf32, #tpu.memory_space<vmem>>) dst(%dma_wait3A_305 : memref<10112x128xf32, #tpu.memory_space<vmem_shared>>)
      }
      %scan3A_13 = arith.constant 20 : i32
      %barrier3A_14 = arith.constant 0 : index
      tpu.barrier barrier_id(%barrier3A_14)
      %run_scoped3A = arith.constant 0 : i32
      "tpu.region"() ({
        %run_scoped3A_15 = tpu.sem_alloc : memref<!tpu.dma_semaphore, #tpu.memory_space<semaphore_mem>>
        %dma_start3A = arith.constant 0 : i32
        %dma_start3A_16 = arith.constant 0 : i32
        %dma_start3A_17 = tpu.memref_slice %arg8[%run_scoped3A, %dma_start3A, %dma_start3A_16] : memref<2x10112x128xf32, #tpu.memory_space<hbm>> -> memref<1x10112x128xf32, #tpu.memory_space<hbm>>
        %dma_start3A_18 = tpu.memref_squeeze %dma_start3A_17 : memref<1x10112x128xf32, #tpu.memory_space<hbm>> -> memref<10112x128xf32, #tpu.memory_space<hbm>>
        %dma_start3A_19 = arith.constant 0 : i32
        %dma_start3A_20 = tpu.memref_slice %dma_start3A_18[%mul3A_0, %dma_start3A_19] : memref<10112x128xf32, #tpu.memory_space<hbm>> -> memref<632x128xf32, #tpu.memory_space<hbm>>
        %dma_start3A_21 = arith.constant 0 : i32
        %dma_start3A_22 = tpu.memref_slice %arg9[%mul3A_0, %dma_start3A_21] : memref<10112x128xf32, #tpu.memory_space<vmem_shared>> -> memref<632x128xf32, #tpu.memory_space<vmem_shared>>
        tpu.enqueue_dma source(%dma_start3A_22 : memref<632x128xf32, #tpu.memory_space<vmem_shared>>) target(%dma_start3A_20 : memref<632x128xf32, #tpu.memory_space<hbm>>) target_semaphore(%run_scoped3A_15 : memref<!tpu.dma_semaphore, #tpu.memory_space<semaphore_mem>>)
        %dma_wait3A = arith.constant 0 : i32
        %dma_wait3A_23 = arith.constant 0 : i32
        %dma_wait3A_24 = tpu.memref_slice %arg8[%run_scoped3A, %dma_wait3A, %dma_wait3A_23] : memref<2x10112x128xf32, #tpu.memory_space<hbm>> -> memref<1x10112x128xf32, #tpu.memory_space<hbm>>
        %dma_wait3A_25 = tpu.memref_squeeze %dma_wait3A_24 : memref<1x10112x128xf32, #tpu.memory_space<hbm>> -> memref<10112x128xf32, #tpu.memory_space<hbm>>
        %dma_wait3A_26 = arith.constant 0 : i32
        %dma_wait3A_27 = tpu.memref_slice %dma_wait3A_25[%mul3A_0, %dma_wait3A_26] : memref<10112x128xf32, #tpu.memory_space<hbm>> -> memref<632x128xf32, #tpu.memory_space<hbm>>
        %dma_wait3A_28 = arith.constant 0 : i32
        %dma_wait3A_29 = tpu.memref_slice %arg9[%mul3A_0, %dma_wait3A_28] : memref<10112x128xf32, #tpu.memory_space<vmem_shared>> -> memref<632x128xf32, #tpu.memory_space<vmem_shared>>
        tpu.wait_dma2 semaphore(%run_scoped3A_15 : memref<!tpu.dma_semaphore, #tpu.memory_space<semaphore_mem>>) src(%dma_wait3A_29 : memref<632x128xf32, #tpu.memory_space<vmem_shared>>) dst(%dma_wait3A_27 : memref<632x128xf32, #tpu.memory_space<hbm>>)
        tpu.yield
      }) : () -> ()
    } else {
    }
    %eq3A_3 = arith.constant 1 : i32
    %eq3A_4 = arith.cmpi eq, %arg0, %eq3A_3 : i32
    %convert_element_type3A_5 = arith.extui %eq3A_4 : i1 to i32
    %cond3A_6 = arith.constant 0 : i32
    %cond3A_7 = arith.cmpi ne, %convert_element_type3A_5, %cond3A_6 : i32
    scf.if %cond3A_7 {
      "tpu.region"() ({
        %run_scoped3A_15 = tpu.sem_alloc : memref<!tpu.dma_semaphore, #tpu.memory_space<semaphore_mem>>
        %dma_start3A = arith.constant 0 : i32
        %dma_start3A_16 = tpu.memref_slice %arg9[%mul3A_0, %dma_start3A] : memref<10112x128xf32, #tpu.memory_space<vmem_shared>> -> memref<632x128xf32, #tpu.memory_space<vmem_shared>>
        %dma_start3A_17 = arith.constant 0 : i32
        %dma_start3A_18 = tpu.memref_slice %arg7[%mul3A_0, %dma_start3A_17] : memref<10112x128xf32, #tpu.memory_space<hbm>> -> memref<632x128xf32, #tpu.memory_space<hbm>>
        tpu.enqueue_dma source(%dma_start3A_18 : memref<632x128xf32, #tpu.memory_space<hbm>>) target(%dma_start3A_16 : memref<632x128xf32, #tpu.memory_space<vmem_shared>>) target_semaphore(%run_scoped3A_15 : memref<!tpu.dma_semaphore, #tpu.memory_space<semaphore_mem>>)
        %dma_wait3A = arith.constant 0 : i32
        %dma_wait3A_19 = tpu.memref_slice %arg9[%mul3A_0, %dma_wait3A] : memref<10112x128xf32, #tpu.memory_space<vmem_shared>> -> memref<632x128xf32, #tpu.memory_space<vmem_shared>>
        %dma_wait3A_20 = arith.constant 0 : i32
        %dma_wait3A_21 = tpu.memref_slice %arg7[%mul3A_0, %dma_wait3A_20] : memref<10112x128xf32, #tpu.memory_space<hbm>> -> memref<632x128xf32, #tpu.memory_space<hbm>>
        tpu.wait_dma2 semaphore(%run_scoped3A_15 : memref<!tpu.dma_semaphore, #tpu.memory_space<semaphore_mem>>) src(%dma_wait3A_21 : memref<632x128xf32, #tpu.memory_space<hbm>>) dst(%dma_wait3A_19 : memref<632x128xf32, #tpu.memory_space<vmem_shared>>)
        tpu.yield
      }) : () -> ()
      %barrier3A = arith.constant 0 : index
      tpu.barrier barrier_id(%barrier3A)
      %scan3A = arith.constant 0 : i32
      %scan3A_8 = arith.constant 0 : i32
      %scan3A_9 = arith.constant 0 : i32
      %scan3A_10 = arith.constant 20 : i32
      %scan3A_11 = arith.addi %scan3A_9, %scan3A_10 : i32
      %scan3A_12 = arith.constant 1 : i32
      scf.for %scan3A_15 = %scan3A_9 to %scan3A_11 step %scan3A_12  : i32 {
        %mul3A_16 = arith.constant 8 : i32
        %mul3A_17 = arith.muli %scan3A_15, %mul3A_16 : i32
        "tpu.region"() ({
          %run_scoped3A_306 = tpu.sem_alloc : memref<!tpu.dma_semaphore, #tpu.memory_space<semaphore_mem>>
          %dma_start3A_307 = arith.constant 0 : i32
          %dma_start3A_308 = tpu.memref_slice %arg5[%arg1, %mul3A_17, %dma_start3A_307] : memref<16x160x128xi32, #tpu.memory_space<hbm>> -> memref<1x8x128xi32, #tpu.memory_space<hbm>>
          %dma_start3A_309 = tpu.memref_squeeze %dma_start3A_308 : memref<1x8x128xi32, #tpu.memory_space<hbm>> -> memref<8x128xi32, #tpu.memory_space<hbm>>
          %dma_start3A_310 = arith.constant 0 : i32
          %dma_start3A_311 = tpu.memref_slice %arg5[%arg1, %mul3A_17, %dma_start3A_310] : memref<16x160x128xi32, #tpu.memory_space<hbm>> -> memref<1x8x128xi32, #tpu.memory_space<hbm>>
          %dma_start3A_312 = tpu.memref_squeeze %dma_start3A_311 : memref<1x8x128xi32, #tpu.memory_space<hbm>> -> memref<8x128xi32, #tpu.memory_space<hbm>>
          tpu.enqueue_dma source(%dma_start3A_312 : memref<8x128xi32, #tpu.memory_space<hbm>>) target(%arg10 : memref<8x128xi32, #tpu.memory_space<vmem>>) target_semaphore(%run_scoped3A_306 : memref<!tpu.dma_semaphore, #tpu.memory_space<semaphore_mem>>)
          %dma_wait3A_313 = arith.constant 0 : i32
          %dma_wait3A_314 = tpu.memref_slice %arg5[%arg1, %mul3A_17, %dma_wait3A_313] : memref<16x160x128xi32, #tpu.memory_space<hbm>> -> memref<1x8x128xi32, #tpu.memory_space<hbm>>
          %dma_wait3A_315 = tpu.memref_squeeze %dma_wait3A_314 : memref<1x8x128xi32, #tpu.memory_space<hbm>> -> memref<8x128xi32, #tpu.memory_space<hbm>>
          %dma_wait3A_316 = arith.constant 0 : i32
          %dma_wait3A_317 = tpu.memref_slice %arg5[%arg1, %mul3A_17, %dma_wait3A_316] : memref<16x160x128xi32, #tpu.memory_space<hbm>> -> memref<1x8x128xi32, #tpu.memory_space<hbm>>
          %dma_wait3A_318 = tpu.memref_squeeze %dma_wait3A_317 : memref<1x8x128xi32, #tpu.memory_space<hbm>> -> memref<8x128xi32, #tpu.memory_space<hbm>>
          tpu.wait_dma2 semaphore(%run_scoped3A_306 : memref<!tpu.dma_semaphore, #tpu.memory_space<semaphore_mem>>) src(%dma_wait3A_318 : memref<8x128xi32, #tpu.memory_space<hbm>>) dst(%arg10 : memref<8x128xi32, #tpu.memory_space<vmem>>)
          tpu.yield
        }) : () -> ()
        %mul3A_18 = arith.constant 8 : i32
        %mul3A_19 = arith.muli %scan3A_15, %mul3A_18 : i32
        "tpu.region"() ({
          %run_scoped3A_306 = tpu.sem_alloc : memref<!tpu.dma_semaphore, #tpu.memory_space<semaphore_mem>>
          %dma_start3A_307 = arith.constant 0 : i32
          %dma_start3A_308 = tpu.memref_slice %arg6[%arg1, %mul3A_19, %dma_start3A_307] : memref<16x160x128xi32, #tpu.memory_space<hbm>> -> memref<1x8x128xi32, #tpu.memory_space<hbm>>
          %dma_start3A_309 = tpu.memref_squeeze %dma_start3A_308 : memref<1x8x128xi32, #tpu.memory_space<hbm>> -> memref<8x128xi32, #tpu.memory_space<hbm>>
          %dma_start3A_310 = arith.constant 0 : i32
          %dma_start3A_311 = tpu.memref_slice %arg6[%arg1, %mul3A_19, %dma_start3A_310] : memref<16x160x128xi32, #tpu.memory_space<hbm>> -> memref<1x8x128xi32, #tpu.memory_space<hbm>>
          %dma_start3A_312 = tpu.memref_squeeze %dma_start3A_311 : memref<1x8x128xi32, #tpu.memory_space<hbm>> -> memref<8x128xi32, #tpu.memory_space<hbm>>
          tpu.enqueue_dma source(%dma_start3A_312 : memref<8x128xi32, #tpu.memory_space<hbm>>) target(%arg11 : memref<8x128xi32, #tpu.memory_space<vmem>>) target_semaphore(%run_scoped3A_306 : memref<!tpu.dma_semaphore, #tpu.memory_space<semaphore_mem>>)
          %dma_wait3A_313 = arith.constant 0 : i32
          %dma_wait3A_314 = tpu.memref_slice %arg6[%arg1, %mul3A_19, %dma_wait3A_313] : memref<16x160x128xi32, #tpu.memory_space<hbm>> -> memref<1x8x128xi32, #tpu.memory_space<hbm>>
          %dma_wait3A_315 = tpu.memref_squeeze %dma_wait3A_314 : memref<1x8x128xi32, #tpu.memory_space<hbm>> -> memref<8x128xi32, #tpu.memory_space<hbm>>
          %dma_wait3A_316 = arith.constant 0 : i32
          %dma_wait3A_317 = tpu.memref_slice %arg6[%arg1, %mul3A_19, %dma_wait3A_316] : memref<16x160x128xi32, #tpu.memory_space<hbm>> -> memref<1x8x128xi32, #tpu.memory_space<hbm>>
          %dma_wait3A_318 = tpu.memref_squeeze %dma_wait3A_317 : memref<1x8x128xi32, #tpu.memory_space<hbm>> -> memref<8x128xi32, #tpu.memory_space<hbm>>
          tpu.wait_dma2 semaphore(%run_scoped3A_306 : memref<!tpu.dma_semaphore, #tpu.memory_space<semaphore_mem>>) src(%dma_wait3A_318 : memref<8x128xi32, #tpu.memory_space<hbm>>) dst(%arg11 : memref<8x128xi32, #tpu.memory_space<vmem>>)
          tpu.yield
        }) : () -> ()
        %dma_start3A = arith.constant 0 : i32
        %dma_start3A_20 = arith.constant 0 : i32
        %dma_start3A_21 = tpu.memref_slice %arg10[%dma_start3A, %dma_start3A_20] : memref<8x128xi32, #tpu.memory_space<vmem>> -> memref<1x128xi32, #tpu.memory_space<vmem>>
        %dma_start3A_22 = tpu.memref_squeeze %dma_start3A_21 : memref<1x128xi32, #tpu.memory_space<vmem>> -> memref<128xi32, #tpu.memory_space<vmem>>
        %dma_start3A_23 = arith.constant 0 : i32
        %dma_start3A_24 = arith.constant 0 : i32
        %dma_start3A_25 = tpu.memref_slice %arg2[%scan3A_8, %dma_start3A_23, %dma_start3A_24] : memref<2x10112x128xf32, #tpu.memory_space<hbm>> -> memref<1x10112x128xf32, #tpu.memory_space<hbm>>
        %dma_start3A_26 = tpu.memref_squeeze %dma_start3A_25 : memref<1x10112x128xf32, #tpu.memory_space<hbm>> -> memref<10112x128xf32, #tpu.memory_space<hbm>>
        %dma_start3A_27 = arith.constant 0 : i32
        %dma_start3A_28 = arith.constant 0 : i32
        %dma_start3A_29 = tpu.memref_slice %dma_start3A_26[%dma_start3A_27, %dma_start3A_28] : memref<10112x128xf32, #tpu.memory_space<hbm>> -> memref<10112x128xf32, #tpu.memory_space<hbm>>
        tpu.enqueue_indirect_dma source(%dma_start3A_29 : memref<10112x128xf32, #tpu.memory_space<hbm>>) target(%arg12 : memref<128x128xf32, #tpu.memory_space<vmem>>) offsets(%dma_start3A_22 : memref<128xi32, #tpu.memory_space<vmem>>) semaphore(%arg14 : memref<!tpu.dma_semaphore, #tpu.memory_space<semaphore_mem>>)
        %dma_start3A_30 = arith.constant 1 : i32
        %dma_start3A_31 = arith.constant 0 : i32
        %dma_start3A_32 = tpu.memref_slice %arg10[%dma_start3A_30, %dma_start3A_31] : memref<8x128xi32, #tpu.memory_space<vmem>> -> memref<1x128xi32, #tpu.memory_space<vmem>>
        %dma_start3A_33 = tpu.memref_squeeze %dma_start3A_32 : memref<1x128xi32, #tpu.memory_space<vmem>> -> memref<128xi32, #tpu.memory_space<vmem>>
        %dma_start3A_34 = arith.constant 0 : i32
        %dma_start3A_35 = arith.constant 0 : i32
        %dma_start3A_36 = tpu.memref_slice %arg2[%scan3A_8, %dma_start3A_34, %dma_start3A_35] : memref<2x10112x128xf32, #tpu.memory_space<hbm>> -> memref<1x10112x128xf32, #tpu.memory_space<hbm>>
        %dma_start3A_37 = tpu.memref_squeeze %dma_start3A_36 : memref<1x10112x128xf32, #tpu.memory_space<hbm>> -> memref<10112x128xf32, #tpu.memory_space<hbm>>
        %dma_start3A_38 = arith.constant 0 : i32
        %dma_start3A_39 = arith.constant 0 : i32
        %dma_start3A_40 = tpu.memref_slice %dma_start3A_37[%dma_start3A_38, %dma_start3A_39] : memref<10112x128xf32, #tpu.memory_space<hbm>> -> memref<10112x128xf32, #tpu.memory_space<hbm>>
        tpu.enqueue_indirect_dma source(%dma_start3A_40 : memref<10112x128xf32, #tpu.memory_space<hbm>>) target(%arg13 : memref<128x128xf32, #tpu.memory_space<vmem>>) offsets(%dma_start3A_33 : memref<128xi32, #tpu.memory_space<vmem>>) semaphore(%arg15 : memref<!tpu.dma_semaphore, #tpu.memory_space<semaphore_mem>>)
        %dma_wait3A = arith.constant 0 : i32
        %dma_wait3A_41 = arith.constant 0 : i32
        %dma_wait3A_42 = tpu.memref_slice %arg10[%dma_wait3A, %dma_wait3A_41] : memref<8x128xi32, #tpu.memory_space<vmem>> -> memref<1x128xi32, #tpu.memory_space<vmem>>
        %dma_wait3A_43 = tpu.memref_squeeze %dma_wait3A_42 : memref<1x128xi32, #tpu.memory_space<vmem>> -> memref<128xi32, #tpu.memory_space<vmem>>
        %dma_wait3A_44 = arith.constant 0 : i32
        %dma_wait3A_45 = arith.constant 0 : i32
        %dma_wait3A_46 = tpu.memref_slice %arg2[%scan3A_8, %dma_wait3A_44, %dma_wait3A_45] : memref<2x10112x128xf32, #tpu.memory_space<hbm>> -> memref<1x10112x128xf32, #tpu.memory_space<hbm>>
        %dma_wait3A_47 = tpu.memref_squeeze %dma_wait3A_46 : memref<1x10112x128xf32, #tpu.memory_space<hbm>> -> memref<10112x128xf32, #tpu.memory_space<hbm>>
        %dma_wait3A_48 = arith.constant 0 : i32
        %dma_wait3A_49 = arith.constant 0 : i32
        %dma_wait3A_50 = tpu.memref_slice %dma_wait3A_47[%dma_wait3A_48, %dma_wait3A_49] : memref<10112x128xf32, #tpu.memory_space<hbm>> -> memref<10112x128xf32, #tpu.memory_space<hbm>>
        tpu.wait_indirect_dma semaphore(%arg14 : memref<!tpu.dma_semaphore, #tpu.memory_space<semaphore_mem>>) src(%dma_wait3A_50 : memref<10112x128xf32, #tpu.memory_space<hbm>>) dst(%arg12 : memref<128x128xf32, #tpu.memory_space<vmem>>)
        %dma_start3A_51 = arith.constant 0 : i32
        %dma_start3A_52 = arith.constant 0 : i32
        %dma_start3A_53 = tpu.memref_slice %arg11[%dma_start3A_51, %dma_start3A_52] : memref<8x128xi32, #tpu.memory_space<vmem>> -> memref<1x128xi32, #tpu.memory_space<vmem>>
        %dma_start3A_54 = tpu.memref_squeeze %dma_start3A_53 : memref<1x128xi32, #tpu.memory_space<vmem>> -> memref<128xi32, #tpu.memory_space<vmem>>
        %dma_start3A_55 = arith.constant 0 : i32
        %dma_start3A_56 = arith.constant 0 : i32
        %dma_start3A_57 = tpu.memref_slice %arg9[%dma_start3A_55, %dma_start3A_56] : memref<10112x128xf32, #tpu.memory_space<vmem_shared>> -> memref<10112x128xf32, #tpu.memory_space<vmem_shared>>
        tpu.enqueue_indirect_dma source(%arg12 : memref<128x128xf32, #tpu.memory_space<vmem>>) target(%dma_start3A_57 : memref<10112x128xf32, #tpu.memory_space<vmem_shared>>) offsets(%dma_start3A_54 : memref<128xi32, #tpu.memory_space<vmem>>) semaphore(%arg16 : memref<!tpu.dma_semaphore, #tpu.memory_space<semaphore_mem>>) {add = true}
        %dma_wait3A_58 = arith.constant 0 : i32
        %dma_wait3A_59 = arith.constant 0 : i32
        %dma_wait3A_60 = tpu.memref_slice %arg11[%dma_wait3A_58, %dma_wait3A_59] : memref<8x128xi32, #tpu.memory_space<vmem>> -> memref<1x128xi32, #tpu.memory_space<vmem>>
        %dma_wait3A_61 = tpu.memref_squeeze %dma_wait3A_60 : memref<1x128xi32, #tpu.memory_space<vmem>> -> memref<128xi32, #tpu.memory_space<vmem>>
        %dma_wait3A_62 = arith.constant 0 : i32
        %dma_wait3A_63 = arith.constant 0 : i32
        %dma_wait3A_64 = tpu.memref_slice %arg9[%dma_wait3A_62, %dma_wait3A_63] : memref<10112x128xf32, #tpu.memory_space<vmem_shared>> -> memref<10112x128xf32, #tpu.memory_space<vmem_shared>>
        tpu.wait_indirect_dma semaphore(%arg16 : memref<!tpu.dma_semaphore, #tpu.memory_space<semaphore_mem>>) src(%arg12 : memref<128x128xf32, #tpu.memory_space<vmem>>) dst(%dma_wait3A_64 : memref<10112x128xf32, #tpu.memory_space<vmem_shared>>)
        %dma_start3A_65 = arith.constant 2 : i32
        %dma_start3A_66 = arith.constant 0 : i32
        %dma_start3A_67 = tpu.memref_slice %arg10[%dma_start3A_65, %dma_start3A_66] : memref<8x128xi32, #tpu.memory_space<vmem>> -> memref<1x128xi32, #tpu.memory_space<vmem>>
        %dma_start3A_68 = tpu.memref_squeeze %dma_start3A_67 : memref<1x128xi32, #tpu.memory_space<vmem>> -> memref<128xi32, #tpu.memory_space<vmem>>
        %dma_start3A_69 = arith.constant 0 : i32
        %dma_start3A_70 = arith.constant 0 : i32
        %dma_start3A_71 = tpu.memref_slice %arg2[%scan3A_8, %dma_start3A_69, %dma_start3A_70] : memref<2x10112x128xf32, #tpu.memory_space<hbm>> -> memref<1x10112x128xf32, #tpu.memory_space<hbm>>
        %dma_start3A_72 = tpu.memref_squeeze %dma_start3A_71 : memref<1x10112x128xf32, #tpu.memory_space<hbm>> -> memref<10112x128xf32, #tpu.memory_space<hbm>>
        %dma_start3A_73 = arith.constant 0 : i32
        %dma_start3A_74 = arith.constant 0 : i32
        %dma_start3A_75 = tpu.memref_slice %dma_start3A_72[%dma_start3A_73, %dma_start3A_74] : memref<10112x128xf32, #tpu.memory_space<hbm>> -> memref<10112x128xf32, #tpu.memory_space<hbm>>
        tpu.enqueue_indirect_dma source(%dma_start3A_75 : memref<10112x128xf32, #tpu.memory_space<hbm>>) target(%arg12 : memref<128x128xf32, #tpu.memory_space<vmem>>) offsets(%dma_start3A_68 : memref<128xi32, #tpu.memory_space<vmem>>) semaphore(%arg14 : memref<!tpu.dma_semaphore, #tpu.memory_space<semaphore_mem>>)
        %dma_wait3A_76 = arith.constant 1 : i32
        %dma_wait3A_77 = arith.constant 0 : i32
        %dma_wait3A_78 = tpu.memref_slice %arg10[%dma_wait3A_76, %dma_wait3A_77] : memref<8x128xi32, #tpu.memory_space<vmem>> -> memref<1x128xi32, #tpu.memory_space<vmem>>
        %dma_wait3A_79 = tpu.memref_squeeze %dma_wait3A_78 : memref<1x128xi32, #tpu.memory_space<vmem>> -> memref<128xi32, #tpu.memory_space<vmem>>
        %dma_wait3A_80 = arith.constant 0 : i32
        %dma_wait3A_81 = arith.constant 0 : i32
        %dma_wait3A_82 = tpu.memref_slice %arg2[%scan3A_8, %dma_wait3A_80, %dma_wait3A_81] : memref<2x10112x128xf32, #tpu.memory_space<hbm>> -> memref<1x10112x128xf32, #tpu.memory_space<hbm>>
        %dma_wait3A_83 = tpu.memref_squeeze %dma_wait3A_82 : memref<1x10112x128xf32, #tpu.memory_space<hbm>> -> memref<10112x128xf32, #tpu.memory_space<hbm>>
        %dma_wait3A_84 = arith.constant 0 : i32
        %dma_wait3A_85 = arith.constant 0 : i32
        %dma_wait3A_86 = tpu.memref_slice %dma_wait3A_83[%dma_wait3A_84, %dma_wait3A_85] : memref<10112x128xf32, #tpu.memory_space<hbm>> -> memref<10112x128xf32, #tpu.memory_space<hbm>>
        tpu.wait_indirect_dma semaphore(%arg15 : memref<!tpu.dma_semaphore, #tpu.memory_space<semaphore_mem>>) src(%dma_wait3A_86 : memref<10112x128xf32, #tpu.memory_space<hbm>>) dst(%arg13 : memref<128x128xf32, #tpu.memory_space<vmem>>)
        %dma_start3A_87 = arith.constant 1 : i32
        %dma_start3A_88 = arith.constant 0 : i32
        %dma_start3A_89 = tpu.memref_slice %arg11[%dma_start3A_87, %dma_start3A_88] : memref<8x128xi32, #tpu.memory_space<vmem>> -> memref<1x128xi32, #tpu.memory_space<vmem>>
        %dma_start3A_90 = tpu.memref_squeeze %dma_start3A_89 : memref<1x128xi32, #tpu.memory_space<vmem>> -> memref<128xi32, #tpu.memory_space<vmem>>
        %dma_start3A_91 = arith.constant 0 : i32
        %dma_start3A_92 = arith.constant 0 : i32
        %dma_start3A_93 = tpu.memref_slice %arg9[%dma_start3A_91, %dma_start3A_92] : memref<10112x128xf32, #tpu.memory_space<vmem_shared>> -> memref<10112x128xf32, #tpu.memory_space<vmem_shared>>
        tpu.enqueue_indirect_dma source(%arg13 : memref<128x128xf32, #tpu.memory_space<vmem>>) target(%dma_start3A_93 : memref<10112x128xf32, #tpu.memory_space<vmem_shared>>) offsets(%dma_start3A_90 : memref<128xi32, #tpu.memory_space<vmem>>) semaphore(%arg17 : memref<!tpu.dma_semaphore, #tpu.memory_space<semaphore_mem>>) {add = true}
        %dma_wait3A_94 = arith.constant 1 : i32
        %dma_wait3A_95 = arith.constant 0 : i32
        %dma_wait3A_96 = tpu.memref_slice %arg11[%dma_wait3A_94, %dma_wait3A_95] : memref<8x128xi32, #tpu.memory_space<vmem>> -> memref<1x128xi32, #tpu.memory_space<vmem>>
        %dma_wait3A_97 = tpu.memref_squeeze %dma_wait3A_96 : memref<1x128xi32, #tpu.memory_space<vmem>> -> memref<128xi32, #tpu.memory_space<vmem>>
        %dma_wait3A_98 = arith.constant 0 : i32
        %dma_wait3A_99 = arith.constant 0 : i32
        %dma_wait3A_100 = tpu.memref_slice %arg9[%dma_wait3A_98, %dma_wait3A_99] : memref<10112x128xf32, #tpu.memory_space<vmem_shared>> -> memref<10112x128xf32, #tpu.memory_space<vmem_shared>>
        tpu.wait_indirect_dma semaphore(%arg17 : memref<!tpu.dma_semaphore, #tpu.memory_space<semaphore_mem>>) src(%arg13 : memref<128x128xf32, #tpu.memory_space<vmem>>) dst(%dma_wait3A_100 : memref<10112x128xf32, #tpu.memory_space<vmem_shared>>)
        %dma_start3A_101 = arith.constant 3 : i32
        %dma_start3A_102 = arith.constant 0 : i32
        %dma_start3A_103 = tpu.memref_slice %arg10[%dma_start3A_101, %dma_start3A_102] : memref<8x128xi32, #tpu.memory_space<vmem>> -> memref<1x128xi32, #tpu.memory_space<vmem>>
        %dma_start3A_104 = tpu.memref_squeeze %dma_start3A_103 : memref<1x128xi32, #tpu.memory_space<vmem>> -> memref<128xi32, #tpu.memory_space<vmem>>
        %dma_start3A_105 = arith.constant 0 : i32
        %dma_start3A_106 = arith.constant 0 : i32
        %dma_start3A_107 = tpu.memref_slice %arg2[%scan3A_8, %dma_start3A_105, %dma_start3A_106] : memref<2x10112x128xf32, #tpu.memory_space<hbm>> -> memref<1x10112x128xf32, #tpu.memory_space<hbm>>
        %dma_start3A_108 = tpu.memref_squeeze %dma_start3A_107 : memref<1x10112x128xf32, #tpu.memory_space<hbm>> -> memref<10112x128xf32, #tpu.memory_space<hbm>>
        %dma_start3A_109 = arith.constant 0 : i32
        %dma_start3A_110 = arith.constant 0 : i32
        %dma_start3A_111 = tpu.memref_slice %dma_start3A_108[%dma_start3A_109, %dma_start3A_110] : memref<10112x128xf32, #tpu.memory_space<hbm>> -> memref<10112x128xf32, #tpu.memory_space<hbm>>
        tpu.enqueue_indirect_dma source(%dma_start3A_111 : memref<10112x128xf32, #tpu.memory_space<hbm>>) target(%arg13 : memref<128x128xf32, #tpu.memory_space<vmem>>) offsets(%dma_start3A_104 : memref<128xi32, #tpu.memory_space<vmem>>) semaphore(%arg15 : memref<!tpu.dma_semaphore, #tpu.memory_space<semaphore_mem>>)
        %dma_wait3A_112 = arith.constant 2 : i32
        %dma_wait3A_113 = arith.constant 0 : i32
        %dma_wait3A_114 = tpu.memref_slice %arg10[%dma_wait3A_112, %dma_wait3A_113] : memref<8x128xi32, #tpu.memory_space<vmem>> -> memref<1x128xi32, #tpu.memory_space<vmem>>
        %dma_wait3A_115 = tpu.memref_squeeze %dma_wait3A_114 : memref<1x128xi32, #tpu.memory_space<vmem>> -> memref<128xi32, #tpu.memory_space<vmem>>
        %dma_wait3A_116 = arith.constant 0 : i32
        %dma_wait3A_117 = arith.constant 0 : i32
        %dma_wait3A_118 = tpu.memref_slice %arg2[%scan3A_8, %dma_wait3A_116, %dma_wait3A_117] : memref<2x10112x128xf32, #tpu.memory_space<hbm>> -> memref<1x10112x128xf32, #tpu.memory_space<hbm>>
        %dma_wait3A_119 = tpu.memref_squeeze %dma_wait3A_118 : memref<1x10112x128xf32, #tpu.memory_space<hbm>> -> memref<10112x128xf32, #tpu.memory_space<hbm>>
        %dma_wait3A_120 = arith.constant 0 : i32
        %dma_wait3A_121 = arith.constant 0 : i32
        %dma_wait3A_122 = tpu.memref_slice %dma_wait3A_119[%dma_wait3A_120, %dma_wait3A_121] : memref<10112x128xf32, #tpu.memory_space<hbm>> -> memref<10112x128xf32, #tpu.memory_space<hbm>>
        tpu.wait_indirect_dma semaphore(%arg14 : memref<!tpu.dma_semaphore, #tpu.memory_space<semaphore_mem>>) src(%dma_wait3A_122 : memref<10112x128xf32, #tpu.memory_space<hbm>>) dst(%arg12 : memref<128x128xf32, #tpu.memory_space<vmem>>)
        %dma_start3A_123 = arith.constant 2 : i32
        %dma_start3A_124 = arith.constant 0 : i32
        %dma_start3A_125 = tpu.memref_slice %arg11[%dma_start3A_123, %dma_start3A_124] : memref<8x128xi32, #tpu.memory_space<vmem>> -> memref<1x128xi32, #tpu.memory_space<vmem>>
        %dma_start3A_126 = tpu.memref_squeeze %dma_start3A_125 : memref<1x128xi32, #tpu.memory_space<vmem>> -> memref<128xi32, #tpu.memory_space<vmem>>
        %dma_start3A_127 = arith.constant 0 : i32
        %dma_start3A_128 = arith.constant 0 : i32
        %dma_start3A_129 = tpu.memref_slice %arg9[%dma_start3A_127, %dma_start3A_128] : memref<10112x128xf32, #tpu.memory_space<vmem_shared>> -> memref<10112x128xf32, #tpu.memory_space<vmem_shared>>
        tpu.enqueue_indirect_dma source(%arg12 : memref<128x128xf32, #tpu.memory_space<vmem>>) target(%dma_start3A_129 : memref<10112x128xf32, #tpu.memory_space<vmem_shared>>) offsets(%dma_start3A_126 : memref<128xi32, #tpu.memory_space<vmem>>) semaphore(%arg16 : memref<!tpu.dma_semaphore, #tpu.memory_space<semaphore_mem>>) {add = true}
        %dma_wait3A_130 = arith.constant 2 : i32
        %dma_wait3A_131 = arith.constant 0 : i32
        %dma_wait3A_132 = tpu.memref_slice %arg11[%dma_wait3A_130, %dma_wait3A_131] : memref<8x128xi32, #tpu.memory_space<vmem>> -> memref<1x128xi32, #tpu.memory_space<vmem>>
        %dma_wait3A_133 = tpu.memref_squeeze %dma_wait3A_132 : memref<1x128xi32, #tpu.memory_space<vmem>> -> memref<128xi32, #tpu.memory_space<vmem>>
        %dma_wait3A_134 = arith.constant 0 : i32
        %dma_wait3A_135 = arith.constant 0 : i32
        %dma_wait3A_136 = tpu.memref_slice %arg9[%dma_wait3A_134, %dma_wait3A_135] : memref<10112x128xf32, #tpu.memory_space<vmem_shared>> -> memref<10112x128xf32, #tpu.memory_space<vmem_shared>>
        tpu.wait_indirect_dma semaphore(%arg16 : memref<!tpu.dma_semaphore, #tpu.memory_space<semaphore_mem>>) src(%arg12 : memref<128x128xf32, #tpu.memory_space<vmem>>) dst(%dma_wait3A_136 : memref<10112x128xf32, #tpu.memory_space<vmem_shared>>)
        %dma_start3A_137 = arith.constant 4 : i32
        %dma_start3A_138 = arith.constant 0 : i32
        %dma_start3A_139 = tpu.memref_slice %arg10[%dma_start3A_137, %dma_start3A_138] : memref<8x128xi32, #tpu.memory_space<vmem>> -> memref<1x128xi32, #tpu.memory_space<vmem>>
        %dma_start3A_140 = tpu.memref_squeeze %dma_start3A_139 : memref<1x128xi32, #tpu.memory_space<vmem>> -> memref<128xi32, #tpu.memory_space<vmem>>
        %dma_start3A_141 = arith.constant 0 : i32
        %dma_start3A_142 = arith.constant 0 : i32
        %dma_start3A_143 = tpu.memref_slice %arg2[%scan3A_8, %dma_start3A_141, %dma_start3A_142] : memref<2x10112x128xf32, #tpu.memory_space<hbm>> -> memref<1x10112x128xf32, #tpu.memory_space<hbm>>
        %dma_start3A_144 = tpu.memref_squeeze %dma_start3A_143 : memref<1x10112x128xf32, #tpu.memory_space<hbm>> -> memref<10112x128xf32, #tpu.memory_space<hbm>>
        %dma_start3A_145 = arith.constant 0 : i32
        %dma_start3A_146 = arith.constant 0 : i32
        %dma_start3A_147 = tpu.memref_slice %dma_start3A_144[%dma_start3A_145, %dma_start3A_146] : memref<10112x128xf32, #tpu.memory_space<hbm>> -> memref<10112x128xf32, #tpu.memory_space<hbm>>
        tpu.enqueue_indirect_dma source(%dma_start3A_147 : memref<10112x128xf32, #tpu.memory_space<hbm>>) target(%arg12 : memref<128x128xf32, #tpu.memory_space<vmem>>) offsets(%dma_start3A_140 : memref<128xi32, #tpu.memory_space<vmem>>) semaphore(%arg14 : memref<!tpu.dma_semaphore, #tpu.memory_space<semaphore_mem>>)
        %dma_wait3A_148 = arith.constant 3 : i32
        %dma_wait3A_149 = arith.constant 0 : i32
        %dma_wait3A_150 = tpu.memref_slice %arg10[%dma_wait3A_148, %dma_wait3A_149] : memref<8x128xi32, #tpu.memory_space<vmem>> -> memref<1x128xi32, #tpu.memory_space<vmem>>
        %dma_wait3A_151 = tpu.memref_squeeze %dma_wait3A_150 : memref<1x128xi32, #tpu.memory_space<vmem>> -> memref<128xi32, #tpu.memory_space<vmem>>
        %dma_wait3A_152 = arith.constant 0 : i32
        %dma_wait3A_153 = arith.constant 0 : i32
        %dma_wait3A_154 = tpu.memref_slice %arg2[%scan3A_8, %dma_wait3A_152, %dma_wait3A_153] : memref<2x10112x128xf32, #tpu.memory_space<hbm>> -> memref<1x10112x128xf32, #tpu.memory_space<hbm>>
        %dma_wait3A_155 = tpu.memref_squeeze %dma_wait3A_154 : memref<1x10112x128xf32, #tpu.memory_space<hbm>> -> memref<10112x128xf32, #tpu.memory_space<hbm>>
        %dma_wait3A_156 = arith.constant 0 : i32
        %dma_wait3A_157 = arith.constant 0 : i32
        %dma_wait3A_158 = tpu.memref_slice %dma_wait3A_155[%dma_wait3A_156, %dma_wait3A_157] : memref<10112x128xf32, #tpu.memory_space<hbm>> -> memref<10112x128xf32, #tpu.memory_space<hbm>>
        tpu.wait_indirect_dma semaphore(%arg15 : memref<!tpu.dma_semaphore, #tpu.memory_space<semaphore_mem>>) src(%dma_wait3A_158 : memref<10112x128xf32, #tpu.memory_space<hbm>>) dst(%arg13 : memref<128x128xf32, #tpu.memory_space<vmem>>)
        %dma_start3A_159 = arith.constant 3 : i32
        %dma_start3A_160 = arith.constant 0 : i32
        %dma_start3A_161 = tpu.memref_slice %arg11[%dma_start3A_159, %dma_start3A_160] : memref<8x128xi32, #tpu.memory_space<vmem>> -> memref<1x128xi32, #tpu.memory_space<vmem>>
        %dma_start3A_162 = tpu.memref_squeeze %dma_start3A_161 : memref<1x128xi32, #tpu.memory_space<vmem>> -> memref<128xi32, #tpu.memory_space<vmem>>
        %dma_start3A_163 = arith.constant 0 : i32
        %dma_start3A_164 = arith.constant 0 : i32
        %dma_start3A_165 = tpu.memref_slice %arg9[%dma_start3A_163, %dma_start3A_164] : memref<10112x128xf32, #tpu.memory_space<vmem_shared>> -> memref<10112x128xf32, #tpu.memory_space<vmem_shared>>
        tpu.enqueue_indirect_dma source(%arg13 : memref<128x128xf32, #tpu.memory_space<vmem>>) target(%dma_start3A_165 : memref<10112x128xf32, #tpu.memory_space<vmem_shared>>) offsets(%dma_start3A_162 : memref<128xi32, #tpu.memory_space<vmem>>) semaphore(%arg17 : memref<!tpu.dma_semaphore, #tpu.memory_space<semaphore_mem>>) {add = true}
        %dma_wait3A_166 = arith.constant 3 : i32
        %dma_wait3A_167 = arith.constant 0 : i32
        %dma_wait3A_168 = tpu.memref_slice %arg11[%dma_wait3A_166, %dma_wait3A_167] : memref<8x128xi32, #tpu.memory_space<vmem>> -> memref<1x128xi32, #tpu.memory_space<vmem>>
        %dma_wait3A_169 = tpu.memref_squeeze %dma_wait3A_168 : memref<1x128xi32, #tpu.memory_space<vmem>> -> memref<128xi32, #tpu.memory_space<vmem>>
        %dma_wait3A_170 = arith.constant 0 : i32
        %dma_wait3A_171 = arith.constant 0 : i32
        %dma_wait3A_172 = tpu.memref_slice %arg9[%dma_wait3A_170, %dma_wait3A_171] : memref<10112x128xf32, #tpu.memory_space<vmem_shared>> -> memref<10112x128xf32, #tpu.memory_space<vmem_shared>>
        tpu.wait_indirect_dma semaphore(%arg17 : memref<!tpu.dma_semaphore, #tpu.memory_space<semaphore_mem>>) src(%arg13 : memref<128x128xf32, #tpu.memory_space<vmem>>) dst(%dma_wait3A_172 : memref<10112x128xf32, #tpu.memory_space<vmem_shared>>)
        %dma_start3A_173 = arith.constant 5 : i32
        %dma_start3A_174 = arith.constant 0 : i32
        %dma_start3A_175 = tpu.memref_slice %arg10[%dma_start3A_173, %dma_start3A_174] : memref<8x128xi32, #tpu.memory_space<vmem>> -> memref<1x128xi32, #tpu.memory_space<vmem>>
        %dma_start3A_176 = tpu.memref_squeeze %dma_start3A_175 : memref<1x128xi32, #tpu.memory_space<vmem>> -> memref<128xi32, #tpu.memory_space<vmem>>
        %dma_start3A_177 = arith.constant 0 : i32
        %dma_start3A_178 = arith.constant 0 : i32
        %dma_start3A_179 = tpu.memref_slice %arg2[%scan3A_8, %dma_start3A_177, %dma_start3A_178] : memref<2x10112x128xf32, #tpu.memory_space<hbm>> -> memref<1x10112x128xf32, #tpu.memory_space<hbm>>
        %dma_start3A_180 = tpu.memref_squeeze %dma_start3A_179 : memref<1x10112x128xf32, #tpu.memory_space<hbm>> -> memref<10112x128xf32, #tpu.memory_space<hbm>>
        %dma_start3A_181 = arith.constant 0 : i32
        %dma_start3A_182 = arith.constant 0 : i32
        %dma_start3A_183 = tpu.memref_slice %dma_start3A_180[%dma_start3A_181, %dma_start3A_182] : memref<10112x128xf32, #tpu.memory_space<hbm>> -> memref<10112x128xf32, #tpu.memory_space<hbm>>
        tpu.enqueue_indirect_dma source(%dma_start3A_183 : memref<10112x128xf32, #tpu.memory_space<hbm>>) target(%arg13 : memref<128x128xf32, #tpu.memory_space<vmem>>) offsets(%dma_start3A_176 : memref<128xi32, #tpu.memory_space<vmem>>) semaphore(%arg15 : memref<!tpu.dma_semaphore, #tpu.memory_space<semaphore_mem>>)
        %dma_wait3A_184 = arith.constant 4 : i32
        %dma_wait3A_185 = arith.constant 0 : i32
        %dma_wait3A_186 = tpu.memref_slice %arg10[%dma_wait3A_184, %dma_wait3A_185] : memref<8x128xi32, #tpu.memory_space<vmem>> -> memref<1x128xi32, #tpu.memory_space<vmem>>
        %dma_wait3A_187 = tpu.memref_squeeze %dma_wait3A_186 : memref<1x128xi32, #tpu.memory_space<vmem>> -> memref<128xi32, #tpu.memory_space<vmem>>
        %dma_wait3A_188 = arith.constant 0 : i32
        %dma_wait3A_189 = arith.constant 0 : i32
        %dma_wait3A_190 = tpu.memref_slice %arg2[%scan3A_8, %dma_wait3A_188, %dma_wait3A_189] : memref<2x10112x128xf32, #tpu.memory_space<hbm>> -> memref<1x10112x128xf32, #tpu.memory_space<hbm>>
        %dma_wait3A_191 = tpu.memref_squeeze %dma_wait3A_190 : memref<1x10112x128xf32, #tpu.memory_space<hbm>> -> memref<10112x128xf32, #tpu.memory_space<hbm>>
        %dma_wait3A_192 = arith.constant 0 : i32
        %dma_wait3A_193 = arith.constant 0 : i32
        %dma_wait3A_194 = tpu.memref_slice %dma_wait3A_191[%dma_wait3A_192, %dma_wait3A_193] : memref<10112x128xf32, #tpu.memory_space<hbm>> -> memref<10112x128xf32, #tpu.memory_space<hbm>>
        tpu.wait_indirect_dma semaphore(%arg14 : memref<!tpu.dma_semaphore, #tpu.memory_space<semaphore_mem>>) src(%dma_wait3A_194 : memref<10112x128xf32, #tpu.memory_space<hbm>>) dst(%arg12 : memref<128x128xf32, #tpu.memory_space<vmem>>)
        %dma_start3A_195 = arith.constant 4 : i32
        %dma_start3A_196 = arith.constant 0 : i32
        %dma_start3A_197 = tpu.memref_slice %arg11[%dma_start3A_195, %dma_start3A_196] : memref<8x128xi32, #tpu.memory_space<vmem>> -> memref<1x128xi32, #tpu.memory_space<vmem>>
        %dma_start3A_198 = tpu.memref_squeeze %dma_start3A_197 : memref<1x128xi32, #tpu.memory_space<vmem>> -> memref<128xi32, #tpu.memory_space<vmem>>
        %dma_start3A_199 = arith.constant 0 : i32
        %dma_start3A_200 = arith.constant 0 : i32
        %dma_start3A_201 = tpu.memref_slice %arg9[%dma_start3A_199, %dma_start3A_200] : memref<10112x128xf32, #tpu.memory_space<vmem_shared>> -> memref<10112x128xf32, #tpu.memory_space<vmem_shared>>
        tpu.enqueue_indirect_dma source(%arg12 : memref<128x128xf32, #tpu.memory_space<vmem>>) target(%dma_start3A_201 : memref<10112x128xf32, #tpu.memory_space<vmem_shared>>) offsets(%dma_start3A_198 : memref<128xi32, #tpu.memory_space<vmem>>) semaphore(%arg16 : memref<!tpu.dma_semaphore, #tpu.memory_space<semaphore_mem>>) {add = true}
        %dma_wait3A_202 = arith.constant 4 : i32
        %dma_wait3A_203 = arith.constant 0 : i32
        %dma_wait3A_204 = tpu.memref_slice %arg11[%dma_wait3A_202, %dma_wait3A_203] : memref<8x128xi32, #tpu.memory_space<vmem>> -> memref<1x128xi32, #tpu.memory_space<vmem>>
        %dma_wait3A_205 = tpu.memref_squeeze %dma_wait3A_204 : memref<1x128xi32, #tpu.memory_space<vmem>> -> memref<128xi32, #tpu.memory_space<vmem>>
        %dma_wait3A_206 = arith.constant 0 : i32
        %dma_wait3A_207 = arith.constant 0 : i32
        %dma_wait3A_208 = tpu.memref_slice %arg9[%dma_wait3A_206, %dma_wait3A_207] : memref<10112x128xf32, #tpu.memory_space<vmem_shared>> -> memref<10112x128xf32, #tpu.memory_space<vmem_shared>>
        tpu.wait_indirect_dma semaphore(%arg16 : memref<!tpu.dma_semaphore, #tpu.memory_space<semaphore_mem>>) src(%arg12 : memref<128x128xf32, #tpu.memory_space<vmem>>) dst(%dma_wait3A_208 : memref<10112x128xf32, #tpu.memory_space<vmem_shared>>)
        %dma_start3A_209 = arith.constant 6 : i32
        %dma_start3A_210 = arith.constant 0 : i32
        %dma_start3A_211 = tpu.memref_slice %arg10[%dma_start3A_209, %dma_start3A_210] : memref<8x128xi32, #tpu.memory_space<vmem>> -> memref<1x128xi32, #tpu.memory_space<vmem>>
        %dma_start3A_212 = tpu.memref_squeeze %dma_start3A_211 : memref<1x128xi32, #tpu.memory_space<vmem>> -> memref<128xi32, #tpu.memory_space<vmem>>
        %dma_start3A_213 = arith.constant 0 : i32
        %dma_start3A_214 = arith.constant 0 : i32
        %dma_start3A_215 = tpu.memref_slice %arg2[%scan3A_8, %dma_start3A_213, %dma_start3A_214] : memref<2x10112x128xf32, #tpu.memory_space<hbm>> -> memref<1x10112x128xf32, #tpu.memory_space<hbm>>
        %dma_start3A_216 = tpu.memref_squeeze %dma_start3A_215 : memref<1x10112x128xf32, #tpu.memory_space<hbm>> -> memref<10112x128xf32, #tpu.memory_space<hbm>>
        %dma_start3A_217 = arith.constant 0 : i32
        %dma_start3A_218 = arith.constant 0 : i32
        %dma_start3A_219 = tpu.memref_slice %dma_start3A_216[%dma_start3A_217, %dma_start3A_218] : memref<10112x128xf32, #tpu.memory_space<hbm>> -> memref<10112x128xf32, #tpu.memory_space<hbm>>
        tpu.enqueue_indirect_dma source(%dma_start3A_219 : memref<10112x128xf32, #tpu.memory_space<hbm>>) target(%arg12 : memref<128x128xf32, #tpu.memory_space<vmem>>) offsets(%dma_start3A_212 : memref<128xi32, #tpu.memory_space<vmem>>) semaphore(%arg14 : memref<!tpu.dma_semaphore, #tpu.memory_space<semaphore_mem>>)
        %dma_wait3A_220 = arith.constant 5 : i32
        %dma_wait3A_221 = arith.constant 0 : i32
        %dma_wait3A_222 = tpu.memref_slice %arg10[%dma_wait3A_220, %dma_wait3A_221] : memref<8x128xi32, #tpu.memory_space<vmem>> -> memref<1x128xi32, #tpu.memory_space<vmem>>
        %dma_wait3A_223 = tpu.memref_squeeze %dma_wait3A_222 : memref<1x128xi32, #tpu.memory_space<vmem>> -> memref<128xi32, #tpu.memory_space<vmem>>
        %dma_wait3A_224 = arith.constant 0 : i32
        %dma_wait3A_225 = arith.constant 0 : i32
        %dma_wait3A_226 = tpu.memref_slice %arg2[%scan3A_8, %dma_wait3A_224, %dma_wait3A_225] : memref<2x10112x128xf32, #tpu.memory_space<hbm>> -> memref<1x10112x128xf32, #tpu.memory_space<hbm>>
        %dma_wait3A_227 = tpu.memref_squeeze %dma_wait3A_226 : memref<1x10112x128xf32, #tpu.memory_space<hbm>> -> memref<10112x128xf32, #tpu.memory_space<hbm>>
        %dma_wait3A_228 = arith.constant 0 : i32
        %dma_wait3A_229 = arith.constant 0 : i32
        %dma_wait3A_230 = tpu.memref_slice %dma_wait3A_227[%dma_wait3A_228, %dma_wait3A_229] : memref<10112x128xf32, #tpu.memory_space<hbm>> -> memref<10112x128xf32, #tpu.memory_space<hbm>>
        tpu.wait_indirect_dma semaphore(%arg15 : memref<!tpu.dma_semaphore, #tpu.memory_space<semaphore_mem>>) src(%dma_wait3A_230 : memref<10112x128xf32, #tpu.memory_space<hbm>>) dst(%arg13 : memref<128x128xf32, #tpu.memory_space<vmem>>)
        %dma_start3A_231 = arith.constant 5 : i32
        %dma_start3A_232 = arith.constant 0 : i32
        %dma_start3A_233 = tpu.memref_slice %arg11[%dma_start3A_231, %dma_start3A_232] : memref<8x128xi32, #tpu.memory_space<vmem>> -> memref<1x128xi32, #tpu.memory_space<vmem>>
        %dma_start3A_234 = tpu.memref_squeeze %dma_start3A_233 : memref<1x128xi32, #tpu.memory_space<vmem>> -> memref<128xi32, #tpu.memory_space<vmem>>
        %dma_start3A_235 = arith.constant 0 : i32
        %dma_start3A_236 = arith.constant 0 : i32
        %dma_start3A_237 = tpu.memref_slice %arg9[%dma_start3A_235, %dma_start3A_236] : memref<10112x128xf32, #tpu.memory_space<vmem_shared>> -> memref<10112x128xf32, #tpu.memory_space<vmem_shared>>
        tpu.enqueue_indirect_dma source(%arg13 : memref<128x128xf32, #tpu.memory_space<vmem>>) target(%dma_start3A_237 : memref<10112x128xf32, #tpu.memory_space<vmem_shared>>) offsets(%dma_start3A_234 : memref<128xi32, #tpu.memory_space<vmem>>) semaphore(%arg17 : memref<!tpu.dma_semaphore, #tpu.memory_space<semaphore_mem>>) {add = true}
        %dma_wait3A_238 = arith.constant 5 : i32
        %dma_wait3A_239 = arith.constant 0 : i32
        %dma_wait3A_240 = tpu.memref_slice %arg11[%dma_wait3A_238, %dma_wait3A_239] : memref<8x128xi32, #tpu.memory_space<vmem>> -> memref<1x128xi32, #tpu.memory_space<vmem>>
        %dma_wait3A_241 = tpu.memref_squeeze %dma_wait3A_240 : memref<1x128xi32, #tpu.memory_space<vmem>> -> memref<128xi32, #tpu.memory_space<vmem>>
        %dma_wait3A_242 = arith.constant 0 : i32
        %dma_wait3A_243 = arith.constant 0 : i32
        %dma_wait3A_244 = tpu.memref_slice %arg9[%dma_wait3A_242, %dma_wait3A_243] : memref<10112x128xf32, #tpu.memory_space<vmem_shared>> -> memref<10112x128xf32, #tpu.memory_space<vmem_shared>>
        tpu.wait_indirect_dma semaphore(%arg17 : memref<!tpu.dma_semaphore, #tpu.memory_space<semaphore_mem>>) src(%arg13 : memref<128x128xf32, #tpu.memory_space<vmem>>) dst(%dma_wait3A_244 : memref<10112x128xf32, #tpu.memory_space<vmem_shared>>)
        %dma_start3A_245 = arith.constant 7 : i32
        %dma_start3A_246 = arith.constant 0 : i32
        %dma_start3A_247 = tpu.memref_slice %arg10[%dma_start3A_245, %dma_start3A_246] : memref<8x128xi32, #tpu.memory_space<vmem>> -> memref<1x128xi32, #tpu.memory_space<vmem>>
        %dma_start3A_248 = tpu.memref_squeeze %dma_start3A_247 : memref<1x128xi32, #tpu.memory_space<vmem>> -> memref<128xi32, #tpu.memory_space<vmem>>
        %dma_start3A_249 = arith.constant 0 : i32
        %dma_start3A_250 = arith.constant 0 : i32
        %dma_start3A_251 = tpu.memref_slice %arg2[%scan3A_8, %dma_start3A_249, %dma_start3A_250] : memref<2x10112x128xf32, #tpu.memory_space<hbm>> -> memref<1x10112x128xf32, #tpu.memory_space<hbm>>
        %dma_start3A_252 = tpu.memref_squeeze %dma_start3A_251 : memref<1x10112x128xf32, #tpu.memory_space<hbm>> -> memref<10112x128xf32, #tpu.memory_space<hbm>>
        %dma_start3A_253 = arith.constant 0 : i32
        %dma_start3A_254 = arith.constant 0 : i32
        %dma_start3A_255 = tpu.memref_slice %dma_start3A_252[%dma_start3A_253, %dma_start3A_254] : memref<10112x128xf32, #tpu.memory_space<hbm>> -> memref<10112x128xf32, #tpu.memory_space<hbm>>
        tpu.enqueue_indirect_dma source(%dma_start3A_255 : memref<10112x128xf32, #tpu.memory_space<hbm>>) target(%arg13 : memref<128x128xf32, #tpu.memory_space<vmem>>) offsets(%dma_start3A_248 : memref<128xi32, #tpu.memory_space<vmem>>) semaphore(%arg15 : memref<!tpu.dma_semaphore, #tpu.memory_space<semaphore_mem>>)
        %dma_wait3A_256 = arith.constant 6 : i32
        %dma_wait3A_257 = arith.constant 0 : i32
        %dma_wait3A_258 = tpu.memref_slice %arg10[%dma_wait3A_256, %dma_wait3A_257] : memref<8x128xi32, #tpu.memory_space<vmem>> -> memref<1x128xi32, #tpu.memory_space<vmem>>
        %dma_wait3A_259 = tpu.memref_squeeze %dma_wait3A_258 : memref<1x128xi32, #tpu.memory_space<vmem>> -> memref<128xi32, #tpu.memory_space<vmem>>
        %dma_wait3A_260 = arith.constant 0 : i32
        %dma_wait3A_261 = arith.constant 0 : i32
        %dma_wait3A_262 = tpu.memref_slice %arg2[%scan3A_8, %dma_wait3A_260, %dma_wait3A_261] : memref<2x10112x128xf32, #tpu.memory_space<hbm>> -> memref<1x10112x128xf32, #tpu.memory_space<hbm>>
        %dma_wait3A_263 = tpu.memref_squeeze %dma_wait3A_262 : memref<1x10112x128xf32, #tpu.memory_space<hbm>> -> memref<10112x128xf32, #tpu.memory_space<hbm>>
        %dma_wait3A_264 = arith.constant 0 : i32
        %dma_wait3A_265 = arith.constant 0 : i32
        %dma_wait3A_266 = tpu.memref_slice %dma_wait3A_263[%dma_wait3A_264, %dma_wait3A_265] : memref<10112x128xf32, #tpu.memory_space<hbm>> -> memref<10112x128xf32, #tpu.memory_space<hbm>>
        tpu.wait_indirect_dma semaphore(%arg14 : memref<!tpu.dma_semaphore, #tpu.memory_space<semaphore_mem>>) src(%dma_wait3A_266 : memref<10112x128xf32, #tpu.memory_space<hbm>>) dst(%arg12 : memref<128x128xf32, #tpu.memory_space<vmem>>)
        %dma_start3A_267 = arith.constant 6 : i32
        %dma_start3A_268 = arith.constant 0 : i32
        %dma_start3A_269 = tpu.memref_slice %arg11[%dma_start3A_267, %dma_start3A_268] : memref<8x128xi32, #tpu.memory_space<vmem>> -> memref<1x128xi32, #tpu.memory_space<vmem>>
        %dma_start3A_270 = tpu.memref_squeeze %dma_start3A_269 : memref<1x128xi32, #tpu.memory_space<vmem>> -> memref<128xi32, #tpu.memory_space<vmem>>
        %dma_start3A_271 = arith.constant 0 : i32
        %dma_start3A_272 = arith.constant 0 : i32
        %dma_start3A_273 = tpu.memref_slice %arg9[%dma_start3A_271, %dma_start3A_272] : memref<10112x128xf32, #tpu.memory_space<vmem_shared>> -> memref<10112x128xf32, #tpu.memory_space<vmem_shared>>
        tpu.enqueue_indirect_dma source(%arg12 : memref<128x128xf32, #tpu.memory_space<vmem>>) target(%dma_start3A_273 : memref<10112x128xf32, #tpu.memory_space<vmem_shared>>) offsets(%dma_start3A_270 : memref<128xi32, #tpu.memory_space<vmem>>) semaphore(%arg16 : memref<!tpu.dma_semaphore, #tpu.memory_space<semaphore_mem>>) {add = true}
        %dma_wait3A_274 = arith.constant 7 : i32
        %dma_wait3A_275 = arith.constant 0 : i32
        %dma_wait3A_276 = tpu.memref_slice %arg10[%dma_wait3A_274, %dma_wait3A_275] : memref<8x128xi32, #tpu.memory_space<vmem>> -> memref<1x128xi32, #tpu.memory_space<vmem>>
        %dma_wait3A_277 = tpu.memref_squeeze %dma_wait3A_276 : memref<1x128xi32, #tpu.memory_space<vmem>> -> memref<128xi32, #tpu.memory_space<vmem>>
        %dma_wait3A_278 = arith.constant 0 : i32
        %dma_wait3A_279 = arith.constant 0 : i32
        %dma_wait3A_280 = tpu.memref_slice %arg2[%scan3A_8, %dma_wait3A_278, %dma_wait3A_279] : memref<2x10112x128xf32, #tpu.memory_space<hbm>> -> memref<1x10112x128xf32, #tpu.memory_space<hbm>>
        %dma_wait3A_281 = tpu.memref_squeeze %dma_wait3A_280 : memref<1x10112x128xf32, #tpu.memory_space<hbm>> -> memref<10112x128xf32, #tpu.memory_space<hbm>>
        %dma_wait3A_282 = arith.constant 0 : i32
        %dma_wait3A_283 = arith.constant 0 : i32
        %dma_wait3A_284 = tpu.memref_slice %dma_wait3A_281[%dma_wait3A_282, %dma_wait3A_283] : memref<10112x128xf32, #tpu.memory_space<hbm>> -> memref<10112x128xf32, #tpu.memory_space<hbm>>
        tpu.wait_indirect_dma semaphore(%arg15 : memref<!tpu.dma_semaphore, #tpu.memory_space<semaphore_mem>>) src(%dma_wait3A_284 : memref<10112x128xf32, #tpu.memory_space<hbm>>) dst(%arg13 : memref<128x128xf32, #tpu.memory_space<vmem>>)
        %dma_start3A_285 = arith.constant 7 : i32
        %dma_start3A_286 = arith.constant 0 : i32
        %dma_start3A_287 = tpu.memref_slice %arg11[%dma_start3A_285, %dma_start3A_286] : memref<8x128xi32, #tpu.memory_space<vmem>> -> memref<1x128xi32, #tpu.memory_space<vmem>>
        %dma_start3A_288 = tpu.memref_squeeze %dma_start3A_287 : memref<1x128xi32, #tpu.memory_space<vmem>> -> memref<128xi32, #tpu.memory_space<vmem>>
        %dma_start3A_289 = arith.constant 0 : i32
        %dma_start3A_290 = arith.constant 0 : i32
        %dma_start3A_291 = tpu.memref_slice %arg9[%dma_start3A_289, %dma_start3A_290] : memref<10112x128xf32, #tpu.memory_space<vmem_shared>> -> memref<10112x128xf32, #tpu.memory_space<vmem_shared>>
        tpu.enqueue_indirect_dma source(%arg13 : memref<128x128xf32, #tpu.memory_space<vmem>>) target(%dma_start3A_291 : memref<10112x128xf32, #tpu.memory_space<vmem_shared>>) offsets(%dma_start3A_288 : memref<128xi32, #tpu.memory_space<vmem>>) semaphore(%arg17 : memref<!tpu.dma_semaphore, #tpu.memory_space<semaphore_mem>>) {add = true}
        %dma_wait3A_292 = arith.constant 6 : i32
        %dma_wait3A_293 = arith.constant 0 : i32
        %dma_wait3A_294 = tpu.memref_slice %arg11[%dma_wait3A_292, %dma_wait3A_293] : memref<8x128xi32, #tpu.memory_space<vmem>> -> memref<1x128xi32, #tpu.memory_space<vmem>>
        %dma_wait3A_295 = tpu.memref_squeeze %dma_wait3A_294 : memref<1x128xi32, #tpu.memory_space<vmem>> -> memref<128xi32, #tpu.memory_space<vmem>>
        %dma_wait3A_296 = arith.constant 0 : i32
        %dma_wait3A_297 = arith.constant 0 : i32
        %dma_wait3A_298 = tpu.memref_slice %arg9[%dma_wait3A_296, %dma_wait3A_297] : memref<10112x128xf32, #tpu.memory_space<vmem_shared>> -> memref<10112x128xf32, #tpu.memory_space<vmem_shared>>
        tpu.wait_indirect_dma semaphore(%arg16 : memref<!tpu.dma_semaphore, #tpu.memory_space<semaphore_mem>>) src(%arg12 : memref<128x128xf32, #tpu.memory_space<vmem>>) dst(%dma_wait3A_298 : memref<10112x128xf32, #tpu.memory_space<vmem_shared>>)
        %dma_wait3A_299 = arith.constant 7 : i32
        %dma_wait3A_300 = arith.constant 0 : i32
        %dma_wait3A_301 = tpu.memref_slice %arg11[%dma_wait3A_299, %dma_wait3A_300] : memref<8x128xi32, #tpu.memory_space<vmem>> -> memref<1x128xi32, #tpu.memory_space<vmem>>
        %dma_wait3A_302 = tpu.memref_squeeze %dma_wait3A_301 : memref<1x128xi32, #tpu.memory_space<vmem>> -> memref<128xi32, #tpu.memory_space<vmem>>
        %dma_wait3A_303 = arith.constant 0 : i32
        %dma_wait3A_304 = arith.constant 0 : i32
        %dma_wait3A_305 = tpu.memref_slice %arg9[%dma_wait3A_303, %dma_wait3A_304] : memref<10112x128xf32, #tpu.memory_space<vmem_shared>> -> memref<10112x128xf32, #tpu.memory_space<vmem_shared>>
        tpu.wait_indirect_dma semaphore(%arg17 : memref<!tpu.dma_semaphore, #tpu.memory_space<semaphore_mem>>) src(%arg13 : memref<128x128xf32, #tpu.memory_space<vmem>>) dst(%dma_wait3A_305 : memref<10112x128xf32, #tpu.memory_space<vmem_shared>>)
      }
      %scan3A_13 = arith.constant 20 : i32
      %barrier3A_14 = arith.constant 0 : index
      tpu.barrier barrier_id(%barrier3A_14)
      %run_scoped3A = arith.constant 1 : i32
      "tpu.region"() ({
        %run_scoped3A_15 = tpu.sem_alloc : memref<!tpu.dma_semaphore, #tpu.memory_space<semaphore_mem>>
        %dma_start3A = arith.constant 0 : i32
        %dma_start3A_16 = arith.constant 0 : i32
        %dma_start3A_17 = tpu.memref_slice %arg8[%run_scoped3A, %dma_start3A, %dma_start3A_16] : memref<2x10112x128xf32, #tpu.memory_space<hbm>> -> memref<1x10112x128xf32, #tpu.memory_space<hbm>>
        %dma_start3A_18 = tpu.memref_squeeze %dma_start3A_17 : memref<1x10112x128xf32, #tpu.memory_space<hbm>> -> memref<10112x128xf32, #tpu.memory_space<hbm>>
        %dma_start3A_19 = arith.constant 0 : i32
        %dma_start3A_20 = tpu.memref_slice %dma_start3A_18[%mul3A_0, %dma_start3A_19] : memref<10112x128xf32, #tpu.memory_space<hbm>> -> memref<632x128xf32, #tpu.memory_space<hbm>>
        %dma_start3A_21 = arith.constant 0 : i32
        %dma_start3A_22 = tpu.memref_slice %arg9[%mul3A_0, %dma_start3A_21] : memref<10112x128xf32, #tpu.memory_space<vmem_shared>> -> memref<632x128xf32, #tpu.memory_space<vmem_shared>>
        tpu.enqueue_dma source(%dma_start3A_22 : memref<632x128xf32, #tpu.memory_space<vmem_shared>>) target(%dma_start3A_20 : memref<632x128xf32, #tpu.memory_space<hbm>>) target_semaphore(%run_scoped3A_15 : memref<!tpu.dma_semaphore, #tpu.memory_space<semaphore_mem>>)
        %dma_wait3A = arith.constant 0 : i32
        %dma_wait3A_23 = arith.constant 0 : i32
        %dma_wait3A_24 = tpu.memref_slice %arg8[%run_scoped3A, %dma_wait3A, %dma_wait3A_23] : memref<2x10112x128xf32, #tpu.memory_space<hbm>> -> memref<1x10112x128xf32, #tpu.memory_space<hbm>>
        %dma_wait3A_25 = tpu.memref_squeeze %dma_wait3A_24 : memref<1x10112x128xf32, #tpu.memory_space<hbm>> -> memref<10112x128xf32, #tpu.memory_space<hbm>>
        %dma_wait3A_26 = arith.constant 0 : i32
        %dma_wait3A_27 = tpu.memref_slice %dma_wait3A_25[%mul3A_0, %dma_wait3A_26] : memref<10112x128xf32, #tpu.memory_space<hbm>> -> memref<632x128xf32, #tpu.memory_space<hbm>>
        %dma_wait3A_28 = arith.constant 0 : i32
        %dma_wait3A_29 = tpu.memref_slice %arg9[%mul3A_0, %dma_wait3A_28] : memref<10112x128xf32, #tpu.memory_space<vmem_shared>> -> memref<632x128xf32, #tpu.memory_space<vmem_shared>>
        tpu.wait_dma2 semaphore(%run_scoped3A_15 : memref<!tpu.dma_semaphore, #tpu.memory_space<semaphore_mem>>) src(%dma_wait3A_29 : memref<632x128xf32, #tpu.memory_space<vmem_shared>>) dst(%dma_wait3A_27 : memref<632x128xf32, #tpu.memory_space<hbm>>)
        tpu.yield
      }) : () -> ()
    } else {
    }
    return
  }
}

module attributes {stable_mosaic.version = 14 : i64} {
  func.func @body(%arg0: i32, %arg1: i32, %arg2: memref<1x632x128xf32, #tpu.memory_space<vmem>>, %arg3: memref<1x632x128xf32, #tpu.memory_space<vmem>>, %arg4: memref<1x632x128xf32, #tpu.memory_space<vmem>>, %arg5: memref<1x128x128xf32, #tpu.memory_space<vmem>>, %arg6: memref<1x1x128xf32, #tpu.memory_space<vmem>>, %arg7: memref<1x128x128xf32, #tpu.memory_space<vmem>>, %arg8: memref<1x632x128xf32, #tpu.memory_space<vmem>>) attributes {dimension_semantics = [#tpu.dimension_semantics<arbitrary>, #tpu.dimension_semantics<arbitrary>], iteration_bounds = array<i64: 2, 16>, scalar_prefetch = 0 : i64, scratch_operands = 0 : i64, tpu.core_type = #tpu.core_type<tc>, window_params = [{transform_indices = @transform_0, window_bounds = array<i64: 1, 632, 128>}, {transform_indices = @transform_1, window_bounds = array<i64: 1, 632, 128>}, {transform_indices = @transform_2, window_bounds = array<i64: 1, 632, 128>}, {transform_indices = @transform_3, window_bounds = array<i64: 1, 128, 128>}, {transform_indices = @transform_4, window_bounds = array<i64: 1, 1, 128>}, {transform_indices = @transform_5, window_bounds = array<i64: 1, 128, 128>}, {transform_indices = @transform_6, window_bounds = array<i64: 1, 632, 128>}]} {
    %get3A = arith.constant 0 : index
    %get3A_0 = arith.constant 0 : index
    %get3A_1 = arith.constant 0 : index
    %get3A_2 = vector.load %arg3[%get3A, %get3A_0, %get3A_1] : memref<1x632x128xf32, #tpu.memory_space<vmem>>, vector<1x632x1xf32>
    %get3A_3 = vector.shape_cast %get3A_2 : vector<1x632x1xf32> to vector<632x1xf32>
    %get3A_4 = arith.constant 0 : index
    %get3A_5 = arith.constant 0 : index
    %get3A_6 = arith.constant 0 : index
    %get3A_7 = vector.load %arg2[%get3A_4, %get3A_5, %get3A_6] : memref<1x632x128xf32, #tpu.memory_space<vmem>>, vector<1x632x128xf32>
    %get3A_8 = vector.shape_cast %get3A_7 : vector<1x632x128xf32> to vector<632x128xf32>
    %max3A = arith.constant 1.000000e+00 : f32
    %max3A_9 = vector.broadcast %max3A : f32 to vector<632x1xf32>
    %max3A_10 = arith.maximumf %get3A_3, %max3A_9 : vector<632x1xf32>
    %div3A = vector.broadcast %max3A_10 : vector<632x1xf32> to vector<632x128xf32>
    %div3A_11 = arith.divf %get3A_8, %div3A : vector<632x128xf32>
    %convert_element_type3A = arith.truncf %div3A_11 : vector<632x128xf32> to vector<632x128xbf16>
    %get3A_12 = arith.constant 0 : index
    %get3A_13 = arith.constant 0 : index
    %get3A_14 = arith.constant 0 : index
    %get3A_15 = vector.load %arg5[%get3A_12, %get3A_13, %get3A_14] : memref<1x128x128xf32, #tpu.memory_space<vmem>>, vector<1x128x128xf32>
    %get3A_16 = vector.shape_cast %get3A_15 : vector<1x128x128xf32> to vector<128x128xf32>
    %convert_element_type3A_17 = arith.truncf %get3A_16 : vector<128x128xf32> to vector<128x128xbf16>
    %dot_general3A = arith.constant dense<0.000000e+00> : vector<632x128xf32>
    %dot_general3A_18 = tpu.matmul %convert_element_type3A, %convert_element_type3A_17, %dot_general3A {dimension_numbers = #tpu.dot_dimension_numbers<[1], [0], [0], [1], [0, 0, 1, 1], [], []>, transpose_lhs_hint = false} : vector<632x128xbf16>, vector<128x128xbf16>, vector<632x128xf32> -> vector<632x128xf32>
    %get3A_19 = arith.constant 0 : index
    %get3A_20 = arith.constant 0 : index
    %get3A_21 = arith.constant 0 : index
    %get3A_22 = vector.load %arg6[%get3A_19, %get3A_20, %get3A_21] : memref<1x1x128xf32, #tpu.memory_space<vmem>>, vector<1x1x128xf32>
    %get3A_23 = vector.shape_cast %get3A_22 : vector<1x1x128xf32> to vector<1x128xf32>
    %add3A = vector.broadcast %get3A_23 : vector<1x128xf32> to vector<632x128xf32>
    %add3A_24 = arith.addf %dot_general3A_18, %add3A : vector<632x128xf32>
    %get3A_25 = arith.constant 0 : index
    %get3A_26 = arith.constant 0 : index
    %get3A_27 = arith.constant 0 : index
    %get3A_28 = vector.load %arg4[%get3A_25, %get3A_26, %get3A_27] : memref<1x632x128xf32, #tpu.memory_space<vmem>>, vector<1x632x128xf32>
    %get3A_29 = vector.shape_cast %get3A_28 : vector<1x632x128xf32> to vector<632x128xf32>
    %convert_element_type3A_30 = arith.truncf %get3A_29 : vector<632x128xf32> to vector<632x128xbf16>
    %get3A_31 = arith.constant 0 : index
    %get3A_32 = arith.constant 0 : index
    %get3A_33 = arith.constant 0 : index
    %get3A_34 = vector.load %arg7[%get3A_31, %get3A_32, %get3A_33] : memref<1x128x128xf32, #tpu.memory_space<vmem>>, vector<1x128x128xf32>
    %get3A_35 = vector.shape_cast %get3A_34 : vector<1x128x128xf32> to vector<128x128xf32>
    %convert_element_type3A_36 = arith.truncf %get3A_35 : vector<128x128xf32> to vector<128x128xbf16>
    %dot_general3A_37 = arith.constant dense<0.000000e+00> : vector<632x128xf32>
    %dot_general3A_38 = tpu.matmul %convert_element_type3A_30, %convert_element_type3A_36, %dot_general3A_37 {dimension_numbers = #tpu.dot_dimension_numbers<[1], [0], [0], [1], [0, 0, 1, 1], [], []>, transpose_lhs_hint = false} : vector<632x128xbf16>, vector<128x128xbf16>, vector<632x128xf32> -> vector<632x128xf32>
    %add3A_39 = arith.addf %add3A_24, %dot_general3A_38 : vector<632x128xf32>
    %max3A_40 = arith.constant 0.000000e+00 : f32
    %max3A_41 = vector.broadcast %max3A_40 : f32 to vector<632x128xf32>
    %max3A_42 = arith.maximumf %add3A_39, %max3A_41 : vector<632x128xf32>
    %swap3A = arith.constant 0 : index
    %swap3A_43 = arith.constant 0 : index
    %swap3A_44 = arith.constant 0 : index
    %swap3A_45 = vector.load %arg8[%swap3A, %swap3A_43, %swap3A_44] : memref<1x632x128xf32, #tpu.memory_space<vmem>>, vector<1x632x128xf32>
    %swap3A_46 = vector.shape_cast %swap3A_45 : vector<1x632x128xf32> to vector<632x128xf32>
    %swap3A_47 = vector.shape_cast %max3A_42 : vector<632x128xf32> to vector<1x632x128xf32>
    tpu.vector_store %arg8[%swap3A, %swap3A_43, %swap3A_44], %swap3A_47 {strides = array<i32>} : memref<1x632x128xf32, #tpu.memory_space<vmem>>, vector<1x632x128xf32>,
    return
  }
  func.func @transform_0(%arg0: i32, %arg1: i32) -> (i32, i32, i32) {
    %c0_i32 = arith.constant 0 : i32
    %c0_i32_0 = arith.constant 0 : i32
    return %arg0, %arg1, %c0_i32 : i32, i32, i32
  }
  func.func @transform_1(%arg0: i32, %arg1: i32) -> (i32, i32, i32) {
    %c0_i32 = arith.constant 0 : i32
    %c0_i32_0 = arith.constant 0 : i32
    return %arg0, %arg1, %c0_i32 : i32, i32, i32
  }
  func.func @transform_2(%arg0: i32, %arg1: i32) -> (i32, i32, i32) {
    %c0_i32 = arith.constant 0 : i32
    %c0_i32_0 = arith.constant 0 : i32
    return %arg0, %arg1, %c0_i32 : i32, i32, i32
  }
  func.func @transform_3(%arg0: i32, %arg1: i32) -> (i32, i32, i32) {
    %c0_i32 = arith.constant 0 : i32
    %c0_i32_0 = arith.constant 0 : i32
    %c0_i32_1 = arith.constant 0 : i32
    return %arg0, %c0_i32, %c0_i32_0 : i32, i32, i32
  }
  func.func @transform_4(%arg0: i32, %arg1: i32) -> (i32, i32, i32) {
    %c0_i32 = arith.constant 0 : i32
    %c0_i32_0 = arith.constant 0 : i32
    %c0_i32_1 = arith.constant 0 : i32
    return %arg0, %c0_i32, %c0_i32_0 : i32, i32, i32
  }
  func.func @transform_5(%arg0: i32, %arg1: i32) -> (i32, i32, i32) {
    %c0_i32 = arith.constant 0 : i32
    %c0_i32_0 = arith.constant 0 : i32
    %c0_i32_1 = arith.constant 0 : i32
    return %arg0, %c0_i32, %c0_i32_0 : i32, i32, i32
  }
  func.func @transform_6(%arg0: i32, %arg1: i32) -> (i32, i32, i32) {
    %c0_i32 = arith.constant 0 : i32
    %c0_i32_0 = arith.constant 0 : i32
    return %arg0, %arg1, %c0_i32 : i32, i32, i32
  }
}

module attributes {stable_mosaic.version = 14 : i64} {
  func.func @body(%arg0: i32, %arg1: memref<2x400x128xf32, #tpu.memory_space<vmem>>, %arg2: memref<2x400x128xf32, #tpu.memory_space<vmem>>, %arg3: memref<2x400x128xf32, #tpu.memory_space<vmem>>, %arg4: memref<2x128x349xf32, #tpu.memory_space<vmem>>, %arg5: memref<2x1x349xf32, #tpu.memory_space<vmem>>, %arg6: memref<2x128x349xf32, #tpu.memory_space<vmem>>, %arg7: memref<400x349xf32, #tpu.memory_space<vmem>>, %arg8: memref<400x349xf32, #tpu.memory_space<vmem>>) attributes {dimension_semantics = [#tpu.dimension_semantics<arbitrary>], iteration_bounds = array<i64: 25>, scalar_prefetch = 0 : i64, scratch_operands = 0 : i64, tpu.core_type = #tpu.core_type<tc>, window_params = [{transform_indices = @transform_0, window_bounds = array<i64: 2, 400, 128>}, {transform_indices = @transform_1, window_bounds = array<i64: 2, 400, 128>}, {transform_indices = @transform_2, window_bounds = array<i64: 2, 400, 128>}, {pipeline_mode = #tpu.pipeline_mode<synchronous>, transform_indices = @transform_3, window_bounds = array<i64: 2, 128, 349>}, {pipeline_mode = #tpu.pipeline_mode<synchronous>, transform_indices = @transform_4, window_bounds = array<i64: 2, 1, 349>}, {pipeline_mode = #tpu.pipeline_mode<synchronous>, transform_indices = @transform_5, window_bounds = array<i64: 2, 128, 349>}, {transform_indices = @transform_6, window_bounds = array<i64: 400, 349>}, {transform_indices = @transform_7, window_bounds = array<i64: 400, 349>}]} {
    %get3A = arith.constant 0 : index
    %get3A_0 = arith.constant 0 : index
    %get3A_1 = arith.constant 0 : index
    %get3A_2 = vector.load %arg2[%get3A, %get3A_0, %get3A_1] : memref<2x400x128xf32, #tpu.memory_space<vmem>>, vector<1x400x1xf32>
    %get3A_3 = vector.shape_cast %get3A_2 : vector<1x400x1xf32> to vector<400x1xf32>
    %get3A_4 = arith.constant 0 : index
    %get3A_5 = arith.constant 0 : index
    %get3A_6 = arith.constant 0 : index
    %get3A_7 = vector.load %arg1[%get3A_4, %get3A_5, %get3A_6] : memref<2x400x128xf32, #tpu.memory_space<vmem>>, vector<1x400x128xf32>
    %get3A_8 = vector.shape_cast %get3A_7 : vector<1x400x128xf32> to vector<400x128xf32>
    %max3A = arith.constant 1.000000e+00 : f32
    %max3A_9 = vector.broadcast %max3A : f32 to vector<400x1xf32>
    %max3A_10 = arith.maximumf %get3A_3, %max3A_9 : vector<400x1xf32>
    %div3A = vector.broadcast %max3A_10 : vector<400x1xf32> to vector<400x128xf32>
    %div3A_11 = arith.divf %get3A_8, %div3A : vector<400x128xf32>
    %convert_element_type3A = arith.truncf %div3A_11 : vector<400x128xf32> to vector<400x128xbf16>
    %get3A_12 = arith.constant 0 : index
    %get3A_13 = arith.constant 0 : index
    %get3A_14 = arith.constant 0 : index
    %get3A_15 = vector.load %arg4[%get3A_12, %get3A_13, %get3A_14] : memref<2x128x349xf32, #tpu.memory_space<vmem>>, vector<1x128x349xf32>
    %get3A_16 = vector.shape_cast %get3A_15 : vector<1x128x349xf32> to vector<128x349xf32>
    %convert_element_type3A_17 = arith.truncf %get3A_16 : vector<128x349xf32> to vector<128x349xbf16>
    %dot_general3A = arith.constant dense<0.000000e+00> : vector<400x349xf32>
    %dot_general3A_18 = tpu.matmul %convert_element_type3A, %convert_element_type3A_17, %dot_general3A {dimension_numbers = #tpu.dot_dimension_numbers<[1], [0], [0], [1], [0, 0, 1, 1], [], []>, transpose_lhs_hint = false} : vector<400x128xbf16>, vector<128x349xbf16>, vector<400x349xf32> -> vector<400x349xf32>
    %get3A_19 = arith.constant 0 : index
    %get3A_20 = arith.constant 0 : index
    %get3A_21 = arith.constant 0 : index
    %get3A_22 = vector.load %arg5[%get3A_19, %get3A_20, %get3A_21] : memref<2x1x349xf32, #tpu.memory_space<vmem>>, vector<1x1x349xf32>
    %get3A_23 = vector.shape_cast %get3A_22 : vector<1x1x349xf32> to vector<1x349xf32>
    %add3A = vector.broadcast %get3A_23 : vector<1x349xf32> to vector<400x349xf32>
    %add3A_24 = arith.addf %dot_general3A_18, %add3A : vector<400x349xf32>
    %get3A_25 = arith.constant 0 : index
    %get3A_26 = arith.constant 0 : index
    %get3A_27 = arith.constant 0 : index
    %get3A_28 = vector.load %arg3[%get3A_25, %get3A_26, %get3A_27] : memref<2x400x128xf32, #tpu.memory_space<vmem>>, vector<1x400x128xf32>
    %get3A_29 = vector.shape_cast %get3A_28 : vector<1x400x128xf32> to vector<400x128xf32>
    %convert_element_type3A_30 = arith.truncf %get3A_29 : vector<400x128xf32> to vector<400x128xbf16>
    %get3A_31 = arith.constant 0 : index
    %get3A_32 = arith.constant 0 : index
    %get3A_33 = arith.constant 0 : index
    %get3A_34 = vector.load %arg6[%get3A_31, %get3A_32, %get3A_33] : memref<2x128x349xf32, #tpu.memory_space<vmem>>, vector<1x128x349xf32>
    %get3A_35 = vector.shape_cast %get3A_34 : vector<1x128x349xf32> to vector<128x349xf32>
    %convert_element_type3A_36 = arith.truncf %get3A_35 : vector<128x349xf32> to vector<128x349xbf16>
    %dot_general3A_37 = arith.constant dense<0.000000e+00> : vector<400x349xf32>
    %dot_general3A_38 = tpu.matmul %convert_element_type3A_30, %convert_element_type3A_36, %dot_general3A_37 {dimension_numbers = #tpu.dot_dimension_numbers<[1], [0], [0], [1], [0, 0, 1, 1], [], []>, transpose_lhs_hint = false} : vector<400x128xbf16>, vector<128x349xbf16>, vector<400x349xf32> -> vector<400x349xf32>
    %add3A_39 = arith.addf %add3A_24, %dot_general3A_38 : vector<400x349xf32>
    %swap3A = arith.constant 0 : index
    %swap3A_40 = arith.constant 0 : index
    %swap3A_41 = vector.load %arg7[%swap3A, %swap3A_40] : memref<400x349xf32, #tpu.memory_space<vmem>>, vector<400x349xf32>
    tpu.vector_store %arg7[%swap3A, %swap3A_40], %add3A_39 {strides = array<i32>} : memref<400x349xf32, #tpu.memory_space<vmem>>, vector<400x349xf32>,
    %get3A_42 = arith.constant 1 : index
    %get3A_43 = arith.constant 0 : index
    %get3A_44 = arith.constant 0 : index
    %get3A_45 = vector.load %arg2[%get3A_42, %get3A_43, %get3A_44] : memref<2x400x128xf32, #tpu.memory_space<vmem>>, vector<1x400x1xf32>
    %get3A_46 = vector.shape_cast %get3A_45 : vector<1x400x1xf32> to vector<400x1xf32>
    %get3A_47 = arith.constant 1 : index
    %get3A_48 = arith.constant 0 : index
    %get3A_49 = arith.constant 0 : index
    %get3A_50 = vector.load %arg1[%get3A_47, %get3A_48, %get3A_49] : memref<2x400x128xf32, #tpu.memory_space<vmem>>, vector<1x400x128xf32>
    %get3A_51 = vector.shape_cast %get3A_50 : vector<1x400x128xf32> to vector<400x128xf32>
    %max3A_52 = arith.constant 1.000000e+00 : f32
    %max3A_53 = vector.broadcast %max3A_52 : f32 to vector<400x1xf32>
    %max3A_54 = arith.maximumf %get3A_46, %max3A_53 : vector<400x1xf32>
    %div3A_55 = vector.broadcast %max3A_54 : vector<400x1xf32> to vector<400x128xf32>
    %div3A_56 = arith.divf %get3A_51, %div3A_55 : vector<400x128xf32>
    %convert_element_type3A_57 = arith.truncf %div3A_56 : vector<400x128xf32> to vector<400x128xbf16>
    %get3A_58 = arith.constant 1 : index
    %get3A_59 = arith.constant 0 : index
    %get3A_60 = arith.constant 0 : index
    %get3A_61 = vector.load %arg4[%get3A_58, %get3A_59, %get3A_60] : memref<2x128x349xf32, #tpu.memory_space<vmem>>, vector<1x128x349xf32>
    %get3A_62 = vector.shape_cast %get3A_61 : vector<1x128x349xf32> to vector<128x349xf32>
    %convert_element_type3A_63 = arith.truncf %get3A_62 : vector<128x349xf32> to vector<128x349xbf16>
    %dot_general3A_64 = arith.constant dense<0.000000e+00> : vector<400x349xf32>
    %dot_general3A_65 = tpu.matmul %convert_element_type3A_57, %convert_element_type3A_63, %dot_general3A_64 {dimension_numbers = #tpu.dot_dimension_numbers<[1], [0], [0], [1], [0, 0, 1, 1], [], []>, transpose_lhs_hint = false} : vector<400x128xbf16>, vector<128x349xbf16>, vector<400x349xf32> -> vector<400x349xf32>
    %get3A_66 = arith.constant 1 : index
    %get3A_67 = arith.constant 0 : index
    %get3A_68 = arith.constant 0 : index
    %get3A_69 = vector.load %arg5[%get3A_66, %get3A_67, %get3A_68] : memref<2x1x349xf32, #tpu.memory_space<vmem>>, vector<1x1x349xf32>
    %get3A_70 = vector.shape_cast %get3A_69 : vector<1x1x349xf32> to vector<1x349xf32>
    %add3A_71 = vector.broadcast %get3A_70 : vector<1x349xf32> to vector<400x349xf32>
    %add3A_72 = arith.addf %dot_general3A_65, %add3A_71 : vector<400x349xf32>
    %get3A_73 = arith.constant 1 : index
    %get3A_74 = arith.constant 0 : index
    %get3A_75 = arith.constant 0 : index
    %get3A_76 = vector.load %arg3[%get3A_73, %get3A_74, %get3A_75] : memref<2x400x128xf32, #tpu.memory_space<vmem>>, vector<1x400x128xf32>
    %get3A_77 = vector.shape_cast %get3A_76 : vector<1x400x128xf32> to vector<400x128xf32>
    %convert_element_type3A_78 = arith.truncf %get3A_77 : vector<400x128xf32> to vector<400x128xbf16>
    %get3A_79 = arith.constant 1 : index
    %get3A_80 = arith.constant 0 : index
    %get3A_81 = arith.constant 0 : index
    %get3A_82 = vector.load %arg6[%get3A_79, %get3A_80, %get3A_81] : memref<2x128x349xf32, #tpu.memory_space<vmem>>, vector<1x128x349xf32>
    %get3A_83 = vector.shape_cast %get3A_82 : vector<1x128x349xf32> to vector<128x349xf32>
    %convert_element_type3A_84 = arith.truncf %get3A_83 : vector<128x349xf32> to vector<128x349xbf16>
    %dot_general3A_85 = arith.constant dense<0.000000e+00> : vector<400x349xf32>
    %dot_general3A_86 = tpu.matmul %convert_element_type3A_78, %convert_element_type3A_84, %dot_general3A_85 {dimension_numbers = #tpu.dot_dimension_numbers<[1], [0], [0], [1], [0, 0, 1, 1], [], []>, transpose_lhs_hint = false} : vector<400x128xbf16>, vector<128x349xbf16>, vector<400x349xf32> -> vector<400x349xf32>
    %add3A_87 = arith.addf %add3A_72, %dot_general3A_86 : vector<400x349xf32>
    %swap3A_88 = arith.constant 0 : index
    %swap3A_89 = arith.constant 0 : index
    %swap3A_90 = vector.load %arg8[%swap3A_88, %swap3A_89] : memref<400x349xf32, #tpu.memory_space<vmem>>, vector<400x349xf32>
    tpu.vector_store %arg8[%swap3A_88, %swap3A_89], %add3A_87 {strides = array<i32>} : memref<400x349xf32, #tpu.memory_space<vmem>>, vector<400x349xf32>,
    return
  }
  func.func @transform_0(%arg0: i32) -> (i32, i32, i32) {
    %c0_i32 = arith.constant 0 : i32
    %c0_i32_0 = arith.constant 0 : i32
    %c0_i32_1 = arith.constant 0 : i32
    return %c0_i32, %arg0, %c0_i32_0 : i32, i32, i32
  }
  func.func @transform_1(%arg0: i32) -> (i32, i32, i32) {
    %c0_i32 = arith.constant 0 : i32
    %c0_i32_0 = arith.constant 0 : i32
    %c0_i32_1 = arith.constant 0 : i32
    return %c0_i32, %arg0, %c0_i32_0 : i32, i32, i32
  }
  func.func @transform_2(%arg0: i32) -> (i32, i32, i32) {
    %c0_i32 = arith.constant 0 : i32
    %c0_i32_0 = arith.constant 0 : i32
    %c0_i32_1 = arith.constant 0 : i32
    return %c0_i32, %arg0, %c0_i32_0 : i32, i32, i32
  }
  func.func @transform_3(%arg0: i32) -> (i32, i32, i32) {
    %c0_i32 = arith.constant 0 : i32
    %c0_i32_0 = arith.constant 0 : i32
    %c0_i32_1 = arith.constant 0 : i32
    %c0_i32_2 = arith.constant 0 : i32
    return %c0_i32, %c0_i32_0, %c0_i32_1 : i32, i32, i32
  }
  func.func @transform_4(%arg0: i32) -> (i32, i32, i32) {
    %c0_i32 = arith.constant 0 : i32
    %c0_i32_0 = arith.constant 0 : i32
    %c0_i32_1 = arith.constant 0 : i32
    %c0_i32_2 = arith.constant 0 : i32
    return %c0_i32, %c0_i32_0, %c0_i32_1 : i32, i32, i32
  }
  func.func @transform_5(%arg0: i32) -> (i32, i32, i32) {
    %c0_i32 = arith.constant 0 : i32
    %c0_i32_0 = arith.constant 0 : i32
    %c0_i32_1 = arith.constant 0 : i32
    %c0_i32_2 = arith.constant 0 : i32
    return %c0_i32, %c0_i32_0, %c0_i32_1 : i32, i32, i32
  }
  func.func @transform_6(%arg0: i32) -> (i32, i32) {
    %c0_i32 = arith.constant 0 : i32
    %c0_i32_0 = arith.constant 0 : i32
    return %arg0, %c0_i32 : i32, i32
  }
  func.func @transform_7(%arg0: i32) -> (i32, i32) {
    %c0_i32 = arith.constant 0 : i32
    %c0_i32_0 = arith.constant 0 : i32
    return %arg0, %c0_i32 : i32, i32
  }
}

</mosaic_0001>

<sc_bundles>
// kernel: kernel.10.cloned.1.call-start
scs
__scs_entry_jumppad:
0x0: {  	(pc) =	sbr.rel $0x88, $3  }
0x1: {  	(tag) =	ssettag $0x0;
	lr =	simm.s32 $0x1  }
0x2: {  	[smem:$0x3F91] =	sst lr;
	_ =	strace $0xD0000000  }
0x3: {  	_ = 	snop  }
0x4: {  	_ = 	snop  }
0x5: {  	_ = 	snop  }
0x6: {  	_ = 	snop  }
0x7: {  	_ = 	snop  }
__scs_overlays_trampoline_lowered:
0x8: {  	[smem:$0x3FA0] =	sst s0  }
0x9: {  	[smem:$0x3FA1] =	sst s1  }
0xa: {  	[smem:$0x3FA2] =	sst s2  }
0xb: {  	[smem:$0x3FA3] =	sst s3  }
0xc: {  	[smem:$0x3FA4] =	sst s4  }
0xd: {  	[smem:$0x3FA5] =	sst s5  }
0xe: {  	[smem:$0x3FA6] =	sst s6  }
0xf: {  	[smem:$0x3FA7] =	sst s7  }
0x10: {  	[smem:$0x3FA8] =	sst s8  }
0x11: {  	[smem:$0x3FA9] =	sst s9;
	s0 =	simm.s32 @!p0 $0x0  }
0x12: {  	s1 =	sld [smem:$0x3F8F];
	s0 =	simm.s32 @p0 $0x1  }
0x13: {  	[smem:$0x3FAA] =	sst s0;
	s0 =	simm.s32 @!p1 $0x0  }
0x14: {  	s2 =	sld [smem:$0x3F8E];
	s0 =	simm.s32 @p1 $0x1  }
0x15: {  	[smem:$0x3FAB] =	sst s0;
	s0 =	simm.s32 @!p2 $0x0  }
0x16: {  	s3 =	sld [smem:$0x3FDB];
	s0 =	simm.s32 @p2 $0x1  }
0x17: {  	s4 =	simm.s32 $0x1BF5;
	[smem:$0x3FAD] =	sst s0  }
0x18: {  	s0 =	sld [smem:$0x3F90];
	_ =	swait.ge [sflag:s4], $0x0  }
0x19: {  	s7 =	sld [smem:$0x3F91]  }
0x1a: {  	s8 =	sadd.s32 $0xFFFFE003, lr  }
0x1b: {  	s9 =	sadd.s32 $0xFFFFFEF7, lr;
	s5 =	simm.s32 $0xFFFFFFFF;
	p2 =	slt.u32 s8, $0xFFFFF086  }
0x1c: {  	p1 =	slt.u32 s9, $0xF7A;
	s5 =	simm.s32 @!p2 $0x0  }
0x1d: {  	s5 =	simm.s32 @p1 $0x1;
	p0 =	seq.s32 s7, s2  }
0x1e: {  	s7 =	smul.u32 @!p0 $0xF7A, s2;
	p2 =	seq.s32 @!p0 s5, $0x0  }
0x1f: {  	s9 =	smul.u32 $0xF7A, s1;
	s8 =	simm.s32 @!p0 $0x1BF5;
	p2 =	por !p2, p0  }
0x20: {  	[sflag:s8] =	ssyncset.s32 @!p0 $0xFFFFF086;
	s6 =	sadd.s32 @!p0 s3, s7;
	s7 =	simm.s32 @!p0 $0x108  }
0x21: {  	s3 =	sadd.s32 s3, s9;
	s6 =	sadd.s32 @!p0 $0x88, s6;
	s7 =	simm.s32 @p2 $0x1082  }
0x22: {  	[simem:s7], [sflag:s8] =	dma.local @!p0 [hbm:s6], $0xF7A  }
0x23: {  	s9 =	sor.u32 $0xD0000000, s2;
	s6 =	simm.s32 $0x108;
	_ =	swait.ge @!p0 [sflag:s8], $0x0  }
0x24: {  	s3 =	sadd.s32 $0x88, s3;
	s6 =	simm.s32 @!p1 $0x1082;
	[sflag:s4] =	ssyncset.s32 $0xFFFFF086  }
0x25: {  	[simem:s6], [sflag:s4] =	dma.local [hbm:s3], $0xF7A  }
0x26: {  	[smem:$0x3F91] =	sst s1;
	(tag) =	ssettag s2;
	_ =	strace s9  }
0x27: {  	s1 =	sld [smem:$0x3FA1]  }
0x28: {  	s2 =	sld [smem:$0x3FA2]  }
0x29: {  	s4 =	sld [smem:$0x3FA4]  }
0x2a: {  	p0 =	seq.s32 s5, $0x0;
	s5 =	sld [smem:$0x3FA5]  }
0x2b: {  	s6 =	sld [smem:$0x3FA6]  }
0x2c: {  	s7 =	sld [smem:$0x3FA7]  }
0x2d: {  	s3 =	simm.s32 $0x108;
	s8 =	sld [smem:$0x3FA8]  }
0x2e: {  	s3 =	simm.s32 @!p0 $0x1082;
	s9 =	sld [smem:$0x3FA9]  }
0x2f: {  	lr =	sadd.s32 s0, s3;
	s0 =	sld [smem:$0x3FA0]  }
0x30: {  	s3 =	sld [smem:$0x3FA3]  }
0x31: {  	[smem:$0x3FAC] =	sst s10  }
0x32: {  	s10 =	sld [smem:$0x3FAA];
	_ =	sdelay $0x3  }
0x33: {  	p0 =	seq.s32 s10, $0x1;
	s10 =	sld [smem:$0x3FAC];
	_ =	sdelay $0x3  }
0x34: {  	[smem:$0x3FAC] =	sst s10  }
0x35: {  	s10 =	sld [smem:$0x3FAB];
	_ =	sdelay $0x3  }
0x36: {  	p1 =	seq.s32 s10, $0x1;
	s10 =	sld [smem:$0x3FAC];
	_ =	sdelay $0x3  }
0x37: {  	[smem:$0x3FAC] =	sst s10  }
0x38: {  	s10 =	sld [smem:$0x3FAD]  }
0x39: {  	_ = 	snop;
	(pc) =	sbr.ind lr, $3  }
0x3a: {  	_ = 	snop  }
0x3b: {  	_ = 	snop  }
0x3c: {  	p2 =	seq.s32 s10, $0x1;
	s10 =	sld [smem:$0x3FAC]  }
0x3d: {  	_ =	shalt  }
0x3e: {  	_ =	shalt  }
0x3f: {  	_ =	shalt  }
0x40: {  	_ =	shalt  }
0x41: {  	_ =	shalt  }
0x42: {  	_ =	shalt  }
0x43: {  	_ =	shalt  }
0x44: {  	_ =	shalt  }
0x45: {  	_ =	shalt  }
0x46: {  	_ =	shalt  }
0x47: {  	_ =	shalt  }
0x48: {  	_ =	shalt  }
0x49: {  	_ =	shalt  }
0x4a: {  	_ =	shalt  }
0x4b: {  	_ =	shalt  }
0x4c: {  	_ =	shalt  }
0x4d: {  	_ =	shalt  }
0x4e: {  	_ =	shalt  }
0x4f: {  	_ =	shalt  }
0x50: {  	_ =	shalt  }
0x51: {  	_ =	shalt  }
0x52: {  	_ =	shalt  }
0x53: {  	_ =	shalt  }
0x54: {  	_ =	shalt  }
0x55: {  	_ =	shalt  }
0x56: {  	_ =	shalt  }
0x57: {  	_ =	shalt  }
0x58: {  	_ =	shalt  }
0x59: {  	_ =	shalt  }
0x5a: {  	_ =	shalt  }
0x5b: {  	_ =	shalt  }
0x5c: {  	_ =	shalt  }
0x5d: {  	_ =	shalt  }
0x5e: {  	_ =	shalt  }
0x5f: {  	_ =	shalt  }
0x60: {  	_ =	shalt  }
0x61: {  	_ =	shalt  }
0x62: {  	_ =	shalt  }
0x63: {  	_ =	shalt  }
0x64: {  	_ =	shalt  }
0x65: {  	_ =	shalt  }
0x66: {  	_ =	shalt  }
0x67: {  	_ =	shalt  }
0x68: {  	_ =	shalt  }
0x69: {  	_ =	shalt  }
0x6a: {  	_ =	shalt  }
0x6b: {  	_ =	shalt  }
0x6c: {  	_ =	shalt  }
0x6d: {  	_ =	shalt  }
0x6e: {  	_ =	shalt  }
0x6f: {  	_ =	shalt  }
0x70: {  	_ =	shalt  }
0x71: {  	_ =	shalt  }
0x72: {  	_ =	shalt  }
0x73: {  	_ =	shalt  }
0x74: {  	_ =	shalt  }
0x75: {  	_ =	shalt  }
0x76: {  	_ =	shalt  }
0x77: {  	_ =	shalt  }
0x78: {  	_ =	shalt  }
0x79: {  	_ =	shalt  }
0x7a: {  	_ =	shalt  }
0x7b: {  	_ =	shalt  }
0x7c: {  	_ =	shalt  }
0x7d: {  	_ =	shalt  }
0x7e: {  	_ =	shalt  }
0x7f: {  	_ =	shalt  }
0x80: {  	_ =	shalt  }
0x81: {  	_ =	shalt  }
0x82: {  	_ =	shalt  }
0x83: {  	_ =	shalt  }
0x84: {  	_ =	shalt  }
0x85: {  	_ =	shalt  }
0x86: {  	_ =	shalt  }
0x87: {  	_ =	shalt  }
.Lfunc_end0:
.L_simem_size_0:
called_computation.1_lowered:
.L_overlay_start_0:
0x88: {  	s2 =	sld [smem:$0x3FD9]  }
0x89: {  	s3 =	sld [smem:$0x3FFE];
	_ =	sdelay $0x1  }
0x8a: {  	s1 =	srdreg.scid  }
0x8b: {  	s0 =	sand.u32 $0x1, s1  }
0x8c: {  	s14 =	sshll.u32 s0, $0xA;
	s2 =	sadd.s32 s3, s2  }
0x8d: {  	s2 =	sadd.s32 s2, s14  }
0x8e: {  	[smem:$0x3FB8] =	sst s2  }
0x8f: {  	_ = 	snop  }
0x90: {  	s2 =	sld [smem:$0x3FD0];
	_ =	sdelay $0x2  }
0x91: {  	s15 =	simm.s32 $0xB;
	s4 =	simm.s32 $0x10  }
0x92: {  	[smem:s4], [sflag:s15] =	dma.local [hbm:s2], $0x1  }
0x93: {  	_ =	swait.eq [sflag:s15], $0x1  }
0x94: {  	[sflag:s15] =	ssyncset.done $0x0  }
0x95: {  	s16 =	sld [smem:$0x10];
	[sflag:s15] =	ssyncadd.s32 $0xFFFFFFFF  }
0x96: {  	s17 =	sld [smem:$0x11];
	(tm) =	ssettm $0x1  }
0x97: {  	s18 =	sld [smem:$0x3FFB];
	_ =	sdelay $0x3  }
0x98: {  	_ =	strace s18  }
0x99: {  	s4 =	sld [smem:$0x3FFC];
	_ =	sdelay $0x3  }
0x9a: {  	_ =	strace s4  }
0x9b: {  	s4 =	sld [smem:$0x3FFD];
	_ =	sdelay $0x3  }
0x9c: {  	_ =	strace s4  }
0x9d: {  	_ =	strace $0x8FFFFFFF  }
0x9e: {  	s19 =	sld [smem:$0x3FDB];
	_ =	sdelay $0x1  }
0x9f: {  	s5 =	simm.s32 $_scs_section_size  }
0xa0: {  	s6 =	simm.s32 $_size__tile_overlayer_lowered;
	s7 =	simm.s32 $_tile_overlayer_lowered  }
0xa1: {  	s22 =	simm.s32 $0x1BFF;
	s21 =	sshll.u32 s7, $0x1;
	s4 =	sadd.s32 s5, s19  }
0xa2: {  	s8 =	simm.s32 $0x0;
	s20 =	sshll.u32 s6, $0x1;
	s6 =	sadd.s32 s21, s4  }
0xa3: {  	[timem:s8], [sflag:s22] =	dma.local [hbm:s6], s20  }
0xa4: {  	_ =	swait.ge [sflag:s22], s20  }
0xa5: {  	s5 =	ssub.s32 $0x0, s20;
	[sflag:s22] =	ssyncset.done $0x0  }
0xa6: {  	[sflag:s22] =	ssyncadd.s32 s5;
	_ =	sdelay $0x1  }
0xa7: {  	s23 =	simm.s32 $0x1B8B  }
0xa8: {  	_ =	swait.ge [sflag:s23], $0x1  }
0xa9: {  	[sflag:s23] =	ssyncset.done $0x0  }
0xaa: {  	s25 =	simm.s32 $0x1B8E;
	s24 =	sld [smem:$0x3FFE];
	[sflag:s23] =	ssyncadd.s32 $0xFFFFFFFF  }
0xab: {  	s26 =	simm.s32 $execute0_lowered;
	[smem:$0x3FD2] =	sst s25  }
0xac: {  	s6 =	sshll.u32 s26, $0x1;
	_ =	strace $0x80000046;
	[dreg:$0x1] =	wrdreg $0xFFFFFFFF  }
0xad: {  	s28 =	simm.s32 $_size_execute0_lowered;
	s4 =	sadd.s32 s4, s6;
	[dreg:$0x0] =	wrdreg $0x0  }
0xae: {  	s6 =	sshll.u32 s28, $0x1;
	[dreg:$0x2] =	wrdreg s4  }
0xaf: {  	[dreg:$0x3] =	wrdreg s6  }
0xb0: {  	[dreg:$0x4] =	wrdreg $0xC0  }
0xb1: {  	_ =	task [dreg:s8], $0x5FFFF  }
0xb2: {  	[dreg:$0x1] =	wrdreg $0xFFFFFFFF  }
0xb3: {  	[dreg:$0x0] =	wrdreg $0x60  }
0xb4: {  	[dreg:$0x2] =	wrdreg s17  }
0xb5: {  	[dreg:$0x3] =	wrdreg s24  }
0xb6: {  	[dreg:$0x4] =	wrdreg s16  }
0xb7: {  	[dreg:$0x5] =	wrdreg $0x0  }
0xb8: {  	[dreg:$0x6] =	wrdreg $0xA  }
0xb9: {  	_ =	task.clear_ibuf [dreg:s8], $0x7FFFF;
	_ =	strace $0x90000046  }
0xba: {  	s29 =	simm.s32 $0xA;
	_ =	strace $0x80000048  }
0xbb: {  	_ =	swait.ge [sflag:s29], $0x1  }
0xbc: {  	[sflag:s29] =	ssyncadd.s32 $0xFFFFFFFF  }
0xbd: {  	_ =	strace $0x90000048  }
0xbe: {  	_ =	sfence  }
0xbf: {  	s30 =	sld [smem:$0x0];
	_ =	sdelay $0x2  }
0xc0: {  	s31 =	sshll.u32 s1, $0xD;
	s1 =	sshrl.u32 s1, $0x2  }
0xc1: {  	s3 =	sand.u32 $0x4000, s31;
	s1 =	sadd.s32 s1, s30  }
0xc2: {  	s0 =	sor.u32 s3, s0;
	s1 =	sshll.u32 s1, $0x11  }
0xc3: {  	s0 =	sor.u32 s1, s0  }
0xc4: {  	s0 =	sadd.s32 $0x8F2B, s0  }
0xc5: {  	[sflag:s0] =	ssyncadd.remote.s32 $0x1  }
0xc6: {  	_ =	sfence.sel $0xFFFF  }
0xc7: {  	[dreg:$0x0] =	wrdreg $0xFFFFFFFF;
	(pc) =	sbr.abs _section_cstart, $3  }
0xc8: {  	[dreg:$0x1] =	wrdreg $0xFFFFFFFF  }
0xc9: {  	_ =	task.clear_ibuf [dreg:s8], $0x2FFFF;
	_ =	strace $0x9FFFFFFF  }
0xca: {  	(tm) =	ssettm $0x7FFFFFFF  }
0xcb: {  	_ =	shalt  }
tec
execute0_lowered:
.L_overlay_start_1:
0x0: {  	(tag) =	ssettag $0x1  }
0x1: {  	s2 =	rddreg [dreg:$0x0]  }
0x2: {  	s0 =	rddreg [dreg:$0x1]  }
0x3: {  	s1 =	rddreg [dreg:$0x2]  }
0x4: {  	s3 =	rddreg [dreg:$0x3]  }
0x5: {  	s11 =	stileid.u32;
	s4 =	simm.s32 $0x0;
	s6 =	srdreg.scid  }
0x6: {  	s12 =	simm.s32 $0x13C00;
	s13 =	simm.s32 $0x14000;
	s14 =	simm.s32 $0x80  }
0x7: {  	s15 =	simm.s32 $0x14400;
	s16 =	simm.s32 $0x13C80;
	s17 =	simm.s32 $0x18400  }
0x8: {  	s28 =	simm.s32 $0x13E00;
	s29 =	simm.s32 $0x14180;
	s5 =	smul.u32 $0xA00, s11  }
0x9: {  	s30 =	simm.s32 $0x13E80;
	s31 =	simm.s32 $0x14200;
	s7 =	smul.u32 $0x2780, s11  }
0xa: {  	[smem:$0x7FF] =	sst s4;
	s6 =	sand.u32 $0x1, s6;
	s8 =	smul.u32 $0x4F000, s11  }
0xb: {  	s22 =	sshll.u32 s11, $0x6;
	s11 =	simm.s32 $0x5;
	_ =	strace $0x80000047  }
0xc: {  	s9 =	ssub.s32 $0x2, s6;
	p0 =	seq.s32 s6, $0x1;
	s6 =	sadd.s32 $0x27800, s2  }
0xd: {  	s25 =	sor.u32 $0x1C05, s22;
	s22 =	simm.s32 $0x14080;
	s5 =	sadd.s32 s5, s0  }
0xe: {  	s0 =	sadd.s32 s7, s0;
	s10 =	sshrl.u32 s9, $0x1;
	s8 =	sshrl.u32 s8, $0x2  }
0xf: {  	s19 =	sadd.s32 s1, s7;
	s1 =	sadd.s32 $0x27800, s1;
	[dreg:$0xc] =	wrdreg s25  }
0x10: {  	s25 =	simm.s32 $0x13D80;
	s9 =	ssub.s32 s9, s10;
	s8 =	sadd.s32 s8, s3  }
0x11: {  	s0 =	sadd.s32 $0x2BE00, s0;
	s18 =	sadd.s32 $0x3E00, s5;
	[dreg:$0xa] =	wrdreg s19  }
0x12: {  	s20 =	sadd.s32 $0x17E00, s5;
	s21 =	sadd.s32 $0xDE00, s5;
	[dreg:$0x9] =	wrdreg s0  }
0x13: {  	s23 =	sadd.s32 $0x21E00, s5;
	s19 =	simm.s32 $0x3;
	[dreg:$0x5] =	wrdreg s18  }
0x14: {  	s26 =	sadd.s32 s7, s1;
	s1 =	simm.s32 $0x14280;
	[dreg:$0x6] =	wrdreg s20  }
0x15: {  	s7 =	simm.s32 $0x13F80;
	s5 =	simm.s32 $0x14380;
	[dreg:$0x7] =	wrdreg s21  }
.Ltmp0:
0x16: {  	s24 =	smax.u32 s9, $0x1;
	[dreg:$0x8] =	wrdreg s23;
	(pc) =	sbr.rel .LBB2_1-.Ltmp0, $4  }
0x17: {  	s10 =	sshrl.u32 s8, $0x3;
	s18 =	simm.s32 $0x1;
	s20 =	simm.s32 $0x13D00  }
0x18: {  	s21 =	simm.s32 $0x2;
	s23 =	simm.s32 $0x4;
	[dreg:$0xe] =	wrdreg s26  }
0x19: {  	s26 =	simm.s32 $0x14100;
	s0 =	simm.s32 $0x13F00;
	[dreg:$0xb] =	wrdreg s24  }
0x1a: {  	s9 =	simm.s32 $0x0;
	s24 =	simm.s32 $0x14300;
	[dreg:$0xd] =	wrdreg s10  }
.LBB2_7:
0x1b: {  	[sflag:s23] =	ssyncadd.s32 $0xFFFFC000  }
0x1c: {  	[bflag:$0x0] =	sbarrier.arrive $0xFFFF  }
0x1d: {  	s8 =	rddreg [dreg:$0xe]  }
0x1e: {  	[dreg:$0x10] =	wrdreg s8  }
.LBB2_8:
0x1f: {  	s10 =	rddreg [dreg:$0x10]  }
0x20: {  	s8 =	rddreg [dreg:$0xd]  }
0x21: {  	s9 =	rddreg [dreg:$0xc]  }
0x22: {  	[hbm:s10], [sflag:s9] =	dma.local [spmem:s8], $0x2780  }
0x23: {  	s10 =	rddreg [dreg:$0xd];
	_ =	swait.ge [sflag:s11], $0x2780  }
0x24: {  	s8 =	rddreg [dreg:$0xf]  }
0x25: {  	s9 =	sadd.s32 $0x1, s8;
	s8 =	rddreg [dreg:$0xb]  }
0x26: {  	p1 =	sne.s32 s9, s8  }
.Ltmp1:
0x27: {  	_ = 	snop;
	(pc) =	sbr.rel @!p1 .LBB2_9-.Ltmp1, $3  }
0x28: {  	_ =	sdelay $0x1  }
0x29: {  	[sflag:s11] =	ssyncset.done $0x0  }
0x2a: {  	[sflag:s11] =	ssyncadd.s32 $0xFFFFD880  }
.LBB2_1:
0x2b: {  	[dreg:$0xf] =	wrdreg s9  }
0x2c: {  	s8 =	rddreg [dreg:$0x9]  }
0x2d: {  	s9 =	rddreg [dreg:$0xc]  }
0x2e: {  	[spmem:s10], [sflag:s9] =	dma.local [hbm:s8], $0x2780  }
.Ltmp2:
0x2f: {  	_ =	swait.ge [sflag:s11], $0x2780;
	(pc) =	sbr.rel @!p0 .LBB2_2-.Ltmp2, $3  }
0x30: {  	[sflag:s11] =	ssyncset.done $0x0  }
0x31: {  	[sflag:s11] =	ssyncadd.s32 $0xFFFFD880  }
0x32: {  	[bflag:$0x0] =	sbarrier.arrive $0xFFFF;
	_ =	sdelay $0x1  }
0x33: {  	s8 =	rddreg [dreg:$0x8]  }
0x34: {  	s8 =	sadd.s32 $0x0, s8  }
0x35: {  	[tilespmem:s12], [sflag:$0x5] =	stream.linear.gather [hbm4b:s8+s4], $0x400, $0x38;
	[tilespmem:$0x1C400] =	vst v63  }
0x36: {  	_ =	swait.ge [sflag:s11], $0x400  }
0x37: {  	s10 =	rddreg [dreg:$0x7];
	[sflag:s11] =	ssyncset.done $0x0  }
0x38: {  	[sflag:s11] =	ssyncadd.s32 $0xFFFFFC00;
	s8 =	sadd.s32 $0x0, s10  }
0x39: {  	[tilespmem:s13], [sflag:$0x5] =	stream.linear.gather [hbm4b:s8+s4], $0x400, $0x38;
	[tilespmem:$0x1C400] =	vst v63  }
0x3a: {  	_ =	swait.ge [sflag:s11], $0x400  }
0x3b: {  	[sflag:s11] =	ssyncset.done $0x0  }
0x3c: {  	[sflag:s11] =	ssyncadd.s32 $0xFFFFFC00  }
0x3d: {  	[tilespmem:s15], [sflag:$0x1] =	stream.indirect.gather [hbm4b:s2+s14], $0x80, s12, s14, $0xb8;
	[tilespmem:$0x1C400] =	vst v63  }
0x3e: {  	_ = 	snop  }
0x3f: {  	[tilespmem:s17], [sflag:$0x2] =	stream.indirect.gather [hbm4b:s2+s14], $0x80, s16, s14, $0xb8;
	[tilespmem:$0x1C400] =	vst v63  }
0x40: {  	_ =	swait.ge [sflag:s18], $0x4000  }
0x41: {  	[sflag:s18] =	ssyncset.done $0x0  }
0x42: {  	[sflag:s18] =	ssyncadd.s32 $0xFFFFC000  }
0x43: {  	[spmem:s3] =	stream.indirect.scatter.add.f32 [tilespmem:s15], [sflag:$0x3], $0x80, s13, s14, $0xb8;
	[tilespmem:$0x1C400] =	vst v63  }
0x44: {  	_ =	swait.ge [sflag:s19], $0x4000  }
0x45: {  	[sflag:s19] =	ssyncset.done $0x0  }
0x46: {  	[sflag:s19] =	ssyncadd.s32 $0xFFFFC000  }
0x47: {  	[tilespmem:s15], [sflag:$0x1] =	stream.indirect.gather [hbm4b:s2+s14], $0x80, s20, s14, $0xb8;
	[tilespmem:$0x1C400] =	vst v63  }
0x48: {  	_ =	swait.ge [sflag:s21], $0x4000  }
0x49: {  	[sflag:s21] =	ssyncset.done $0x0  }
0x4a: {  	[sflag:s21] =	ssyncadd.s32 $0xFFFFC000  }
0x4b: {  	[spmem:s3] =	stream.indirect.scatter.add.f32 [tilespmem:s17], [sflag:$0x4], $0x80, s22, s14, $0xb8;
	[tilespmem:$0x1C400] =	vst v63  }
0x4c: {  	_ =	swait.ge [sflag:s23], $0x4000  }
0x4d: {  	[sflag:s23] =	ssyncset.done $0x0  }
0x4e: {  	[sflag:s23] =	ssyncadd.s32 $0xFFFFC000  }
0x4f: {  	[tilespmem:s17], [sflag:$0x2] =	stream.indirect.gather [hbm4b:s2+s14], $0x80, s25, s14, $0xb8;
	[tilespmem:$0x1C400] =	vst v63  }
0x50: {  	_ =	swait.ge [sflag:s18], $0x4000  }
0x51: {  	[sflag:s18] =	ssyncset.done $0x0  }
0x52: {  	[sflag:s18] =	ssyncadd.s32 $0xFFFFC000  }
0x53: {  	[spmem:s3] =	stream.indirect.scatter.add.f32 [tilespmem:s15], [sflag:$0x3], $0x80, s26, s14, $0xb8;
	[tilespmem:$0x1C400] =	vst v63  }
0x54: {  	_ =	swait.ge [sflag:s19], $0x4000  }
0x55: {  	[sflag:s19] =	ssyncset.done $0x0  }
0x56: {  	[sflag:s19] =	ssyncadd.s32 $0xFFFFC000  }
0x57: {  	[tilespmem:s15], [sflag:$0x1] =	stream.indirect.gather [hbm4b:s2+s14], $0x80, s28, s14, $0xb8;
	[tilespmem:$0x1C400] =	vst v63  }
0x58: {  	_ =	swait.ge [sflag:s21], $0x4000  }
0x59: {  	[sflag:s21] =	ssyncset.done $0x0  }
0x5a: {  	[sflag:s21] =	ssyncadd.s32 $0xFFFFC000  }
0x5b: {  	[spmem:s3] =	stream.indirect.scatter.add.f32 [tilespmem:s17], [sflag:$0x4], $0x80, s29, s14, $0xb8;
	[tilespmem:$0x1C400] =	vst v63  }
0x5c: {  	_ =	swait.ge [sflag:s23], $0x4000  }
0x5d: {  	[sflag:s23] =	ssyncset.done $0x0  }
0x5e: {  	[sflag:s23] =	ssyncadd.s32 $0xFFFFC000  }
0x5f: {  	[tilespmem:s17], [sflag:$0x2] =	stream.indirect.gather [hbm4b:s2+s14], $0x80, s30, s14, $0xb8;
	[tilespmem:$0x1C400] =	vst v63  }
0x60: {  	_ =	swait.ge [sflag:s18], $0x4000  }
0x61: {  	[sflag:s18] =	ssyncset.done $0x0  }
0x62: {  	[sflag:s18] =	ssyncadd.s32 $0xFFFFC000  }
0x63: {  	[spmem:s3] =	stream.indirect.scatter.add.f32 [tilespmem:s15], [sflag:$0x3], $0x80, s31, s14, $0xb8;
	[tilespmem:$0x1C400] =	vst v63  }
0x64: {  	_ =	swait.ge [sflag:s19], $0x4000  }
0x65: {  	[sflag:s19] =	ssyncset.done $0x0  }
0x66: {  	[sflag:s19] =	ssyncadd.s32 $0xFFFFC000  }
0x67: {  	[tilespmem:s15], [sflag:$0x1] =	stream.indirect.gather [hbm4b:s2+s14], $0x80, s0, s14, $0xb8;
	[tilespmem:$0x1C400] =	vst v63  }
0x68: {  	_ =	swait.ge [sflag:s21], $0x4000  }
0x69: {  	[sflag:s21] =	ssyncset.done $0x0  }
0x6a: {  	[sflag:s21] =	ssyncadd.s32 $0xFFFFC000  }
0x6b: {  	[spmem:s3] =	stream.indirect.scatter.add.f32 [tilespmem:s17], [sflag:$0x4], $0x80, s1, s14, $0xb8;
	[tilespmem:$0x1C400] =	vst v63  }
0x6c: {  	_ =	swait.ge [sflag:s23], $0x4000  }
0x6d: {  	[sflag:s23] =	ssyncset.done $0x0  }
0x6e: {  	[sflag:s23] =	ssyncadd.s32 $0xFFFFC000  }
0x6f: {  	[tilespmem:s17], [sflag:$0x2] =	stream.indirect.gather [hbm4b:s2+s14], $0x80, s7, s14, $0xb8;
	[tilespmem:$0x1C400] =	vst v63  }
0x70: {  	_ =	swait.ge [sflag:s18], $0x4000  }
0x71: {  	[sflag:s18] =	ssyncset.done $0x0  }
0x72: {  	[sflag:s18] =	ssyncadd.s32 $0xFFFFC000  }
0x73: {  	[spmem:s3] =	stream.indirect.scatter.add.f32 [tilespmem:s15], [sflag:$0x3], $0x80, s24, s14, $0xb8;
	[tilespmem:$0x1C400] =	vst v63  }
0x74: {  	_ =	swait.ge [sflag:s21], $0x4000  }
0x75: {  	[sflag:s21] =	ssyncset.done $0x0  }
0x76: {  	[sflag:s21] =	ssyncadd.s32 $0xFFFFC000  }
0x77: {  	[spmem:s3] =	stream.indirect.scatter.add.f32 [tilespmem:s17], [sflag:$0x4], $0x80, s5, s14, $0xb8;
	[tilespmem:$0x1C400] =	vst v63  }
0x78: {  	_ =	swait.ge [sflag:s19], $0x4000  }
0x79: {  	[sflag:s19] =	ssyncset.done $0x0  }
0x7a: {  	[sflag:s19] =	ssyncadd.s32 $0xFFFFC000  }
0x7b: {  	_ =	swait.ge [sflag:s23], $0x4000  }
0x7c: {  	s9 =	simm.s32 $0x80;
	[sflag:s23] =	ssyncset.done $0x0  }
.LBB2_6:
0x7d: {  	s8 =	rddreg [dreg:$0x8];
	s10 =	smov.u32 s9  }
0x7e: {  	[sflag:s23] =	ssyncadd.s32 $0xFFFFC000;
	s8 =	sadd.s32 s10, s8  }
0x7f: {  	[tilespmem:s12], [sflag:$0x5] =	stream.linear.gather [hbm4b:s8+s4], $0x400, $0x38;
	[tilespmem:$0x1C400] =	vst v63  }
0x80: {  	_ =	swait.ge [sflag:s11], $0x400  }
0x81: {  	s8 =	rddreg [dreg:$0x7];
	[sflag:s11] =	ssyncset.done $0x0  }
0x82: {  	[sflag:s11] =	ssyncadd.s32 $0xFFFFFC00;
	s8 =	sadd.s32 s10, s8  }
0x83: {  	[tilespmem:s13], [sflag:$0x5] =	stream.linear.gather [hbm4b:s8+s4], $0x400, $0x38;
	[tilespmem:$0x1C400] =	vst v63  }
0x84: {  	_ =	swait.ge [sflag:s11], $0x400  }
0x85: {  	[sflag:s11] =	ssyncset.done $0x0  }
0x86: {  	[sflag:s11] =	ssyncadd.s32 $0xFFFFFC00  }
0x87: {  	[tilespmem:s15], [sflag:$0x1] =	stream.indirect.gather [hbm4b:s2+s14], $0x80, s12, s14, $0xb8;
	[tilespmem:$0x1C400] =	vst v63  }
0x88: {  	_ = 	snop  }
0x89: {  	[tilespmem:s17], [sflag:$0x2] =	stream.indirect.gather [hbm4b:s2+s14], $0x80, s16, s14, $0xb8;
	[tilespmem:$0x1C400] =	vst v63  }
0x8a: {  	_ =	swait.ge [sflag:s18], $0x4000  }
0x8b: {  	[sflag:s18] =	ssyncset.done $0x0  }
0x8c: {  	[sflag:s18] =	ssyncadd.s32 $0xFFFFC000  }
0x8d: {  	[spmem:s3] =	stream.indirect.scatter.add.f32 [tilespmem:s15], [sflag:$0x3], $0x80, s13, s14, $0xb8;
	[tilespmem:$0x1C400] =	vst v63  }
0x8e: {  	_ =	swait.ge [sflag:s19], $0x4000  }
0x8f: {  	[sflag:s19] =	ssyncset.done $0x0  }
0x90: {  	[sflag:s19] =	ssyncadd.s32 $0xFFFFC000  }
0x91: {  	[tilespmem:s15], [sflag:$0x1] =	stream.indirect.gather [hbm4b:s2+s14], $0x80, s20, s14, $0xb8;
	[tilespmem:$0x1C400] =	vst v63  }
0x92: {  	_ =	swait.ge [sflag:s21], $0x4000  }
0x93: {  	[sflag:s21] =	ssyncset.done $0x0  }
0x94: {  	[sflag:s21] =	ssyncadd.s32 $0xFFFFC000  }
0x95: {  	[spmem:s3] =	stream.indirect.scatter.add.f32 [tilespmem:s17], [sflag:$0x4], $0x80, s22, s14, $0xb8;
	[tilespmem:$0x1C400] =	vst v63  }
0x96: {  	_ =	swait.ge [sflag:s23], $0x4000  }
0x97: {  	[sflag:s23] =	ssyncset.done $0x0  }
0x98: {  	[sflag:s23] =	ssyncadd.s32 $0xFFFFC000  }
0x99: {  	[tilespmem:s17], [sflag:$0x2] =	stream.indirect.gather [hbm4b:s2+s14], $0x80, s25, s14, $0xb8;
	[tilespmem:$0x1C400] =	vst v63  }
0x9a: {  	_ =	swait.ge [sflag:s18], $0x4000  }
0x9b: {  	[sflag:s18] =	ssyncset.done $0x0  }
0x9c: {  	[sflag:s18] =	ssyncadd.s32 $0xFFFFC000  }
0x9d: {  	[spmem:s3] =	stream.indirect.scatter.add.f32 [tilespmem:s15], [sflag:$0x3], $0x80, s26, s14, $0xb8;
	[tilespmem:$0x1C400] =	vst v63  }
0x9e: {  	_ =	swait.ge [sflag:s19], $0x4000  }
0x9f: {  	[sflag:s19] =	ssyncset.done $0x0  }
0xa0: {  	[sflag:s19] =	ssyncadd.s32 $0xFFFFC000  }
0xa1: {  	[tilespmem:s15], [sflag:$0x1] =	stream.indirect.gather [hbm4b:s2+s14], $0x80, s28, s14, $0xb8;
	[tilespmem:$0x1C400] =	vst v63  }
0xa2: {  	_ =	swait.ge [sflag:s21], $0x4000  }
0xa3: {  	[sflag:s21] =	ssyncset.done $0x0  }
0xa4: {  	[sflag:s21] =	ssyncadd.s32 $0xFFFFC000  }
0xa5: {  	[spmem:s3] =	stream.indirect.scatter.add.f32 [tilespmem:s17], [sflag:$0x4], $0x80, s29, s14, $0xb8;
	[tilespmem:$0x1C400] =	vst v63  }
0xa6: {  	_ =	swait.ge [sflag:s23], $0x4000  }
0xa7: {  	[sflag:s23] =	ssyncset.done $0x0  }
0xa8: {  	[sflag:s23] =	ssyncadd.s32 $0xFFFFC000  }
0xa9: {  	[tilespmem:s17], [sflag:$0x2] =	stream.indirect.gather [hbm4b:s2+s14], $0x80, s30, s14, $0xb8;
	[tilespmem:$0x1C400] =	vst v63  }
0xaa: {  	_ =	swait.ge [sflag:s18], $0x4000  }
0xab: {  	[sflag:s18] =	ssyncset.done $0x0  }
0xac: {  	[sflag:s18] =	ssyncadd.s32 $0xFFFFC000  }
0xad: {  	[spmem:s3] =	stream.indirect.scatter.add.f32 [tilespmem:s15], [sflag:$0x3], $0x80, s31, s14, $0xb8;
	[tilespmem:$0x1C400] =	vst v63  }
0xae: {  	_ =	swait.ge [sflag:s19], $0x4000  }
0xaf: {  	[sflag:s19] =	ssyncset.done $0x0  }
0xb0: {  	[sflag:s19] =	ssyncadd.s32 $0xFFFFC000  }
0xb1: {  	[tilespmem:s15], [sflag:$0x1] =	stream.indirect.gather [hbm4b:s2+s14], $0x80, s0, s14, $0xb8;
	[tilespmem:$0x1C400] =	vst v63  }
0xb2: {  	_ =	swait.ge [sflag:s21], $0x4000  }
0xb3: {  	[sflag:s21] =	ssyncset.done $0x0  }
0xb4: {  	[sflag:s21] =	ssyncadd.s32 $0xFFFFC000  }
0xb5: {  	[spmem:s3] =	stream.indirect.scatter.add.f32 [tilespmem:s17], [sflag:$0x4], $0x80, s1, s14, $0xb8;
	[tilespmem:$0x1C400] =	vst v63  }
0xb6: {  	_ =	swait.ge [sflag:s23], $0x4000  }
0xb7: {  	[sflag:s23] =	ssyncset.done $0x0  }
0xb8: {  	[sflag:s23] =	ssyncadd.s32 $0xFFFFC000  }
0xb9: {  	[tilespmem:s17], [sflag:$0x2] =	stream.indirect.gather [hbm4b:s2+s14], $0x80, s7, s14, $0xb8;
	[tilespmem:$0x1C400] =	vst v63  }
0xba: {  	_ =	swait.ge [sflag:s18], $0x4000  }
0xbb: {  	[sflag:s18] =	ssyncset.done $0x0  }
0xbc: {  	[sflag:s18] =	ssyncadd.s32 $0xFFFFC000  }
0xbd: {  	[spmem:s3] =	stream.indirect.scatter.add.f32 [tilespmem:s15], [sflag:$0x3], $0x80, s24, s14, $0xb8;
	[tilespmem:$0x1C400] =	vst v63  }
0xbe: {  	_ =	swait.ge [sflag:s21], $0x4000  }
0xbf: {  	[sflag:s21] =	ssyncset.done $0x0  }
0xc0: {  	p1 =	sne.s32 s9, $0x980;
	[sflag:s21] =	ssyncadd.s32 $0xFFFFC000  }
0xc1: {  	[spmem:s3] =	stream.indirect.scatter.add.f32 [tilespmem:s17], [sflag:$0x4], $0x80, s5, s14, $0xb8;
	[tilespmem:$0x1C400] =	vst v63  }
.Ltmp3:
0xc2: {  	_ =	swait.ge [sflag:s19], $0x4000;
	(pc) =	sbr.rel @p1 .LBB2_6-.Ltmp3, $4  }
0xc3: {  	[sflag:s19] =	ssyncset.done $0x0  }
0xc4: {  	[sflag:s19] =	ssyncadd.s32 $0xFFFFC000  }
0xc5: {  	_ =	swait.ge [sflag:s23], $0x4000  }
0xc6: {  	s9 =	sadd.s32 $0x80, s9;
	[sflag:s23] =	ssyncset.done $0x0  }
.Ltmp4:
0xc7: {  	_ = 	snop;
	(pc) =	sbr.rel .LBB2_7-.Ltmp4, $1  }
0xc8: {  	_ =	sdelay $0x3  }
.LBB2_2:
0xc9: {  	s9 =	rddreg [dreg:$0x6]  }
0xca: {  	s9 =	sadd.s32 $0x0, s9  }
0xcb: {  	[tilespmem:s12], [sflag:$0x5] =	stream.linear.gather [hbm4b:s9+s4], $0x400, $0x38;
	[tilespmem:$0x1C400] =	vst v63  }
0xcc: {  	_ =	swait.ge [sflag:s11], $0x400  }
0xcd: {  	s10 =	rddreg [dreg:$0x5];
	[sflag:s11] =	ssyncset.done $0x0  }
0xce: {  	[sflag:s11] =	ssyncadd.s32 $0xFFFFFC00;
	s9 =	sadd.s32 $0x0, s10  }
0xcf: {  	[tilespmem:s13], [sflag:$0x5] =	stream.linear.gather [hbm4b:s9+s4], $0x400, $0x38;
	[tilespmem:$0x1C400] =	vst v63  }
0xd0: {  	_ =	swait.ge [sflag:s11], $0x400  }
0xd1: {  	[sflag:s11] =	ssyncset.done $0x0  }
0xd2: {  	[sflag:s11] =	ssyncadd.s32 $0xFFFFFC00  }
0xd3: {  	[tilespmem:s15], [sflag:$0x1] =	stream.indirect.gather [hbm4b:s6+s14], $0x80, s12, s14, $0xb8;
	[tilespmem:$0x1C400] =	vst v63  }
0xd4: {  	_ = 	snop  }
0xd5: {  	[tilespmem:s17], [sflag:$0x2] =	stream.indirect.gather [hbm4b:s6+s14], $0x80, s16, s14, $0xb8;
	[tilespmem:$0x1C400] =	vst v63  }
0xd6: {  	_ =	swait.ge [sflag:s18], $0x4000  }
0xd7: {  	[sflag:s18] =	ssyncset.done $0x0  }
0xd8: {  	[sflag:s18] =	ssyncadd.s32 $0xFFFFC000  }
0xd9: {  	[spmem:s3] =	stream.indirect.scatter.add.f32 [tilespmem:s15], [sflag:$0x3], $0x80, s13, s14, $0xb8;
	[tilespmem:$0x1C400] =	vst v63  }
0xda: {  	_ =	swait.ge [sflag:s19], $0x4000  }
0xdb: {  	[sflag:s19] =	ssyncset.done $0x0  }
0xdc: {  	[sflag:s19] =	ssyncadd.s32 $0xFFFFC000  }
0xdd: {  	[tilespmem:s15], [sflag:$0x1] =	stream.indirect.gather [hbm4b:s6+s14], $0x80, s20, s14, $0xb8;
	[tilespmem:$0x1C400] =	vst v63  }
0xde: {  	_ =	swait.ge [sflag:s21], $0x4000  }
0xdf: {  	[sflag:s21] =	ssyncset.done $0x0  }
0xe0: {  	[sflag:s21] =	ssyncadd.s32 $0xFFFFC000  }
0xe1: {  	[spmem:s3] =	stream.indirect.scatter.add.f32 [tilespmem:s17], [sflag:$0x4], $0x80, s22, s14, $0xb8;
	[tilespmem:$0x1C400] =	vst v63  }
0xe2: {  	_ =	swait.ge [sflag:s23], $0x4000  }
0xe3: {  	[sflag:s23] =	ssyncset.done $0x0  }
0xe4: {  	[sflag:s23] =	ssyncadd.s32 $0xFFFFC000  }
0xe5: {  	[tilespmem:s17], [sflag:$0x2] =	stream.indirect.gather [hbm4b:s6+s14], $0x80, s25, s14, $0xb8;
	[tilespmem:$0x1C400] =	vst v63  }
0xe6: {  	_ =	swait.ge [sflag:s18], $0x4000  }
0xe7: {  	[sflag:s18] =	ssyncset.done $0x0  }
0xe8: {  	[sflag:s18] =	ssyncadd.s32 $0xFFFFC000  }
0xe9: {  	[spmem:s3] =	stream.indirect.scatter.add.f32 [tilespmem:s15], [sflag:$0x3], $0x80, s26, s14, $0xb8;
	[tilespmem:$0x1C400] =	vst v63  }
0xea: {  	_ =	swait.ge [sflag:s19], $0x4000  }
0xeb: {  	[sflag:s19] =	ssyncset.done $0x0  }
0xec: {  	[sflag:s19] =	ssyncadd.s32 $0xFFFFC000  }
0xed: {  	[tilespmem:s15], [sflag:$0x1] =	stream.indirect.gather [hbm4b:s6+s14], $0x80, s28, s14, $0xb8;
	[tilespmem:$0x1C400] =	vst v63  }
0xee: {  	_ =	swait.ge [sflag:s21], $0x4000  }
0xef: {  	[sflag:s21] =	ssyncset.done $0x0  }
0xf0: {  	[sflag:s21] =	ssyncadd.s32 $0xFFFFC000  }
0xf1: {  	[spmem:s3] =	stream.indirect.scatter.add.f32 [tilespmem:s17], [sflag:$0x4], $0x80, s29, s14, $0xb8;
	[tilespmem:$0x1C400] =	vst v63  }
0xf2: {  	_ =	swait.ge [sflag:s23], $0x4000  }
0xf3: {  	[sflag:s23] =	ssyncset.done $0x0  }
0xf4: {  	[sflag:s23] =	ssyncadd.s32 $0xFFFFC000  }
0xf5: {  	[tilespmem:s17], [sflag:$0x2] =	stream.indirect.gather [hbm4b:s6+s14], $0x80, s30, s14, $0xb8;
	[tilespmem:$0x1C400] =	vst v63  }
0xf6: {  	_ =	swait.ge [sflag:s18], $0x4000  }
0xf7: {  	[sflag:s18] =	ssyncset.done $0x0  }
0xf8: {  	[sflag:s18] =	ssyncadd.s32 $0xFFFFC000  }
0xf9: {  	[spmem:s3] =	stream.indirect.scatter.add.f32 [tilespmem:s15], [sflag:$0x3], $0x80, s31, s14, $0xb8;
	[tilespmem:$0x1C400] =	vst v63  }
0xfa: {  	_ =	swait.ge [sflag:s19], $0x4000  }
0xfb: {  	[sflag:s19] =	ssyncset.done $0x0  }
0xfc: {  	[sflag:s19] =	ssyncadd.s32 $0xFFFFC000  }
0xfd: {  	[tilespmem:s15], [sflag:$0x1] =	stream.indirect.gather [hbm4b:s6+s14], $0x80, s0, s14, $0xb8;
	[tilespmem:$0x1C400] =	vst v63  }
0xfe: {  	_ =	swait.ge [sflag:s21], $0x4000  }
0xff: {  	[sflag:s21] =	ssyncset.done $0x0  }
0x100: {  	[sflag:s21] =	ssyncadd.s32 $0xFFFFC000  }
0x101: {  	[spmem:s3] =	stream.indirect.scatter.add.f32 [tilespmem:s17], [sflag:$0x4], $0x80, s1, s14, $0xb8;
	[tilespmem:$0x1C400] =	vst v63  }
0x102: {  	_ =	swait.ge [sflag:s23], $0x4000  }
0x103: {  	[sflag:s23] =	ssyncset.done $0x0  }
0x104: {  	[sflag:s23] =	ssyncadd.s32 $0xFFFFC000  }
0x105: {  	[tilespmem:s17], [sflag:$0x2] =	stream.indirect.gather [hbm4b:s6+s14], $0x80, s7, s14, $0xb8;
	[tilespmem:$0x1C400] =	vst v63  }
0x106: {  	_ =	swait.ge [sflag:s18], $0x4000  }
0x107: {  	[sflag:s18] =	ssyncset.done $0x0  }
0x108: {  	[sflag:s18] =	ssyncadd.s32 $0xFFFFC000  }
0x109: {  	[spmem:s3] =	stream.indirect.scatter.add.f32 [tilespmem:s15], [sflag:$0x3], $0x80, s24, s14, $0xb8;
	[tilespmem:$0x1C400] =	vst v63  }
0x10a: {  	_ =	swait.ge [sflag:s21], $0x4000  }
0x10b: {  	[sflag:s21] =	ssyncset.done $0x0  }
0x10c: {  	[sflag:s21] =	ssyncadd.s32 $0xFFFFC000  }
0x10d: {  	[spmem:s3] =	stream.indirect.scatter.add.f32 [tilespmem:s17], [sflag:$0x4], $0x80, s5, s14, $0xb8;
	[tilespmem:$0x1C400] =	vst v63  }
0x10e: {  	_ =	swait.ge [sflag:s19], $0x4000  }
0x10f: {  	[sflag:s19] =	ssyncset.done $0x0  }
0x110: {  	[sflag:s19] =	ssyncadd.s32 $0xFFFFC000  }
0x111: {  	_ =	swait.ge [sflag:s23], $0x4000  }
0x112: {  	s9 =	simm.s32 $0x80;
	[sflag:s23] =	ssyncset.done $0x0  }
.LBB2_3:
0x113: {  	s10 =	rddreg [dreg:$0x6];
	s8 =	smov.u32 s9  }
0x114: {  	[sflag:s23] =	ssyncadd.s32 $0xFFFFC000;
	s10 =	sadd.s32 s8, s10  }
0x115: {  	[tilespmem:s12], [sflag:$0x5] =	stream.linear.gather [hbm4b:s10+s4], $0x400, $0x38;
	[tilespmem:$0x1C400] =	vst v63  }
0x116: {  	_ =	swait.ge [sflag:s11], $0x400  }
0x117: {  	s10 =	rddreg [dreg:$0x5];
	[sflag:s11] =	ssyncset.done $0x0  }
0x118: {  	[sflag:s11] =	ssyncadd.s32 $0xFFFFFC00;
	s8 =	sadd.s32 s8, s10  }
0x119: {  	[tilespmem:s13], [sflag:$0x5] =	stream.linear.gather [hbm4b:s8+s4], $0x400, $0x38;
	[tilespmem:$0x1C400] =	vst v63  }
0x11a: {  	_ =	swait.ge [sflag:s11], $0x400  }
0x11b: {  	[sflag:s11] =	ssyncset.done $0x0  }
0x11c: {  	[sflag:s11] =	ssyncadd.s32 $0xFFFFFC00  }
0x11d: {  	[tilespmem:s15], [sflag:$0x1] =	stream.indirect.gather [hbm4b:s6+s14], $0x80, s12, s14, $0xb8;
	[tilespmem:$0x1C400] =	vst v63  }
0x11e: {  	_ = 	snop  }
0x11f: {  	[tilespmem:s17], [sflag:$0x2] =	stream.indirect.gather [hbm4b:s6+s14], $0x80, s16, s14, $0xb8;
	[tilespmem:$0x1C400] =	vst v63  }
0x120: {  	_ =	swait.ge [sflag:s18], $0x4000  }
0x121: {  	[sflag:s18] =	ssyncset.done $0x0  }
0x122: {  	[sflag:s18] =	ssyncadd.s32 $0xFFFFC000  }
0x123: {  	[spmem:s3] =	stream.indirect.scatter.add.f32 [tilespmem:s15], [sflag:$0x3], $0x80, s13, s14, $0xb8;
	[tilespmem:$0x1C400] =	vst v63  }
0x124: {  	_ =	swait.ge [sflag:s19], $0x4000  }
0x125: {  	[sflag:s19] =	ssyncset.done $0x0  }
0x126: {  	[sflag:s19] =	ssyncadd.s32 $0xFFFFC000  }
0x127: {  	[tilespmem:s15], [sflag:$0x1] =	stream.indirect.gather [hbm4b:s6+s14], $0x80, s20, s14, $0xb8;
	[tilespmem:$0x1C400] =	vst v63  }
0x128: {  	_ =	swait.ge [sflag:s21], $0x4000  }
0x129: {  	[sflag:s21] =	ssyncset.done $0x0  }
0x12a: {  	[sflag:s21] =	ssyncadd.s32 $0xFFFFC000  }
0x12b: {  	[spmem:s3] =	stream.indirect.scatter.add.f32 [tilespmem:s17], [sflag:$0x4], $0x80, s22, s14, $0xb8;
	[tilespmem:$0x1C400] =	vst v63  }
0x12c: {  	_ =	swait.ge [sflag:s23], $0x4000  }
0x12d: {  	[sflag:s23] =	ssyncset.done $0x0  }
0x12e: {  	[sflag:s23] =	ssyncadd.s32 $0xFFFFC000  }
0x12f: {  	[tilespmem:s17], [sflag:$0x2] =	stream.indirect.gather [hbm4b:s6+s14], $0x80, s25, s14, $0xb8;
	[tilespmem:$0x1C400] =	vst v63  }
0x130: {  	_ =	swait.ge [sflag:s18], $0x4000  }
0x131: {  	[sflag:s18] =	ssyncset.done $0x0  }
0x132: {  	[sflag:s18] =	ssyncadd.s32 $0xFFFFC000  }
0x133: {  	[spmem:s3] =	stream.indirect.scatter.add.f32 [tilespmem:s15], [sflag:$0x3], $0x80, s26, s14, $0xb8;
	[tilespmem:$0x1C400] =	vst v63  }
0x134: {  	_ =	swait.ge [sflag:s19], $0x4000  }
0x135: {  	[sflag:s19] =	ssyncset.done $0x0  }
0x136: {  	[sflag:s19] =	ssyncadd.s32 $0xFFFFC000  }
0x137: {  	[tilespmem:s15], [sflag:$0x1] =	stream.indirect.gather [hbm4b:s6+s14], $0x80, s28, s14, $0xb8;
	[tilespmem:$0x1C400] =	vst v63  }
0x138: {  	_ =	swait.ge [sflag:s21], $0x4000  }
0x139: {  	[sflag:s21] =	ssyncset.done $0x0  }
0x13a: {  	[sflag:s21] =	ssyncadd.s32 $0xFFFFC000  }
0x13b: {  	[spmem:s3] =	stream.indirect.scatter.add.f32 [tilespmem:s17], [sflag:$0x4], $0x80, s29, s14, $0xb8;
	[tilespmem:$0x1C400] =	vst v63  }
0x13c: {  	_ =	swait.ge [sflag:s23], $0x4000  }
0x13d: {  	[sflag:s23] =	ssyncset.done $0x0  }
0x13e: {  	[sflag:s23] =	ssyncadd.s32 $0xFFFFC000  }
0x13f: {  	[tilespmem:s17], [sflag:$0x2] =	stream.indirect.gather [hbm4b:s6+s14], $0x80, s30, s14, $0xb8;
	[tilespmem:$0x1C400] =	vst v63  }
0x140: {  	_ =	swait.ge [sflag:s18], $0x4000  }
0x141: {  	[sflag:s18] =	ssyncset.done $0x0  }
0x142: {  	[sflag:s18] =	ssyncadd.s32 $0xFFFFC000  }
0x143: {  	[spmem:s3] =	stream.indirect.scatter.add.f32 [tilespmem:s15], [sflag:$0x3], $0x80, s31, s14, $0xb8;
	[tilespmem:$0x1C400] =	vst v63  }
0x144: {  	_ =	swait.ge [sflag:s19], $0x4000  }
0x145: {  	[sflag:s19] =	ssyncset.done $0x0  }
0x146: {  	[sflag:s19] =	ssyncadd.s32 $0xFFFFC000  }
0x147: {  	[tilespmem:s15], [sflag:$0x1] =	stream.indirect.gather [hbm4b:s6+s14], $0x80, s0, s14, $0xb8;
	[tilespmem:$0x1C400] =	vst v63  }
0x148: {  	_ =	swait.ge [sflag:s21], $0x4000  }
0x149: {  	[sflag:s21] =	ssyncset.done $0x0  }
0x14a: {  	[sflag:s21] =	ssyncadd.s32 $0xFFFFC000  }
0x14b: {  	[spmem:s3] =	stream.indirect.scatter.add.f32 [tilespmem:s17], [sflag:$0x4], $0x80, s1, s14, $0xb8;
	[tilespmem:$0x1C400] =	vst v63  }
0x14c: {  	_ =	swait.ge [sflag:s23], $0x4000  }
0x14d: {  	[sflag:s23] =	ssyncset.done $0x0  }
0x14e: {  	[sflag:s23] =	ssyncadd.s32 $0xFFFFC000  }
0x14f: {  	[tilespmem:s17], [sflag:$0x2] =	stream.indirect.gather [hbm4b:s6+s14], $0x80, s7, s14, $0xb8;
	[tilespmem:$0x1C400] =	vst v63  }
0x150: {  	_ =	swait.ge [sflag:s18], $0x4000  }
0x151: {  	[sflag:s18] =	ssyncset.done $0x0  }
0x152: {  	[sflag:s18] =	ssyncadd.s32 $0xFFFFC000  }
0x153: {  	[spmem:s3] =	stream.indirect.scatter.add.f32 [tilespmem:s15], [sflag:$0x3], $0x80, s24, s14, $0xb8;
	[tilespmem:$0x1C400] =	vst v63  }
0x154: {  	_ =	swait.ge [sflag:s21], $0x4000  }
0x155: {  	[sflag:s21] =	ssyncset.done $0x0  }
0x156: {  	p1 =	sne.s32 s9, $0x980;
	[sflag:s21] =	ssyncadd.s32 $0xFFFFC000  }
0x157: {  	[spmem:s3] =	stream.indirect.scatter.add.f32 [tilespmem:s17], [sflag:$0x4], $0x80, s5, s14, $0xb8;
	[tilespmem:$0x1C400] =	vst v63  }
.Ltmp5:
0x158: {  	_ =	swait.ge [sflag:s19], $0x4000;
	(pc) =	sbr.rel @p1 .LBB2_3-.Ltmp5, $4  }
0x159: {  	[sflag:s19] =	ssyncset.done $0x0  }
0x15a: {  	[sflag:s19] =	ssyncadd.s32 $0xFFFFC000  }
0x15b: {  	_ =	swait.ge [sflag:s23], $0x4000  }
0x15c: {  	s9 =	sadd.s32 $0x80, s9;
	[sflag:s23] =	ssyncset.done $0x0  }
.Ltmp6:
0x15d: {  	(pc) =	sbr.rel .LBB2_8-.Ltmp6, $4  }
0x15e: {  	[sflag:s23] =	ssyncadd.s32 $0xFFFFC000  }
0x15f: {  	[bflag:$0x0] =	sbarrier.arrive $0xFFFF  }
0x160: {  	s8 =	rddreg [dreg:$0xa]  }
0x161: {  	[dreg:$0x10] =	wrdreg s8  }
.LBB2_9:
0x162: {  	_ =	sfence.sel $0x180000  }
0x163: {  	[bflag:$0x0] =	sbarrier.arrive $0xFFFF  }
0x164: {  	_ =	strace $0x90000047  }
0x165: {  	s0 =	stileid.u32;
	[bflag:$0x2] =	sbarrier.arrive $0xFFFF  }
0x166: {  	p0 =	sne.s32 s0, $0x0;
	s0 =	rddreg [dreg:$0x4]  }
0x167: {  	s0 =	sadd.s32 @!p0 $0x100000, s0  }
0x168: {  	[sflag:s0] =	ssyncadd.tile.s32 @!p0 $0x1;
	_ =	shalt  }
.Lfunc_end2:
_tile_overlayer_lowered:
.L_overlay_start_2:
0x169: {  	(tag) =	ssettag $0x2  }
0x16a: {  	s0 =	rddreg [dreg:$0x0];
	s2 =	stileid.u32  }
0x16b: {  	s1 =	rddreg [dreg:$0x1];
	p0 =	sne.s32 s2, $0x0  }
0x16c: {  	s3 =	rddreg [dreg:$0x2];
	[bflag:$0x3] =	sbarrier.arrive $0xFFFF;
	s2 =	simm.s32 @!p0 $0x1C05  }
0x16d: {  	[timem:s3], [sflag:s2] =	dma.local @!p0 [hbm:s0], s1  }
0x16e: {  	s0 =	simm.s32 @!p0 $0x5  }
0x16f: {  	_ =	swait.ge @!p0 [sflag:s0], s1  }
0x170: {  	s1 =	ssub.s32 @!p0 $0x0, s1;
	[sflag:s0] =	ssyncset.done @!p0 $0x0  }
0x171: {  	[sflag:s0] =	ssyncadd.s32 @!p0 s1  }
0x172: {  	[bflag:$0x3] =	sbarrier.arrive $0xFFFF  }
0x173: {  	_ =	shalt  }

// kernel: kernel.13.cloned.1.call-start
scs
__scs_entry_jumppad:
0x0: {  	(pc) =	sbr.rel $0x88, $3  }
0x1: {  	(tag) =	ssettag $0x0;
	lr =	simm.s32 $0x1  }
0x2: {  	[smem:$0x3F91] =	sst lr;
	_ =	strace $0xD0000000  }
0x3: {  	_ = 	snop  }
0x4: {  	_ = 	snop  }
0x5: {  	_ = 	snop  }
0x6: {  	_ = 	snop  }
0x7: {  	_ = 	snop  }
__scs_overlays_trampoline_lowered:
0x8: {  	[smem:$0x3FA0] =	sst s0  }
0x9: {  	[smem:$0x3FA1] =	sst s1  }
0xa: {  	[smem:$0x3FA2] =	sst s2  }
0xb: {  	[smem:$0x3FA3] =	sst s3  }
0xc: {  	[smem:$0x3FA4] =	sst s4  }
0xd: {  	[smem:$0x3FA5] =	sst s5  }
0xe: {  	[smem:$0x3FA6] =	sst s6  }
0xf: {  	[smem:$0x3FA7] =	sst s7  }
0x10: {  	[smem:$0x3FA8] =	sst s8  }
0x11: {  	[smem:$0x3FA9] =	sst s9;
	s0 =	simm.s32 @!p0 $0x0  }
0x12: {  	s1 =	sld [smem:$0x3F8F];
	s0 =	simm.s32 @p0 $0x1  }
0x13: {  	[smem:$0x3FAA] =	sst s0;
	s0 =	simm.s32 @!p1 $0x0  }
0x14: {  	s2 =	sld [smem:$0x3F8E];
	s0 =	simm.s32 @p1 $0x1  }
0x15: {  	[smem:$0x3FAB] =	sst s0;
	s0 =	simm.s32 @!p2 $0x0  }
0x16: {  	s3 =	sld [smem:$0x3FDB];
	s0 =	simm.s32 @p2 $0x1  }
0x17: {  	s4 =	simm.s32 $0x1BF5;
	[smem:$0x3FAD] =	sst s0  }
0x18: {  	s0 =	sld [smem:$0x3F90];
	_ =	swait.ge [sflag:s4], $0x0  }
0x19: {  	s7 =	sld [smem:$0x3F91]  }
0x1a: {  	s8 =	sadd.s32 $0xFFFFE003, lr  }
0x1b: {  	s9 =	sadd.s32 $0xFFFFFEF7, lr;
	s5 =	simm.s32 $0xFFFFFFFF;
	p2 =	slt.u32 s8, $0xFFFFF086  }
0x1c: {  	p1 =	slt.u32 s9, $0xF7A;
	s5 =	simm.s32 @!p2 $0x0  }
0x1d: {  	s5 =	simm.s32 @p1 $0x1;
	p0 =	seq.s32 s7, s2  }
0x1e: {  	s7 =	smul.u32 @!p0 $0xF7A, s2;
	p2 =	seq.s32 @!p0 s5, $0x0  }
0x1f: {  	s9 =	smul.u32 $0xF7A, s1;
	s8 =	simm.s32 @!p0 $0x1BF5;
	p2 =	por !p2, p0  }
0x20: {  	[sflag:s8] =	ssyncset.s32 @!p0 $0xFFFFF086;
	s6 =	sadd.s32 @!p0 s3, s7;
	s7 =	simm.s32 @!p0 $0x108  }
0x21: {  	s3 =	sadd.s32 s3, s9;
	s6 =	sadd.s32 @!p0 $0x88, s6;
	s7 =	simm.s32 @p2 $0x1082  }
0x22: {  	[simem:s7], [sflag:s8] =	dma.local @!p0 [hbm:s6], $0xF7A  }
0x23: {  	s9 =	sor.u32 $0xD0000000, s2;
	s6 =	simm.s32 $0x108;
	_ =	swait.ge @!p0 [sflag:s8], $0x0  }
0x24: {  	s3 =	sadd.s32 $0x88, s3;
	s6 =	simm.s32 @!p1 $0x1082;
	[sflag:s4] =	ssyncset.s32 $0xFFFFF086  }
0x25: {  	[simem:s6], [sflag:s4] =	dma.local [hbm:s3], $0xF7A  }
0x26: {  	[smem:$0x3F91] =	sst s1;
	(tag) =	ssettag s2;
	_ =	strace s9  }
0x27: {  	s1 =	sld [smem:$0x3FA1]  }
0x28: {  	s2 =	sld [smem:$0x3FA2]  }
0x29: {  	s4 =	sld [smem:$0x3FA4]  }
0x2a: {  	p0 =	seq.s32 s5, $0x0;
	s5 =	sld [smem:$0x3FA5]  }
0x2b: {  	s6 =	sld [smem:$0x3FA6]  }
0x2c: {  	s7 =	sld [smem:$0x3FA7]  }
0x2d: {  	s3 =	simm.s32 $0x108;
	s8 =	sld [smem:$0x3FA8]  }
0x2e: {  	s3 =	simm.s32 @!p0 $0x1082;
	s9 =	sld [smem:$0x3FA9]  }
0x2f: {  	lr =	sadd.s32 s0, s3;
	s0 =	sld [smem:$0x3FA0]  }
0x30: {  	s3 =	sld [smem:$0x3FA3]  }
0x31: {  	[smem:$0x3FAC] =	sst s10  }
0x32: {  	s10 =	sld [smem:$0x3FAA];
	_ =	sdelay $0x3  }
0x33: {  	p0 =	seq.s32 s10, $0x1;
	s10 =	sld [smem:$0x3FAC];
	_ =	sdelay $0x3  }
0x34: {  	[smem:$0x3FAC] =	sst s10  }
0x35: {  	s10 =	sld [smem:$0x3FAB];
	_ =	sdelay $0x3  }
0x36: {  	p1 =	seq.s32 s10, $0x1;
	s10 =	sld [smem:$0x3FAC];
	_ =	sdelay $0x3  }
0x37: {  	[smem:$0x3FAC] =	sst s10  }
0x38: {  	s10 =	sld [smem:$0x3FAD]  }
0x39: {  	_ = 	snop;
	(pc) =	sbr.ind lr, $3  }
0x3a: {  	_ = 	snop  }
0x3b: {  	_ = 	snop  }
0x3c: {  	p2 =	seq.s32 s10, $0x1;
	s10 =	sld [smem:$0x3FAC]  }
0x3d: {  	_ =	shalt  }
0x3e: {  	_ =	shalt  }
0x3f: {  	_ =	shalt  }
0x40: {  	_ =	shalt  }
0x41: {  	_ =	shalt  }
0x42: {  	_ =	shalt  }
0x43: {  	_ =	shalt  }
0x44: {  	_ =	shalt  }
0x45: {  	_ =	shalt  }
0x46: {  	_ =	shalt  }
0x47: {  	_ =	shalt  }
0x48: {  	_ =	shalt  }
0x49: {  	_ =	shalt  }
0x4a: {  	_ =	shalt  }
0x4b: {  	_ =	shalt  }
0x4c: {  	_ =	shalt  }
0x4d: {  	_ =	shalt  }
0x4e: {  	_ =	shalt  }
0x4f: {  	_ =	shalt  }
0x50: {  	_ =	shalt  }
0x51: {  	_ =	shalt  }
0x52: {  	_ =	shalt  }
0x53: {  	_ =	shalt  }
0x54: {  	_ =	shalt  }
0x55: {  	_ =	shalt  }
0x56: {  	_ =	shalt  }
0x57: {  	_ =	shalt  }
0x58: {  	_ =	shalt  }
0x59: {  	_ =	shalt  }
0x5a: {  	_ =	shalt  }
0x5b: {  	_ =	shalt  }
0x5c: {  	_ =	shalt  }
0x5d: {  	_ =	shalt  }
0x5e: {  	_ =	shalt  }
0x5f: {  	_ =	shalt  }
0x60: {  	_ =	shalt  }
0x61: {  	_ =	shalt  }
0x62: {  	_ =	shalt  }
0x63: {  	_ =	shalt  }
0x64: {  	_ =	shalt  }
0x65: {  	_ =	shalt  }
0x66: {  	_ =	shalt  }
0x67: {  	_ =	shalt  }
0x68: {  	_ =	shalt  }
0x69: {  	_ =	shalt  }
0x6a: {  	_ =	shalt  }
0x6b: {  	_ =	shalt  }
0x6c: {  	_ =	shalt  }
0x6d: {  	_ =	shalt  }
0x6e: {  	_ =	shalt  }
0x6f: {  	_ =	shalt  }
0x70: {  	_ =	shalt  }
0x71: {  	_ =	shalt  }
0x72: {  	_ =	shalt  }
0x73: {  	_ =	shalt  }
0x74: {  	_ =	shalt  }
0x75: {  	_ =	shalt  }
0x76: {  	_ =	shalt  }
0x77: {  	_ =	shalt  }
0x78: {  	_ =	shalt  }
0x79: {  	_ =	shalt  }
0x7a: {  	_ =	shalt  }
0x7b: {  	_ =	shalt  }
0x7c: {  	_ =	shalt  }
0x7d: {  	_ =	shalt  }
0x7e: {  	_ =	shalt  }
0x7f: {  	_ =	shalt  }
0x80: {  	_ =	shalt  }
0x81: {  	_ =	shalt  }
0x82: {  	_ =	shalt  }
0x83: {  	_ =	shalt  }
0x84: {  	_ =	shalt  }
0x85: {  	_ =	shalt  }
0x86: {  	_ =	shalt  }
0x87: {  	_ =	shalt  }
.Lfunc_end0:
.L_simem_size_0:
called_computation.2_lowered:
.L_overlay_start_0:
0x88: {  	s2 =	sld [smem:$0x3FD9]  }
0x89: {  	s3 =	sld [smem:$0x3FFE];
	_ =	sdelay $0x1  }
0x8a: {  	s1 =	srdreg.scid  }
0x8b: {  	s0 =	sand.u32 $0x1, s1  }
0x8c: {  	s14 =	sshll.u32 s0, $0xA;
	s2 =	sadd.s32 s3, s2  }
0x8d: {  	s2 =	sadd.s32 s2, s14  }
0x8e: {  	[smem:$0x3FB8] =	sst s2  }
0x8f: {  	_ = 	snop  }
0x90: {  	s2 =	sld [smem:$0x3FD0];
	_ =	sdelay $0x2  }
0x91: {  	s15 =	simm.s32 $0xB;
	s4 =	simm.s32 $0x10  }
0x92: {  	[smem:s4], [sflag:s15] =	dma.local [hbm:s2], $0x1  }
0x93: {  	_ =	swait.eq [sflag:s15], $0x1  }
0x94: {  	[sflag:s15] =	ssyncset.done $0x0  }
0x95: {  	s16 =	sld [smem:$0x10];
	[sflag:s15] =	ssyncadd.s32 $0xFFFFFFFF  }
0x96: {  	s17 =	sld [smem:$0x11];
	(tm) =	ssettm $0x1  }
0x97: {  	s18 =	sld [smem:$0x3FFB];
	_ =	sdelay $0x3  }
0x98: {  	_ =	strace s18  }
0x99: {  	s4 =	sld [smem:$0x3FFC];
	_ =	sdelay $0x3  }
0x9a: {  	_ =	strace s4  }
0x9b: {  	s4 =	sld [smem:$0x3FFD];
	_ =	sdelay $0x3  }
0x9c: {  	_ =	strace s4  }
0x9d: {  	_ =	strace $0x8FFFFFFF  }
0x9e: {  	s19 =	sld [smem:$0x3FDB];
	_ =	sdelay $0x1  }
0x9f: {  	s5 =	simm.s32 $_scs_section_size  }
0xa0: {  	s6 =	simm.s32 $_size__tile_overlayer_lowered;
	s7 =	simm.s32 $_tile_overlayer_lowered  }
0xa1: {  	s22 =	simm.s32 $0x1BFF;
	s21 =	sshll.u32 s7, $0x1;
	s4 =	sadd.s32 s5, s19  }
0xa2: {  	s8 =	simm.s32 $0x0;
	s20 =	sshll.u32 s6, $0x1;
	s6 =	sadd.s32 s21, s4  }
0xa3: {  	[timem:s8], [sflag:s22] =	dma.local [hbm:s6], s20  }
0xa4: {  	_ =	swait.ge [sflag:s22], s20  }
0xa5: {  	s5 =	ssub.s32 $0x0, s20;
	[sflag:s22] =	ssyncset.done $0x0  }
0xa6: {  	[sflag:s22] =	ssyncadd.s32 s5;
	_ =	sdelay $0x1  }
0xa7: {  	s23 =	simm.s32 $0x1B8B  }
0xa8: {  	_ =	swait.ge [sflag:s23], $0x1  }
0xa9: {  	[sflag:s23] =	ssyncset.done $0x0  }
0xaa: {  	s25 =	simm.s32 $0x1B8E;
	s24 =	sld [smem:$0x3FFE];
	[sflag:s23] =	ssyncadd.s32 $0xFFFFFFFF  }
0xab: {  	s26 =	simm.s32 $execute0_lowered;
	[smem:$0x3FD2] =	sst s25  }
0xac: {  	s6 =	sshll.u32 s26, $0x1;
	_ =	strace $0x8000004C;
	[dreg:$0x1] =	wrdreg $0xFFFFFFFF  }
0xad: {  	s28 =	simm.s32 $_size_execute0_lowered;
	s4 =	sadd.s32 s4, s6;
	[dreg:$0x0] =	wrdreg $0x0  }
0xae: {  	s6 =	sshll.u32 s28, $0x1;
	[dreg:$0x2] =	wrdreg s4  }
0xaf: {  	[dreg:$0x3] =	wrdreg s6  }
0xb0: {  	[dreg:$0x4] =	wrdreg $0xC0  }
0xb1: {  	_ =	task [dreg:s8], $0x5FFFF  }
0xb2: {  	[dreg:$0x1] =	wrdreg $0xFFFFFFFF  }
0xb3: {  	[dreg:$0x0] =	wrdreg $0x60  }
0xb4: {  	[dreg:$0x2] =	wrdreg s17  }
0xb5: {  	[dreg:$0x3] =	wrdreg s24  }
0xb6: {  	[dreg:$0x4] =	wrdreg s16  }
0xb7: {  	[dreg:$0x5] =	wrdreg $0x0  }
0xb8: {  	[dreg:$0x6] =	wrdreg $0x9  }
0xb9: {  	_ =	task.clear_ibuf [dreg:s8], $0x7FFFF;
	_ =	strace $0x9000004C  }
0xba: {  	s29 =	simm.s32 $0x9;
	_ =	strace $0x8000004E  }
0xbb: {  	_ =	swait.ge [sflag:s29], $0x1  }
0xbc: {  	[sflag:s29] =	ssyncadd.s32 $0xFFFFFFFF  }
0xbd: {  	_ =	strace $0x9000004E  }
0xbe: {  	_ =	sfence  }
0xbf: {  	s30 =	sld [smem:$0x0];
	_ =	sdelay $0x2  }
0xc0: {  	s31 =	sshll.u32 s1, $0xD;
	s1 =	sshrl.u32 s1, $0x2  }
0xc1: {  	s3 =	sand.u32 $0x4000, s31;
	s1 =	sadd.s32 s1, s30  }
0xc2: {  	s0 =	sor.u32 s3, s0;
	s1 =	sshll.u32 s1, $0x11  }
0xc3: {  	s0 =	sor.u32 s1, s0  }
0xc4: {  	s0 =	sadd.s32 $0x8F2B, s0  }
0xc5: {  	[sflag:s0] =	ssyncadd.remote.s32 $0x1  }
0xc6: {  	_ =	sfence.sel $0xFFFF  }
0xc7: {  	[dreg:$0x0] =	wrdreg $0xFFFFFFFF;
	(pc) =	sbr.abs _section_cstart, $3  }
0xc8: {  	[dreg:$0x1] =	wrdreg $0xFFFFFFFF  }
0xc9: {  	_ =	task.clear_ibuf [dreg:s8], $0x2FFFF;
	_ =	strace $0x9FFFFFFF  }
0xca: {  	(tm) =	ssettm $0x7FFFFFFF  }
0xcb: {  	_ =	shalt  }
tec
execute0_lowered:
.L_overlay_start_1:
0x0: {  	(tag) =	ssettag $0x1  }
0x1: {  	s2 =	rddreg [dreg:$0x0]  }
0x2: {  	s0 =	rddreg [dreg:$0x1]  }
0x3: {  	s1 =	rddreg [dreg:$0x2]  }
0x4: {  	s3 =	rddreg [dreg:$0x3]  }
0x5: {  	s11 =	stileid.u32;
	s4 =	simm.s32 $0x0;
	s6 =	srdreg.scid  }
0x6: {  	s12 =	simm.s32 $0x13C00;
	s13 =	simm.s32 $0x14000;
	s14 =	simm.s32 $0x80  }
0x7: {  	s15 =	simm.s32 $0x14400;
	s16 =	simm.s32 $0x13C80;
	s17 =	simm.s32 $0x18400  }
0x8: {  	s28 =	simm.s32 $0x13E00;
	s29 =	simm.s32 $0x14180;
	s5 =	smul.u32 $0xA00, s11  }
0x9: {  	s30 =	simm.s32 $0x13E80;
	s31 =	simm.s32 $0x14200;
	s7 =	smul.u32 $0x2780, s11  }
0xa: {  	[smem:$0x7FF] =	sst s4;
	s6 =	sand.u32 $0x1, s6;
	s8 =	smul.u32 $0x4F000, s11  }
0xb: {  	s22 =	sshll.u32 s11, $0x6;
	s11 =	simm.s32 $0x5;
	_ =	strace $0x8000004D  }
0xc: {  	s9 =	ssub.s32 $0x2, s6;
	p0 =	seq.s32 s6, $0x1;
	s6 =	sadd.s32 $0x27800, s2  }
0xd: {  	s25 =	sor.u32 $0x1C05, s22;
	s22 =	simm.s32 $0x14080;
	s5 =	sadd.s32 s5, s0  }
0xe: {  	s0 =	sadd.s32 s7, s0;
	s10 =	sshrl.u32 s9, $0x1;
	s8 =	sshrl.u32 s8, $0x2  }
0xf: {  	s19 =	sadd.s32 s1, s7;
	s1 =	sadd.s32 $0x27800, s1;
	[dreg:$0xc] =	wrdreg s25  }
0x10: {  	s25 =	simm.s32 $0x13D80;
	s9 =	ssub.s32 s9, s10;
	s8 =	sadd.s32 s8, s3  }
0x11: {  	s0 =	sadd.s32 $0x2BE00, s0;
	s18 =	sadd.s32 $0x3E00, s5;
	[dreg:$0xa] =	wrdreg s19  }
0x12: {  	s20 =	sadd.s32 $0x17E00, s5;
	s21 =	sadd.s32 $0xDE00, s5;
	[dreg:$0x9] =	wrdreg s0  }
0x13: {  	s23 =	sadd.s32 $0x21E00, s5;
	s19 =	simm.s32 $0x3;
	[dreg:$0x5] =	wrdreg s18  }
0x14: {  	s26 =	sadd.s32 s7, s1;
	s1 =	simm.s32 $0x14280;
	[dreg:$0x6] =	wrdreg s20  }
0x15: {  	s7 =	simm.s32 $0x13F80;
	s5 =	simm.s32 $0x14380;
	[dreg:$0x7] =	wrdreg s21  }
.Ltmp0:
0x16: {  	s24 =	smax.u32 s9, $0x1;
	[dreg:$0x8] =	wrdreg s23;
	(pc) =	sbr.rel .LBB2_1-.Ltmp0, $4  }
0x17: {  	s10 =	sshrl.u32 s8, $0x3;
	s18 =	simm.s32 $0x1;
	s20 =	simm.s32 $0x13D00  }
0x18: {  	s21 =	simm.s32 $0x2;
	s23 =	simm.s32 $0x4;
	[dreg:$0xe] =	wrdreg s26  }
0x19: {  	s26 =	simm.s32 $0x14100;
	s0 =	simm.s32 $0x13F00;
	[dreg:$0xb] =	wrdreg s24  }
0x1a: {  	s9 =	simm.s32 $0x0;
	s24 =	simm.s32 $0x14300;
	[dreg:$0xd] =	wrdreg s10  }
.LBB2_7:
0x1b: {  	[sflag:s23] =	ssyncadd.s32 $0xFFFFC000  }
0x1c: {  	[bflag:$0x0] =	sbarrier.arrive $0xFFFF  }
0x1d: {  	s8 =	rddreg [dreg:$0xe]  }
0x1e: {  	[dreg:$0x10] =	wrdreg s8  }
.LBB2_8:
0x1f: {  	s10 =	rddreg [dreg:$0x10]  }
0x20: {  	s8 =	rddreg [dreg:$0xd]  }
0x21: {  	s9 =	rddreg [dreg:$0xc]  }
0x22: {  	[hbm:s10], [sflag:s9] =	dma.local [spmem:s8], $0x2780  }
0x23: {  	s10 =	rddreg [dreg:$0xd];
	_ =	swait.ge [sflag:s11], $0x2780  }
0x24: {  	s8 =	rddreg [dreg:$0xf]  }
0x25: {  	s9 =	sadd.s32 $0x1, s8;
	s8 =	rddreg [dreg:$0xb]  }
0x26: {  	p1 =	sne.s32 s9, s8  }
.Ltmp1:
0x27: {  	_ = 	snop;
	(pc) =	sbr.rel @!p1 .LBB2_9-.Ltmp1, $3  }
0x28: {  	_ =	sdelay $0x1  }
0x29: {  	[sflag:s11] =	ssyncset.done $0x0  }
0x2a: {  	[sflag:s11] =	ssyncadd.s32 $0xFFFFD880  }
.LBB2_1:
0x2b: {  	[dreg:$0xf] =	wrdreg s9  }
0x2c: {  	s8 =	rddreg [dreg:$0x9]  }
0x2d: {  	s9 =	rddreg [dreg:$0xc]  }
0x2e: {  	[spmem:s10], [sflag:s9] =	dma.local [hbm:s8], $0x2780  }
.Ltmp2:
0x2f: {  	_ =	swait.ge [sflag:s11], $0x2780;
	(pc) =	sbr.rel @!p0 .LBB2_2-.Ltmp2, $3  }
0x30: {  	[sflag:s11] =	ssyncset.done $0x0  }
0x31: {  	[sflag:s11] =	ssyncadd.s32 $0xFFFFD880  }
0x32: {  	[bflag:$0x0] =	sbarrier.arrive $0xFFFF;
	_ =	sdelay $0x1  }
0x33: {  	s8 =	rddreg [dreg:$0x8]  }
0x34: {  	s8 =	sadd.s32 $0x0, s8  }
0x35: {  	[tilespmem:s12], [sflag:$0x5] =	stream.linear.gather [hbm4b:s8+s4], $0x400, $0x38;
	[tilespmem:$0x1C400] =	vst v63  }
0x36: {  	_ =	swait.ge [sflag:s11], $0x400  }
0x37: {  	s10 =	rddreg [dreg:$0x7];
	[sflag:s11] =	ssyncset.done $0x0  }
0x38: {  	[sflag:s11] =	ssyncadd.s32 $0xFFFFFC00;
	s8 =	sadd.s32 $0x0, s10  }
0x39: {  	[tilespmem:s13], [sflag:$0x5] =	stream.linear.gather [hbm4b:s8+s4], $0x400, $0x38;
	[tilespmem:$0x1C400] =	vst v63  }
0x3a: {  	_ =	swait.ge [sflag:s11], $0x400  }
0x3b: {  	[sflag:s11] =	ssyncset.done $0x0  }
0x3c: {  	[sflag:s11] =	ssyncadd.s32 $0xFFFFFC00  }
0x3d: {  	[tilespmem:s15], [sflag:$0x1] =	stream.indirect.gather [hbm4b:s2+s14], $0x80, s12, s14, $0xb8;
	[tilespmem:$0x1C400] =	vst v63  }
0x3e: {  	_ = 	snop  }
0x3f: {  	[tilespmem:s17], [sflag:$0x2] =	stream.indirect.gather [hbm4b:s2+s14], $0x80, s16, s14, $0xb8;
	[tilespmem:$0x1C400] =	vst v63  }
0x40: {  	_ =	swait.ge [sflag:s18], $0x4000  }
0x41: {  	[sflag:s18] =	ssyncset.done $0x0  }
0x42: {  	[sflag:s18] =	ssyncadd.s32 $0xFFFFC000  }
0x43: {  	[spmem:s3] =	stream.indirect.scatter.add.f32 [tilespmem:s15], [sflag:$0x3], $0x80, s13, s14, $0xb8;
	[tilespmem:$0x1C400] =	vst v63  }
0x44: {  	_ =	swait.ge [sflag:s19], $0x4000  }
0x45: {  	[sflag:s19] =	ssyncset.done $0x0  }
0x46: {  	[sflag:s19] =	ssyncadd.s32 $0xFFFFC000  }
0x47: {  	[tilespmem:s15], [sflag:$0x1] =	stream.indirect.gather [hbm4b:s2+s14], $0x80, s20, s14, $0xb8;
	[tilespmem:$0x1C400] =	vst v63  }
0x48: {  	_ =	swait.ge [sflag:s21], $0x4000  }
0x49: {  	[sflag:s21] =	ssyncset.done $0x0  }
0x4a: {  	[sflag:s21] =	ssyncadd.s32 $0xFFFFC000  }
0x4b: {  	[spmem:s3] =	stream.indirect.scatter.add.f32 [tilespmem:s17], [sflag:$0x4], $0x80, s22, s14, $0xb8;
	[tilespmem:$0x1C400] =	vst v63  }
0x4c: {  	_ =	swait.ge [sflag:s23], $0x4000  }
0x4d: {  	[sflag:s23] =	ssyncset.done $0x0  }
0x4e: {  	[sflag:s23] =	ssyncadd.s32 $0xFFFFC000  }
0x4f: {  	[tilespmem:s17], [sflag:$0x2] =	stream.indirect.gather [hbm4b:s2+s14], $0x80, s25, s14, $0xb8;
	[tilespmem:$0x1C400] =	vst v63  }
0x50: {  	_ =	swait.ge [sflag:s18], $0x4000  }
0x51: {  	[sflag:s18] =	ssyncset.done $0x0  }
0x52: {  	[sflag:s18] =	ssyncadd.s32 $0xFFFFC000  }
0x53: {  	[spmem:s3] =	stream.indirect.scatter.add.f32 [tilespmem:s15], [sflag:$0x3], $0x80, s26, s14, $0xb8;
	[tilespmem:$0x1C400] =	vst v63  }
0x54: {  	_ =	swait.ge [sflag:s19], $0x4000  }
0x55: {  	[sflag:s19] =	ssyncset.done $0x0  }
0x56: {  	[sflag:s19] =	ssyncadd.s32 $0xFFFFC000  }
0x57: {  	[tilespmem:s15], [sflag:$0x1] =	stream.indirect.gather [hbm4b:s2+s14], $0x80, s28, s14, $0xb8;
	[tilespmem:$0x1C400] =	vst v63  }
0x58: {  	_ =	swait.ge [sflag:s21], $0x4000  }
0x59: {  	[sflag:s21] =	ssyncset.done $0x0  }
0x5a: {  	[sflag:s21] =	ssyncadd.s32 $0xFFFFC000  }
0x5b: {  	[spmem:s3] =	stream.indirect.scatter.add.f32 [tilespmem:s17], [sflag:$0x4], $0x80, s29, s14, $0xb8;
	[tilespmem:$0x1C400] =	vst v63  }
0x5c: {  	_ =	swait.ge [sflag:s23], $0x4000  }
0x5d: {  	[sflag:s23] =	ssyncset.done $0x0  }
0x5e: {  	[sflag:s23] =	ssyncadd.s32 $0xFFFFC000  }
0x5f: {  	[tilespmem:s17], [sflag:$0x2] =	stream.indirect.gather [hbm4b:s2+s14], $0x80, s30, s14, $0xb8;
	[tilespmem:$0x1C400] =	vst v63  }
0x60: {  	_ =	swait.ge [sflag:s18], $0x4000  }
0x61: {  	[sflag:s18] =	ssyncset.done $0x0  }
0x62: {  	[sflag:s18] =	ssyncadd.s32 $0xFFFFC000  }
0x63: {  	[spmem:s3] =	stream.indirect.scatter.add.f32 [tilespmem:s15], [sflag:$0x3], $0x80, s31, s14, $0xb8;
	[tilespmem:$0x1C400] =	vst v63  }
0x64: {  	_ =	swait.ge [sflag:s19], $0x4000  }
0x65: {  	[sflag:s19] =	ssyncset.done $0x0  }
0x66: {  	[sflag:s19] =	ssyncadd.s32 $0xFFFFC000  }
0x67: {  	[tilespmem:s15], [sflag:$0x1] =	stream.indirect.gather [hbm4b:s2+s14], $0x80, s0, s14, $0xb8;
	[tilespmem:$0x1C400] =	vst v63  }
0x68: {  	_ =	swait.ge [sflag:s21], $0x4000  }
0x69: {  	[sflag:s21] =	ssyncset.done $0x0  }
0x6a: {  	[sflag:s21] =	ssyncadd.s32 $0xFFFFC000  }
0x6b: {  	[spmem:s3] =	stream.indirect.scatter.add.f32 [tilespmem:s17], [sflag:$0x4], $0x80, s1, s14, $0xb8;
	[tilespmem:$0x1C400] =	vst v63  }
0x6c: {  	_ =	swait.ge [sflag:s23], $0x4000  }
0x6d: {  	[sflag:s23] =	ssyncset.done $0x0  }
0x6e: {  	[sflag:s23] =	ssyncadd.s32 $0xFFFFC000  }
0x6f: {  	[tilespmem:s17], [sflag:$0x2] =	stream.indirect.gather [hbm4b:s2+s14], $0x80, s7, s14, $0xb8;
	[tilespmem:$0x1C400] =	vst v63  }
0x70: {  	_ =	swait.ge [sflag:s18], $0x4000  }
0x71: {  	[sflag:s18] =	ssyncset.done $0x0  }
0x72: {  	[sflag:s18] =	ssyncadd.s32 $0xFFFFC000  }
0x73: {  	[spmem:s3] =	stream.indirect.scatter.add.f32 [tilespmem:s15], [sflag:$0x3], $0x80, s24, s14, $0xb8;
	[tilespmem:$0x1C400] =	vst v63  }
0x74: {  	_ =	swait.ge [sflag:s21], $0x4000  }
0x75: {  	[sflag:s21] =	ssyncset.done $0x0  }
0x76: {  	[sflag:s21] =	ssyncadd.s32 $0xFFFFC000  }
0x77: {  	[spmem:s3] =	stream.indirect.scatter.add.f32 [tilespmem:s17], [sflag:$0x4], $0x80, s5, s14, $0xb8;
	[tilespmem:$0x1C400] =	vst v63  }
0x78: {  	_ =	swait.ge [sflag:s19], $0x4000  }
0x79: {  	[sflag:s19] =	ssyncset.done $0x0  }
0x7a: {  	[sflag:s19] =	ssyncadd.s32 $0xFFFFC000  }
0x7b: {  	_ =	swait.ge [sflag:s23], $0x4000  }
0x7c: {  	s9 =	simm.s32 $0x80;
	[sflag:s23] =	ssyncset.done $0x0  }
.LBB2_6:
0x7d: {  	s8 =	rddreg [dreg:$0x8];
	s10 =	smov.u32 s9  }
0x7e: {  	[sflag:s23] =	ssyncadd.s32 $0xFFFFC000;
	s8 =	sadd.s32 s10, s8  }
0x7f: {  	[tilespmem:s12], [sflag:$0x5] =	stream.linear.gather [hbm4b:s8+s4], $0x400, $0x38;
	[tilespmem:$0x1C400] =	vst v63  }
0x80: {  	_ =	swait.ge [sflag:s11], $0x400  }
0x81: {  	s8 =	rddreg [dreg:$0x7];
	[sflag:s11] =	ssyncset.done $0x0  }
0x82: {  	[sflag:s11] =	ssyncadd.s32 $0xFFFFFC00;
	s8 =	sadd.s32 s10, s8  }
0x83: {  	[tilespmem:s13], [sflag:$0x5] =	stream.linear.gather [hbm4b:s8+s4], $0x400, $0x38;
	[tilespmem:$0x1C400] =	vst v63  }
0x84: {  	_ =	swait.ge [sflag:s11], $0x400  }
0x85: {  	[sflag:s11] =	ssyncset.done $0x0  }
0x86: {  	[sflag:s11] =	ssyncadd.s32 $0xFFFFFC00  }
0x87: {  	[tilespmem:s15], [sflag:$0x1] =	stream.indirect.gather [hbm4b:s2+s14], $0x80, s12, s14, $0xb8;
	[tilespmem:$0x1C400] =	vst v63  }
0x88: {  	_ = 	snop  }
0x89: {  	[tilespmem:s17], [sflag:$0x2] =	stream.indirect.gather [hbm4b:s2+s14], $0x80, s16, s14, $0xb8;
	[tilespmem:$0x1C400] =	vst v63  }
0x8a: {  	_ =	swait.ge [sflag:s18], $0x4000  }
0x8b: {  	[sflag:s18] =	ssyncset.done $0x0  }
0x8c: {  	[sflag:s18] =	ssyncadd.s32 $0xFFFFC000  }
0x8d: {  	[spmem:s3] =	stream.indirect.scatter.add.f32 [tilespmem:s15], [sflag:$0x3], $0x80, s13, s14, $0xb8;
	[tilespmem:$0x1C400] =	vst v63  }
0x8e: {  	_ =	swait.ge [sflag:s19], $0x4000  }
0x8f: {  	[sflag:s19] =	ssyncset.done $0x0  }
0x90: {  	[sflag:s19] =	ssyncadd.s32 $0xFFFFC000  }
0x91: {  	[tilespmem:s15], [sflag:$0x1] =	stream.indirect.gather [hbm4b:s2+s14], $0x80, s20, s14, $0xb8;
	[tilespmem:$0x1C400] =	vst v63  }
0x92: {  	_ =	swait.ge [sflag:s21], $0x4000  }
0x93: {  	[sflag:s21] =	ssyncset.done $0x0  }
0x94: {  	[sflag:s21] =	ssyncadd.s32 $0xFFFFC000  }
0x95: {  	[spmem:s3] =	stream.indirect.scatter.add.f32 [tilespmem:s17], [sflag:$0x4], $0x80, s22, s14, $0xb8;
	[tilespmem:$0x1C400] =	vst v63  }
0x96: {  	_ =	swait.ge [sflag:s23], $0x4000  }
0x97: {  	[sflag:s23] =	ssyncset.done $0x0  }
0x98: {  	[sflag:s23] =	ssyncadd.s32 $0xFFFFC000  }
0x99: {  	[tilespmem:s17], [sflag:$0x2] =	stream.indirect.gather [hbm4b:s2+s14], $0x80, s25, s14, $0xb8;
	[tilespmem:$0x1C400] =	vst v63  }
0x9a: {  	_ =	swait.ge [sflag:s18], $0x4000  }
0x9b: {  	[sflag:s18] =	ssyncset.done $0x0  }
0x9c: {  	[sflag:s18] =	ssyncadd.s32 $0xFFFFC000  }
0x9d: {  	[spmem:s3] =	stream.indirect.scatter.add.f32 [tilespmem:s15], [sflag:$0x3], $0x80, s26, s14, $0xb8;
	[tilespmem:$0x1C400] =	vst v63  }
0x9e: {  	_ =	swait.ge [sflag:s19], $0x4000  }
0x9f: {  	[sflag:s19] =	ssyncset.done $0x0  }
0xa0: {  	[sflag:s19] =	ssyncadd.s32 $0xFFFFC000  }
0xa1: {  	[tilespmem:s15], [sflag:$0x1] =	stream.indirect.gather [hbm4b:s2+s14], $0x80, s28, s14, $0xb8;
	[tilespmem:$0x1C400] =	vst v63  }
0xa2: {  	_ =	swait.ge [sflag:s21], $0x4000  }
0xa3: {  	[sflag:s21] =	ssyncset.done $0x0  }
0xa4: {  	[sflag:s21] =	ssyncadd.s32 $0xFFFFC000  }
0xa5: {  	[spmem:s3] =	stream.indirect.scatter.add.f32 [tilespmem:s17], [sflag:$0x4], $0x80, s29, s14, $0xb8;
	[tilespmem:$0x1C400] =	vst v63  }
0xa6: {  	_ =	swait.ge [sflag:s23], $0x4000  }
0xa7: {  	[sflag:s23] =	ssyncset.done $0x0  }
0xa8: {  	[sflag:s23] =	ssyncadd.s32 $0xFFFFC000  }
0xa9: {  	[tilespmem:s17], [sflag:$0x2] =	stream.indirect.gather [hbm4b:s2+s14], $0x80, s30, s14, $0xb8;
	[tilespmem:$0x1C400] =	vst v63  }
0xaa: {  	_ =	swait.ge [sflag:s18], $0x4000  }
0xab: {  	[sflag:s18] =	ssyncset.done $0x0  }
0xac: {  	[sflag:s18] =	ssyncadd.s32 $0xFFFFC000  }
0xad: {  	[spmem:s3] =	stream.indirect.scatter.add.f32 [tilespmem:s15], [sflag:$0x3], $0x80, s31, s14, $0xb8;
	[tilespmem:$0x1C400] =	vst v63  }
0xae: {  	_ =	swait.ge [sflag:s19], $0x4000  }
0xaf: {  	[sflag:s19] =	ssyncset.done $0x0  }
0xb0: {  	[sflag:s19] =	ssyncadd.s32 $0xFFFFC000  }
0xb1: {  	[tilespmem:s15], [sflag:$0x1] =	stream.indirect.gather [hbm4b:s2+s14], $0x80, s0, s14, $0xb8;
	[tilespmem:$0x1C400] =	vst v63  }
0xb2: {  	_ =	swait.ge [sflag:s21], $0x4000  }
0xb3: {  	[sflag:s21] =	ssyncset.done $0x0  }
0xb4: {  	[sflag:s21] =	ssyncadd.s32 $0xFFFFC000  }
0xb5: {  	[spmem:s3] =	stream.indirect.scatter.add.f32 [tilespmem:s17], [sflag:$0x4], $0x80, s1, s14, $0xb8;
	[tilespmem:$0x1C400] =	vst v63  }
0xb6: {  	_ =	swait.ge [sflag:s23], $0x4000  }
0xb7: {  	[sflag:s23] =	ssyncset.done $0x0  }
0xb8: {  	[sflag:s23] =	ssyncadd.s32 $0xFFFFC000  }
0xb9: {  	[tilespmem:s17], [sflag:$0x2] =	stream.indirect.gather [hbm4b:s2+s14], $0x80, s7, s14, $0xb8;
	[tilespmem:$0x1C400] =	vst v63  }
0xba: {  	_ =	swait.ge [sflag:s18], $0x4000  }
0xbb: {  	[sflag:s18] =	ssyncset.done $0x0  }
0xbc: {  	[sflag:s18] =	ssyncadd.s32 $0xFFFFC000  }
0xbd: {  	[spmem:s3] =	stream.indirect.scatter.add.f32 [tilespmem:s15], [sflag:$0x3], $0x80, s24, s14, $0xb8;
	[tilespmem:$0x1C400] =	vst v63  }
0xbe: {  	_ =	swait.ge [sflag:s21], $0x4000  }
0xbf: {  	[sflag:s21] =	ssyncset.done $0x0  }
0xc0: {  	p1 =	sne.s32 s9, $0x980;
	[sflag:s21] =	ssyncadd.s32 $0xFFFFC000  }
0xc1: {  	[spmem:s3] =	stream.indirect.scatter.add.f32 [tilespmem:s17], [sflag:$0x4], $0x80, s5, s14, $0xb8;
	[tilespmem:$0x1C400] =	vst v63  }
.Ltmp3:
0xc2: {  	_ =	swait.ge [sflag:s19], $0x4000;
	(pc) =	sbr.rel @p1 .LBB2_6-.Ltmp3, $4  }
0xc3: {  	[sflag:s19] =	ssyncset.done $0x0  }
0xc4: {  	[sflag:s19] =	ssyncadd.s32 $0xFFFFC000  }
0xc5: {  	_ =	swait.ge [sflag:s23], $0x4000  }
0xc6: {  	s9 =	sadd.s32 $0x80, s9;
	[sflag:s23] =	ssyncset.done $0x0  }
.Ltmp4:
0xc7: {  	_ = 	snop;
	(pc) =	sbr.rel .LBB2_7-.Ltmp4, $1  }
0xc8: {  	_ =	sdelay $0x3  }
.LBB2_2:
0xc9: {  	s9 =	rddreg [dreg:$0x6]  }
0xca: {  	s9 =	sadd.s32 $0x0, s9  }
0xcb: {  	[tilespmem:s12], [sflag:$0x5] =	stream.linear.gather [hbm4b:s9+s4], $0x400, $0x38;
	[tilespmem:$0x1C400] =	vst v63  }
0xcc: {  	_ =	swait.ge [sflag:s11], $0x400  }
0xcd: {  	s10 =	rddreg [dreg:$0x5];
	[sflag:s11] =	ssyncset.done $0x0  }
0xce: {  	[sflag:s11] =	ssyncadd.s32 $0xFFFFFC00;
	s9 =	sadd.s32 $0x0, s10  }
0xcf: {  	[tilespmem:s13], [sflag:$0x5] =	stream.linear.gather [hbm4b:s9+s4], $0x400, $0x38;
	[tilespmem:$0x1C400] =	vst v63  }
0xd0: {  	_ =	swait.ge [sflag:s11], $0x400  }
0xd1: {  	[sflag:s11] =	ssyncset.done $0x0  }
0xd2: {  	[sflag:s11] =	ssyncadd.s32 $0xFFFFFC00  }
0xd3: {  	[tilespmem:s15], [sflag:$0x1] =	stream.indirect.gather [hbm4b:s6+s14], $0x80, s12, s14, $0xb8;
	[tilespmem:$0x1C400] =	vst v63  }
0xd4: {  	_ = 	snop  }
0xd5: {  	[tilespmem:s17], [sflag:$0x2] =	stream.indirect.gather [hbm4b:s6+s14], $0x80, s16, s14, $0xb8;
	[tilespmem:$0x1C400] =	vst v63  }
0xd6: {  	_ =	swait.ge [sflag:s18], $0x4000  }
0xd7: {  	[sflag:s18] =	ssyncset.done $0x0  }
0xd8: {  	[sflag:s18] =	ssyncadd.s32 $0xFFFFC000  }
0xd9: {  	[spmem:s3] =	stream.indirect.scatter.add.f32 [tilespmem:s15], [sflag:$0x3], $0x80, s13, s14, $0xb8;
	[tilespmem:$0x1C400] =	vst v63  }
0xda: {  	_ =	swait.ge [sflag:s19], $0x4000  }
0xdb: {  	[sflag:s19] =	ssyncset.done $0x0  }
0xdc: {  	[sflag:s19] =	ssyncadd.s32 $0xFFFFC000  }
0xdd: {  	[tilespmem:s15], [sflag:$0x1] =	stream.indirect.gather [hbm4b:s6+s14], $0x80, s20, s14, $0xb8;
	[tilespmem:$0x1C400] =	vst v63  }
0xde: {  	_ =	swait.ge [sflag:s21], $0x4000  }
0xdf: {  	[sflag:s21] =	ssyncset.done $0x0  }
0xe0: {  	[sflag:s21] =	ssyncadd.s32 $0xFFFFC000  }
0xe1: {  	[spmem:s3] =	stream.indirect.scatter.add.f32 [tilespmem:s17], [sflag:$0x4], $0x80, s22, s14, $0xb8;
	[tilespmem:$0x1C400] =	vst v63  }
0xe2: {  	_ =	swait.ge [sflag:s23], $0x4000  }
0xe3: {  	[sflag:s23] =	ssyncset.done $0x0  }
0xe4: {  	[sflag:s23] =	ssyncadd.s32 $0xFFFFC000  }
0xe5: {  	[tilespmem:s17], [sflag:$0x2] =	stream.indirect.gather [hbm4b:s6+s14], $0x80, s25, s14, $0xb8;
	[tilespmem:$0x1C400] =	vst v63  }
0xe6: {  	_ =	swait.ge [sflag:s18], $0x4000  }
0xe7: {  	[sflag:s18] =	ssyncset.done $0x0  }
0xe8: {  	[sflag:s18] =	ssyncadd.s32 $0xFFFFC000  }
0xe9: {  	[spmem:s3] =	stream.indirect.scatter.add.f32 [tilespmem:s15], [sflag:$0x3], $0x80, s26, s14, $0xb8;
	[tilespmem:$0x1C400] =	vst v63  }
0xea: {  	_ =	swait.ge [sflag:s19], $0x4000  }
0xeb: {  	[sflag:s19] =	ssyncset.done $0x0  }
0xec: {  	[sflag:s19] =	ssyncadd.s32 $0xFFFFC000  }
0xed: {  	[tilespmem:s15], [sflag:$0x1] =	stream.indirect.gather [hbm4b:s6+s14], $0x80, s28, s14, $0xb8;
	[tilespmem:$0x1C400] =	vst v63  }
0xee: {  	_ =	swait.ge [sflag:s21], $0x4000  }
0xef: {  	[sflag:s21] =	ssyncset.done $0x0  }
0xf0: {  	[sflag:s21] =	ssyncadd.s32 $0xFFFFC000  }
0xf1: {  	[spmem:s3] =	stream.indirect.scatter.add.f32 [tilespmem:s17], [sflag:$0x4], $0x80, s29, s14, $0xb8;
	[tilespmem:$0x1C400] =	vst v63  }
0xf2: {  	_ =	swait.ge [sflag:s23], $0x4000  }
0xf3: {  	[sflag:s23] =	ssyncset.done $0x0  }
0xf4: {  	[sflag:s23] =	ssyncadd.s32 $0xFFFFC000  }
0xf5: {  	[tilespmem:s17], [sflag:$0x2] =	stream.indirect.gather [hbm4b:s6+s14], $0x80, s30, s14, $0xb8;
	[tilespmem:$0x1C400] =	vst v63  }
0xf6: {  	_ =	swait.ge [sflag:s18], $0x4000  }
0xf7: {  	[sflag:s18] =	ssyncset.done $0x0  }
0xf8: {  	[sflag:s18] =	ssyncadd.s32 $0xFFFFC000  }
0xf9: {  	[spmem:s3] =	stream.indirect.scatter.add.f32 [tilespmem:s15], [sflag:$0x3], $0x80, s31, s14, $0xb8;
	[tilespmem:$0x1C400] =	vst v63  }
0xfa: {  	_ =	swait.ge [sflag:s19], $0x4000  }
0xfb: {  	[sflag:s19] =	ssyncset.done $0x0  }
0xfc: {  	[sflag:s19] =	ssyncadd.s32 $0xFFFFC000  }
0xfd: {  	[tilespmem:s15], [sflag:$0x1] =	stream.indirect.gather [hbm4b:s6+s14], $0x80, s0, s14, $0xb8;
	[tilespmem:$0x1C400] =	vst v63  }
0xfe: {  	_ =	swait.ge [sflag:s21], $0x4000  }
0xff: {  	[sflag:s21] =	ssyncset.done $0x0  }
0x100: {  	[sflag:s21] =	ssyncadd.s32 $0xFFFFC000  }
0x101: {  	[spmem:s3] =	stream.indirect.scatter.add.f32 [tilespmem:s17], [sflag:$0x4], $0x80, s1, s14, $0xb8;
	[tilespmem:$0x1C400] =	vst v63  }
0x102: {  	_ =	swait.ge [sflag:s23], $0x4000  }
0x103: {  	[sflag:s23] =	ssyncset.done $0x0  }
0x104: {  	[sflag:s23] =	ssyncadd.s32 $0xFFFFC000  }
0x105: {  	[tilespmem:s17], [sflag:$0x2] =	stream.indirect.gather [hbm4b:s6+s14], $0x80, s7, s14, $0xb8;
	[tilespmem:$0x1C400] =	vst v63  }
0x106: {  	_ =	swait.ge [sflag:s18], $0x4000  }
0x107: {  	[sflag:s18] =	ssyncset.done $0x0  }
0x108: {  	[sflag:s18] =	ssyncadd.s32 $0xFFFFC000  }
0x109: {  	[spmem:s3] =	stream.indirect.scatter.add.f32 [tilespmem:s15], [sflag:$0x3], $0x80, s24, s14, $0xb8;
	[tilespmem:$0x1C400] =	vst v63  }
0x10a: {  	_ =	swait.ge [sflag:s21], $0x4000  }
0x10b: {  	[sflag:s21] =	ssyncset.done $0x0  }
0x10c: {  	[sflag:s21] =	ssyncadd.s32 $0xFFFFC000  }
0x10d: {  	[spmem:s3] =	stream.indirect.scatter.add.f32 [tilespmem:s17], [sflag:$0x4], $0x80, s5, s14, $0xb8;
	[tilespmem:$0x1C400] =	vst v63  }
0x10e: {  	_ =	swait.ge [sflag:s19], $0x4000  }
0x10f: {  	[sflag:s19] =	ssyncset.done $0x0  }
0x110: {  	[sflag:s19] =	ssyncadd.s32 $0xFFFFC000  }
0x111: {  	_ =	swait.ge [sflag:s23], $0x4000  }
0x112: {  	s9 =	simm.s32 $0x80;
	[sflag:s23] =	ssyncset.done $0x0  }
.LBB2_3:
0x113: {  	s10 =	rddreg [dreg:$0x6];
	s8 =	smov.u32 s9  }
0x114: {  	[sflag:s23] =	ssyncadd.s32 $0xFFFFC000;
	s10 =	sadd.s32 s8, s10  }
0x115: {  	[tilespmem:s12], [sflag:$0x5] =	stream.linear.gather [hbm4b:s10+s4], $0x400, $0x38;
	[tilespmem:$0x1C400] =	vst v63  }
0x116: {  	_ =	swait.ge [sflag:s11], $0x400  }
0x117: {  	s10 =	rddreg [dreg:$0x5];
	[sflag:s11] =	ssyncset.done $0x0  }
0x118: {  	[sflag:s11] =	ssyncadd.s32 $0xFFFFFC00;
	s8 =	sadd.s32 s8, s10  }
0x119: {  	[tilespmem:s13], [sflag:$0x5] =	stream.linear.gather [hbm4b:s8+s4], $0x400, $0x38;
	[tilespmem:$0x1C400] =	vst v63  }
0x11a: {  	_ =	swait.ge [sflag:s11], $0x400  }
0x11b: {  	[sflag:s11] =	ssyncset.done $0x0  }
0x11c: {  	[sflag:s11] =	ssyncadd.s32 $0xFFFFFC00  }
0x11d: {  	[tilespmem:s15], [sflag:$0x1] =	stream.indirect.gather [hbm4b:s6+s14], $0x80, s12, s14, $0xb8;
	[tilespmem:$0x1C400] =	vst v63  }
0x11e: {  	_ = 	snop  }
0x11f: {  	[tilespmem:s17], [sflag:$0x2] =	stream.indirect.gather [hbm4b:s6+s14], $0x80, s16, s14, $0xb8;
	[tilespmem:$0x1C400] =	vst v63  }
0x120: {  	_ =	swait.ge [sflag:s18], $0x4000  }
0x121: {  	[sflag:s18] =	ssyncset.done $0x0  }
0x122: {  	[sflag:s18] =	ssyncadd.s32 $0xFFFFC000  }
0x123: {  	[spmem:s3] =	stream.indirect.scatter.add.f32 [tilespmem:s15], [sflag:$0x3], $0x80, s13, s14, $0xb8;
	[tilespmem:$0x1C400] =	vst v63  }
0x124: {  	_ =	swait.ge [sflag:s19], $0x4000  }
0x125: {  	[sflag:s19] =	ssyncset.done $0x0  }
0x126: {  	[sflag:s19] =	ssyncadd.s32 $0xFFFFC000  }
0x127: {  	[tilespmem:s15], [sflag:$0x1] =	stream.indirect.gather [hbm4b:s6+s14], $0x80, s20, s14, $0xb8;
	[tilespmem:$0x1C400] =	vst v63  }
0x128: {  	_ =	swait.ge [sflag:s21], $0x4000  }
0x129: {  	[sflag:s21] =	ssyncset.done $0x0  }
0x12a: {  	[sflag:s21] =	ssyncadd.s32 $0xFFFFC000  }
0x12b: {  	[spmem:s3] =	stream.indirect.scatter.add.f32 [tilespmem:s17], [sflag:$0x4], $0x80, s22, s14, $0xb8;
	[tilespmem:$0x1C400] =	vst v63  }
0x12c: {  	_ =	swait.ge [sflag:s23], $0x4000  }
0x12d: {  	[sflag:s23] =	ssyncset.done $0x0  }
0x12e: {  	[sflag:s23] =	ssyncadd.s32 $0xFFFFC000  }
0x12f: {  	[tilespmem:s17], [sflag:$0x2] =	stream.indirect.gather [hbm4b:s6+s14], $0x80, s25, s14, $0xb8;
	[tilespmem:$0x1C400] =	vst v63  }
0x130: {  	_ =	swait.ge [sflag:s18], $0x4000  }
0x131: {  	[sflag:s18] =	ssyncset.done $0x0  }
0x132: {  	[sflag:s18] =	ssyncadd.s32 $0xFFFFC000  }
0x133: {  	[spmem:s3] =	stream.indirect.scatter.add.f32 [tilespmem:s15], [sflag:$0x3], $0x80, s26, s14, $0xb8;
	[tilespmem:$0x1C400] =	vst v63  }
0x134: {  	_ =	swait.ge [sflag:s19], $0x4000  }
0x135: {  	[sflag:s19] =	ssyncset.done $0x0  }
0x136: {  	[sflag:s19] =	ssyncadd.s32 $0xFFFFC000  }
0x137: {  	[tilespmem:s15], [sflag:$0x1] =	stream.indirect.gather [hbm4b:s6+s14], $0x80, s28, s14, $0xb8;
	[tilespmem:$0x1C400] =	vst v63  }
0x138: {  	_ =	swait.ge [sflag:s21], $0x4000  }
0x139: {  	[sflag:s21] =	ssyncset.done $0x0  }
0x13a: {  	[sflag:s21] =	ssyncadd.s32 $0xFFFFC000  }
0x13b: {  	[spmem:s3] =	stream.indirect.scatter.add.f32 [tilespmem:s17], [sflag:$0x4], $0x80, s29, s14, $0xb8;
	[tilespmem:$0x1C400] =	vst v63  }
0x13c: {  	_ =	swait.ge [sflag:s23], $0x4000  }
0x13d: {  	[sflag:s23] =	ssyncset.done $0x0  }
0x13e: {  	[sflag:s23] =	ssyncadd.s32 $0xFFFFC000  }
0x13f: {  	[tilespmem:s17], [sflag:$0x2] =	stream.indirect.gather [hbm4b:s6+s14], $0x80, s30, s14, $0xb8;
	[tilespmem:$0x1C400] =	vst v63  }
0x140: {  	_ =	swait.ge [sflag:s18], $0x4000  }
0x141: {  	[sflag:s18] =	ssyncset.done $0x0  }
0x142: {  	[sflag:s18] =	ssyncadd.s32 $0xFFFFC000  }
0x143: {  	[spmem:s3] =	stream.indirect.scatter.add.f32 [tilespmem:s15], [sflag:$0x3], $0x80, s31, s14, $0xb8;
	[tilespmem:$0x1C400] =	vst v63  }
0x144: {  	_ =	swait.ge [sflag:s19], $0x4000  }
0x145: {  	[sflag:s19] =	ssyncset.done $0x0  }
0x146: {  	[sflag:s19] =	ssyncadd.s32 $0xFFFFC000  }
0x147: {  	[tilespmem:s15], [sflag:$0x1] =	stream.indirect.gather [hbm4b:s6+s14], $0x80, s0, s14, $0xb8;
	[tilespmem:$0x1C400] =	vst v63  }
0x148: {  	_ =	swait.ge [sflag:s21], $0x4000  }
0x149: {  	[sflag:s21] =	ssyncset.done $0x0  }
0x14a: {  	[sflag:s21] =	ssyncadd.s32 $0xFFFFC000  }
0x14b: {  	[spmem:s3] =	stream.indirect.scatter.add.f32 [tilespmem:s17], [sflag:$0x4], $0x80, s1, s14, $0xb8;
	[tilespmem:$0x1C400] =	vst v63  }
0x14c: {  	_ =	swait.ge [sflag:s23], $0x4000  }
0x14d: {  	[sflag:s23] =	ssyncset.done $0x0  }
0x14e: {  	[sflag:s23] =	ssyncadd.s32 $0xFFFFC000  }
0x14f: {  	[tilespmem:s17], [sflag:$0x2] =	stream.indirect.gather [hbm4b:s6+s14], $0x80, s7, s14, $0xb8;
	[tilespmem:$0x1C400] =	vst v63  }
0x150: {  	_ =	swait.ge [sflag:s18], $0x4000  }
0x151: {  	[sflag:s18] =	ssyncset.done $0x0  }
0x152: {  	[sflag:s18] =	ssyncadd.s32 $0xFFFFC000  }
0x153: {  	[spmem:s3] =	stream.indirect.scatter.add.f32 [tilespmem:s15], [sflag:$0x3], $0x80, s24, s14, $0xb8;
	[tilespmem:$0x1C400] =	vst v63  }
0x154: {  	_ =	swait.ge [sflag:s21], $0x4000  }
0x155: {  	[sflag:s21] =	ssyncset.done $0x0  }
0x156: {  	p1 =	sne.s32 s9, $0x980;
	[sflag:s21] =	ssyncadd.s32 $0xFFFFC000  }
0x157: {  	[spmem:s3] =	stream.indirect.scatter.add.f32 [tilespmem:s17], [sflag:$0x4], $0x80, s5, s14, $0xb8;
	[tilespmem:$0x1C400] =	vst v63  }
.Ltmp5:
0x158: {  	_ =	swait.ge [sflag:s19], $0x4000;
	(pc) =	sbr.rel @p1 .LBB2_3-.Ltmp5, $4  }
0x159: {  	[sflag:s19] =	ssyncset.done $0x0  }
0x15a: {  	[sflag:s19] =	ssyncadd.s32 $0xFFFFC000  }
0x15b: {  	_ =	swait.ge [sflag:s23], $0x4000  }
0x15c: {  	s9 =	sadd.s32 $0x80, s9;
	[sflag:s23] =	ssyncset.done $0x0  }
.Ltmp6:
0x15d: {  	(pc) =	sbr.rel .LBB2_8-.Ltmp6, $4  }
0x15e: {  	[sflag:s23] =	ssyncadd.s32 $0xFFFFC000  }
0x15f: {  	[bflag:$0x0] =	sbarrier.arrive $0xFFFF  }
0x160: {  	s8 =	rddreg [dreg:$0xa]  }
0x161: {  	[dreg:$0x10] =	wrdreg s8  }
.LBB2_9:
0x162: {  	_ =	sfence.sel $0x180000  }
0x163: {  	[bflag:$0x0] =	sbarrier.arrive $0xFFFF  }
0x164: {  	_ =	strace $0x9000004D  }
0x165: {  	s0 =	stileid.u32;
	[bflag:$0x2] =	sbarrier.arrive $0xFFFF  }
0x166: {  	p0 =	sne.s32 s0, $0x0;
	s0 =	rddreg [dreg:$0x4]  }
0x167: {  	s0 =	sadd.s32 @!p0 $0x100000, s0  }
0x168: {  	[sflag:s0] =	ssyncadd.tile.s32 @!p0 $0x1;
	_ =	shalt  }
.Lfunc_end2:
_tile_overlayer_lowered:
.L_overlay_start_2:
0x169: {  	(tag) =	ssettag $0x2  }
0x16a: {  	s0 =	rddreg [dreg:$0x0];
	s2 =	stileid.u32  }
0x16b: {  	s1 =	rddreg [dreg:$0x1];
	p0 =	sne.s32 s2, $0x0  }
0x16c: {  	s3 =	rddreg [dreg:$0x2];
	[bflag:$0x3] =	sbarrier.arrive $0xFFFF;
	s2 =	simm.s32 @!p0 $0x1C05  }
0x16d: {  	[timem:s3], [sflag:s2] =	dma.local @!p0 [hbm:s0], s1  }
0x16e: {  	s0 =	simm.s32 @!p0 $0x5  }
0x16f: {  	_ =	swait.ge @!p0 [sflag:s0], s1  }
0x170: {  	s1 =	ssub.s32 @!p0 $0x0, s1;
	[sflag:s0] =	ssyncset.done @!p0 $0x0  }
0x171: {  	[sflag:s0] =	ssyncadd.s32 @!p0 s1  }
0x172: {  	[bflag:$0x3] =	sbarrier.arrive $0xFFFF  }
0x173: {  	_ =	shalt  }

// kernel: kernel.7.cloned.1.call-start
scs
__scs_entry_jumppad:
0x0: {  	(pc) =	sbr.rel $0x88, $3  }
0x1: {  	(tag) =	ssettag $0x0;
	lr =	simm.s32 $0x1  }
0x2: {  	[smem:$0x3F91] =	sst lr;
	_ =	strace $0xD0000000  }
0x3: {  	_ = 	snop  }
0x4: {  	_ = 	snop  }
0x5: {  	_ = 	snop  }
0x6: {  	_ = 	snop  }
0x7: {  	_ = 	snop  }
__scs_overlays_trampoline_lowered:
0x8: {  	[smem:$0x3FA0] =	sst s0  }
0x9: {  	[smem:$0x3FA1] =	sst s1  }
0xa: {  	[smem:$0x3FA2] =	sst s2  }
0xb: {  	[smem:$0x3FA3] =	sst s3  }
0xc: {  	[smem:$0x3FA4] =	sst s4  }
0xd: {  	[smem:$0x3FA5] =	sst s5  }
0xe: {  	[smem:$0x3FA6] =	sst s6  }
0xf: {  	[smem:$0x3FA7] =	sst s7  }
0x10: {  	[smem:$0x3FA8] =	sst s8  }
0x11: {  	[smem:$0x3FA9] =	sst s9;
	s0 =	simm.s32 @!p0 $0x0  }
0x12: {  	s1 =	sld [smem:$0x3F8F];
	s0 =	simm.s32 @p0 $0x1  }
0x13: {  	[smem:$0x3FAA] =	sst s0;
	s0 =	simm.s32 @!p1 $0x0  }
0x14: {  	s2 =	sld [smem:$0x3F8E];
	s0 =	simm.s32 @p1 $0x1  }
0x15: {  	[smem:$0x3FAB] =	sst s0;
	s0 =	simm.s32 @!p2 $0x0  }
0x16: {  	s3 =	sld [smem:$0x3FDB];
	s0 =	simm.s32 @p2 $0x1  }
0x17: {  	s4 =	simm.s32 $0x1BF5;
	[smem:$0x3FAD] =	sst s0  }
0x18: {  	s0 =	sld [smem:$0x3F90];
	_ =	swait.ge [sflag:s4], $0x0  }
0x19: {  	s7 =	sld [smem:$0x3F91]  }
0x1a: {  	s8 =	sadd.s32 $0xFFFFE003, lr  }
0x1b: {  	s9 =	sadd.s32 $0xFFFFFEF7, lr;
	s5 =	simm.s32 $0xFFFFFFFF;
	p2 =	slt.u32 s8, $0xFFFFF086  }
0x1c: {  	p1 =	slt.u32 s9, $0xF7A;
	s5 =	simm.s32 @!p2 $0x0  }
0x1d: {  	s5 =	simm.s32 @p1 $0x1;
	p0 =	seq.s32 s7, s2  }
0x1e: {  	s7 =	smul.u32 @!p0 $0xF7A, s2;
	p2 =	seq.s32 @!p0 s5, $0x0  }
0x1f: {  	s9 =	smul.u32 $0xF7A, s1;
	s8 =	simm.s32 @!p0 $0x1BF5;
	p2 =	por !p2, p0  }
0x20: {  	[sflag:s8] =	ssyncset.s32 @!p0 $0xFFFFF086;
	s6 =	sadd.s32 @!p0 s3, s7;
	s7 =	simm.s32 @!p0 $0x108  }
0x21: {  	s3 =	sadd.s32 s3, s9;
	s6 =	sadd.s32 @!p0 $0x88, s6;
	s7 =	simm.s32 @p2 $0x1082  }
0x22: {  	[simem:s7], [sflag:s8] =	dma.local @!p0 [hbm:s6], $0xF7A  }
0x23: {  	s9 =	sor.u32 $0xD0000000, s2;
	s6 =	simm.s32 $0x108;
	_ =	swait.ge @!p0 [sflag:s8], $0x0  }
0x24: {  	s3 =	sadd.s32 $0x88, s3;
	s6 =	simm.s32 @!p1 $0x1082;
	[sflag:s4] =	ssyncset.s32 $0xFFFFF086  }
0x25: {  	[simem:s6], [sflag:s4] =	dma.local [hbm:s3], $0xF7A  }
0x26: {  	[smem:$0x3F91] =	sst s1;
	(tag) =	ssettag s2;
	_ =	strace s9  }
0x27: {  	s1 =	sld [smem:$0x3FA1]  }
0x28: {  	s2 =	sld [smem:$0x3FA2]  }
0x29: {  	s4 =	sld [smem:$0x3FA4]  }
0x2a: {  	p0 =	seq.s32 s5, $0x0;
	s5 =	sld [smem:$0x3FA5]  }
0x2b: {  	s6 =	sld [smem:$0x3FA6]  }
0x2c: {  	s7 =	sld [smem:$0x3FA7]  }
0x2d: {  	s3 =	simm.s32 $0x108;
	s8 =	sld [smem:$0x3FA8]  }
0x2e: {  	s3 =	simm.s32 @!p0 $0x1082;
	s9 =	sld [smem:$0x3FA9]  }
0x2f: {  	lr =	sadd.s32 s0, s3;
	s0 =	sld [smem:$0x3FA0]  }
0x30: {  	s3 =	sld [smem:$0x3FA3]  }
0x31: {  	[smem:$0x3FAC] =	sst s10  }
0x32: {  	s10 =	sld [smem:$0x3FAA];
	_ =	sdelay $0x3  }
0x33: {  	p0 =	seq.s32 s10, $0x1;
	s10 =	sld [smem:$0x3FAC];
	_ =	sdelay $0x3  }
0x34: {  	[smem:$0x3FAC] =	sst s10  }
0x35: {  	s10 =	sld [smem:$0x3FAB];
	_ =	sdelay $0x3  }
0x36: {  	p1 =	seq.s32 s10, $0x1;
	s10 =	sld [smem:$0x3FAC];
	_ =	sdelay $0x3  }
0x37: {  	[smem:$0x3FAC] =	sst s10  }
0x38: {  	s10 =	sld [smem:$0x3FAD]  }
0x39: {  	_ = 	snop;
	(pc) =	sbr.ind lr, $3  }
0x3a: {  	_ = 	snop  }
0x3b: {  	_ = 	snop  }
0x3c: {  	p2 =	seq.s32 s10, $0x1;
	s10 =	sld [smem:$0x3FAC]  }
0x3d: {  	_ =	shalt  }
0x3e: {  	_ =	shalt  }
0x3f: {  	_ =	shalt  }
0x40: {  	_ =	shalt  }
0x41: {  	_ =	shalt  }
0x42: {  	_ =	shalt  }
0x43: {  	_ =	shalt  }
0x44: {  	_ =	shalt  }
0x45: {  	_ =	shalt  }
0x46: {  	_ =	shalt  }
0x47: {  	_ =	shalt  }
0x48: {  	_ =	shalt  }
0x49: {  	_ =	shalt  }
0x4a: {  	_ =	shalt  }
0x4b: {  	_ =	shalt  }
0x4c: {  	_ =	shalt  }
0x4d: {  	_ =	shalt  }
0x4e: {  	_ =	shalt  }
0x4f: {  	_ =	shalt  }
0x50: {  	_ =	shalt  }
0x51: {  	_ =	shalt  }
0x52: {  	_ =	shalt  }
0x53: {  	_ =	shalt  }
0x54: {  	_ =	shalt  }
0x55: {  	_ =	shalt  }
0x56: {  	_ =	shalt  }
0x57: {  	_ =	shalt  }
0x58: {  	_ =	shalt  }
0x59: {  	_ =	shalt  }
0x5a: {  	_ =	shalt  }
0x5b: {  	_ =	shalt  }
0x5c: {  	_ =	shalt  }
0x5d: {  	_ =	shalt  }
0x5e: {  	_ =	shalt  }
0x5f: {  	_ =	shalt  }
0x60: {  	_ =	shalt  }
0x61: {  	_ =	shalt  }
0x62: {  	_ =	shalt  }
0x63: {  	_ =	shalt  }
0x64: {  	_ =	shalt  }
0x65: {  	_ =	shalt  }
0x66: {  	_ =	shalt  }
0x67: {  	_ =	shalt  }
0x68: {  	_ =	shalt  }
0x69: {  	_ =	shalt  }
0x6a: {  	_ =	shalt  }
0x6b: {  	_ =	shalt  }
0x6c: {  	_ =	shalt  }
0x6d: {  	_ =	shalt  }
0x6e: {  	_ =	shalt  }
0x6f: {  	_ =	shalt  }
0x70: {  	_ =	shalt  }
0x71: {  	_ =	shalt  }
0x72: {  	_ =	shalt  }
0x73: {  	_ =	shalt  }
0x74: {  	_ =	shalt  }
0x75: {  	_ =	shalt  }
0x76: {  	_ =	shalt  }
0x77: {  	_ =	shalt  }
0x78: {  	_ =	shalt  }
0x79: {  	_ =	shalt  }
0x7a: {  	_ =	shalt  }
0x7b: {  	_ =	shalt  }
0x7c: {  	_ =	shalt  }
0x7d: {  	_ =	shalt  }
0x7e: {  	_ =	shalt  }
0x7f: {  	_ =	shalt  }
0x80: {  	_ =	shalt  }
0x81: {  	_ =	shalt  }
0x82: {  	_ =	shalt  }
0x83: {  	_ =	shalt  }
0x84: {  	_ =	shalt  }
0x85: {  	_ =	shalt  }
0x86: {  	_ =	shalt  }
0x87: {  	_ =	shalt  }
.Lfunc_end0:
.L_simem_size_0:
called_computation_lowered:
.L_overlay_start_0:
0x88: {  	s2 =	sld [smem:$0x3FD9]  }
0x89: {  	s3 =	sld [smem:$0x3FFE];
	_ =	sdelay $0x1  }
0x8a: {  	s1 =	srdreg.scid  }
0x8b: {  	s0 =	sand.u32 $0x1, s1  }
0x8c: {  	s17 =	sshll.u32 s0, $0xA;
	s2 =	sadd.s32 s3, s2  }
0x8d: {  	s2 =	sadd.s32 s2, s17  }
0x8e: {  	[smem:$0x3FB8] =	sst s2  }
0x8f: {  	_ = 	snop  }
0x90: {  	(tm) =	ssettm $0x1  }
0x91: {  	s18 =	sld [smem:$0x3FFB];
	_ =	sdelay $0x3  }
0x92: {  	_ =	strace s18  }
0x93: {  	s2 =	sld [smem:$0x3FFC];
	_ =	sdelay $0x3  }
0x94: {  	_ =	strace s2  }
0x95: {  	s2 =	sld [smem:$0x3FFD];
	_ =	sdelay $0x3  }
0x96: {  	_ =	strace s2  }
0x97: {  	_ =	strace $0x8FFFFFFF  }
0x98: {  	s19 =	sld [smem:$0x3FDB];
	_ =	sdelay $0x1  }
0x99: {  	s20 =	simm.s32 $_scs_section_size  }
0x9a: {  	s4 =	simm.s32 $_size__tile_overlayer_lowered;
	s5 =	simm.s32 $_tile_overlayer_lowered  }
0x9b: {  	s6 =	simm.s32 $0x1BFF;
	s21 =	sshll.u32 s5, $0x1;
	s3 =	sadd.s32 s20, s19  }
0x9c: {  	s22 =	simm.s32 $0x0;
	s4 =	sshll.u32 s4, $0x1;
	s5 =	sadd.s32 s21, s3  }
0x9d: {  	[timem:s22], [sflag:s6] =	dma.local [hbm:s5], s4  }
0x9e: {  	_ =	swait.ge [sflag:s6], s4  }
0x9f: {  	s4 =	ssub.s32 $0x0, s4;
	[sflag:s6] =	ssyncset.done $0x0  }
0xa0: {  	[sflag:s6] =	ssyncadd.s32 s4;
	_ =	sdelay $0x1  }
0xa1: {  	s23 =	simm.s32 $0x1B8B  }
0xa2: {  	_ =	swait.ge [sflag:s23], $0x1  }
0xa3: {  	[sflag:s23] =	ssyncset.done $0x0  }
0xa4: {  	[sflag:s23] =	ssyncadd.s32 $0xFFFFFFFF  }
0xa5: {  	s4 =	sld [smem:$0x0]  }
0xa6: {  	s5 =	sand.u32 $0xFFFFFFFE, s1  }
0xa7: {  	p0 =	sne.s32 s1, s5  }
0xa8: {  	s5 =	sshll.u32 @p0 s5, $0xE  }
0xa9: {  	s5 =	sadd.s32 @p0 $0x11B8D, s5;
	s6 =	sshll.u32 @p0 s4, $0x11  }
0xaa: {  	s5 =	sor.u32 @p0 s6, s5  }
0xab: {  	[sflag:s5] =	ssyncadd.remote.s32 @p0 $0x1;
	_ =	sdelay $0x1  }
0xac: {  	s5 =	simm.s32 @p0 $0x1B8D  }
0xad: {  	_ =	swait.eq @p0 [sflag:s5], $0x1  }
0xae: {  	[sflag:s5] =	ssyncadd.s32 @p0 $0xFFFFFFFF  }
0xaf: {  	s6 =	sshll.u32 @!p0 s1, $0xE  }
0xb0: {  	s6 =	sor.u32 @!p0 $0x4000, s6;
	s5 =	simm.s32 @!p0 $0x1B8D  }
0xb1: {  	s4 =	sshll.u32 @!p0 s4, $0x11;
	s6 =	sadd.s32 @!p0 $0x11B8D, s6;
	_ =	swait.eq @!p0 [sflag:s5], $0x1  }
0xb2: {  	s4 =	sor.u32 @!p0 s4, s6;
	[sflag:s5] =	ssyncadd.s32 @!p0 $0xFFFFFFFF  }
0xb3: {  	s25 =	simm.s32 $0x1B8E;
	s24 =	sld [smem:$0x3FFE];
	[sflag:s4] =	ssyncadd.remote.s32 @!p0 $0x1  }
0xb4: {  	s26 =	simm.s32 $execute0_lowered;
	[smem:$0x3FD2] =	sst s25  }
0xb5: {  	s5 =	sshll.u32 s26, $0x1;
	_ =	strace $0x80000049;
	[dreg:$0x1] =	wrdreg $0xFFFFFFFF  }
0xb6: {  	s28 =	simm.s32 $_size_execute0_lowered;
	s3 =	sadd.s32 s3, s5;
	[dreg:$0x0] =	wrdreg $0x0  }
0xb7: {  	s5 =	sshll.u32 s28, $0x1;
	[dreg:$0x2] =	wrdreg s3  }
0xb8: {  	[dreg:$0x3] =	wrdreg s5  }
0xb9: {  	[dreg:$0x4] =	wrdreg $0xC0  }
0xba: {  	_ =	task [dreg:s22], $0x5FFFF  }
0xbb: {  	[dreg:$0x1] =	wrdreg $0xFFFFFFFF  }
0xbc: {  	[dreg:$0x0] =	wrdreg $0x60  }
0xbd: {  	[dreg:$0x2] =	wrdreg s24  }
0xbe: {  	[dreg:$0x3] =	wrdreg $0x0  }
0xbf: {  	[dreg:$0x4] =	wrdreg $0x9  }
0xc0: {  	_ =	task.clear_ibuf [dreg:s22], $0x5FFFF;
	_ =	strace $0x90000049  }
0xc1: {  	s29 =	simm.s32 $0x9;
	_ =	strace $0x8000004B  }
0xc2: {  	_ =	swait.ge [sflag:s29], $0x1  }
0xc3: {  	[sflag:s29] =	ssyncadd.s32 $0xFFFFFFFF  }
0xc4: {  	_ =	strace $0x9000004B  }
0xc5: {  	_ =	sfence  }
0xc6: {  	s30 =	sld [smem:$0x0];
	_ =	sdelay $0x2  }
0xc7: {  	s31 =	sshll.u32 s1, $0xD;
	s1 =	sshrl.u32 s1, $0x2  }
0xc8: {  	s4 =	sand.u32 $0x4000, s31;
	s1 =	sadd.s32 s1, s30  }
0xc9: {  	s0 =	sor.u32 s4, s0;
	s1 =	sshll.u32 s1, $0x11  }
0xca: {  	s0 =	sor.u32 s1, s0  }
0xcb: {  	s0 =	sadd.s32 $0x8F2B, s0  }
0xcc: {  	[sflag:s0] =	ssyncadd.remote.s32 $0x1  }
0xcd: {  	_ =	sfence.sel $0xFFFF  }
0xce: {  	[dreg:$0x0] =	wrdreg $0xFFFFFFFF;
	(pc) =	sbr.abs _section_cstart, $3  }
0xcf: {  	[dreg:$0x1] =	wrdreg $0xFFFFFFFF  }
0xd0: {  	_ =	task.clear_ibuf [dreg:s22], $0x2FFFF;
	_ =	strace $0x9FFFFFFF  }
0xd1: {  	(tm) =	ssettm $0x7FFFFFFF  }
tec
execute0_lowered:
.L_overlay_start_1:
0x0: {  	(tag) =	ssettag $0x1  }
0x1: {  	s9 =	rddreg [dreg:$0x0]  }
0x2: {  	s2 =	rddreg [dreg:$0x1]  }
0x3: {  	s0 =	rddreg [dreg:$0x2];
	s1 =	stileid.u32  }
0x4: {  	s3 =	simm.s32 $0x0;
	s4 =	srdreg.scid;
	s5 =	smul.u32 $0xA00, s1  }
0x5: {  	s15 =	simm.s32 $0x80;
	[smem:$0x7FF] =	sst s3;
	s16 =	smul.u32 $0x2780, s1  }
0x6: {  	s6 =	sand.u32 $0x1, s4;
	s10 =	smul.u32 $0x4F000, s1;
	s4 =	sadd.s32 $0x53600, s9  }
0x7: {  	s17 =	sadd.s32 $0x7B600, s9;
	s13 =	sshll.u32 s1, $0x6;
	_ =	strace $0x8000004A  }
0x8: {  	s7 =	ssub.s32 $0x2, s6;
	p0 =	seq.s32 s6, $0x1;
	s13 =	sor.u32 $0x1C01, s13  }
0x9: {  	s8 =	sadd.s32 s5, s9;
	s30 =	sshrl.u32 s7, $0x1;
	s11 =	sadd.s32 s16, s9  }
.Ltmp0:
0xa: {  	s31 =	sshrl.u32 s10, $0x2;
	s10 =	simm.s32 $0x18C00;
	(pc) =	sbr.rel .LBB2_1-.Ltmp0, $4  }
0xb: {  	s16 =	sadd.s32 s16, s17;
	s17 =	simm.s32 $0x0;
	s12 =	ssub.s32 s7, s30  }
0xc: {  	s5 =	sadd.s32 $0x3E00, s8;
	s14 =	sadd.s32 s31, s2;
	s6 =	sadd.s32 $0x2BE00, s11  }
0xd: {  	s7 =	sadd.s32 $0x53E00, s11;
	s8 =	sadd.s32 $0xDE00, s8;
	s11 =	simm.s32 $0x1  }
0xe: {  	s9 =	smax.u32 s12, $0x1;
	s12 =	simm.s32 $0x13C00;
	s14 =	sshrl.u32 s14, $0x3  }
.LBB2_7:
0xf: {  	[sflag:s11] =	ssyncset.done $0x0  }
0x10: {  	[sflag:s11] =	ssyncadd.s32 $0xFFFFC000  }
0x11: {  	s18 =	smov.u32 s16;
	[bflag:$0x0] =	sbarrier.arrive $0xFFFF  }
.LBB2_8:
0x12: {  	s17 =	sadd.s32 $0x1, s17  }
0x13: {  	p1 =	sne.s32 s17, s9  }
.Ltmp1:
0x14: {  	_ = 	snop;
	(pc) =	sbr.rel @!p1 .LBB2_9-.Ltmp1, $4  }
0x15: {  	[hbm:s18], [sflag:s13] =	dma.local [spmem:s14], $0x2780  }
0x16: {  	_ =	swait.ge [sflag:s11], $0x2780  }
0x17: {  	[sflag:s11] =	ssyncset.done $0x0  }
0x18: {  	[sflag:s11] =	ssyncadd.s32 $0xFFFFD880  }
.LBB2_1:
.Ltmp2:
0x19: {  	(pc) =	sbr.rel @!p0 .LBB2_2-.Ltmp2, $4  }
0x1a: {  	[tilespmem:s10], [sflag:$0x1] =	stream.linear.gather [hbm4b:s4+s3], $0x4000, $0x38;
	[tilespmem:$0x1CC00] =	vst v63  }
0x1b: {  	_ =	swait.ge [sflag:s11], $0x4000  }
0x1c: {  	[sflag:s11] =	ssyncset.done $0x0  }
0x1d: {  	s18 =	simm.s32 $0x0;
	[sflag:s11] =	ssyncadd.s32 $0xFFFFC000  }
0x1e: {  	[tilespmem:s12], [sflag:$0x1] =	stream.linear.gather [hbm4b:s8+s18], $0x5000, $0x38;
	[tilespmem:$0x1CC00] =	vst v63  }
0x1f: {  	_ =	swait.ge [sflag:s11], $0x5000  }
0x20: {  	[sflag:s11] =	ssyncset.done $0x0  }
0x21: {  	[sflag:s11] =	ssyncadd.s32 $0xFFFFB000  }
0x22: {  	[spmem:s14], [sflag:s13] =	dma.local [hbm:s6], $0x2780  }
0x23: {  	_ =	swait.ge [sflag:s11], $0x2780  }
0x24: {  	[sflag:s11] =	ssyncset.done $0x0  }
0x25: {  	[sflag:s11] =	ssyncadd.s32 $0xFFFFD880  }
0x26: {  	s31 =	simm.s32 $0x13C00;
	[bflag:$0x0] =	sbarrier.arrive $0xFFFF  }
0x27: {  	[spmem:s2] =	stream.indirect.scatter.add.f32 [tilespmem:s10], [sflag:$0x1], $0x80, s31, s15, $0xb8;
	[tilespmem:$0x1CC00] =	vst v63  }
0x28: {  	s18 =	simm.s32 $0x200;
	_ =	swait.ge [sflag:s11], $0x4000  }
.LBB2_6:
0x29: {  	s19 =	sshra.s32 s18, $0x2;
	[sflag:s11] =	ssyncset.done $0x0;
	p1 =	sne.s32 s18, $0x13E00  }
.Ltmp3:
0x2a: {  	s19 =	sadd.s32 $0x13C00, s19;
	[sflag:s11] =	ssyncadd.s32 $0xFFFFC000;
	(pc) =	sbr.rel @p1 .LBB2_6-.Ltmp3, $3  }
0x2b: {  	[spmem:s2] =	stream.indirect.scatter.add.f32 [tilespmem:s10], [sflag:$0x1], $0x80, s19, s15, $0xb8;
	[tilespmem:$0x1CC00] =	vst v63  }
0x2c: {  	s18 =	sadd.s32 $0x200, s18;
	_ =	sdelay $0x1  }
0x2d: {  	_ =	swait.ge [sflag:s11], $0x4000  }
.Ltmp4:
0x2e: {  	_ = 	snop;
	(pc) =	sbr.rel .LBB2_7-.Ltmp4, $1  }
0x2f: {  	_ =	sdelay $0x3  }
.LBB2_2:
0x30: {  	[tilespmem:s12], [sflag:$0x1] =	stream.linear.gather [hbm4b:s5+s18], $0x5000, $0x38;
	[tilespmem:$0x1CC00] =	vst v63  }
0x31: {  	_ =	swait.ge [sflag:s11], $0x5000  }
0x32: {  	[sflag:s11] =	ssyncset.done $0x0  }
0x33: {  	[sflag:s11] =	ssyncadd.s32 $0xFFFFB000  }
0x34: {  	[spmem:s14], [sflag:s13] =	dma.local [hbm:s6], $0x2780  }
0x35: {  	_ =	swait.ge [sflag:s11], $0x2780  }
0x36: {  	[sflag:s11] =	ssyncset.done $0x0  }
0x37: {  	[sflag:s11] =	ssyncadd.s32 $0xFFFFD880  }
0x38: {  	s31 =	simm.s32 $0x13C00;
	[bflag:$0x0] =	sbarrier.arrive $0xFFFF  }
0x39: {  	[spmem:s2] =	stream.indirect.scatter.add.f32 [tilespmem:s10], [sflag:$0x1], $0x80, s31, s15, $0xb8;
	[tilespmem:$0x1CC00] =	vst v63  }
0x3a: {  	s18 =	simm.s32 $0x200;
	_ =	swait.ge [sflag:s11], $0x4000  }
.LBB2_3:
0x3b: {  	s19 =	sshra.s32 s18, $0x2;
	[sflag:s11] =	ssyncset.done $0x0;
	p1 =	sne.s32 s18, $0x13E00  }
.Ltmp5:
0x3c: {  	s19 =	sadd.s32 $0x13C00, s19;
	[sflag:s11] =	ssyncadd.s32 $0xFFFFC000;
	(pc) =	sbr.rel @p1 .LBB2_3-.Ltmp5, $3  }
0x3d: {  	[spmem:s2] =	stream.indirect.scatter.add.f32 [tilespmem:s10], [sflag:$0x1], $0x80, s19, s15, $0xb8;
	[tilespmem:$0x1CC00] =	vst v63  }
0x3e: {  	s18 =	sadd.s32 $0x200, s18;
	_ =	sdelay $0x1  }
0x3f: {  	_ =	swait.ge [sflag:s11], $0x4000  }
.Ltmp6:
0x40: {  	(pc) =	sbr.rel .LBB2_8-.Ltmp6, $4  }
0x41: {  	[sflag:s11] =	ssyncset.done $0x0  }
0x42: {  	[sflag:s11] =	ssyncadd.s32 $0xFFFFC000  }
0x43: {  	[bflag:$0x0] =	sbarrier.arrive $0xFFFF  }
0x44: {  	s18 =	smov.u32 s7  }
.LBB2_9:
0x45: {  	_ =	sfence.sel $0x180000  }
0x46: {  	[bflag:$0x0] =	sbarrier.arrive $0xFFFF  }
0x47: {  	p0 =	sne.s32 s1, $0x0;
	_ =	strace $0x9000004A  }
0x48: {  	s0 =	sadd.s32 @!p0 $0x100000, s0;
	[bflag:$0x2] =	sbarrier.arrive $0xFFFF  }
0x49: {  	[sflag:s0] =	ssyncadd.tile.s32 @!p0 $0x1;
	_ =	shalt  }
.Lfunc_end2:
_tile_overlayer_lowered:
.L_overlay_start_2:
0x4a: {  	(tag) =	ssettag $0x2  }
0x4b: {  	s0 =	rddreg [dreg:$0x0];
	s2 =	stileid.u32  }
0x4c: {  	s1 =	rddreg [dreg:$0x1];
	p0 =	sne.s32 s2, $0x0  }
0x4d: {  	s3 =	rddreg [dreg:$0x2];
	[bflag:$0x3] =	sbarrier.arrive $0xFFFF;
	s2 =	simm.s32 @!p0 $0x1C01  }
0x4e: {  	[timem:s3], [sflag:s2] =	dma.local @!p0 [hbm:s0], s1  }
0x4f: {  	s0 =	simm.s32 @!p0 $0x1  }
0x50: {  	_ =	swait.ge @!p0 [sflag:s0], s1  }
0x51: {  	s1 =	ssub.s32 @!p0 $0x0, s1;
	[sflag:s0] =	ssyncset.done @!p0 $0x0  }
0x52: {  	[sflag:s0] =	ssyncadd.s32 @!p0 s1  }
0x53: {  	[bflag:$0x3] =	sbarrier.arrive $0xFFFF  }
0x54: {  	_ =	shalt  }

</sc_bundles>
